<compile_context>
chip_gen: v7x
topology: tpu7x:2x2x1
jax: 0.10.2.dev20260603
libtpu: 0.0.44.dev20260713+nightly
codegen_flags: <defaults>
</compile_context>

<pallas_src>
import functools

import jax
import jax.numpy as jnp
from jax import lax
from jax.experimental import pallas as pl
from jax.experimental.pallas import tpu as pltpu
from jax.experimental.pallas import tpu_sc as plsc

B = 16384
A = 8
D = 64
CLASS_D = 16
FUNC_D = 48
MAX_NORM = 2.0

NC = 2
NS = 16
NW = NC * NS
BP = B // NW
C = 8
CA = C * A
NCHUNK = BP // C

W_RT = 0.5
W_AD = 0.75 / 16.0
W_ST = 1.0 / 16.0
W_AC = 0.25 / 16.0
W_CI = 1.0 / 16.0
W_CF = 1.0 / 16.0



def _renorm_body(seg, x_ref, o_ref):
    e = x_ref[...]
    w = e.shape[-1]
    r = lax.broadcasted_iota(jnp.int32, (w, w), 0) // seg
    c = lax.broadcasted_iota(jnp.int32, (w, w), 1) // seg
    m = (r == c).astype(jnp.float32)
    s = lax.dot(e * e, m, precision=lax.Precision.DEFAULT)
    n = jnp.sqrt(s)
    scale = jnp.where(n > MAX_NORM, MAX_NORM / (n + 1e-7), 1.0)
    o_ref[...] = e * scale


def _renorm_table(t, width, block_rows):
    seg = t.shape[-1]
    rows = t.size // width
    t2 = t.reshape(rows, width)
    grid = pl.cdiv(rows, block_rows)
    out = pl.pallas_call(
        functools.partial(_renorm_body, seg),
        grid=(grid,),
        in_specs=[pl.BlockSpec((block_rows, width), lambda i: (i, 0))],
        out_specs=pl.BlockSpec((block_rows, width), lambda i: (i, 0)),
        out_shape=jax.ShapeDtypeStruct((rows, width), jnp.float32),
    )(t2)
    return out.reshape(t.shape)



def _sc_body(rt_hbm, ad_hbm, ac_hbm, sd_hbm, ci_hbm, fc_hbm, ff_hbm,
             dtn_hbm, cn_hbm, cln_hbm, fnn_hbm, out_hbm,
             dtn_v,
             rt_ix, ad_ix, ac_ix, sd_ix, ci_ix, fc_ix, ff_ix,
             ac_r0, ci_r0, fc_r0, ff_r0,
             ac_r1, ci_r1, fc_r1, ff_r1,
             ob0, ob1, gsem0, gsem1, osem0, osem1):
    wid = lax.axis_index("s") * NC + lax.axis_index("c")

    pltpu.sync_copy(dtn_hbm, dtn_v)

    pltpu.sync_copy(rt_hbm.at[pl.ds(wid * BP, BP)], rt_ix)
    pltpu.sync_copy(ad_hbm.at[pl.ds(wid * BP * A, BP * A)], ad_ix)
    pltpu.sync_copy(ac_hbm.at[pl.ds(wid * BP * A, BP * A)], ac_ix)
    pltpu.sync_copy(sd_hbm.at[pl.ds(wid * BP * A, BP * A)], sd_ix)
    pltpu.sync_copy(ci_hbm.at[pl.ds(wid * BP * A, BP * A)], ci_ix)
    pltpu.sync_copy(fc_hbm.at[pl.ds(wid * BP * A, BP * A)], fc_ix)
    pltpu.sync_copy(ff_hbm.at[pl.ds(wid * BP * A, BP * A)], ff_ix)

    bufs = ((ac_r0, ci_r0, fc_r0, ff_r0),
            (ac_r1, ci_r1, fc_r1, ff_r1))
    obufs = (ob0, ob1)
    gsems = (gsem0, gsem1)
    osems = (osem0, osem1)

    def gathers(g, slot):
        ac_r, ci_r, fc_r, ff_r = bufs[slot]
        return (
            (cn_hbm.at[ac_ix.at[pl.ds(g * CA, CA)]], ac_r),
            (cn_hbm.at[ci_ix.at[pl.ds(g * CA, CA)]], ci_r),
            (cln_hbm.at[fc_ix.at[pl.ds(g * CA, CA)]], fc_r),
            (fnn_hbm.at[ff_ix.at[pl.ds(g * CA, CA)]], ff_r),
        )

    def issue(g, slot):
        for s, d in gathers(g, slot):
            pltpu.async_copy(s, d, gsems[slot])

    def drain(g, slot):
        for s, d in gathers(g, slot):
            pltpu.make_async_copy(s, d, gsems[slot]).wait()

    col = lax.broadcasted_iota(jnp.int32, (16,), 0)

    def bcast(ref, pos):
        return plsc.load_gather(ref, [jnp.full((16,), pos, jnp.int32)])

    def accumulate(g, slot):
        ac_r, ci_r, fc_r, ff_r = bufs[slot]
        ob = obufs[slot]

        def row(i, c2):
            rtb = bcast(rt_ix, g * C + i)
            adb = [bcast(ad_ix, (g * C + i) * A + a) for a in range(A)]
            sdb = [bcast(sd_ix, (g * C + i) * A + a) for a in range(A)]
            for j in range(4):
                js = pl.ds(16 * j, 16)
                cj = col + 16 * j
                acc0 = plsc.load_gather(dtn_v, [rtb, cj]) * W_RT
                acc1 = jnp.zeros((16,), jnp.float32)
                for a in range(A):
                    k = i * A + a
                    if j == 0:
                        t = fc_r[k, :] * W_CF
                    else:
                        t = ff_r[k, pl.ds(16 * (j - 1), 16)] * W_CF
                    t = t + plsc.load_gather(dtn_v, [adb[a], cj]) * W_AD
                    t = t + plsc.load_gather(dtn_v, [sdb[a], cj]) * W_ST
                    u = ac_r[k, js] * W_AC
                    u = u + ci_r[k, js] * W_CI
                    if a % 2 == 0:
                        acc0 = acc0 + (t + u)
                    else:
                        acc1 = acc1 + (t + u)
                ob[i, js] = acc0 + acc1
            return c2

        lax.fori_loop(0, C, row, 0, unroll=False)

    def out_slice(g):
        return out_hbm.at[pl.ds(wid * BP + g * C, C)]

    def half(g, slot):
        drain(g, slot)

        @pl.when(g >= 2)
        def _():
            pltpu.make_async_copy(
                obufs[slot], out_slice(g - 2), osems[slot]).wait()

        accumulate(g, slot)
        pltpu.async_copy(obufs[slot], out_slice(g), osems[slot])

        @pl.when(g + 2 < NCHUNK)
        def _():
            issue(g + 2, slot)

    issue(0, 0)
    issue(1, 1)

    def body(t, carry):
        half(2 * t, 0)
        half(2 * t + 1, 1)
        return carry

    lax.fori_loop(0, NCHUNK // 2, body, 0, unroll=False)

    pltpu.make_async_copy(ob0, out_slice(NCHUNK - 2), osem0).wait()
    pltpu.make_async_copy(ob1, out_slice(NCHUNK - 1), osem1).wait()


def _sc_embed(rt, ad, ac, sd, ci, fc, ff, dtn, cn, cln, fnn):
    mesh = plsc.VectorSubcoreMesh(
        core_axis_name="c", subcore_axis_name="s",
        num_cores=NC, num_subcores=NS)
    row_bufs = [
        pltpu.VMEM((CA, D), jnp.float32),
        pltpu.VMEM((CA, D), jnp.float32),
        pltpu.VMEM((CA, CLASS_D), jnp.float32),
        pltpu.VMEM((CA, FUNC_D), jnp.float32),
    ]
    f = pl.kernel(
        _sc_body,
        out_type=jax.ShapeDtypeStruct((B, D), jnp.float32),
        mesh=mesh,
        scratch_types=[
            pltpu.VMEM((1000, D), jnp.float32),
            pltpu.VMEM((BP,), jnp.int32),
            pltpu.VMEM((BP * A,), jnp.int32),
            pltpu.VMEM((BP * A,), jnp.int32),
            pltpu.VMEM((BP * A,), jnp.int32),
            pltpu.VMEM((BP * A,), jnp.int32),
            pltpu.VMEM((BP * A,), jnp.int32),
            pltpu.VMEM((BP * A,), jnp.int32),
            *row_bufs,
            *row_bufs,
            pltpu.VMEM((C, D), jnp.float32),
            pltpu.VMEM((C, D), jnp.float32),
            pltpu.SemaphoreType.DMA,
            pltpu.SemaphoreType.DMA,
            pltpu.SemaphoreType.DMA,
            pltpu.SemaphoreType.DMA,
        ],
        compiler_params=pltpu.CompilerParams(
            use_tc_tiling_on_sc=False, needs_layout_passes=False),
    )
    return f(rt, ad, ac, sd, ci, fc, ff, dtn, cn, cln, fnn)


def kernel(rtype_idx, arg_dt_idx, arg_const_idx, stmt_dt_idx, const_idx,
           func_class_idx, func_func_idx, dt_table, const_table,
           class_table, func_table):
    dtn = _renorm_table(dt_table, 128, 512)
    cn = _renorm_table(const_table, 128, 4096)
    cln = _renorm_table(class_table, 128, 4096)
    fnn = _renorm_table(func_table, 384, 4096)

    i32 = jnp.int32
    rt = rtype_idx.astype(i32)
    ad = arg_dt_idx.astype(i32).reshape(-1)
    ac = arg_const_idx.astype(i32).reshape(-1)
    sd = stmt_dt_idx.astype(i32).reshape(-1)
    ci = const_idx.astype(i32).reshape(-1)
    fc = func_class_idx.astype(i32).reshape(-1)
    ff = func_func_idx.astype(i32).reshape(-1)

    return _sc_embed(rt, ad, ac, sd, ci, fc, ff, dtn, cn, cln, fnn)

# --- scband reference (transcript-rebuilt; emitter-appended) ---
"""Pipeline reference for scband-statement-embedding-46411416600953 (READ-ONLY COPY).

The authoritative reference and input builder live on the scoring server;
editing this copy changes nothing except your own understanding.
"""

import jax, jax.numpy as jnp
import numpy as np

B = 16384
A = 8
D = 64
DT_V = 1000
CONST_V = 100000
CLASS_V = 100000
FUNC_V = 100000
CLASS_D = 16  # int(0.25 * 64)
FUNC_D = 48   # 64 - 16
IDX_W = 0.25
DT_W = 1.0 - IDX_W
ARGS_W = 0.5
RTYPE_W = 1.0 - ARGS_W
MAX_NORM = 2.0


def _lookup(table, idx):
    # nn.Embedding with max_norm=2.0: gather then renorm rows whose L2 norm exceeds max_norm
    e = jnp.take(table, idx, axis=0)
    n = jnp.linalg.norm(e, axis=-1, keepdims=True)
    scale = jnp.where(n > MAX_NORM, MAX_NORM / (n + 1e-7), 1.0)
    return e * scale


def setup_inputs(seed: int = 0) -> dict:
    key = jax.random.key(seed)
    ks = jax.random.split(key, 11)
    rtype_idx = jax.random.randint(ks[0], (B,), 0, DT_V, dtype=jnp.int64) if jax.config.jax_enable_x64 else jax.random.randint(ks[0], (B,), 0, DT_V).astype(jnp.int32)
    arg_dt_idx = jax.random.randint(ks[1], (B, A), 0, DT_V)
    arg_const_idx = jax.random.randint(ks[2], (B, A), 0, CONST_V)
    stmt_dt_idx = jax.random.randint(ks[3], (B, A), 0, DT_V)
    const_idx = jax.random.randint(ks[4], (B, A), 0, CONST_V)
    func_class_idx = jax.random.randint(ks[5], (B, A), 0, CLASS_V)
    func_func_idx = jax.random.randint(ks[6], (B, A), 0, FUNC_V)
    dt_table = jax.random.normal(ks[7], (DT_V, D), dtype=jnp.float32)
    const_table = jax.random.normal(ks[8], (CONST_V, D), dtype=jnp.float32)
    class_table = jax.random.normal(ks[9], (CLASS_V, CLASS_D), dtype=jnp.float32)
    func_table = jax.random.normal(ks[10], (FUNC_V, FUNC_D), dtype=jnp.float32)
    return {
        'rtype_idx': rtype_idx,
        'arg_dt_idx': arg_dt_idx,
        'arg_const_idx': arg_const_idx,
        'stmt_dt_idx': stmt_dt_idx,
        'const_idx': const_idx,
        'func_class_idx': func_class_idx,
        'func_func_idx': func_func_idx,
        'dt_table': dt_table,
        'const_table': const_table,
        'class_table': class_table,
        'func_table': func_table,
    }


def reference(rtype_idx, arg_dt_idx, arg_const_idx, stmt_dt_idx, const_idx,
              func_class_idx, func_func_idx, dt_table, const_table,
              class_table, func_table):
    # ArgEmbedding: weighted mix of dtype embedding and caller-idx (constant) embedding, then sum over args
    args_e = (_lookup(dt_table, arg_dt_idx) * DT_W + _lookup(const_table, arg_const_idx) * IDX_W) / (IDX_W + DT_W)
    args_sum = args_e.sum(axis=1)                                   # [B, D]
    # nested-statement dtype embeddings summed over args
    stmts = _lookup(dt_table, stmt_dt_idx).sum(axis=1)              # [B, D]
    # constant-value embeddings summed over args
    consts = _lookup(const_table, const_idx).sum(axis=1)            # [B, D]
    # ImportedFunctionEmbedding: concat(class_emb, func_emb) summed over args
    funcs = jnp.concatenate([
        _lookup(class_table, func_class_idx),
        _lookup(func_table, func_func_idx),
    ], axis=-1).sum(axis=1)                                         # [B, D]
    nargs = float(A)
    argss = (args_sum + stmts + consts + funcs) / nargs             # [B, D]
    rtype_e = _lookup(dt_table, rtype_idx)                          # [B, D]
    out = (rtype_e * RTYPE_W + argss * ARGS_W) / (RTYPE_W + ARGS_W)
    return out

if __name__ == "__main__":
    import jax
    _d = setup_inputs()
    print(jax.jit(kernel)(*tuple(_d.values())))

</pallas_src>

<mosaic_0001>
#map = affine_map<(d0, d1) -> (0)>
#map1 = affine_map<(d0, d1) -> (0, 0)>
module attributes {stable_mosaic.version = 14 : i64} {
  func.func @_sc_body(%arg0: i32, %arg1: i32, %arg2: memref<16384xi32, #tpu.memory_space<hbm>>, %arg3: memref<131072xi32, #tpu.memory_space<hbm>>, %arg4: memref<131072xi32, #tpu.memory_space<hbm>>, %arg5: memref<131072xi32, #tpu.memory_space<hbm>>, %arg6: memref<131072xi32, #tpu.memory_space<hbm>>, %arg7: memref<131072xi32, #tpu.memory_space<hbm>>, %arg8: memref<131072xi32, #tpu.memory_space<hbm>>, %arg9: memref<1000x64xf32, #tpu.memory_space<hbm>>, %arg10: memref<100000x64xf32, #tpu.memory_space<hbm>>, %arg11: memref<100000x16xf32, #tpu.memory_space<hbm>>, %arg12: memref<100000x48xf32, #tpu.memory_space<hbm>>, %arg13: memref<16384x64xf32, #tpu.memory_space<hbm>>, %arg14: memref<1000x64xf32, #tpu.memory_space<vmem>>, %arg15: memref<512xi32, #tpu.memory_space<vmem>>, %arg16: memref<4096xi32, #tpu.memory_space<vmem>>, %arg17: memref<4096xi32, #tpu.memory_space<vmem>>, %arg18: memref<4096xi32, #tpu.memory_space<vmem>>, %arg19: memref<4096xi32, #tpu.memory_space<vmem>>, %arg20: memref<4096xi32, #tpu.memory_space<vmem>>, %arg21: memref<4096xi32, #tpu.memory_space<vmem>>, %arg22: memref<64x64xf32, #tpu.memory_space<vmem>>, %arg23: memref<64x64xf32, #tpu.memory_space<vmem>>, %arg24: memref<64x16xf32, #tpu.memory_space<vmem>>, %arg25: memref<64x48xf32, #tpu.memory_space<vmem>>, %arg26: memref<64x64xf32, #tpu.memory_space<vmem>>, %arg27: memref<64x64xf32, #tpu.memory_space<vmem>>, %arg28: memref<64x16xf32, #tpu.memory_space<vmem>>, %arg29: memref<64x48xf32, #tpu.memory_space<vmem>>, %arg30: memref<8x64xf32, #tpu.memory_space<vmem>>, %arg31: memref<8x64xf32, #tpu.memory_space<vmem>>, %arg32: memref<!tpu.dma_semaphore, #tpu.memory_space<semaphore_mem>>, %arg33: memref<!tpu.dma_semaphore, #tpu.memory_space<semaphore_mem>>, %arg34: memref<!tpu.dma_semaphore, #tpu.memory_space<semaphore_mem>>, %arg35: memref<!tpu.dma_semaphore, #tpu.memory_space<semaphore_mem>>) attributes {dimension_semantics = [#tpu.dimension_semantics<core_parallel>, #tpu.dimension_semantics<subcore_parallel>], iteration_bounds = array<i64: 2, 16>, scalar_prefetch = 0 : i64, scratch_operands = 22 : i64, tpu.core_type = #tpu.core_type<sc_vector_subcore>, window_params = [{transform_indices = #map}, {transform_indices = #map}, {transform_indices = #map}, {transform_indices = #map}, {transform_indices = #map}, {transform_indices = #map}, {transform_indices = #map}, {transform_indices = #map1}, {transform_indices = #map1}, {transform_indices = #map1}, {transform_indices = #map1}, {transform_indices = #map1}]} {
    %mul3A = arith.constant 2 : i32
    %mul3A_0 = arith.muli %arg1, %mul3A : i32
    %add3A = arith.addi %mul3A_0, %arg0 : i32
    "tpu.region"() ({
      %run_scoped3A = tpu.sem_alloc : memref<!tpu.dma_semaphore, #tpu.memory_space<semaphore_mem>>
      tpu.enqueue_dma source(%arg9 : memref<1000x64xf32, #tpu.memory_space<hbm>>) target(%arg14 : memref<1000x64xf32, #tpu.memory_space<vmem>>) target_semaphore(%run_scoped3A : memref<!tpu.dma_semaphore, #tpu.memory_space<semaphore_mem>>)
      tpu.wait_dma2 semaphore(%run_scoped3A : memref<!tpu.dma_semaphore, #tpu.memory_space<semaphore_mem>>) src(%arg9 : memref<1000x64xf32, #tpu.memory_space<hbm>>) dst(%arg14 : memref<1000x64xf32, #tpu.memory_space<vmem>>)
      tpu.yield
    }) : () -> ()
    %mul3A_1 = arith.constant 512 : i32
    %mul3A_2 = arith.muli %add3A, %mul3A_1 : i32
    "tpu.region"() ({
      %run_scoped3A = tpu.sem_alloc : memref<!tpu.dma_semaphore, #tpu.memory_space<semaphore_mem>>
      %dma_start3A_86 = tpu.memref_slice %arg2[%mul3A_2] : memref<16384xi32, #tpu.memory_space<hbm>> -> memref<512xi32, #tpu.memory_space<hbm>>
      %dma_start3A_87 = tpu.memref_slice %arg2[%mul3A_2] : memref<16384xi32, #tpu.memory_space<hbm>> -> memref<512xi32, #tpu.memory_space<hbm>>
      tpu.enqueue_dma source(%dma_start3A_87 : memref<512xi32, #tpu.memory_space<hbm>>) target(%arg15 : memref<512xi32, #tpu.memory_space<vmem>>) target_semaphore(%run_scoped3A : memref<!tpu.dma_semaphore, #tpu.memory_space<semaphore_mem>>)
      %dma_wait3A_88 = tpu.memref_slice %arg2[%mul3A_2] : memref<16384xi32, #tpu.memory_space<hbm>> -> memref<512xi32, #tpu.memory_space<hbm>>
      %dma_wait3A_89 = tpu.memref_slice %arg2[%mul3A_2] : memref<16384xi32, #tpu.memory_space<hbm>> -> memref<512xi32, #tpu.memory_space<hbm>>
      tpu.wait_dma2 semaphore(%run_scoped3A : memref<!tpu.dma_semaphore, #tpu.memory_space<semaphore_mem>>) src(%dma_wait3A_89 : memref<512xi32, #tpu.memory_space<hbm>>) dst(%arg15 : memref<512xi32, #tpu.memory_space<vmem>>)
      tpu.yield
    }) : () -> ()
    %mul3A_3 = arith.constant 512 : i32
    %mul3A_4 = arith.muli %add3A, %mul3A_3 : i32
    %mul3A_5 = arith.constant 8 : i32
    %mul3A_6 = arith.muli %mul3A_4, %mul3A_5 : i32
    "tpu.region"() ({
      %run_scoped3A = tpu.sem_alloc : memref<!tpu.dma_semaphore, #tpu.memory_space<semaphore_mem>>
      %dma_start3A_86 = tpu.memref_slice %arg3[%mul3A_6] : memref<131072xi32, #tpu.memory_space<hbm>> -> memref<4096xi32, #tpu.memory_space<hbm>>
      %dma_start3A_87 = tpu.memref_slice %arg3[%mul3A_6] : memref<131072xi32, #tpu.memory_space<hbm>> -> memref<4096xi32, #tpu.memory_space<hbm>>
      tpu.enqueue_dma source(%dma_start3A_87 : memref<4096xi32, #tpu.memory_space<hbm>>) target(%arg16 : memref<4096xi32, #tpu.memory_space<vmem>>) target_semaphore(%run_scoped3A : memref<!tpu.dma_semaphore, #tpu.memory_space<semaphore_mem>>)
      %dma_wait3A_88 = tpu.memref_slice %arg3[%mul3A_6] : memref<131072xi32, #tpu.memory_space<hbm>> -> memref<4096xi32, #tpu.memory_space<hbm>>
      %dma_wait3A_89 = tpu.memref_slice %arg3[%mul3A_6] : memref<131072xi32, #tpu.memory_space<hbm>> -> memref<4096xi32, #tpu.memory_space<hbm>>
      tpu.wait_dma2 semaphore(%run_scoped3A : memref<!tpu.dma_semaphore, #tpu.memory_space<semaphore_mem>>) src(%dma_wait3A_89 : memref<4096xi32, #tpu.memory_space<hbm>>) dst(%arg16 : memref<4096xi32, #tpu.memory_space<vmem>>)
      tpu.yield
    }) : () -> ()
    %mul3A_7 = arith.constant 512 : i32
    %mul3A_8 = arith.muli %add3A, %mul3A_7 : i32
    %mul3A_9 = arith.constant 8 : i32
    %mul3A_10 = arith.muli %mul3A_8, %mul3A_9 : i32
    "tpu.region"() ({
      %run_scoped3A = tpu.sem_alloc : memref<!tpu.dma_semaphore, #tpu.memory_space<semaphore_mem>>
      %dma_start3A_86 = tpu.memref_slice %arg4[%mul3A_10] : memref<131072xi32, #tpu.memory_space<hbm>> -> memref<4096xi32, #tpu.memory_space<hbm>>
      %dma_start3A_87 = tpu.memref_slice %arg4[%mul3A_10] : memref<131072xi32, #tpu.memory_space<hbm>> -> memref<4096xi32, #tpu.memory_space<hbm>>
      tpu.enqueue_dma source(%dma_start3A_87 : memref<4096xi32, #tpu.memory_space<hbm>>) target(%arg17 : memref<4096xi32, #tpu.memory_space<vmem>>) target_semaphore(%run_scoped3A : memref<!tpu.dma_semaphore, #tpu.memory_space<semaphore_mem>>)
      %dma_wait3A_88 = tpu.memref_slice %arg4[%mul3A_10] : memref<131072xi32, #tpu.memory_space<hbm>> -> memref<4096xi32, #tpu.memory_space<hbm>>
      %dma_wait3A_89 = tpu.memref_slice %arg4[%mul3A_10] : memref<131072xi32, #tpu.memory_space<hbm>> -> memref<4096xi32, #tpu.memory_space<hbm>>
      tpu.wait_dma2 semaphore(%run_scoped3A : memref<!tpu.dma_semaphore, #tpu.memory_space<semaphore_mem>>) src(%dma_wait3A_89 : memref<4096xi32, #tpu.memory_space<hbm>>) dst(%arg17 : memref<4096xi32, #tpu.memory_space<vmem>>)
      tpu.yield
    }) : () -> ()
    %mul3A_11 = arith.constant 512 : i32
    %mul3A_12 = arith.muli %add3A, %mul3A_11 : i32
    %mul3A_13 = arith.constant 8 : i32
    %mul3A_14 = arith.muli %mul3A_12, %mul3A_13 : i32
    "tpu.region"() ({
      %run_scoped3A = tpu.sem_alloc : memref<!tpu.dma_semaphore, #tpu.memory_space<semaphore_mem>>
      %dma_start3A_86 = tpu.memref_slice %arg5[%mul3A_14] : memref<131072xi32, #tpu.memory_space<hbm>> -> memref<4096xi32, #tpu.memory_space<hbm>>
      %dma_start3A_87 = tpu.memref_slice %arg5[%mul3A_14] : memref<131072xi32, #tpu.memory_space<hbm>> -> memref<4096xi32, #tpu.memory_space<hbm>>
      tpu.enqueue_dma source(%dma_start3A_87 : memref<4096xi32, #tpu.memory_space<hbm>>) target(%arg18 : memref<4096xi32, #tpu.memory_space<vmem>>) target_semaphore(%run_scoped3A : memref<!tpu.dma_semaphore, #tpu.memory_space<semaphore_mem>>)
      %dma_wait3A_88 = tpu.memref_slice %arg5[%mul3A_14] : memref<131072xi32, #tpu.memory_space<hbm>> -> memref<4096xi32, #tpu.memory_space<hbm>>
      %dma_wait3A_89 = tpu.memref_slice %arg5[%mul3A_14] : memref<131072xi32, #tpu.memory_space<hbm>> -> memref<4096xi32, #tpu.memory_space<hbm>>
      tpu.wait_dma2 semaphore(%run_scoped3A : memref<!tpu.dma_semaphore, #tpu.memory_space<semaphore_mem>>) src(%dma_wait3A_89 : memref<4096xi32, #tpu.memory_space<hbm>>) dst(%arg18 : memref<4096xi32, #tpu.memory_space<vmem>>)
      tpu.yield
    }) : () -> ()
    %mul3A_15 = arith.constant 512 : i32
    %mul3A_16 = arith.muli %add3A, %mul3A_15 : i32
    %mul3A_17 = arith.constant 8 : i32
    %mul3A_18 = arith.muli %mul3A_16, %mul3A_17 : i32
    "tpu.region"() ({
      %run_scoped3A = tpu.sem_alloc : memref<!tpu.dma_semaphore, #tpu.memory_space<semaphore_mem>>
      %dma_start3A_86 = tpu.memref_slice %arg6[%mul3A_18] : memref<131072xi32, #tpu.memory_space<hbm>> -> memref<4096xi32, #tpu.memory_space<hbm>>
      %dma_start3A_87 = tpu.memref_slice %arg6[%mul3A_18] : memref<131072xi32, #tpu.memory_space<hbm>> -> memref<4096xi32, #tpu.memory_space<hbm>>
      tpu.enqueue_dma source(%dma_start3A_87 : memref<4096xi32, #tpu.memory_space<hbm>>) target(%arg19 : memref<4096xi32, #tpu.memory_space<vmem>>) target_semaphore(%run_scoped3A : memref<!tpu.dma_semaphore, #tpu.memory_space<semaphore_mem>>)
      %dma_wait3A_88 = tpu.memref_slice %arg6[%mul3A_18] : memref<131072xi32, #tpu.memory_space<hbm>> -> memref<4096xi32, #tpu.memory_space<hbm>>
      %dma_wait3A_89 = tpu.memref_slice %arg6[%mul3A_18] : memref<131072xi32, #tpu.memory_space<hbm>> -> memref<4096xi32, #tpu.memory_space<hbm>>
      tpu.wait_dma2 semaphore(%run_scoped3A : memref<!tpu.dma_semaphore, #tpu.memory_space<semaphore_mem>>) src(%dma_wait3A_89 : memref<4096xi32, #tpu.memory_space<hbm>>) dst(%arg19 : memref<4096xi32, #tpu.memory_space<vmem>>)
      tpu.yield
    }) : () -> ()
    %mul3A_19 = arith.constant 512 : i32
    %mul3A_20 = arith.muli %add3A, %mul3A_19 : i32
    %mul3A_21 = arith.constant 8 : i32
    %mul3A_22 = arith.muli %mul3A_20, %mul3A_21 : i32
    "tpu.region"() ({
      %run_scoped3A = tpu.sem_alloc : memref<!tpu.dma_semaphore, #tpu.memory_space<semaphore_mem>>
      %dma_start3A_86 = tpu.memref_slice %arg7[%mul3A_22] : memref<131072xi32, #tpu.memory_space<hbm>> -> memref<4096xi32, #tpu.memory_space<hbm>>
      %dma_start3A_87 = tpu.memref_slice %arg7[%mul3A_22] : memref<131072xi32, #tpu.memory_space<hbm>> -> memref<4096xi32, #tpu.memory_space<hbm>>
      tpu.enqueue_dma source(%dma_start3A_87 : memref<4096xi32, #tpu.memory_space<hbm>>) target(%arg20 : memref<4096xi32, #tpu.memory_space<vmem>>) target_semaphore(%run_scoped3A : memref<!tpu.dma_semaphore, #tpu.memory_space<semaphore_mem>>)
      %dma_wait3A_88 = tpu.memref_slice %arg7[%mul3A_22] : memref<131072xi32, #tpu.memory_space<hbm>> -> memref<4096xi32, #tpu.memory_space<hbm>>
      %dma_wait3A_89 = tpu.memref_slice %arg7[%mul3A_22] : memref<131072xi32, #tpu.memory_space<hbm>> -> memref<4096xi32, #tpu.memory_space<hbm>>
      tpu.wait_dma2 semaphore(%run_scoped3A : memref<!tpu.dma_semaphore, #tpu.memory_space<semaphore_mem>>) src(%dma_wait3A_89 : memref<4096xi32, #tpu.memory_space<hbm>>) dst(%arg20 : memref<4096xi32, #tpu.memory_space<vmem>>)
      tpu.yield
    }) : () -> ()
    %mul3A_23 = arith.constant 512 : i32
    %mul3A_24 = arith.muli %add3A, %mul3A_23 : i32
    %mul3A_25 = arith.constant 8 : i32
    %mul3A_26 = arith.muli %mul3A_24, %mul3A_25 : i32
    "tpu.region"() ({
      %run_scoped3A = tpu.sem_alloc : memref<!tpu.dma_semaphore, #tpu.memory_space<semaphore_mem>>
      %dma_start3A_86 = tpu.memref_slice %arg8[%mul3A_26] : memref<131072xi32, #tpu.memory_space<hbm>> -> memref<4096xi32, #tpu.memory_space<hbm>>
      %dma_start3A_87 = tpu.memref_slice %arg8[%mul3A_26] : memref<131072xi32, #tpu.memory_space<hbm>> -> memref<4096xi32, #tpu.memory_space<hbm>>
      tpu.enqueue_dma source(%dma_start3A_87 : memref<4096xi32, #tpu.memory_space<hbm>>) target(%arg21 : memref<4096xi32, #tpu.memory_space<vmem>>) target_semaphore(%run_scoped3A : memref<!tpu.dma_semaphore, #tpu.memory_space<semaphore_mem>>)
      %dma_wait3A_88 = tpu.memref_slice %arg8[%mul3A_26] : memref<131072xi32, #tpu.memory_space<hbm>> -> memref<4096xi32, #tpu.memory_space<hbm>>
      %dma_wait3A_89 = tpu.memref_slice %arg8[%mul3A_26] : memref<131072xi32, #tpu.memory_space<hbm>> -> memref<4096xi32, #tpu.memory_space<hbm>>
      tpu.wait_dma2 semaphore(%run_scoped3A : memref<!tpu.dma_semaphore, #tpu.memory_space<semaphore_mem>>) src(%dma_wait3A_89 : memref<4096xi32, #tpu.memory_space<hbm>>) dst(%arg21 : memref<4096xi32, #tpu.memory_space<vmem>>)
      tpu.yield
    }) : () -> ()
    %iota3A = tpu.iota {dimensions = array<i32: 0>} : vector<16xi32>
    %dma_start3A = arith.constant 0 : i32
    %dma_start3A_27 = tpu.memref_slice %arg17[%dma_start3A] : memref<4096xi32, #tpu.memory_space<vmem>> -> memref<64xi32, #tpu.memory_space<vmem>>
    %dma_start3A_28 = arith.constant 0 : i32
    %dma_start3A_29 = arith.constant 0 : i32
    %dma_start3A_30 = tpu.memref_slice %arg10[%dma_start3A_28, %dma_start3A_29] : memref<100000x64xf32, #tpu.memory_space<hbm>> -> memref<100000x64xf32, #tpu.memory_space<hbm>>
    tpu.enqueue_indirect_dma source(%dma_start3A_30 : memref<100000x64xf32, #tpu.memory_space<hbm>>) target(%arg22 : memref<64x64xf32, #tpu.memory_space<vmem>>) offsets(%dma_start3A_27 : memref<64xi32, #tpu.memory_space<vmem>>) semaphore(%arg32 : memref<!tpu.dma_semaphore, #tpu.memory_space<semaphore_mem>>)
    %dma_start3A_31 = arith.constant 0 : i32
    %dma_start3A_32 = tpu.memref_slice %arg19[%dma_start3A_31] : memref<4096xi32, #tpu.memory_space<vmem>> -> memref<64xi32, #tpu.memory_space<vmem>>
    %dma_start3A_33 = arith.constant 0 : i32
    %dma_start3A_34 = arith.constant 0 : i32
    %dma_start3A_35 = tpu.memref_slice %arg10[%dma_start3A_33, %dma_start3A_34] : memref<100000x64xf32, #tpu.memory_space<hbm>> -> memref<100000x64xf32, #tpu.memory_space<hbm>>
    tpu.enqueue_indirect_dma source(%dma_start3A_35 : memref<100000x64xf32, #tpu.memory_space<hbm>>) target(%arg23 : memref<64x64xf32, #tpu.memory_space<vmem>>) offsets(%dma_start3A_32 : memref<64xi32, #tpu.memory_space<vmem>>) semaphore(%arg32 : memref<!tpu.dma_semaphore, #tpu.memory_space<semaphore_mem>>)
    %dma_start3A_36 = arith.constant 0 : i32
    %dma_start3A_37 = tpu.memref_slice %arg20[%dma_start3A_36] : memref<4096xi32, #tpu.memory_space<vmem>> -> memref<64xi32, #tpu.memory_space<vmem>>
    %dma_start3A_38 = arith.constant 0 : i32
    %dma_start3A_39 = arith.constant 0 : i32
    %dma_start3A_40 = tpu.memref_slice %arg11[%dma_start3A_38, %dma_start3A_39] : memref<100000x16xf32, #tpu.memory_space<hbm>> -> memref<100000x16xf32, #tpu.memory_space<hbm>>
    tpu.enqueue_indirect_dma source(%dma_start3A_40 : memref<100000x16xf32, #tpu.memory_space<hbm>>) target(%arg24 : memref<64x16xf32, #tpu.memory_space<vmem>>) offsets(%dma_start3A_37 : memref<64xi32, #tpu.memory_space<vmem>>) semaphore(%arg32 : memref<!tpu.dma_semaphore, #tpu.memory_space<semaphore_mem>>)
    %dma_start3A_41 = arith.constant 0 : i32
    %dma_start3A_42 = tpu.memref_slice %arg21[%dma_start3A_41] : memref<4096xi32, #tpu.memory_space<vmem>> -> memref<64xi32, #tpu.memory_space<vmem>>
    %dma_start3A_43 = arith.constant 0 : i32
    %dma_start3A_44 = arith.constant 0 : i32
    %dma_start3A_45 = tpu.memref_slice %arg12[%dma_start3A_43, %dma_start3A_44] : memref<100000x48xf32, #tpu.memory_space<hbm>> -> memref<100000x48xf32, #tpu.memory_space<hbm>>
    tpu.enqueue_indirect_dma source(%dma_start3A_45 : memref<100000x48xf32, #tpu.memory_space<hbm>>) target(%arg25 : memref<64x48xf32, #tpu.memory_space<vmem>>) offsets(%dma_start3A_42 : memref<64xi32, #tpu.memory_space<vmem>>) semaphore(%arg32 : memref<!tpu.dma_semaphore, #tpu.memory_space<semaphore_mem>>)
    %dma_start3A_46 = arith.constant 64 : i32
    %dma_start3A_47 = tpu.memref_slice %arg17[%dma_start3A_46] : memref<4096xi32, #tpu.memory_space<vmem>> -> memref<64xi32, #tpu.memory_space<vmem>>
    %dma_start3A_48 = arith.constant 0 : i32
    %dma_start3A_49 = arith.constant 0 : i32
    %dma_start3A_50 = tpu.memref_slice %arg10[%dma_start3A_48, %dma_start3A_49] : memref<100000x64xf32, #tpu.memory_space<hbm>> -> memref<100000x64xf32, #tpu.memory_space<hbm>>
    tpu.enqueue_indirect_dma source(%dma_start3A_50 : memref<100000x64xf32, #tpu.memory_space<hbm>>) target(%arg26 : memref<64x64xf32, #tpu.memory_space<vmem>>) offsets(%dma_start3A_47 : memref<64xi32, #tpu.memory_space<vmem>>) semaphore(%arg33 : memref<!tpu.dma_semaphore, #tpu.memory_space<semaphore_mem>>)
    %dma_start3A_51 = arith.constant 64 : i32
    %dma_start3A_52 = tpu.memref_slice %arg19[%dma_start3A_51] : memref<4096xi32, #tpu.memory_space<vmem>> -> memref<64xi32, #tpu.memory_space<vmem>>
    %dma_start3A_53 = arith.constant 0 : i32
    %dma_start3A_54 = arith.constant 0 : i32
    %dma_start3A_55 = tpu.memref_slice %arg10[%dma_start3A_53, %dma_start3A_54] : memref<100000x64xf32, #tpu.memory_space<hbm>> -> memref<100000x64xf32, #tpu.memory_space<hbm>>
    tpu.enqueue_indirect_dma source(%dma_start3A_55 : memref<100000x64xf32, #tpu.memory_space<hbm>>) target(%arg27 : memref<64x64xf32, #tpu.memory_space<vmem>>) offsets(%dma_start3A_52 : memref<64xi32, #tpu.memory_space<vmem>>) semaphore(%arg33 : memref<!tpu.dma_semaphore, #tpu.memory_space<semaphore_mem>>)
    %dma_start3A_56 = arith.constant 64 : i32
    %dma_start3A_57 = tpu.memref_slice %arg20[%dma_start3A_56] : memref<4096xi32, #tpu.memory_space<vmem>> -> memref<64xi32, #tpu.memory_space<vmem>>
    %dma_start3A_58 = arith.constant 0 : i32
    %dma_start3A_59 = arith.constant 0 : i32
    %dma_start3A_60 = tpu.memref_slice %arg11[%dma_start3A_58, %dma_start3A_59] : memref<100000x16xf32, #tpu.memory_space<hbm>> -> memref<100000x16xf32, #tpu.memory_space<hbm>>
    tpu.enqueue_indirect_dma source(%dma_start3A_60 : memref<100000x16xf32, #tpu.memory_space<hbm>>) target(%arg28 : memref<64x16xf32, #tpu.memory_space<vmem>>) offsets(%dma_start3A_57 : memref<64xi32, #tpu.memory_space<vmem>>) semaphore(%arg33 : memref<!tpu.dma_semaphore, #tpu.memory_space<semaphore_mem>>)
    %dma_start3A_61 = arith.constant 64 : i32
    %dma_start3A_62 = tpu.memref_slice %arg21[%dma_start3A_61] : memref<4096xi32, #tpu.memory_space<vmem>> -> memref<64xi32, #tpu.memory_space<vmem>>
    %dma_start3A_63 = arith.constant 0 : i32
    %dma_start3A_64 = arith.constant 0 : i32
    %dma_start3A_65 = tpu.memref_slice %arg12[%dma_start3A_63, %dma_start3A_64] : memref<100000x48xf32, #tpu.memory_space<hbm>> -> memref<100000x48xf32, #tpu.memory_space<hbm>>
    tpu.enqueue_indirect_dma source(%dma_start3A_65 : memref<100000x48xf32, #tpu.memory_space<hbm>>) target(%arg29 : memref<64x48xf32, #tpu.memory_space<vmem>>) offsets(%dma_start3A_62 : memref<64xi32, #tpu.memory_space<vmem>>) semaphore(%arg33 : memref<!tpu.dma_semaphore, #tpu.memory_space<semaphore_mem>>)
    %scan3A = arith.constant 0 : i32
    %scan3A_66 = arith.constant 0 : i32
    %scan3A_67 = arith.constant 32 : i32
    %scan3A_68 = arith.addi %scan3A_66, %scan3A_67 : i32
    %scan3A_69 = arith.constant 1 : i32
    scf.for %scan3A_86 = %scan3A_66 to %scan3A_68 step %scan3A_69  : i32 {
      %mul3A_87 = arith.constant 2 : i32
      %mul3A_88 = arith.muli %mul3A_87, %scan3A_86 : i32
      %mul3A_89 = arith.constant 64 : i32
      %mul3A_90 = arith.muli %mul3A_88, %mul3A_89 : i32
      %mul3A_91 = arith.constant 64 : i32
      %mul3A_92 = arith.muli %mul3A_88, %mul3A_91 : i32
      %mul3A_93 = arith.constant 64 : i32
      %mul3A_94 = arith.muli %mul3A_88, %mul3A_93 : i32
      %mul3A_95 = arith.constant 64 : i32
      %mul3A_96 = arith.muli %mul3A_88, %mul3A_95 : i32
      %dma_wait3A_97 = tpu.memref_slice %arg17[%mul3A_90] : memref<4096xi32, #tpu.memory_space<vmem>> -> memref<64xi32, #tpu.memory_space<vmem>>
      %dma_wait3A_98 = arith.constant 0 : i32
      %dma_wait3A_99 = arith.constant 0 : i32
      %dma_wait3A_100 = tpu.memref_slice %arg10[%dma_wait3A_98, %dma_wait3A_99] : memref<100000x64xf32, #tpu.memory_space<hbm>> -> memref<100000x64xf32, #tpu.memory_space<hbm>>
      tpu.wait_indirect_dma semaphore(%arg32 : memref<!tpu.dma_semaphore, #tpu.memory_space<semaphore_mem>>) src(%dma_wait3A_100 : memref<100000x64xf32, #tpu.memory_space<hbm>>) dst(%arg22 : memref<64x64xf32, #tpu.memory_space<vmem>>)
      %dma_wait3A_101 = tpu.memref_slice %arg19[%mul3A_92] : memref<4096xi32, #tpu.memory_space<vmem>> -> memref<64xi32, #tpu.memory_space<vmem>>
      %dma_wait3A_102 = arith.constant 0 : i32
      %dma_wait3A_103 = arith.constant 0 : i32
      %dma_wait3A_104 = tpu.memref_slice %arg10[%dma_wait3A_102, %dma_wait3A_103] : memref<100000x64xf32, #tpu.memory_space<hbm>> -> memref<100000x64xf32, #tpu.memory_space<hbm>>
      tpu.wait_indirect_dma semaphore(%arg32 : memref<!tpu.dma_semaphore, #tpu.memory_space<semaphore_mem>>) src(%dma_wait3A_104 : memref<100000x64xf32, #tpu.memory_space<hbm>>) dst(%arg23 : memref<64x64xf32, #tpu.memory_space<vmem>>)
      %dma_wait3A_105 = tpu.memref_slice %arg20[%mul3A_94] : memref<4096xi32, #tpu.memory_space<vmem>> -> memref<64xi32, #tpu.memory_space<vmem>>
      %dma_wait3A_106 = arith.constant 0 : i32
      %dma_wait3A_107 = arith.constant 0 : i32
      %dma_wait3A_108 = tpu.memref_slice %arg11[%dma_wait3A_106, %dma_wait3A_107] : memref<100000x16xf32, #tpu.memory_space<hbm>> -> memref<100000x16xf32, #tpu.memory_space<hbm>>
      tpu.wait_indirect_dma semaphore(%arg32 : memref<!tpu.dma_semaphore, #tpu.memory_space<semaphore_mem>>) src(%dma_wait3A_108 : memref<100000x16xf32, #tpu.memory_space<hbm>>) dst(%arg24 : memref<64x16xf32, #tpu.memory_space<vmem>>)
      %dma_wait3A_109 = tpu.memref_slice %arg21[%mul3A_96] : memref<4096xi32, #tpu.memory_space<vmem>> -> memref<64xi32, #tpu.memory_space<vmem>>
      %dma_wait3A_110 = arith.constant 0 : i32
      %dma_wait3A_111 = arith.constant 0 : i32
      %dma_wait3A_112 = tpu.memref_slice %arg12[%dma_wait3A_110, %dma_wait3A_111] : memref<100000x48xf32, #tpu.memory_space<hbm>> -> memref<100000x48xf32, #tpu.memory_space<hbm>>
      tpu.wait_indirect_dma semaphore(%arg32 : memref<!tpu.dma_semaphore, #tpu.memory_space<semaphore_mem>>) src(%dma_wait3A_112 : memref<100000x48xf32, #tpu.memory_space<hbm>>) dst(%arg25 : memref<64x48xf32, #tpu.memory_space<vmem>>)
      %ge3A = arith.constant 2 : i32
      %ge3A_113 = arith.cmpi sge, %mul3A_88, %ge3A : i32
      %convert_element_type3A = arith.extui %ge3A_113 : i1 to i32
      %cond3A = arith.constant 0 : i32
      %cond3A_114 = arith.cmpi ne, %convert_element_type3A, %cond3A : i32
      scf.if %cond3A_114 {
        %sub3A = arith.constant 2 : i32
        %sub3A_191 = arith.subi %mul3A_88, %sub3A : i32
        %mul3A_192 = arith.constant 512 : i32
        %mul3A_193 = arith.muli %add3A, %mul3A_192 : i32
        %mul3A_194 = arith.constant 8 : i32
        %mul3A_195 = arith.muli %sub3A_191, %mul3A_194 : i32
        %add3A_196 = arith.addi %mul3A_193, %mul3A_195 : i32
        %dma_wait3A_197 = arith.constant 0 : i32
        %dma_wait3A_198 = tpu.memref_slice %arg13[%add3A_196, %dma_wait3A_197] : memref<16384x64xf32, #tpu.memory_space<hbm>> -> memref<8x64xf32, #tpu.memory_space<hbm>>
        %dma_wait3A_199 = arith.constant 0 : i32
        %dma_wait3A_200 = tpu.memref_slice %arg13[%add3A_196, %dma_wait3A_199] : memref<16384x64xf32, #tpu.memory_space<hbm>> -> memref<8x64xf32, #tpu.memory_space<hbm>>
        tpu.wait_dma2 semaphore(%arg34 : memref<!tpu.dma_semaphore, #tpu.memory_space<semaphore_mem>>) src(%arg30 : memref<8x64xf32, #tpu.memory_space<vmem>>) dst(%dma_wait3A_200 : memref<8x64xf32, #tpu.memory_space<hbm>>)
      } else {
      }
      %scan3A_115 = arith.constant 0 : i32
      %scan3A_116 = arith.constant 0 : i32
      %scan3A_117 = arith.constant 8 : i32
      %scan3A_118 = arith.addi %scan3A_116, %scan3A_117 : i32
      %scan3A_119 = arith.constant 1 : i32
      scf.for %scan3A_191 = %scan3A_116 to %scan3A_118 step %scan3A_119  : i32 {
        %mul3A_192 = arith.constant 8 : i32
        %mul3A_193 = arith.muli %mul3A_88, %mul3A_192 : i32
        %add3A_194 = arith.addi %mul3A_193, %scan3A_191 : i32
        %broadcast_in_dim3A = vector.broadcast %add3A_194 : i32 to vector<16xi32>
        %gather3A = tpu.vector_load_idx %arg15[%broadcast_in_dim3A] : memref<512xi32, #tpu.memory_space<vmem>>[vector<16xi32>], vector<16xi32>,
        %mul3A_195 = arith.constant 8 : i32
        %mul3A_196 = arith.muli %mul3A_88, %mul3A_195 : i32
        %add3A_197 = arith.addi %mul3A_196, %scan3A_191 : i32
        %mul3A_198 = arith.constant 8 : i32
        %mul3A_199 = arith.muli %add3A_197, %mul3A_198 : i32
        %add3A_200 = arith.constant 0 : i32
        %add3A_201 = arith.addi %mul3A_199, %add3A_200 : i32
        %broadcast_in_dim3A_202 = vector.broadcast %add3A_201 : i32 to vector<16xi32>
        %gather3A_203 = tpu.vector_load_idx %arg16[%broadcast_in_dim3A_202] : memref<4096xi32, #tpu.memory_space<vmem>>[vector<16xi32>], vector<16xi32>,
        %mul3A_204 = arith.constant 8 : i32
        %mul3A_205 = arith.muli %mul3A_88, %mul3A_204 : i32
        %add3A_206 = arith.addi %mul3A_205, %scan3A_191 : i32
        %mul3A_207 = arith.constant 8 : i32
        %mul3A_208 = arith.muli %add3A_206, %mul3A_207 : i32
        %add3A_209 = arith.constant 1 : i32
        %add3A_210 = arith.addi %mul3A_208, %add3A_209 : i32
        %broadcast_in_dim3A_211 = vector.broadcast %add3A_210 : i32 to vector<16xi32>
        %gather3A_212 = tpu.vector_load_idx %arg16[%broadcast_in_dim3A_211] : memref<4096xi32, #tpu.memory_space<vmem>>[vector<16xi32>], vector<16xi32>,
        %mul3A_213 = arith.constant 8 : i32
        %mul3A_214 = arith.muli %mul3A_88, %mul3A_213 : i32
        %add3A_215 = arith.addi %mul3A_214, %scan3A_191 : i32
        %mul3A_216 = arith.constant 8 : i32
        %mul3A_217 = arith.muli %add3A_215, %mul3A_216 : i32
        %add3A_218 = arith.constant 2 : i32
        %add3A_219 = arith.addi %mul3A_217, %add3A_218 : i32
        %broadcast_in_dim3A_220 = vector.broadcast %add3A_219 : i32 to vector<16xi32>
        %gather3A_221 = tpu.vector_load_idx %arg16[%broadcast_in_dim3A_220] : memref<4096xi32, #tpu.memory_space<vmem>>[vector<16xi32>], vector<16xi32>,
        %mul3A_222 = arith.constant 8 : i32
        %mul3A_223 = arith.muli %mul3A_88, %mul3A_222 : i32
        %add3A_224 = arith.addi %mul3A_223, %scan3A_191 : i32
        %mul3A_225 = arith.constant 8 : i32
        %mul3A_226 = arith.muli %add3A_224, %mul3A_225 : i32
        %add3A_227 = arith.constant 3 : i32
        %add3A_228 = arith.addi %mul3A_226, %add3A_227 : i32
        %broadcast_in_dim3A_229 = vector.broadcast %add3A_228 : i32 to vector<16xi32>
        %gather3A_230 = tpu.vector_load_idx %arg16[%broadcast_in_dim3A_229] : memref<4096xi32, #tpu.memory_space<vmem>>[vector<16xi32>], vector<16xi32>,
        %mul3A_231 = arith.constant 8 : i32
        %mul3A_232 = arith.muli %mul3A_88, %mul3A_231 : i32
        %add3A_233 = arith.addi %mul3A_232, %scan3A_191 : i32
        %mul3A_234 = arith.constant 8 : i32
        %mul3A_235 = arith.muli %add3A_233, %mul3A_234 : i32
        %add3A_236 = arith.constant 4 : i32
        %add3A_237 = arith.addi %mul3A_235, %add3A_236 : i32
        %broadcast_in_dim3A_238 = vector.broadcast %add3A_237 : i32 to vector<16xi32>
        %gather3A_239 = tpu.vector_load_idx %arg16[%broadcast_in_dim3A_238] : memref<4096xi32, #tpu.memory_space<vmem>>[vector<16xi32>], vector<16xi32>,
        %mul3A_240 = arith.constant 8 : i32
        %mul3A_241 = arith.muli %mul3A_88, %mul3A_240 : i32
        %add3A_242 = arith.addi %mul3A_241, %scan3A_191 : i32
        %mul3A_243 = arith.constant 8 : i32
        %mul3A_244 = arith.muli %add3A_242, %mul3A_243 : i32
        %add3A_245 = arith.constant 5 : i32
        %add3A_246 = arith.addi %mul3A_244, %add3A_245 : i32
        %broadcast_in_dim3A_247 = vector.broadcast %add3A_246 : i32 to vector<16xi32>
        %gather3A_248 = tpu.vector_load_idx %arg16[%broadcast_in_dim3A_247] : memref<4096xi32, #tpu.memory_space<vmem>>[vector<16xi32>], vector<16xi32>,
        %mul3A_249 = arith.constant 8 : i32
        %mul3A_250 = arith.muli %mul3A_88, %mul3A_249 : i32
        %add3A_251 = arith.addi %mul3A_250, %scan3A_191 : i32
        %mul3A_252 = arith.constant 8 : i32
        %mul3A_253 = arith.muli %add3A_251, %mul3A_252 : i32
        %add3A_254 = arith.constant 6 : i32
        %add3A_255 = arith.addi %mul3A_253, %add3A_254 : i32
        %broadcast_in_dim3A_256 = vector.broadcast %add3A_255 : i32 to vector<16xi32>
        %gather3A_257 = tpu.vector_load_idx %arg16[%broadcast_in_dim3A_256] : memref<4096xi32, #tpu.memory_space<vmem>>[vector<16xi32>], vector<16xi32>,
        %mul3A_258 = arith.constant 8 : i32
        %mul3A_259 = arith.muli %mul3A_88, %mul3A_258 : i32
        %add3A_260 = arith.addi %mul3A_259, %scan3A_191 : i32
        %mul3A_261 = arith.constant 8 : i32
        %mul3A_262 = arith.muli %add3A_260, %mul3A_261 : i32
        %add3A_263 = arith.constant 7 : i32
        %add3A_264 = arith.addi %mul3A_262, %add3A_263 : i32
        %broadcast_in_dim3A_265 = vector.broadcast %add3A_264 : i32 to vector<16xi32>
        %gather3A_266 = tpu.vector_load_idx %arg16[%broadcast_in_dim3A_265] : memref<4096xi32, #tpu.memory_space<vmem>>[vector<16xi32>], vector<16xi32>,
        %mul3A_267 = arith.constant 8 : i32
        %mul3A_268 = arith.muli %mul3A_88, %mul3A_267 : i32
        %add3A_269 = arith.addi %mul3A_268, %scan3A_191 : i32
        %mul3A_270 = arith.constant 8 : i32
        %mul3A_271 = arith.muli %add3A_269, %mul3A_270 : i32
        %add3A_272 = arith.constant 0 : i32
        %add3A_273 = arith.addi %mul3A_271, %add3A_272 : i32
        %broadcast_in_dim3A_274 = vector.broadcast %add3A_273 : i32 to vector<16xi32>
        %gather3A_275 = tpu.vector_load_idx %arg18[%broadcast_in_dim3A_274] : memref<4096xi32, #tpu.memory_space<vmem>>[vector<16xi32>], vector<16xi32>,
        %mul3A_276 = arith.constant 8 : i32
        %mul3A_277 = arith.muli %mul3A_88, %mul3A_276 : i32
        %add3A_278 = arith.addi %mul3A_277, %scan3A_191 : i32
        %mul3A_279 = arith.constant 8 : i32
        %mul3A_280 = arith.muli %add3A_278, %mul3A_279 : i32
        %add3A_281 = arith.constant 1 : i32
        %add3A_282 = arith.addi %mul3A_280, %add3A_281 : i32
        %broadcast_in_dim3A_283 = vector.broadcast %add3A_282 : i32 to vector<16xi32>
        %gather3A_284 = tpu.vector_load_idx %arg18[%broadcast_in_dim3A_283] : memref<4096xi32, #tpu.memory_space<vmem>>[vector<16xi32>], vector<16xi32>,
        %mul3A_285 = arith.constant 8 : i32
        %mul3A_286 = arith.muli %mul3A_88, %mul3A_285 : i32
        %add3A_287 = arith.addi %mul3A_286, %scan3A_191 : i32
        %mul3A_288 = arith.constant 8 : i32
        %mul3A_289 = arith.muli %add3A_287, %mul3A_288 : i32
        %add3A_290 = arith.constant 2 : i32
        %add3A_291 = arith.addi %mul3A_289, %add3A_290 : i32
        %broadcast_in_dim3A_292 = vector.broadcast %add3A_291 : i32 to vector<16xi32>
        %gather3A_293 = tpu.vector_load_idx %arg18[%broadcast_in_dim3A_292] : memref<4096xi32, #tpu.memory_space<vmem>>[vector<16xi32>], vector<16xi32>,
        %mul3A_294 = arith.constant 8 : i32
        %mul3A_295 = arith.muli %mul3A_88, %mul3A_294 : i32
        %add3A_296 = arith.addi %mul3A_295, %scan3A_191 : i32
        %mul3A_297 = arith.constant 8 : i32
        %mul3A_298 = arith.muli %add3A_296, %mul3A_297 : i32
        %add3A_299 = arith.constant 3 : i32
        %add3A_300 = arith.addi %mul3A_298, %add3A_299 : i32
        %broadcast_in_dim3A_301 = vector.broadcast %add3A_300 : i32 to vector<16xi32>
        %gather3A_302 = tpu.vector_load_idx %arg18[%broadcast_in_dim3A_301] : memref<4096xi32, #tpu.memory_space<vmem>>[vector<16xi32>], vector<16xi32>,
        %mul3A_303 = arith.constant 8 : i32
        %mul3A_304 = arith.muli %mul3A_88, %mul3A_303 : i32
        %add3A_305 = arith.addi %mul3A_304, %scan3A_191 : i32
        %mul3A_306 = arith.constant 8 : i32
        %mul3A_307 = arith.muli %add3A_305, %mul3A_306 : i32
        %add3A_308 = arith.constant 4 : i32
        %add3A_309 = arith.addi %mul3A_307, %add3A_308 : i32
        %broadcast_in_dim3A_310 = vector.broadcast %add3A_309 : i32 to vector<16xi32>
        %gather3A_311 = tpu.vector_load_idx %arg18[%broadcast_in_dim3A_310] : memref<4096xi32, #tpu.memory_space<vmem>>[vector<16xi32>], vector<16xi32>,
        %mul3A_312 = arith.constant 8 : i32
        %mul3A_313 = arith.muli %mul3A_88, %mul3A_312 : i32
        %add3A_314 = arith.addi %mul3A_313, %scan3A_191 : i32
        %mul3A_315 = arith.constant 8 : i32
        %mul3A_316 = arith.muli %add3A_314, %mul3A_315 : i32
        %add3A_317 = arith.constant 5 : i32
        %add3A_318 = arith.addi %mul3A_316, %add3A_317 : i32
        %broadcast_in_dim3A_319 = vector.broadcast %add3A_318 : i32 to vector<16xi32>
        %gather3A_320 = tpu.vector_load_idx %arg18[%broadcast_in_dim3A_319] : memref<4096xi32, #tpu.memory_space<vmem>>[vector<16xi32>], vector<16xi32>,
        %mul3A_321 = arith.constant 8 : i32
        %mul3A_322 = arith.muli %mul3A_88, %mul3A_321 : i32
        %add3A_323 = arith.addi %mul3A_322, %scan3A_191 : i32
        %mul3A_324 = arith.constant 8 : i32
        %mul3A_325 = arith.muli %add3A_323, %mul3A_324 : i32
        %add3A_326 = arith.constant 6 : i32
        %add3A_327 = arith.addi %mul3A_325, %add3A_326 : i32
        %broadcast_in_dim3A_328 = vector.broadcast %add3A_327 : i32 to vector<16xi32>
        %gather3A_329 = tpu.vector_load_idx %arg18[%broadcast_in_dim3A_328] : memref<4096xi32, #tpu.memory_space<vmem>>[vector<16xi32>], vector<16xi32>,
        %mul3A_330 = arith.constant 8 : i32
        %mul3A_331 = arith.muli %mul3A_88, %mul3A_330 : i32
        %add3A_332 = arith.addi %mul3A_331, %scan3A_191 : i32
        %mul3A_333 = arith.constant 8 : i32
        %mul3A_334 = arith.muli %add3A_332, %mul3A_333 : i32
        %add3A_335 = arith.constant 7 : i32
        %add3A_336 = arith.addi %mul3A_334, %add3A_335 : i32
        %broadcast_in_dim3A_337 = vector.broadcast %add3A_336 : i32 to vector<16xi32>
        %gather3A_338 = tpu.vector_load_idx %arg18[%broadcast_in_dim3A_337] : memref<4096xi32, #tpu.memory_space<vmem>>[vector<16xi32>], vector<16xi32>,
        %add3A_339 = arith.constant 0 : i32
        %add3A_340 = vector.broadcast %add3A_339 : i32 to vector<16xi32>
        %add3A_341 = arith.addi %iota3A, %add3A_340 : vector<16xi32>
        %gather3A_342 = tpu.vector_load_idx %arg14[%gather3A, %add3A_341] : memref<1000x64xf32, #tpu.memory_space<vmem>>[vector<16xi32>, vector<16xi32>], vector<16xf32>,
        %mul3A_343 = arith.constant 5.000000e-01 : f32
        %mul3A_344 = vector.broadcast %mul3A_343 : f32 to vector<16xf32>
        %mul3A_345 = arith.mulf %gather3A_342, %mul3A_344 : vector<16xf32>
        %broadcast_in_dim3A_346 = arith.constant 0.000000e+00 : f32
        %broadcast_in_dim3A_347 = vector.broadcast %broadcast_in_dim3A_346 : f32 to vector<16xf32>
        %mul3A_348 = arith.constant 8 : i32
        %mul3A_349 = arith.muli %scan3A_191, %mul3A_348 : i32
        %add3A_350 = arith.constant 0 : i32
        %add3A_351 = arith.addi %mul3A_349, %add3A_350 : i32
        %get3A = arith.index_cast %add3A_351 : i32 to index
        %get3A_352 = arith.constant 0 : index
        %get3A_353 = tpu.vector_load %arg24[%get3A, %get3A_352] {strides = array<i32>} : memref<64x16xf32, #tpu.memory_space<vmem>>, vector<16xf32>,
        %mul3A_354 = arith.constant 6.250000e-02 : f32
        %mul3A_355 = vector.broadcast %mul3A_354 : f32 to vector<16xf32>
        %mul3A_356 = arith.mulf %get3A_353, %mul3A_355 : vector<16xf32>
        %gather3A_357 = tpu.vector_load_idx %arg14[%gather3A_203, %add3A_341] : memref<1000x64xf32, #tpu.memory_space<vmem>>[vector<16xi32>, vector<16xi32>], vector<16xf32>,
        %mul3A_358 = arith.constant 4.687500e-02 : f32
        %mul3A_359 = vector.broadcast %mul3A_358 : f32 to vector<16xf32>
        %mul3A_360 = arith.mulf %gather3A_357, %mul3A_359 : vector<16xf32>
        %add3A_361 = arith.addf %mul3A_356, %mul3A_360 : vector<16xf32>
        %gather3A_362 = tpu.vector_load_idx %arg14[%gather3A_275, %add3A_341] : memref<1000x64xf32, #tpu.memory_space<vmem>>[vector<16xi32>, vector<16xi32>], vector<16xf32>,
        %mul3A_363 = arith.constant 6.250000e-02 : f32
        %mul3A_364 = vector.broadcast %mul3A_363 : f32 to vector<16xf32>
        %mul3A_365 = arith.mulf %gather3A_362, %mul3A_364 : vector<16xf32>
        %add3A_366 = arith.addf %add3A_361, %mul3A_365 : vector<16xf32>
        %get3A_367 = arith.index_cast %add3A_351 : i32 to index
        %get3A_368 = arith.constant 0 : index
        %get3A_369 = tpu.vector_load %arg22[%get3A_367, %get3A_368] {strides = array<i32>} : memref<64x64xf32, #tpu.memory_space<vmem>>, vector<16xf32>,
        %mul3A_370 = arith.constant 1.562500e-02 : f32
        %mul3A_371 = vector.broadcast %mul3A_370 : f32 to vector<16xf32>
        %mul3A_372 = arith.mulf %get3A_369, %mul3A_371 : vector<16xf32>
        %get3A_373 = arith.index_cast %add3A_351 : i32 to index
        %get3A_374 = arith.constant 0 : index
        %get3A_375 = tpu.vector_load %arg23[%get3A_373, %get3A_374] {strides = array<i32>} : memref<64x64xf32, #tpu.memory_space<vmem>>, vector<16xf32>,
        %mul3A_376 = arith.constant 6.250000e-02 : f32
        %mul3A_377 = vector.broadcast %mul3A_376 : f32 to vector<16xf32>
        %mul3A_378 = arith.mulf %get3A_375, %mul3A_377 : vector<16xf32>
        %add3A_379 = arith.addf %mul3A_372, %mul3A_378 : vector<16xf32>
        %add3A_380 = arith.addf %add3A_366, %add3A_379 : vector<16xf32>
        %add3A_381 = arith.addf %mul3A_345, %add3A_380 : vector<16xf32>
        %mul3A_382 = arith.constant 8 : i32
        %mul3A_383 = arith.muli %scan3A_191, %mul3A_382 : i32
        %add3A_384 = arith.constant 1 : i32
        %add3A_385 = arith.addi %mul3A_383, %add3A_384 : i32
        %get3A_386 = arith.index_cast %add3A_385 : i32 to index
        %get3A_387 = arith.constant 0 : index
        %get3A_388 = tpu.vector_load %arg24[%get3A_386, %get3A_387] {strides = array<i32>} : memref<64x16xf32, #tpu.memory_space<vmem>>, vector<16xf32>,
        %mul3A_389 = arith.constant 6.250000e-02 : f32
        %mul3A_390 = vector.broadcast %mul3A_389 : f32 to vector<16xf32>
        %mul3A_391 = arith.mulf %get3A_388, %mul3A_390 : vector<16xf32>
        %gather3A_392 = tpu.vector_load_idx %arg14[%gather3A_212, %add3A_341] : memref<1000x64xf32, #tpu.memory_space<vmem>>[vector<16xi32>, vector<16xi32>], vector<16xf32>,
        %mul3A_393 = arith.constant 4.687500e-02 : f32
        %mul3A_394 = vector.broadcast %mul3A_393 : f32 to vector<16xf32>
        %mul3A_395 = arith.mulf %gather3A_392, %mul3A_394 : vector<16xf32>
        %add3A_396 = arith.addf %mul3A_391, %mul3A_395 : vector<16xf32>
        %gather3A_397 = tpu.vector_load_idx %arg14[%gather3A_284, %add3A_341] : memref<1000x64xf32, #tpu.memory_space<vmem>>[vector<16xi32>, vector<16xi32>], vector<16xf32>,
        %mul3A_398 = arith.constant 6.250000e-02 : f32
        %mul3A_399 = vector.broadcast %mul3A_398 : f32 to vector<16xf32>
        %mul3A_400 = arith.mulf %gather3A_397, %mul3A_399 : vector<16xf32>
        %add3A_401 = arith.addf %add3A_396, %mul3A_400 : vector<16xf32>
        %get3A_402 = arith.index_cast %add3A_385 : i32 to index
        %get3A_403 = arith.constant 0 : index
        %get3A_404 = tpu.vector_load %arg22[%get3A_402, %get3A_403] {strides = array<i32>} : memref<64x64xf32, #tpu.memory_space<vmem>>, vector<16xf32>,
        %mul3A_405 = arith.constant 1.562500e-02 : f32
        %mul3A_406 = vector.broadcast %mul3A_405 : f32 to vector<16xf32>
        %mul3A_407 = arith.mulf %get3A_404, %mul3A_406 : vector<16xf32>
        %get3A_408 = arith.index_cast %add3A_385 : i32 to index
        %get3A_409 = arith.constant 0 : index
        %get3A_410 = tpu.vector_load %arg23[%get3A_408, %get3A_409] {strides = array<i32>} : memref<64x64xf32, #tpu.memory_space<vmem>>, vector<16xf32>,
        %mul3A_411 = arith.constant 6.250000e-02 : f32
        %mul3A_412 = vector.broadcast %mul3A_411 : f32 to vector<16xf32>
        %mul3A_413 = arith.mulf %get3A_410, %mul3A_412 : vector<16xf32>
        %add3A_414 = arith.addf %mul3A_407, %mul3A_413 : vector<16xf32>
        %add3A_415 = arith.addf %add3A_401, %add3A_414 : vector<16xf32>
        %add3A_416 = arith.addf %broadcast_in_dim3A_347, %add3A_415 : vector<16xf32>
        %mul3A_417 = arith.constant 8 : i32
        %mul3A_418 = arith.muli %scan3A_191, %mul3A_417 : i32
        %add3A_419 = arith.constant 2 : i32
        %add3A_420 = arith.addi %mul3A_418, %add3A_419 : i32
        %get3A_421 = arith.index_cast %add3A_420 : i32 to index
        %get3A_422 = arith.constant 0 : index
        %get3A_423 = tpu.vector_load %arg24[%get3A_421, %get3A_422] {strides = array<i32>} : memref<64x16xf32, #tpu.memory_space<vmem>>, vector<16xf32>,
        %mul3A_424 = arith.constant 6.250000e-02 : f32
        %mul3A_425 = vector.broadcast %mul3A_424 : f32 to vector<16xf32>
        %mul3A_426 = arith.mulf %get3A_423, %mul3A_425 : vector<16xf32>
        %gather3A_427 = tpu.vector_load_idx %arg14[%gather3A_221, %add3A_341] : memref<1000x64xf32, #tpu.memory_space<vmem>>[vector<16xi32>, vector<16xi32>], vector<16xf32>,
        %mul3A_428 = arith.constant 4.687500e-02 : f32
        %mul3A_429 = vector.broadcast %mul3A_428 : f32 to vector<16xf32>
        %mul3A_430 = arith.mulf %gather3A_427, %mul3A_429 : vector<16xf32>
        %add3A_431 = arith.addf %mul3A_426, %mul3A_430 : vector<16xf32>
        %gather3A_432 = tpu.vector_load_idx %arg14[%gather3A_293, %add3A_341] : memref<1000x64xf32, #tpu.memory_space<vmem>>[vector<16xi32>, vector<16xi32>], vector<16xf32>,
        %mul3A_433 = arith.constant 6.250000e-02 : f32
        %mul3A_434 = vector.broadcast %mul3A_433 : f32 to vector<16xf32>
        %mul3A_435 = arith.mulf %gather3A_432, %mul3A_434 : vector<16xf32>
        %add3A_436 = arith.addf %add3A_431, %mul3A_435 : vector<16xf32>
        %get3A_437 = arith.index_cast %add3A_420 : i32 to index
        %get3A_438 = arith.constant 0 : index
        %get3A_439 = tpu.vector_load %arg22[%get3A_437, %get3A_438] {strides = array<i32>} : memref<64x64xf32, #tpu.memory_space<vmem>>, vector<16xf32>,
        %mul3A_440 = arith.constant 1.562500e-02 : f32
        %mul3A_441 = vector.broadcast %mul3A_440 : f32 to vector<16xf32>
        %mul3A_442 = arith.mulf %get3A_439, %mul3A_441 : vector<16xf32>
        %get3A_443 = arith.index_cast %add3A_420 : i32 to index
        %get3A_444 = arith.constant 0 : index
        %get3A_445 = tpu.vector_load %arg23[%get3A_443, %get3A_444] {strides = array<i32>} : memref<64x64xf32, #tpu.memory_space<vmem>>, vector<16xf32>,
        %mul3A_446 = arith.constant 6.250000e-02 : f32
        %mul3A_447 = vector.broadcast %mul3A_446 : f32 to vector<16xf32>
        %mul3A_448 = arith.mulf %get3A_445, %mul3A_447 : vector<16xf32>
        %add3A_449 = arith.addf %mul3A_442, %mul3A_448 : vector<16xf32>
        %add3A_450 = arith.addf %add3A_436, %add3A_449 : vector<16xf32>
        %add3A_451 = arith.addf %add3A_381, %add3A_450 : vector<16xf32>
        %mul3A_452 = arith.constant 8 : i32
        %mul3A_453 = arith.muli %scan3A_191, %mul3A_452 : i32
        %add3A_454 = arith.constant 3 : i32
        %add3A_455 = arith.addi %mul3A_453, %add3A_454 : i32
        %get3A_456 = arith.index_cast %add3A_455 : i32 to index
        %get3A_457 = arith.constant 0 : index
        %get3A_458 = tpu.vector_load %arg24[%get3A_456, %get3A_457] {strides = array<i32>} : memref<64x16xf32, #tpu.memory_space<vmem>>, vector<16xf32>,
        %mul3A_459 = arith.constant 6.250000e-02 : f32
        %mul3A_460 = vector.broadcast %mul3A_459 : f32 to vector<16xf32>
        %mul3A_461 = arith.mulf %get3A_458, %mul3A_460 : vector<16xf32>
        %gather3A_462 = tpu.vector_load_idx %arg14[%gather3A_230, %add3A_341] : memref<1000x64xf32, #tpu.memory_space<vmem>>[vector<16xi32>, vector<16xi32>], vector<16xf32>,
        %mul3A_463 = arith.constant 4.687500e-02 : f32
        %mul3A_464 = vector.broadcast %mul3A_463 : f32 to vector<16xf32>
        %mul3A_465 = arith.mulf %gather3A_462, %mul3A_464 : vector<16xf32>
        %add3A_466 = arith.addf %mul3A_461, %mul3A_465 : vector<16xf32>
        %gather3A_467 = tpu.vector_load_idx %arg14[%gather3A_302, %add3A_341] : memref<1000x64xf32, #tpu.memory_space<vmem>>[vector<16xi32>, vector<16xi32>], vector<16xf32>,
        %mul3A_468 = arith.constant 6.250000e-02 : f32
        %mul3A_469 = vector.broadcast %mul3A_468 : f32 to vector<16xf32>
        %mul3A_470 = arith.mulf %gather3A_467, %mul3A_469 : vector<16xf32>
        %add3A_471 = arith.addf %add3A_466, %mul3A_470 : vector<16xf32>
        %get3A_472 = arith.index_cast %add3A_455 : i32 to index
        %get3A_473 = arith.constant 0 : index
        %get3A_474 = tpu.vector_load %arg22[%get3A_472, %get3A_473] {strides = array<i32>} : memref<64x64xf32, #tpu.memory_space<vmem>>, vector<16xf32>,
        %mul3A_475 = arith.constant 1.562500e-02 : f32
        %mul3A_476 = vector.broadcast %mul3A_475 : f32 to vector<16xf32>
        %mul3A_477 = arith.mulf %get3A_474, %mul3A_476 : vector<16xf32>
        %get3A_478 = arith.index_cast %add3A_455 : i32 to index
        %get3A_479 = arith.constant 0 : index
        %get3A_480 = tpu.vector_load %arg23[%get3A_478, %get3A_479] {strides = array<i32>} : memref<64x64xf32, #tpu.memory_space<vmem>>, vector<16xf32>,
        %mul3A_481 = arith.constant 6.250000e-02 : f32
        %mul3A_482 = vector.broadcast %mul3A_481 : f32 to vector<16xf32>
        %mul3A_483 = arith.mulf %get3A_480, %mul3A_482 : vector<16xf32>
        %add3A_484 = arith.addf %mul3A_477, %mul3A_483 : vector<16xf32>
        %add3A_485 = arith.addf %add3A_471, %add3A_484 : vector<16xf32>
        %add3A_486 = arith.addf %add3A_416, %add3A_485 : vector<16xf32>
        %mul3A_487 = arith.constant 8 : i32
        %mul3A_488 = arith.muli %scan3A_191, %mul3A_487 : i32
        %add3A_489 = arith.constant 4 : i32
        %add3A_490 = arith.addi %mul3A_488, %add3A_489 : i32
        %get3A_491 = arith.index_cast %add3A_490 : i32 to index
        %get3A_492 = arith.constant 0 : index
        %get3A_493 = tpu.vector_load %arg24[%get3A_491, %get3A_492] {strides = array<i32>} : memref<64x16xf32, #tpu.memory_space<vmem>>, vector<16xf32>,
        %mul3A_494 = arith.constant 6.250000e-02 : f32
        %mul3A_495 = vector.broadcast %mul3A_494 : f32 to vector<16xf32>
        %mul3A_496 = arith.mulf %get3A_493, %mul3A_495 : vector<16xf32>
        %gather3A_497 = tpu.vector_load_idx %arg14[%gather3A_239, %add3A_341] : memref<1000x64xf32, #tpu.memory_space<vmem>>[vector<16xi32>, vector<16xi32>], vector<16xf32>,
        %mul3A_498 = arith.constant 4.687500e-02 : f32
        %mul3A_499 = vector.broadcast %mul3A_498 : f32 to vector<16xf32>
        %mul3A_500 = arith.mulf %gather3A_497, %mul3A_499 : vector<16xf32>
        %add3A_501 = arith.addf %mul3A_496, %mul3A_500 : vector<16xf32>
        %gather3A_502 = tpu.vector_load_idx %arg14[%gather3A_311, %add3A_341] : memref<1000x64xf32, #tpu.memory_space<vmem>>[vector<16xi32>, vector<16xi32>], vector<16xf32>,
        %mul3A_503 = arith.constant 6.250000e-02 : f32
        %mul3A_504 = vector.broadcast %mul3A_503 : f32 to vector<16xf32>
        %mul3A_505 = arith.mulf %gather3A_502, %mul3A_504 : vector<16xf32>
        %add3A_506 = arith.addf %add3A_501, %mul3A_505 : vector<16xf32>
        %get3A_507 = arith.index_cast %add3A_490 : i32 to index
        %get3A_508 = arith.constant 0 : index
        %get3A_509 = tpu.vector_load %arg22[%get3A_507, %get3A_508] {strides = array<i32>} : memref<64x64xf32, #tpu.memory_space<vmem>>, vector<16xf32>,
        %mul3A_510 = arith.constant 1.562500e-02 : f32
        %mul3A_511 = vector.broadcast %mul3A_510 : f32 to vector<16xf32>
        %mul3A_512 = arith.mulf %get3A_509, %mul3A_511 : vector<16xf32>
        %get3A_513 = arith.index_cast %add3A_490 : i32 to index
        %get3A_514 = arith.constant 0 : index
        %get3A_515 = tpu.vector_load %arg23[%get3A_513, %get3A_514] {strides = array<i32>} : memref<64x64xf32, #tpu.memory_space<vmem>>, vector<16xf32>,
        %mul3A_516 = arith.constant 6.250000e-02 : f32
        %mul3A_517 = vector.broadcast %mul3A_516 : f32 to vector<16xf32>
        %mul3A_518 = arith.mulf %get3A_515, %mul3A_517 : vector<16xf32>
        %add3A_519 = arith.addf %mul3A_512, %mul3A_518 : vector<16xf32>
        %add3A_520 = arith.addf %add3A_506, %add3A_519 : vector<16xf32>
        %add3A_521 = arith.addf %add3A_451, %add3A_520 : vector<16xf32>
        %mul3A_522 = arith.constant 8 : i32
        %mul3A_523 = arith.muli %scan3A_191, %mul3A_522 : i32
        %add3A_524 = arith.constant 5 : i32
        %add3A_525 = arith.addi %mul3A_523, %add3A_524 : i32
        %get3A_526 = arith.index_cast %add3A_525 : i32 to index
        %get3A_527 = arith.constant 0 : index
        %get3A_528 = tpu.vector_load %arg24[%get3A_526, %get3A_527] {strides = array<i32>} : memref<64x16xf32, #tpu.memory_space<vmem>>, vector<16xf32>,
        %mul3A_529 = arith.constant 6.250000e-02 : f32
        %mul3A_530 = vector.broadcast %mul3A_529 : f32 to vector<16xf32>
        %mul3A_531 = arith.mulf %get3A_528, %mul3A_530 : vector<16xf32>
        %gather3A_532 = tpu.vector_load_idx %arg14[%gather3A_248, %add3A_341] : memref<1000x64xf32, #tpu.memory_space<vmem>>[vector<16xi32>, vector<16xi32>], vector<16xf32>,
        %mul3A_533 = arith.constant 4.687500e-02 : f32
        %mul3A_534 = vector.broadcast %mul3A_533 : f32 to vector<16xf32>
        %mul3A_535 = arith.mulf %gather3A_532, %mul3A_534 : vector<16xf32>
        %add3A_536 = arith.addf %mul3A_531, %mul3A_535 : vector<16xf32>
        %gather3A_537 = tpu.vector_load_idx %arg14[%gather3A_320, %add3A_341] : memref<1000x64xf32, #tpu.memory_space<vmem>>[vector<16xi32>, vector<16xi32>], vector<16xf32>,
        %mul3A_538 = arith.constant 6.250000e-02 : f32
        %mul3A_539 = vector.broadcast %mul3A_538 : f32 to vector<16xf32>
        %mul3A_540 = arith.mulf %gather3A_537, %mul3A_539 : vector<16xf32>
        %add3A_541 = arith.addf %add3A_536, %mul3A_540 : vector<16xf32>
        %get3A_542 = arith.index_cast %add3A_525 : i32 to index
        %get3A_543 = arith.constant 0 : index
        %get3A_544 = tpu.vector_load %arg22[%get3A_542, %get3A_543] {strides = array<i32>} : memref<64x64xf32, #tpu.memory_space<vmem>>, vector<16xf32>,
        %mul3A_545 = arith.constant 1.562500e-02 : f32
        %mul3A_546 = vector.broadcast %mul3A_545 : f32 to vector<16xf32>
        %mul3A_547 = arith.mulf %get3A_544, %mul3A_546 : vector<16xf32>
        %get3A_548 = arith.index_cast %add3A_525 : i32 to index
        %get3A_549 = arith.constant 0 : index
        %get3A_550 = tpu.vector_load %arg23[%get3A_548, %get3A_549] {strides = array<i32>} : memref<64x64xf32, #tpu.memory_space<vmem>>, vector<16xf32>,
        %mul3A_551 = arith.constant 6.250000e-02 : f32
        %mul3A_552 = vector.broadcast %mul3A_551 : f32 to vector<16xf32>
        %mul3A_553 = arith.mulf %get3A_550, %mul3A_552 : vector<16xf32>
        %add3A_554 = arith.addf %mul3A_547, %mul3A_553 : vector<16xf32>
        %add3A_555 = arith.addf %add3A_541, %add3A_554 : vector<16xf32>
        %add3A_556 = arith.addf %add3A_486, %add3A_555 : vector<16xf32>
        %mul3A_557 = arith.constant 8 : i32
        %mul3A_558 = arith.muli %scan3A_191, %mul3A_557 : i32
        %add3A_559 = arith.constant 6 : i32
        %add3A_560 = arith.addi %mul3A_558, %add3A_559 : i32
        %get3A_561 = arith.index_cast %add3A_560 : i32 to index
        %get3A_562 = arith.constant 0 : index
        %get3A_563 = tpu.vector_load %arg24[%get3A_561, %get3A_562] {strides = array<i32>} : memref<64x16xf32, #tpu.memory_space<vmem>>, vector<16xf32>,
        %mul3A_564 = arith.constant 6.250000e-02 : f32
        %mul3A_565 = vector.broadcast %mul3A_564 : f32 to vector<16xf32>
        %mul3A_566 = arith.mulf %get3A_563, %mul3A_565 : vector<16xf32>
        %gather3A_567 = tpu.vector_load_idx %arg14[%gather3A_257, %add3A_341] : memref<1000x64xf32, #tpu.memory_space<vmem>>[vector<16xi32>, vector<16xi32>], vector<16xf32>,
        %mul3A_568 = arith.constant 4.687500e-02 : f32
        %mul3A_569 = vector.broadcast %mul3A_568 : f32 to vector<16xf32>
        %mul3A_570 = arith.mulf %gather3A_567, %mul3A_569 : vector<16xf32>
        %add3A_571 = arith.addf %mul3A_566, %mul3A_570 : vector<16xf32>
        %gather3A_572 = tpu.vector_load_idx %arg14[%gather3A_329, %add3A_341] : memref<1000x64xf32, #tpu.memory_space<vmem>>[vector<16xi32>, vector<16xi32>], vector<16xf32>,
        %mul3A_573 = arith.constant 6.250000e-02 : f32
        %mul3A_574 = vector.broadcast %mul3A_573 : f32 to vector<16xf32>
        %mul3A_575 = arith.mulf %gather3A_572, %mul3A_574 : vector<16xf32>
        %add3A_576 = arith.addf %add3A_571, %mul3A_575 : vector<16xf32>
        %get3A_577 = arith.index_cast %add3A_560 : i32 to index
        %get3A_578 = arith.constant 0 : index
        %get3A_579 = tpu.vector_load %arg22[%get3A_577, %get3A_578] {strides = array<i32>} : memref<64x64xf32, #tpu.memory_space<vmem>>, vector<16xf32>,
        %mul3A_580 = arith.constant 1.562500e-02 : f32
        %mul3A_581 = vector.broadcast %mul3A_580 : f32 to vector<16xf32>
        %mul3A_582 = arith.mulf %get3A_579, %mul3A_581 : vector<16xf32>
        %get3A_583 = arith.index_cast %add3A_560 : i32 to index
        %get3A_584 = arith.constant 0 : index
        %get3A_585 = tpu.vector_load %arg23[%get3A_583, %get3A_584] {strides = array<i32>} : memref<64x64xf32, #tpu.memory_space<vmem>>, vector<16xf32>,
        %mul3A_586 = arith.constant 6.250000e-02 : f32
        %mul3A_587 = vector.broadcast %mul3A_586 : f32 to vector<16xf32>
        %mul3A_588 = arith.mulf %get3A_585, %mul3A_587 : vector<16xf32>
        %add3A_589 = arith.addf %mul3A_582, %mul3A_588 : vector<16xf32>
        %add3A_590 = arith.addf %add3A_576, %add3A_589 : vector<16xf32>
        %add3A_591 = arith.addf %add3A_521, %add3A_590 : vector<16xf32>
        %mul3A_592 = arith.constant 8 : i32
        %mul3A_593 = arith.muli %scan3A_191, %mul3A_592 : i32
        %add3A_594 = arith.constant 7 : i32
        %add3A_595 = arith.addi %mul3A_593, %add3A_594 : i32
        %get3A_596 = arith.index_cast %add3A_595 : i32 to index
        %get3A_597 = arith.constant 0 : index
        %get3A_598 = tpu.vector_load %arg24[%get3A_596, %get3A_597] {strides = array<i32>} : memref<64x16xf32, #tpu.memory_space<vmem>>, vector<16xf32>,
        %mul3A_599 = arith.constant 6.250000e-02 : f32
        %mul3A_600 = vector.broadcast %mul3A_599 : f32 to vector<16xf32>
        %mul3A_601 = arith.mulf %get3A_598, %mul3A_600 : vector<16xf32>
        %gather3A_602 = tpu.vector_load_idx %arg14[%gather3A_266, %add3A_341] : memref<1000x64xf32, #tpu.memory_space<vmem>>[vector<16xi32>, vector<16xi32>], vector<16xf32>,
        %mul3A_603 = arith.constant 4.687500e-02 : f32
        %mul3A_604 = vector.broadcast %mul3A_603 : f32 to vector<16xf32>
        %mul3A_605 = arith.mulf %gather3A_602, %mul3A_604 : vector<16xf32>
        %add3A_606 = arith.addf %mul3A_601, %mul3A_605 : vector<16xf32>
        %gather3A_607 = tpu.vector_load_idx %arg14[%gather3A_338, %add3A_341] : memref<1000x64xf32, #tpu.memory_space<vmem>>[vector<16xi32>, vector<16xi32>], vector<16xf32>,
        %mul3A_608 = arith.constant 6.250000e-02 : f32
        %mul3A_609 = vector.broadcast %mul3A_608 : f32 to vector<16xf32>
        %mul3A_610 = arith.mulf %gather3A_607, %mul3A_609 : vector<16xf32>
        %add3A_611 = arith.addf %add3A_606, %mul3A_610 : vector<16xf32>
        %get3A_612 = arith.index_cast %add3A_595 : i32 to index
        %get3A_613 = arith.constant 0 : index
        %get3A_614 = tpu.vector_load %arg22[%get3A_612, %get3A_613] {strides = array<i32>} : memref<64x64xf32, #tpu.memory_space<vmem>>, vector<16xf32>,
        %mul3A_615 = arith.constant 1.562500e-02 : f32
        %mul3A_616 = vector.broadcast %mul3A_615 : f32 to vector<16xf32>
        %mul3A_617 = arith.mulf %get3A_614, %mul3A_616 : vector<16xf32>
        %get3A_618 = arith.index_cast %add3A_595 : i32 to index
        %get3A_619 = arith.constant 0 : index
        %get3A_620 = tpu.vector_load %arg23[%get3A_618, %get3A_619] {strides = array<i32>} : memref<64x64xf32, #tpu.memory_space<vmem>>, vector<16xf32>,
        %mul3A_621 = arith.constant 6.250000e-02 : f32
        %mul3A_622 = vector.broadcast %mul3A_621 : f32 to vector<16xf32>
        %mul3A_623 = arith.mulf %get3A_620, %mul3A_622 : vector<16xf32>
        %add3A_624 = arith.addf %mul3A_617, %mul3A_623 : vector<16xf32>
        %add3A_625 = arith.addf %add3A_611, %add3A_624 : vector<16xf32>
        %add3A_626 = arith.addf %add3A_556, %add3A_625 : vector<16xf32>
        %add3A_627 = arith.addf %add3A_591, %add3A_626 : vector<16xf32>
        %swap3A = arith.index_cast %scan3A_191 : i32 to index
        %swap3A_628 = arith.constant 0 : index
        %swap3A_629 = tpu.vector_load %arg30[%swap3A, %swap3A_628] {strides = array<i32>} : memref<8x64xf32, #tpu.memory_space<vmem>>, vector<16xf32>,
        tpu.vector_store %arg30[%swap3A, %swap3A_628], %add3A_627 {strides = array<i32>} : memref<8x64xf32, #tpu.memory_space<vmem>>, vector<16xf32>,
        %add3A_630 = arith.constant 16 : i32
        %add3A_631 = vector.broadcast %add3A_630 : i32 to vector<16xi32>
        %add3A_632 = arith.addi %iota3A, %add3A_631 : vector<16xi32>
        %gather3A_633 = tpu.vector_load_idx %arg14[%gather3A, %add3A_632] : memref<1000x64xf32, #tpu.memory_space<vmem>>[vector<16xi32>, vector<16xi32>], vector<16xf32>,
        %mul3A_634 = arith.constant 5.000000e-01 : f32
        %mul3A_635 = vector.broadcast %mul3A_634 : f32 to vector<16xf32>
        %mul3A_636 = arith.mulf %gather3A_633, %mul3A_635 : vector<16xf32>
        %broadcast_in_dim3A_637 = arith.constant 0.000000e+00 : f32
        %broadcast_in_dim3A_638 = vector.broadcast %broadcast_in_dim3A_637 : f32 to vector<16xf32>
        %mul3A_639 = arith.constant 8 : i32
        %mul3A_640 = arith.muli %scan3A_191, %mul3A_639 : i32
        %add3A_641 = arith.constant 0 : i32
        %add3A_642 = arith.addi %mul3A_640, %add3A_641 : i32
        %get3A_643 = arith.index_cast %add3A_642 : i32 to index
        %get3A_644 = arith.constant 0 : index
        %get3A_645 = tpu.vector_load %arg25[%get3A_643, %get3A_644] {strides = array<i32>} : memref<64x48xf32, #tpu.memory_space<vmem>>, vector<16xf32>,
        %mul3A_646 = arith.constant 6.250000e-02 : f32
        %mul3A_647 = vector.broadcast %mul3A_646 : f32 to vector<16xf32>
        %mul3A_648 = arith.mulf %get3A_645, %mul3A_647 : vector<16xf32>
        %gather3A_649 = tpu.vector_load_idx %arg14[%gather3A_203, %add3A_632] : memref<1000x64xf32, #tpu.memory_space<vmem>>[vector<16xi32>, vector<16xi32>], vector<16xf32>,
        %mul3A_650 = arith.constant 4.687500e-02 : f32
        %mul3A_651 = vector.broadcast %mul3A_650 : f32 to vector<16xf32>
        %mul3A_652 = arith.mulf %gather3A_649, %mul3A_651 : vector<16xf32>
        %add3A_653 = arith.addf %mul3A_648, %mul3A_652 : vector<16xf32>
        %gather3A_654 = tpu.vector_load_idx %arg14[%gather3A_275, %add3A_632] : memref<1000x64xf32, #tpu.memory_space<vmem>>[vector<16xi32>, vector<16xi32>], vector<16xf32>,
        %mul3A_655 = arith.constant 6.250000e-02 : f32
        %mul3A_656 = vector.broadcast %mul3A_655 : f32 to vector<16xf32>
        %mul3A_657 = arith.mulf %gather3A_654, %mul3A_656 : vector<16xf32>
        %add3A_658 = arith.addf %add3A_653, %mul3A_657 : vector<16xf32>
        %get3A_659 = arith.index_cast %add3A_642 : i32 to index
        %get3A_660 = arith.constant 16 : index
        %get3A_661 = tpu.vector_load %arg22[%get3A_659, %get3A_660] {strides = array<i32>} : memref<64x64xf32, #tpu.memory_space<vmem>>, vector<16xf32>,
        %mul3A_662 = arith.constant 1.562500e-02 : f32
        %mul3A_663 = vector.broadcast %mul3A_662 : f32 to vector<16xf32>
        %mul3A_664 = arith.mulf %get3A_661, %mul3A_663 : vector<16xf32>
        %get3A_665 = arith.index_cast %add3A_642 : i32 to index
        %get3A_666 = arith.constant 16 : index
        %get3A_667 = tpu.vector_load %arg23[%get3A_665, %get3A_666] {strides = array<i32>} : memref<64x64xf32, #tpu.memory_space<vmem>>, vector<16xf32>,
        %mul3A_668 = arith.constant 6.250000e-02 : f32
        %mul3A_669 = vector.broadcast %mul3A_668 : f32 to vector<16xf32>
        %mul3A_670 = arith.mulf %get3A_667, %mul3A_669 : vector<16xf32>
        %add3A_671 = arith.addf %mul3A_664, %mul3A_670 : vector<16xf32>
        %add3A_672 = arith.addf %add3A_658, %add3A_671 : vector<16xf32>
        %add3A_673 = arith.addf %mul3A_636, %add3A_672 : vector<16xf32>
        %mul3A_674 = arith.constant 8 : i32
        %mul3A_675 = arith.muli %scan3A_191, %mul3A_674 : i32
        %add3A_676 = arith.constant 1 : i32
        %add3A_677 = arith.addi %mul3A_675, %add3A_676 : i32
        %get3A_678 = arith.index_cast %add3A_677 : i32 to index
        %get3A_679 = arith.constant 0 : index
        %get3A_680 = tpu.vector_load %arg25[%get3A_678, %get3A_679] {strides = array<i32>} : memref<64x48xf32, #tpu.memory_space<vmem>>, vector<16xf32>,
        %mul3A_681 = arith.constant 6.250000e-02 : f32
        %mul3A_682 = vector.broadcast %mul3A_681 : f32 to vector<16xf32>
        %mul3A_683 = arith.mulf %get3A_680, %mul3A_682 : vector<16xf32>
        %gather3A_684 = tpu.vector_load_idx %arg14[%gather3A_212, %add3A_632] : memref<1000x64xf32, #tpu.memory_space<vmem>>[vector<16xi32>, vector<16xi32>], vector<16xf32>,
        %mul3A_685 = arith.constant 4.687500e-02 : f32
        %mul3A_686 = vector.broadcast %mul3A_685 : f32 to vector<16xf32>
        %mul3A_687 = arith.mulf %gather3A_684, %mul3A_686 : vector<16xf32>
        %add3A_688 = arith.addf %mul3A_683, %mul3A_687 : vector<16xf32>
        %gather3A_689 = tpu.vector_load_idx %arg14[%gather3A_284, %add3A_632] : memref<1000x64xf32, #tpu.memory_space<vmem>>[vector<16xi32>, vector<16xi32>], vector<16xf32>,
        %mul3A_690 = arith.constant 6.250000e-02 : f32
        %mul3A_691 = vector.broadcast %mul3A_690 : f32 to vector<16xf32>
        %mul3A_692 = arith.mulf %gather3A_689, %mul3A_691 : vector<16xf32>
        %add3A_693 = arith.addf %add3A_688, %mul3A_692 : vector<16xf32>
        %get3A_694 = arith.index_cast %add3A_677 : i32 to index
        %get3A_695 = arith.constant 16 : index
        %get3A_696 = tpu.vector_load %arg22[%get3A_694, %get3A_695] {strides = array<i32>} : memref<64x64xf32, #tpu.memory_space<vmem>>, vector<16xf32>,
        %mul3A_697 = arith.constant 1.562500e-02 : f32
        %mul3A_698 = vector.broadcast %mul3A_697 : f32 to vector<16xf32>
        %mul3A_699 = arith.mulf %get3A_696, %mul3A_698 : vector<16xf32>
        %get3A_700 = arith.index_cast %add3A_677 : i32 to index
        %get3A_701 = arith.constant 16 : index
        %get3A_702 = tpu.vector_load %arg23[%get3A_700, %get3A_701] {strides = array<i32>} : memref<64x64xf32, #tpu.memory_space<vmem>>, vector<16xf32>,
        %mul3A_703 = arith.constant 6.250000e-02 : f32
        %mul3A_704 = vector.broadcast %mul3A_703 : f32 to vector<16xf32>
        %mul3A_705 = arith.mulf %get3A_702, %mul3A_704 : vector<16xf32>
        %add3A_706 = arith.addf %mul3A_699, %mul3A_705 : vector<16xf32>
        %add3A_707 = arith.addf %add3A_693, %add3A_706 : vector<16xf32>
        %add3A_708 = arith.addf %broadcast_in_dim3A_638, %add3A_707 : vector<16xf32>
        %mul3A_709 = arith.constant 8 : i32
        %mul3A_710 = arith.muli %scan3A_191, %mul3A_709 : i32
        %add3A_711 = arith.constant 2 : i32
        %add3A_712 = arith.addi %mul3A_710, %add3A_711 : i32
        %get3A_713 = arith.index_cast %add3A_712 : i32 to index
        %get3A_714 = arith.constant 0 : index
        %get3A_715 = tpu.vector_load %arg25[%get3A_713, %get3A_714] {strides = array<i32>} : memref<64x48xf32, #tpu.memory_space<vmem>>, vector<16xf32>,
        %mul3A_716 = arith.constant 6.250000e-02 : f32
        %mul3A_717 = vector.broadcast %mul3A_716 : f32 to vector<16xf32>
        %mul3A_718 = arith.mulf %get3A_715, %mul3A_717 : vector<16xf32>
        %gather3A_719 = tpu.vector_load_idx %arg14[%gather3A_221, %add3A_632] : memref<1000x64xf32, #tpu.memory_space<vmem>>[vector<16xi32>, vector<16xi32>], vector<16xf32>,
        %mul3A_720 = arith.constant 4.687500e-02 : f32
        %mul3A_721 = vector.broadcast %mul3A_720 : f32 to vector<16xf32>
        %mul3A_722 = arith.mulf %gather3A_719, %mul3A_721 : vector<16xf32>
        %add3A_723 = arith.addf %mul3A_718, %mul3A_722 : vector<16xf32>
        %gather3A_724 = tpu.vector_load_idx %arg14[%gather3A_293, %add3A_632] : memref<1000x64xf32, #tpu.memory_space<vmem>>[vector<16xi32>, vector<16xi32>], vector<16xf32>,
        %mul3A_725 = arith.constant 6.250000e-02 : f32
        %mul3A_726 = vector.broadcast %mul3A_725 : f32 to vector<16xf32>
        %mul3A_727 = arith.mulf %gather3A_724, %mul3A_726 : vector<16xf32>
        %add3A_728 = arith.addf %add3A_723, %mul3A_727 : vector<16xf32>
        %get3A_729 = arith.index_cast %add3A_712 : i32 to index
        %get3A_730 = arith.constant 16 : index
        %get3A_731 = tpu.vector_load %arg22[%get3A_729, %get3A_730] {strides = array<i32>} : memref<64x64xf32, #tpu.memory_space<vmem>>, vector<16xf32>,
        %mul3A_732 = arith.constant 1.562500e-02 : f32
        %mul3A_733 = vector.broadcast %mul3A_732 : f32 to vector<16xf32>
        %mul3A_734 = arith.mulf %get3A_731, %mul3A_733 : vector<16xf32>
        %get3A_735 = arith.index_cast %add3A_712 : i32 to index
        %get3A_736 = arith.constant 16 : index
        %get3A_737 = tpu.vector_load %arg23[%get3A_735, %get3A_736] {strides = array<i32>} : memref<64x64xf32, #tpu.memory_space<vmem>>, vector<16xf32>,
        %mul3A_738 = arith.constant 6.250000e-02 : f32
        %mul3A_739 = vector.broadcast %mul3A_738 : f32 to vector<16xf32>
        %mul3A_740 = arith.mulf %get3A_737, %mul3A_739 : vector<16xf32>
        %add3A_741 = arith.addf %mul3A_734, %mul3A_740 : vector<16xf32>
        %add3A_742 = arith.addf %add3A_728, %add3A_741 : vector<16xf32>
        %add3A_743 = arith.addf %add3A_673, %add3A_742 : vector<16xf32>
        %mul3A_744 = arith.constant 8 : i32
        %mul3A_745 = arith.muli %scan3A_191, %mul3A_744 : i32
        %add3A_746 = arith.constant 3 : i32
        %add3A_747 = arith.addi %mul3A_745, %add3A_746 : i32
        %get3A_748 = arith.index_cast %add3A_747 : i32 to index
        %get3A_749 = arith.constant 0 : index
        %get3A_750 = tpu.vector_load %arg25[%get3A_748, %get3A_749] {strides = array<i32>} : memref<64x48xf32, #tpu.memory_space<vmem>>, vector<16xf32>,
        %mul3A_751 = arith.constant 6.250000e-02 : f32
        %mul3A_752 = vector.broadcast %mul3A_751 : f32 to vector<16xf32>
        %mul3A_753 = arith.mulf %get3A_750, %mul3A_752 : vector<16xf32>
        %gather3A_754 = tpu.vector_load_idx %arg14[%gather3A_230, %add3A_632] : memref<1000x64xf32, #tpu.memory_space<vmem>>[vector<16xi32>, vector<16xi32>], vector<16xf32>,
        %mul3A_755 = arith.constant 4.687500e-02 : f32
        %mul3A_756 = vector.broadcast %mul3A_755 : f32 to vector<16xf32>
        %mul3A_757 = arith.mulf %gather3A_754, %mul3A_756 : vector<16xf32>
        %add3A_758 = arith.addf %mul3A_753, %mul3A_757 : vector<16xf32>
        %gather3A_759 = tpu.vector_load_idx %arg14[%gather3A_302, %add3A_632] : memref<1000x64xf32, #tpu.memory_space<vmem>>[vector<16xi32>, vector<16xi32>], vector<16xf32>,
        %mul3A_760 = arith.constant 6.250000e-02 : f32
        %mul3A_761 = vector.broadcast %mul3A_760 : f32 to vector<16xf32>
        %mul3A_762 = arith.mulf %gather3A_759, %mul3A_761 : vector<16xf32>
        %add3A_763 = arith.addf %add3A_758, %mul3A_762 : vector<16xf32>
        %get3A_764 = arith.index_cast %add3A_747 : i32 to index
        %get3A_765 = arith.constant 16 : index
        %get3A_766 = tpu.vector_load %arg22[%get3A_764, %get3A_765] {strides = array<i32>} : memref<64x64xf32, #tpu.memory_space<vmem>>, vector<16xf32>,
        %mul3A_767 = arith.constant 1.562500e-02 : f32
        %mul3A_768 = vector.broadcast %mul3A_767 : f32 to vector<16xf32>
        %mul3A_769 = arith.mulf %get3A_766, %mul3A_768 : vector<16xf32>
        %get3A_770 = arith.index_cast %add3A_747 : i32 to index
        %get3A_771 = arith.constant 16 : index
        %get3A_772 = tpu.vector_load %arg23[%get3A_770, %get3A_771] {strides = array<i32>} : memref<64x64xf32, #tpu.memory_space<vmem>>, vector<16xf32>,
        %mul3A_773 = arith.constant 6.250000e-02 : f32
        %mul3A_774 = vector.broadcast %mul3A_773 : f32 to vector<16xf32>
        %mul3A_775 = arith.mulf %get3A_772, %mul3A_774 : vector<16xf32>
        %add3A_776 = arith.addf %mul3A_769, %mul3A_775 : vector<16xf32>
        %add3A_777 = arith.addf %add3A_763, %add3A_776 : vector<16xf32>
        %add3A_778 = arith.addf %add3A_708, %add3A_777 : vector<16xf32>
        %mul3A_779 = arith.constant 8 : i32
        %mul3A_780 = arith.muli %scan3A_191, %mul3A_779 : i32
        %add3A_781 = arith.constant 4 : i32
        %add3A_782 = arith.addi %mul3A_780, %add3A_781 : i32
        %get3A_783 = arith.index_cast %add3A_782 : i32 to index
        %get3A_784 = arith.constant 0 : index
        %get3A_785 = tpu.vector_load %arg25[%get3A_783, %get3A_784] {strides = array<i32>} : memref<64x48xf32, #tpu.memory_space<vmem>>, vector<16xf32>,
        %mul3A_786 = arith.constant 6.250000e-02 : f32
        %mul3A_787 = vector.broadcast %mul3A_786 : f32 to vector<16xf32>
        %mul3A_788 = arith.mulf %get3A_785, %mul3A_787 : vector<16xf32>
        %gather3A_789 = tpu.vector_load_idx %arg14[%gather3A_239, %add3A_632] : memref<1000x64xf32, #tpu.memory_space<vmem>>[vector<16xi32>, vector<16xi32>], vector<16xf32>,
        %mul3A_790 = arith.constant 4.687500e-02 : f32
        %mul3A_791 = vector.broadcast %mul3A_790 : f32 to vector<16xf32>
        %mul3A_792 = arith.mulf %gather3A_789, %mul3A_791 : vector<16xf32>
        %add3A_793 = arith.addf %mul3A_788, %mul3A_792 : vector<16xf32>
        %gather3A_794 = tpu.vector_load_idx %arg14[%gather3A_311, %add3A_632] : memref<1000x64xf32, #tpu.memory_space<vmem>>[vector<16xi32>, vector<16xi32>], vector<16xf32>,
        %mul3A_795 = arith.constant 6.250000e-02 : f32
        %mul3A_796 = vector.broadcast %mul3A_795 : f32 to vector<16xf32>
        %mul3A_797 = arith.mulf %gather3A_794, %mul3A_796 : vector<16xf32>
        %add3A_798 = arith.addf %add3A_793, %mul3A_797 : vector<16xf32>
        %get3A_799 = arith.index_cast %add3A_782 : i32 to index
        %get3A_800 = arith.constant 16 : index
        %get3A_801 = tpu.vector_load %arg22[%get3A_799, %get3A_800] {strides = array<i32>} : memref<64x64xf32, #tpu.memory_space<vmem>>, vector<16xf32>,
        %mul3A_802 = arith.constant 1.562500e-02 : f32
        %mul3A_803 = vector.broadcast %mul3A_802 : f32 to vector<16xf32>
        %mul3A_804 = arith.mulf %get3A_801, %mul3A_803 : vector<16xf32>
        %get3A_805 = arith.index_cast %add3A_782 : i32 to index
        %get3A_806 = arith.constant 16 : index
        %get3A_807 = tpu.vector_load %arg23[%get3A_805, %get3A_806] {strides = array<i32>} : memref<64x64xf32, #tpu.memory_space<vmem>>, vector<16xf32>,
        %mul3A_808 = arith.constant 6.250000e-02 : f32
        %mul3A_809 = vector.broadcast %mul3A_808 : f32 to vector<16xf32>
        %mul3A_810 = arith.mulf %get3A_807, %mul3A_809 : vector<16xf32>
        %add3A_811 = arith.addf %mul3A_804, %mul3A_810 : vector<16xf32>
        %add3A_812 = arith.addf %add3A_798, %add3A_811 : vector<16xf32>
        %add3A_813 = arith.addf %add3A_743, %add3A_812 : vector<16xf32>
        %mul3A_814 = arith.constant 8 : i32
        %mul3A_815 = arith.muli %scan3A_191, %mul3A_814 : i32
        %add3A_816 = arith.constant 5 : i32
        %add3A_817 = arith.addi %mul3A_815, %add3A_816 : i32
        %get3A_818 = arith.index_cast %add3A_817 : i32 to index
        %get3A_819 = arith.constant 0 : index
        %get3A_820 = tpu.vector_load %arg25[%get3A_818, %get3A_819] {strides = array<i32>} : memref<64x48xf32, #tpu.memory_space<vmem>>, vector<16xf32>,
        %mul3A_821 = arith.constant 6.250000e-02 : f32
        %mul3A_822 = vector.broadcast %mul3A_821 : f32 to vector<16xf32>
        %mul3A_823 = arith.mulf %get3A_820, %mul3A_822 : vector<16xf32>
        %gather3A_824 = tpu.vector_load_idx %arg14[%gather3A_248, %add3A_632] : memref<1000x64xf32, #tpu.memory_space<vmem>>[vector<16xi32>, vector<16xi32>], vector<16xf32>,
        %mul3A_825 = arith.constant 4.687500e-02 : f32
        %mul3A_826 = vector.broadcast %mul3A_825 : f32 to vector<16xf32>
        %mul3A_827 = arith.mulf %gather3A_824, %mul3A_826 : vector<16xf32>
        %add3A_828 = arith.addf %mul3A_823, %mul3A_827 : vector<16xf32>
        %gather3A_829 = tpu.vector_load_idx %arg14[%gather3A_320, %add3A_632] : memref<1000x64xf32, #tpu.memory_space<vmem>>[vector<16xi32>, vector<16xi32>], vector<16xf32>,
        %mul3A_830 = arith.constant 6.250000e-02 : f32
        %mul3A_831 = vector.broadcast %mul3A_830 : f32 to vector<16xf32>
        %mul3A_832 = arith.mulf %gather3A_829, %mul3A_831 : vector<16xf32>
        %add3A_833 = arith.addf %add3A_828, %mul3A_832 : vector<16xf32>
        %get3A_834 = arith.index_cast %add3A_817 : i32 to index
        %get3A_835 = arith.constant 16 : index
        %get3A_836 = tpu.vector_load %arg22[%get3A_834, %get3A_835] {strides = array<i32>} : memref<64x64xf32, #tpu.memory_space<vmem>>, vector<16xf32>,
        %mul3A_837 = arith.constant 1.562500e-02 : f32
        %mul3A_838 = vector.broadcast %mul3A_837 : f32 to vector<16xf32>
        %mul3A_839 = arith.mulf %get3A_836, %mul3A_838 : vector<16xf32>
        %get3A_840 = arith.index_cast %add3A_817 : i32 to index
        %get3A_841 = arith.constant 16 : index
        %get3A_842 = tpu.vector_load %arg23[%get3A_840, %get3A_841] {strides = array<i32>} : memref<64x64xf32, #tpu.memory_space<vmem>>, vector<16xf32>,
        %mul3A_843 = arith.constant 6.250000e-02 : f32
        %mul3A_844 = vector.broadcast %mul3A_843 : f32 to vector<16xf32>
        %mul3A_845 = arith.mulf %get3A_842, %mul3A_844 : vector<16xf32>
        %add3A_846 = arith.addf %mul3A_839, %mul3A_845 : vector<16xf32>
        %add3A_847 = arith.addf %add3A_833, %add3A_846 : vector<16xf32>
        %add3A_848 = arith.addf %add3A_778, %add3A_847 : vector<16xf32>
        %mul3A_849 = arith.constant 8 : i32
        %mul3A_850 = arith.muli %scan3A_191, %mul3A_849 : i32
        %add3A_851 = arith.constant 6 : i32
        %add3A_852 = arith.addi %mul3A_850, %add3A_851 : i32
        %get3A_853 = arith.index_cast %add3A_852 : i32 to index
        %get3A_854 = arith.constant 0 : index
        %get3A_855 = tpu.vector_load %arg25[%get3A_853, %get3A_854] {strides = array<i32>} : memref<64x48xf32, #tpu.memory_space<vmem>>, vector<16xf32>,
        %mul3A_856 = arith.constant 6.250000e-02 : f32
        %mul3A_857 = vector.broadcast %mul3A_856 : f32 to vector<16xf32>
        %mul3A_858 = arith.mulf %get3A_855, %mul3A_857 : vector<16xf32>
        %gather3A_859 = tpu.vector_load_idx %arg14[%gather3A_257, %add3A_632] : memref<1000x64xf32, #tpu.memory_space<vmem>>[vector<16xi32>, vector<16xi32>], vector<16xf32>,
        %mul3A_860 = arith.constant 4.687500e-02 : f32
        %mul3A_861 = vector.broadcast %mul3A_860 : f32 to vector<16xf32>
        %mul3A_862 = arith.mulf %gather3A_859, %mul3A_861 : vector<16xf32>
        %add3A_863 = arith.addf %mul3A_858, %mul3A_862 : vector<16xf32>
        %gather3A_864 = tpu.vector_load_idx %arg14[%gather3A_329, %add3A_632] : memref<1000x64xf32, #tpu.memory_space<vmem>>[vector<16xi32>, vector<16xi32>], vector<16xf32>,
        %mul3A_865 = arith.constant 6.250000e-02 : f32
        %mul3A_866 = vector.broadcast %mul3A_865 : f32 to vector<16xf32>
        %mul3A_867 = arith.mulf %gather3A_864, %mul3A_866 : vector<16xf32>
        %add3A_868 = arith.addf %add3A_863, %mul3A_867 : vector<16xf32>
        %get3A_869 = arith.index_cast %add3A_852 : i32 to index
        %get3A_870 = arith.constant 16 : index
        %get3A_871 = tpu.vector_load %arg22[%get3A_869, %get3A_870] {strides = array<i32>} : memref<64x64xf32, #tpu.memory_space<vmem>>, vector<16xf32>,
        %mul3A_872 = arith.constant 1.562500e-02 : f32
        %mul3A_873 = vector.broadcast %mul3A_872 : f32 to vector<16xf32>
        %mul3A_874 = arith.mulf %get3A_871, %mul3A_873 : vector<16xf32>
        %get3A_875 = arith.index_cast %add3A_852 : i32 to index
        %get3A_876 = arith.constant 16 : index
        %get3A_877 = tpu.vector_load %arg23[%get3A_875, %get3A_876] {strides = array<i32>} : memref<64x64xf32, #tpu.memory_space<vmem>>, vector<16xf32>,
        %mul3A_878 = arith.constant 6.250000e-02 : f32
        %mul3A_879 = vector.broadcast %mul3A_878 : f32 to vector<16xf32>
        %mul3A_880 = arith.mulf %get3A_877, %mul3A_879 : vector<16xf32>
        %add3A_881 = arith.addf %mul3A_874, %mul3A_880 : vector<16xf32>
        %add3A_882 = arith.addf %add3A_868, %add3A_881 : vector<16xf32>
        %add3A_883 = arith.addf %add3A_813, %add3A_882 : vector<16xf32>
        %mul3A_884 = arith.constant 8 : i32
        %mul3A_885 = arith.muli %scan3A_191, %mul3A_884 : i32
        %add3A_886 = arith.constant 7 : i32
        %add3A_887 = arith.addi %mul3A_885, %add3A_886 : i32
        %get3A_888 = arith.index_cast %add3A_887 : i32 to index
        %get3A_889 = arith.constant 0 : index
        %get3A_890 = tpu.vector_load %arg25[%get3A_888, %get3A_889] {strides = array<i32>} : memref<64x48xf32, #tpu.memory_space<vmem>>, vector<16xf32>,
        %mul3A_891 = arith.constant 6.250000e-02 : f32
        %mul3A_892 = vector.broadcast %mul3A_891 : f32 to vector<16xf32>
        %mul3A_893 = arith.mulf %get3A_890, %mul3A_892 : vector<16xf32>
        %gather3A_894 = tpu.vector_load_idx %arg14[%gather3A_266, %add3A_632] : memref<1000x64xf32, #tpu.memory_space<vmem>>[vector<16xi32>, vector<16xi32>], vector<16xf32>,
        %mul3A_895 = arith.constant 4.687500e-02 : f32
        %mul3A_896 = vector.broadcast %mul3A_895 : f32 to vector<16xf32>
        %mul3A_897 = arith.mulf %gather3A_894, %mul3A_896 : vector<16xf32>
        %add3A_898 = arith.addf %mul3A_893, %mul3A_897 : vector<16xf32>
        %gather3A_899 = tpu.vector_load_idx %arg14[%gather3A_338, %add3A_632] : memref<1000x64xf32, #tpu.memory_space<vmem>>[vector<16xi32>, vector<16xi32>], vector<16xf32>,
        %mul3A_900 = arith.constant 6.250000e-02 : f32
        %mul3A_901 = vector.broadcast %mul3A_900 : f32 to vector<16xf32>
        %mul3A_902 = arith.mulf %gather3A_899, %mul3A_901 : vector<16xf32>
        %add3A_903 = arith.addf %add3A_898, %mul3A_902 : vector<16xf32>
        %get3A_904 = arith.index_cast %add3A_887 : i32 to index
        %get3A_905 = arith.constant 16 : index
        %get3A_906 = tpu.vector_load %arg22[%get3A_904, %get3A_905] {strides = array<i32>} : memref<64x64xf32, #tpu.memory_space<vmem>>, vector<16xf32>,
        %mul3A_907 = arith.constant 1.562500e-02 : f32
        %mul3A_908 = vector.broadcast %mul3A_907 : f32 to vector<16xf32>
        %mul3A_909 = arith.mulf %get3A_906, %mul3A_908 : vector<16xf32>
        %get3A_910 = arith.index_cast %add3A_887 : i32 to index
        %get3A_911 = arith.constant 16 : index
        %get3A_912 = tpu.vector_load %arg23[%get3A_910, %get3A_911] {strides = array<i32>} : memref<64x64xf32, #tpu.memory_space<vmem>>, vector<16xf32>,
        %mul3A_913 = arith.constant 6.250000e-02 : f32
        %mul3A_914 = vector.broadcast %mul3A_913 : f32 to vector<16xf32>
        %mul3A_915 = arith.mulf %get3A_912, %mul3A_914 : vector<16xf32>
        %add3A_916 = arith.addf %mul3A_909, %mul3A_915 : vector<16xf32>
        %add3A_917 = arith.addf %add3A_903, %add3A_916 : vector<16xf32>
        %add3A_918 = arith.addf %add3A_848, %add3A_917 : vector<16xf32>
        %add3A_919 = arith.addf %add3A_883, %add3A_918 : vector<16xf32>
        %swap3A_920 = arith.index_cast %scan3A_191 : i32 to index
        %swap3A_921 = arith.constant 16 : index
        %swap3A_922 = tpu.vector_load %arg30[%swap3A_920, %swap3A_921] {strides = array<i32>} : memref<8x64xf32, #tpu.memory_space<vmem>>, vector<16xf32>,
        tpu.vector_store %arg30[%swap3A_920, %swap3A_921], %add3A_919 {strides = array<i32>} : memref<8x64xf32, #tpu.memory_space<vmem>>, vector<16xf32>,
        %add3A_923 = arith.constant 32 : i32
        %add3A_924 = vector.broadcast %add3A_923 : i32 to vector<16xi32>
        %add3A_925 = arith.addi %iota3A, %add3A_924 : vector<16xi32>
        %gather3A_926 = tpu.vector_load_idx %arg14[%gather3A, %add3A_925] : memref<1000x64xf32, #tpu.memory_space<vmem>>[vector<16xi32>, vector<16xi32>], vector<16xf32>,
        %mul3A_927 = arith.constant 5.000000e-01 : f32
        %mul3A_928 = vector.broadcast %mul3A_927 : f32 to vector<16xf32>
        %mul3A_929 = arith.mulf %gather3A_926, %mul3A_928 : vector<16xf32>
        %broadcast_in_dim3A_930 = arith.constant 0.000000e+00 : f32
        %broadcast_in_dim3A_931 = vector.broadcast %broadcast_in_dim3A_930 : f32 to vector<16xf32>
        %mul3A_932 = arith.constant 8 : i32
        %mul3A_933 = arith.muli %scan3A_191, %mul3A_932 : i32
        %add3A_934 = arith.constant 0 : i32
        %add3A_935 = arith.addi %mul3A_933, %add3A_934 : i32
        %get3A_936 = arith.index_cast %add3A_935 : i32 to index
        %get3A_937 = arith.constant 16 : index
        %get3A_938 = tpu.vector_load %arg25[%get3A_936, %get3A_937] {strides = array<i32>} : memref<64x48xf32, #tpu.memory_space<vmem>>, vector<16xf32>,
        %mul3A_939 = arith.constant 6.250000e-02 : f32
        %mul3A_940 = vector.broadcast %mul3A_939 : f32 to vector<16xf32>
        %mul3A_941 = arith.mulf %get3A_938, %mul3A_940 : vector<16xf32>
        %gather3A_942 = tpu.vector_load_idx %arg14[%gather3A_203, %add3A_925] : memref<1000x64xf32, #tpu.memory_space<vmem>>[vector<16xi32>, vector<16xi32>], vector<16xf32>,
        %mul3A_943 = arith.constant 4.687500e-02 : f32
        %mul3A_944 = vector.broadcast %mul3A_943 : f32 to vector<16xf32>
        %mul3A_945 = arith.mulf %gather3A_942, %mul3A_944 : vector<16xf32>
        %add3A_946 = arith.addf %mul3A_941, %mul3A_945 : vector<16xf32>
        %gather3A_947 = tpu.vector_load_idx %arg14[%gather3A_275, %add3A_925] : memref<1000x64xf32, #tpu.memory_space<vmem>>[vector<16xi32>, vector<16xi32>], vector<16xf32>,
        %mul3A_948 = arith.constant 6.250000e-02 : f32
        %mul3A_949 = vector.broadcast %mul3A_948 : f32 to vector<16xf32>
        %mul3A_950 = arith.mulf %gather3A_947, %mul3A_949 : vector<16xf32>
        %add3A_951 = arith.addf %add3A_946, %mul3A_950 : vector<16xf32>
        %get3A_952 = arith.index_cast %add3A_935 : i32 to index
        %get3A_953 = arith.constant 32 : index
        %get3A_954 = tpu.vector_load %arg22[%get3A_952, %get3A_953] {strides = array<i32>} : memref<64x64xf32, #tpu.memory_space<vmem>>, vector<16xf32>,
        %mul3A_955 = arith.constant 1.562500e-02 : f32
        %mul3A_956 = vector.broadcast %mul3A_955 : f32 to vector<16xf32>
        %mul3A_957 = arith.mulf %get3A_954, %mul3A_956 : vector<16xf32>
        %get3A_958 = arith.index_cast %add3A_935 : i32 to index
        %get3A_959 = arith.constant 32 : index
        %get3A_960 = tpu.vector_load %arg23[%get3A_958, %get3A_959] {strides = array<i32>} : memref<64x64xf32, #tpu.memory_space<vmem>>, vector<16xf32>,
        %mul3A_961 = arith.constant 6.250000e-02 : f32
        %mul3A_962 = vector.broadcast %mul3A_961 : f32 to vector<16xf32>
        %mul3A_963 = arith.mulf %get3A_960, %mul3A_962 : vector<16xf32>
        %add3A_964 = arith.addf %mul3A_957, %mul3A_963 : vector<16xf32>
        %add3A_965 = arith.addf %add3A_951, %add3A_964 : vector<16xf32>
        %add3A_966 = arith.addf %mul3A_929, %add3A_965 : vector<16xf32>
        %mul3A_967 = arith.constant 8 : i32
        %mul3A_968 = arith.muli %scan3A_191, %mul3A_967 : i32
        %add3A_969 = arith.constant 1 : i32
        %add3A_970 = arith.addi %mul3A_968, %add3A_969 : i32
        %get3A_971 = arith.index_cast %add3A_970 : i32 to index
        %get3A_972 = arith.constant 16 : index
        %get3A_973 = tpu.vector_load %arg25[%get3A_971, %get3A_972] {strides = array<i32>} : memref<64x48xf32, #tpu.memory_space<vmem>>, vector<16xf32>,
        %mul3A_974 = arith.constant 6.250000e-02 : f32
        %mul3A_975 = vector.broadcast %mul3A_974 : f32 to vector<16xf32>
        %mul3A_976 = arith.mulf %get3A_973, %mul3A_975 : vector<16xf32>
        %gather3A_977 = tpu.vector_load_idx %arg14[%gather3A_212, %add3A_925] : memref<1000x64xf32, #tpu.memory_space<vmem>>[vector<16xi32>, vector<16xi32>], vector<16xf32>,
        %mul3A_978 = arith.constant 4.687500e-02 : f32
        %mul3A_979 = vector.broadcast %mul3A_978 : f32 to vector<16xf32>
        %mul3A_980 = arith.mulf %gather3A_977, %mul3A_979 : vector<16xf32>
        %add3A_981 = arith.addf %mul3A_976, %mul3A_980 : vector<16xf32>
        %gather3A_982 = tpu.vector_load_idx %arg14[%gather3A_284, %add3A_925] : memref<1000x64xf32, #tpu.memory_space<vmem>>[vector<16xi32>, vector<16xi32>], vector<16xf32>,
        %mul3A_983 = arith.constant 6.250000e-02 : f32
        %mul3A_984 = vector.broadcast %mul3A_983 : f32 to vector<16xf32>
        %mul3A_985 = arith.mulf %gather3A_982, %mul3A_984 : vector<16xf32>
        %add3A_986 = arith.addf %add3A_981, %mul3A_985 : vector<16xf32>
        %get3A_987 = arith.index_cast %add3A_970 : i32 to index
        %get3A_988 = arith.constant 32 : index
        %get3A_989 = tpu.vector_load %arg22[%get3A_987, %get3A_988] {strides = array<i32>} : memref<64x64xf32, #tpu.memory_space<vmem>>, vector<16xf32>,
        %mul3A_990 = arith.constant 1.562500e-02 : f32
        %mul3A_991 = vector.broadcast %mul3A_990 : f32 to vector<16xf32>
        %mul3A_992 = arith.mulf %get3A_989, %mul3A_991 : vector<16xf32>
        %get3A_993 = arith.index_cast %add3A_970 : i32 to index
        %get3A_994 = arith.constant 32 : index
        %get3A_995 = tpu.vector_load %arg23[%get3A_993, %get3A_994] {strides = array<i32>} : memref<64x64xf32, #tpu.memory_space<vmem>>, vector<16xf32>,
        %mul3A_996 = arith.constant 6.250000e-02 : f32
        %mul3A_997 = vector.broadcast %mul3A_996 : f32 to vector<16xf32>
        %mul3A_998 = arith.mulf %get3A_995, %mul3A_997 : vector<16xf32>
        %add3A_999 = arith.addf %mul3A_992, %mul3A_998 : vector<16xf32>
        %add3A_1000 = arith.addf %add3A_986, %add3A_999 : vector<16xf32>
        %add3A_1001 = arith.addf %broadcast_in_dim3A_931, %add3A_1000 : vector<16xf32>
        %mul3A_1002 = arith.constant 8 : i32
        %mul3A_1003 = arith.muli %scan3A_191, %mul3A_1002 : i32
        %add3A_1004 = arith.constant 2 : i32
        %add3A_1005 = arith.addi %mul3A_1003, %add3A_1004 : i32
        %get3A_1006 = arith.index_cast %add3A_1005 : i32 to index
        %get3A_1007 = arith.constant 16 : index
        %get3A_1008 = tpu.vector_load %arg25[%get3A_1006, %get3A_1007] {strides = array<i32>} : memref<64x48xf32, #tpu.memory_space<vmem>>, vector<16xf32>,
        %mul3A_1009 = arith.constant 6.250000e-02 : f32
        %mul3A_1010 = vector.broadcast %mul3A_1009 : f32 to vector<16xf32>
        %mul3A_1011 = arith.mulf %get3A_1008, %mul3A_1010 : vector<16xf32>
        %gather3A_1012 = tpu.vector_load_idx %arg14[%gather3A_221, %add3A_925] : memref<1000x64xf32, #tpu.memory_space<vmem>>[vector<16xi32>, vector<16xi32>], vector<16xf32>,
        %mul3A_1013 = arith.constant 4.687500e-02 : f32
        %mul3A_1014 = vector.broadcast %mul3A_1013 : f32 to vector<16xf32>
        %mul3A_1015 = arith.mulf %gather3A_1012, %mul3A_1014 : vector<16xf32>
        %add3A_1016 = arith.addf %mul3A_1011, %mul3A_1015 : vector<16xf32>
        %gather3A_1017 = tpu.vector_load_idx %arg14[%gather3A_293, %add3A_925] : memref<1000x64xf32, #tpu.memory_space<vmem>>[vector<16xi32>, vector<16xi32>], vector<16xf32>,
        %mul3A_1018 = arith.constant 6.250000e-02 : f32
        %mul3A_1019 = vector.broadcast %mul3A_1018 : f32 to vector<16xf32>
        %mul3A_1020 = arith.mulf %gather3A_1017, %mul3A_1019 : vector<16xf32>
        %add3A_1021 = arith.addf %add3A_1016, %mul3A_1020 : vector<16xf32>
        %get3A_1022 = arith.index_cast %add3A_1005 : i32 to index
        %get3A_1023 = arith.constant 32 : index
        %get3A_1024 = tpu.vector_load %arg22[%get3A_1022, %get3A_1023] {strides = array<i32>} : memref<64x64xf32, #tpu.memory_space<vmem>>, vector<16xf32>,
        %mul3A_1025 = arith.constant 1.562500e-02 : f32
        %mul3A_1026 = vector.broadcast %mul3A_1025 : f32 to vector<16xf32>
        %mul3A_1027 = arith.mulf %get3A_1024, %mul3A_1026 : vector<16xf32>
        %get3A_1028 = arith.index_cast %add3A_1005 : i32 to index
        %get3A_1029 = arith.constant 32 : index
        %get3A_1030 = tpu.vector_load %arg23[%get3A_1028, %get3A_1029] {strides = array<i32>} : memref<64x64xf32, #tpu.memory_space<vmem>>, vector<16xf32>,
        %mul3A_1031 = arith.constant 6.250000e-02 : f32
        %mul3A_1032 = vector.broadcast %mul3A_1031 : f32 to vector<16xf32>
        %mul3A_1033 = arith.mulf %get3A_1030, %mul3A_1032 : vector<16xf32>
        %add3A_1034 = arith.addf %mul3A_1027, %mul3A_1033 : vector<16xf32>
        %add3A_1035 = arith.addf %add3A_1021, %add3A_1034 : vector<16xf32>
        %add3A_1036 = arith.addf %add3A_966, %add3A_1035 : vector<16xf32>
        %mul3A_1037 = arith.constant 8 : i32
        %mul3A_1038 = arith.muli %scan3A_191, %mul3A_1037 : i32
        %add3A_1039 = arith.constant 3 : i32
        %add3A_1040 = arith.addi %mul3A_1038, %add3A_1039 : i32
        %get3A_1041 = arith.index_cast %add3A_1040 : i32 to index
        %get3A_1042 = arith.constant 16 : index
        %get3A_1043 = tpu.vector_load %arg25[%get3A_1041, %get3A_1042] {strides = array<i32>} : memref<64x48xf32, #tpu.memory_space<vmem>>, vector<16xf32>,
        %mul3A_1044 = arith.constant 6.250000e-02 : f32
        %mul3A_1045 = vector.broadcast %mul3A_1044 : f32 to vector<16xf32>
        %mul3A_1046 = arith.mulf %get3A_1043, %mul3A_1045 : vector<16xf32>
        %gather3A_1047 = tpu.vector_load_idx %arg14[%gather3A_230, %add3A_925] : memref<1000x64xf32, #tpu.memory_space<vmem>>[vector<16xi32>, vector<16xi32>], vector<16xf32>,
        %mul3A_1048 = arith.constant 4.687500e-02 : f32
        %mul3A_1049 = vector.broadcast %mul3A_1048 : f32 to vector<16xf32>
        %mul3A_1050 = arith.mulf %gather3A_1047, %mul3A_1049 : vector<16xf32>
        %add3A_1051 = arith.addf %mul3A_1046, %mul3A_1050 : vector<16xf32>
        %gather3A_1052 = tpu.vector_load_idx %arg14[%gather3A_302, %add3A_925] : memref<1000x64xf32, #tpu.memory_space<vmem>>[vector<16xi32>, vector<16xi32>], vector<16xf32>,
        %mul3A_1053 = arith.constant 6.250000e-02 : f32
        %mul3A_1054 = vector.broadcast %mul3A_1053 : f32 to vector<16xf32>
        %mul3A_1055 = arith.mulf %gather3A_1052, %mul3A_1054 : vector<16xf32>
        %add3A_1056 = arith.addf %add3A_1051, %mul3A_1055 : vector<16xf32>
        %get3A_1057 = arith.index_cast %add3A_1040 : i32 to index
        %get3A_1058 = arith.constant 32 : index
        %get3A_1059 = tpu.vector_load %arg22[%get3A_1057, %get3A_1058] {strides = array<i32>} : memref<64x64xf32, #tpu.memory_space<vmem>>, vector<16xf32>,
        %mul3A_1060 = arith.constant 1.562500e-02 : f32
        %mul3A_1061 = vector.broadcast %mul3A_1060 : f32 to vector<16xf32>
        %mul3A_1062 = arith.mulf %get3A_1059, %mul3A_1061 : vector<16xf32>
        %get3A_1063 = arith.index_cast %add3A_1040 : i32 to index
        %get3A_1064 = arith.constant 32 : index
        %get3A_1065 = tpu.vector_load %arg23[%get3A_1063, %get3A_1064] {strides = array<i32>} : memref<64x64xf32, #tpu.memory_space<vmem>>, vector<16xf32>,
        %mul3A_1066 = arith.constant 6.250000e-02 : f32
        %mul3A_1067 = vector.broadcast %mul3A_1066 : f32 to vector<16xf32>
        %mul3A_1068 = arith.mulf %get3A_1065, %mul3A_1067 : vector<16xf32>
        %add3A_1069 = arith.addf %mul3A_1062, %mul3A_1068 : vector<16xf32>
        %add3A_1070 = arith.addf %add3A_1056, %add3A_1069 : vector<16xf32>
        %add3A_1071 = arith.addf %add3A_1001, %add3A_1070 : vector<16xf32>
        %mul3A_1072 = arith.constant 8 : i32
        %mul3A_1073 = arith.muli %scan3A_191, %mul3A_1072 : i32
        %add3A_1074 = arith.constant 4 : i32
        %add3A_1075 = arith.addi %mul3A_1073, %add3A_1074 : i32
        %get3A_1076 = arith.index_cast %add3A_1075 : i32 to index
        %get3A_1077 = arith.constant 16 : index
        %get3A_1078 = tpu.vector_load %arg25[%get3A_1076, %get3A_1077] {strides = array<i32>} : memref<64x48xf32, #tpu.memory_space<vmem>>, vector<16xf32>,
        %mul3A_1079 = arith.constant 6.250000e-02 : f32
        %mul3A_1080 = vector.broadcast %mul3A_1079 : f32 to vector<16xf32>
        %mul3A_1081 = arith.mulf %get3A_1078, %mul3A_1080 : vector<16xf32>
        %gather3A_1082 = tpu.vector_load_idx %arg14[%gather3A_239, %add3A_925] : memref<1000x64xf32, #tpu.memory_space<vmem>>[vector<16xi32>, vector<16xi32>], vector<16xf32>,
        %mul3A_1083 = arith.constant 4.687500e-02 : f32
        %mul3A_1084 = vector.broadcast %mul3A_1083 : f32 to vector<16xf32>
        %mul3A_1085 = arith.mulf %gather3A_1082, %mul3A_1084 : vector<16xf32>
        %add3A_1086 = arith.addf %mul3A_1081, %mul3A_1085 : vector<16xf32>
        %gather3A_1087 = tpu.vector_load_idx %arg14[%gather3A_311, %add3A_925] : memref<1000x64xf32, #tpu.memory_space<vmem>>[vector<16xi32>, vector<16xi32>], vector<16xf32>,
        %mul3A_1088 = arith.constant 6.250000e-02 : f32
        %mul3A_1089 = vector.broadcast %mul3A_1088 : f32 to vector<16xf32>
        %mul3A_1090 = arith.mulf %gather3A_1087, %mul3A_1089 : vector<16xf32>
        %add3A_1091 = arith.addf %add3A_1086, %mul3A_1090 : vector<16xf32>
        %get3A_1092 = arith.index_cast %add3A_1075 : i32 to index
        %get3A_1093 = arith.constant 32 : index
        %get3A_1094 = tpu.vector_load %arg22[%get3A_1092, %get3A_1093] {strides = array<i32>} : memref<64x64xf32, #tpu.memory_space<vmem>>, vector<16xf32>,
        %mul3A_1095 = arith.constant 1.562500e-02 : f32
        %mul3A_1096 = vector.broadcast %mul3A_1095 : f32 to vector<16xf32>
        %mul3A_1097 = arith.mulf %get3A_1094, %mul3A_1096 : vector<16xf32>
        %get3A_1098 = arith.index_cast %add3A_1075 : i32 to index
        %get3A_1099 = arith.constant 32 : index
        %get3A_1100 = tpu.vector_load %arg23[%get3A_1098, %get3A_1099] {strides = array<i32>} : memref<64x64xf32, #tpu.memory_space<vmem>>, vector<16xf32>,
        %mul3A_1101 = arith.constant 6.250000e-02 : f32
        %mul3A_1102 = vector.broadcast %mul3A_1101 : f32 to vector<16xf32>
        %mul3A_1103 = arith.mulf %get3A_1100, %mul3A_1102 : vector<16xf32>
        %add3A_1104 = arith.addf %mul3A_1097, %mul3A_1103 : vector<16xf32>
        %add3A_1105 = arith.addf %add3A_1091, %add3A_1104 : vector<16xf32>
        %add3A_1106 = arith.addf %add3A_1036, %add3A_1105 : vector<16xf32>
        %mul3A_1107 = arith.constant 8 : i32
        %mul3A_1108 = arith.muli %scan3A_191, %mul3A_1107 : i32
        %add3A_1109 = arith.constant 5 : i32
        %add3A_1110 = arith.addi %mul3A_1108, %add3A_1109 : i32
        %get3A_1111 = arith.index_cast %add3A_1110 : i32 to index
        %get3A_1112 = arith.constant 16 : index
        %get3A_1113 = tpu.vector_load %arg25[%get3A_1111, %get3A_1112] {strides = array<i32>} : memref<64x48xf32, #tpu.memory_space<vmem>>, vector<16xf32>,
        %mul3A_1114 = arith.constant 6.250000e-02 : f32
        %mul3A_1115 = vector.broadcast %mul3A_1114 : f32 to vector<16xf32>
        %mul3A_1116 = arith.mulf %get3A_1113, %mul3A_1115 : vector<16xf32>
        %gather3A_1117 = tpu.vector_load_idx %arg14[%gather3A_248, %add3A_925] : memref<1000x64xf32, #tpu.memory_space<vmem>>[vector<16xi32>, vector<16xi32>], vector<16xf32>,
        %mul3A_1118 = arith.constant 4.687500e-02 : f32
        %mul3A_1119 = vector.broadcast %mul3A_1118 : f32 to vector<16xf32>
        %mul3A_1120 = arith.mulf %gather3A_1117, %mul3A_1119 : vector<16xf32>
        %add3A_1121 = arith.addf %mul3A_1116, %mul3A_1120 : vector<16xf32>
        %gather3A_1122 = tpu.vector_load_idx %arg14[%gather3A_320, %add3A_925] : memref<1000x64xf32, #tpu.memory_space<vmem>>[vector<16xi32>, vector<16xi32>], vector<16xf32>,
        %mul3A_1123 = arith.constant 6.250000e-02 : f32
        %mul3A_1124 = vector.broadcast %mul3A_1123 : f32 to vector<16xf32>
        %mul3A_1125 = arith.mulf %gather3A_1122, %mul3A_1124 : vector<16xf32>
        %add3A_1126 = arith.addf %add3A_1121, %mul3A_1125 : vector<16xf32>
        %get3A_1127 = arith.index_cast %add3A_1110 : i32 to index
        %get3A_1128 = arith.constant 32 : index
        %get3A_1129 = tpu.vector_load %arg22[%get3A_1127, %get3A_1128] {strides = array<i32>} : memref<64x64xf32, #tpu.memory_space<vmem>>, vector<16xf32>,
        %mul3A_1130 = arith.constant 1.562500e-02 : f32
        %mul3A_1131 = vector.broadcast %mul3A_1130 : f32 to vector<16xf32>
        %mul3A_1132 = arith.mulf %get3A_1129, %mul3A_1131 : vector<16xf32>
        %get3A_1133 = arith.index_cast %add3A_1110 : i32 to index
        %get3A_1134 = arith.constant 32 : index
        %get3A_1135 = tpu.vector_load %arg23[%get3A_1133, %get3A_1134] {strides = array<i32>} : memref<64x64xf32, #tpu.memory_space<vmem>>, vector<16xf32>,
        %mul3A_1136 = arith.constant 6.250000e-02 : f32
        %mul3A_1137 = vector.broadcast %mul3A_1136 : f32 to vector<16xf32>
        %mul3A_1138 = arith.mulf %get3A_1135, %mul3A_1137 : vector<16xf32>
        %add3A_1139 = arith.addf %mul3A_1132, %mul3A_1138 : vector<16xf32>
        %add3A_1140 = arith.addf %add3A_1126, %add3A_1139 : vector<16xf32>
        %add3A_1141 = arith.addf %add3A_1071, %add3A_1140 : vector<16xf32>
        %mul3A_1142 = arith.constant 8 : i32
        %mul3A_1143 = arith.muli %scan3A_191, %mul3A_1142 : i32
        %add3A_1144 = arith.constant 6 : i32
        %add3A_1145 = arith.addi %mul3A_1143, %add3A_1144 : i32
        %get3A_1146 = arith.index_cast %add3A_1145 : i32 to index
        %get3A_1147 = arith.constant 16 : index
        %get3A_1148 = tpu.vector_load %arg25[%get3A_1146, %get3A_1147] {strides = array<i32>} : memref<64x48xf32, #tpu.memory_space<vmem>>, vector<16xf32>,
        %mul3A_1149 = arith.constant 6.250000e-02 : f32
        %mul3A_1150 = vector.broadcast %mul3A_1149 : f32 to vector<16xf32>
        %mul3A_1151 = arith.mulf %get3A_1148, %mul3A_1150 : vector<16xf32>
        %gather3A_1152 = tpu.vector_load_idx %arg14[%gather3A_257, %add3A_925] : memref<1000x64xf32, #tpu.memory_space<vmem>>[vector<16xi32>, vector<16xi32>], vector<16xf32>,
        %mul3A_1153 = arith.constant 4.687500e-02 : f32
        %mul3A_1154 = vector.broadcast %mul3A_1153 : f32 to vector<16xf32>
        %mul3A_1155 = arith.mulf %gather3A_1152, %mul3A_1154 : vector<16xf32>
        %add3A_1156 = arith.addf %mul3A_1151, %mul3A_1155 : vector<16xf32>
        %gather3A_1157 = tpu.vector_load_idx %arg14[%gather3A_329, %add3A_925] : memref<1000x64xf32, #tpu.memory_space<vmem>>[vector<16xi32>, vector<16xi32>], vector<16xf32>,
        %mul3A_1158 = arith.constant 6.250000e-02 : f32
        %mul3A_1159 = vector.broadcast %mul3A_1158 : f32 to vector<16xf32>
        %mul3A_1160 = arith.mulf %gather3A_1157, %mul3A_1159 : vector<16xf32>
        %add3A_1161 = arith.addf %add3A_1156, %mul3A_1160 : vector<16xf32>
        %get3A_1162 = arith.index_cast %add3A_1145 : i32 to index
        %get3A_1163 = arith.constant 32 : index
        %get3A_1164 = tpu.vector_load %arg22[%get3A_1162, %get3A_1163] {strides = array<i32>} : memref<64x64xf32, #tpu.memory_space<vmem>>, vector<16xf32>,
        %mul3A_1165 = arith.constant 1.562500e-02 : f32
        %mul3A_1166 = vector.broadcast %mul3A_1165 : f32 to vector<16xf32>
        %mul3A_1167 = arith.mulf %get3A_1164, %mul3A_1166 : vector<16xf32>
        %get3A_1168 = arith.index_cast %add3A_1145 : i32 to index
        %get3A_1169 = arith.constant 32 : index
        %get3A_1170 = tpu.vector_load %arg23[%get3A_1168, %get3A_1169] {strides = array<i32>} : memref<64x64xf32, #tpu.memory_space<vmem>>, vector<16xf32>,
        %mul3A_1171 = arith.constant 6.250000e-02 : f32
        %mul3A_1172 = vector.broadcast %mul3A_1171 : f32 to vector<16xf32>
        %mul3A_1173 = arith.mulf %get3A_1170, %mul3A_1172 : vector<16xf32>
        %add3A_1174 = arith.addf %mul3A_1167, %mul3A_1173 : vector<16xf32>
        %add3A_1175 = arith.addf %add3A_1161, %add3A_1174 : vector<16xf32>
        %add3A_1176 = arith.addf %add3A_1106, %add3A_1175 : vector<16xf32>
        %mul3A_1177 = arith.constant 8 : i32
        %mul3A_1178 = arith.muli %scan3A_191, %mul3A_1177 : i32
        %add3A_1179 = arith.constant 7 : i32
        %add3A_1180 = arith.addi %mul3A_1178, %add3A_1179 : i32
        %get3A_1181 = arith.index_cast %add3A_1180 : i32 to index
        %get3A_1182 = arith.constant 16 : index
        %get3A_1183 = tpu.vector_load %arg25[%get3A_1181, %get3A_1182] {strides = array<i32>} : memref<64x48xf32, #tpu.memory_space<vmem>>, vector<16xf32>,
        %mul3A_1184 = arith.constant 6.250000e-02 : f32
        %mul3A_1185 = vector.broadcast %mul3A_1184 : f32 to vector<16xf32>
        %mul3A_1186 = arith.mulf %get3A_1183, %mul3A_1185 : vector<16xf32>
        %gather3A_1187 = tpu.vector_load_idx %arg14[%gather3A_266, %add3A_925] : memref<1000x64xf32, #tpu.memory_space<vmem>>[vector<16xi32>, vector<16xi32>], vector<16xf32>,
        %mul3A_1188 = arith.constant 4.687500e-02 : f32
        %mul3A_1189 = vector.broadcast %mul3A_1188 : f32 to vector<16xf32>
        %mul3A_1190 = arith.mulf %gather3A_1187, %mul3A_1189 : vector<16xf32>
        %add3A_1191 = arith.addf %mul3A_1186, %mul3A_1190 : vector<16xf32>
        %gather3A_1192 = tpu.vector_load_idx %arg14[%gather3A_338, %add3A_925] : memref<1000x64xf32, #tpu.memory_space<vmem>>[vector<16xi32>, vector<16xi32>], vector<16xf32>,
        %mul3A_1193 = arith.constant 6.250000e-02 : f32
        %mul3A_1194 = vector.broadcast %mul3A_1193 : f32 to vector<16xf32>
        %mul3A_1195 = arith.mulf %gather3A_1192, %mul3A_1194 : vector<16xf32>
        %add3A_1196 = arith.addf %add3A_1191, %mul3A_1195 : vector<16xf32>
        %get3A_1197 = arith.index_cast %add3A_1180 : i32 to index
        %get3A_1198 = arith.constant 32 : index
        %get3A_1199 = tpu.vector_load %arg22[%get3A_1197, %get3A_1198] {strides = array<i32>} : memref<64x64xf32, #tpu.memory_space<vmem>>, vector<16xf32>,
        %mul3A_1200 = arith.constant 1.562500e-02 : f32
        %mul3A_1201 = vector.broadcast %mul3A_1200 : f32 to vector<16xf32>
        %mul3A_1202 = arith.mulf %get3A_1199, %mul3A_1201 : vector<16xf32>
        %get3A_1203 = arith.index_cast %add3A_1180 : i32 to index
        %get3A_1204 = arith.constant 32 : index
        %get3A_1205 = tpu.vector_load %arg23[%get3A_1203, %get3A_1204] {strides = array<i32>} : memref<64x64xf32, #tpu.memory_space<vmem>>, vector<16xf32>,
        %mul3A_1206 = arith.constant 6.250000e-02 : f32
        %mul3A_1207 = vector.broadcast %mul3A_1206 : f32 to vector<16xf32>
        %mul3A_1208 = arith.mulf %get3A_1205, %mul3A_1207 : vector<16xf32>
        %add3A_1209 = arith.addf %mul3A_1202, %mul3A_1208 : vector<16xf32>
        %add3A_1210 = arith.addf %add3A_1196, %add3A_1209 : vector<16xf32>
        %add3A_1211 = arith.addf %add3A_1141, %add3A_1210 : vector<16xf32>
        %add3A_1212 = arith.addf %add3A_1176, %add3A_1211 : vector<16xf32>
        %swap3A_1213 = arith.index_cast %scan3A_191 : i32 to index
        %swap3A_1214 = arith.constant 32 : index
        %swap3A_1215 = tpu.vector_load %arg30[%swap3A_1213, %swap3A_1214] {strides = array<i32>} : memref<8x64xf32, #tpu.memory_space<vmem>>, vector<16xf32>,
        tpu.vector_store %arg30[%swap3A_1213, %swap3A_1214], %add3A_1212 {strides = array<i32>} : memref<8x64xf32, #tpu.memory_space<vmem>>, vector<16xf32>,
        %add3A_1216 = arith.constant 48 : i32
        %add3A_1217 = vector.broadcast %add3A_1216 : i32 to vector<16xi32>
        %add3A_1218 = arith.addi %iota3A, %add3A_1217 : vector<16xi32>
        %gather3A_1219 = tpu.vector_load_idx %arg14[%gather3A, %add3A_1218] : memref<1000x64xf32, #tpu.memory_space<vmem>>[vector<16xi32>, vector<16xi32>], vector<16xf32>,
        %mul3A_1220 = arith.constant 5.000000e-01 : f32
        %mul3A_1221 = vector.broadcast %mul3A_1220 : f32 to vector<16xf32>
        %mul3A_1222 = arith.mulf %gather3A_1219, %mul3A_1221 : vector<16xf32>
        %broadcast_in_dim3A_1223 = arith.constant 0.000000e+00 : f32
        %broadcast_in_dim3A_1224 = vector.broadcast %broadcast_in_dim3A_1223 : f32 to vector<16xf32>
        %mul3A_1225 = arith.constant 8 : i32
        %mul3A_1226 = arith.muli %scan3A_191, %mul3A_1225 : i32
        %add3A_1227 = arith.constant 0 : i32
        %add3A_1228 = arith.addi %mul3A_1226, %add3A_1227 : i32
        %get3A_1229 = arith.index_cast %add3A_1228 : i32 to index
        %get3A_1230 = arith.constant 32 : index
        %get3A_1231 = tpu.vector_load %arg25[%get3A_1229, %get3A_1230] {strides = array<i32>} : memref<64x48xf32, #tpu.memory_space<vmem>>, vector<16xf32>,
        %mul3A_1232 = arith.constant 6.250000e-02 : f32
        %mul3A_1233 = vector.broadcast %mul3A_1232 : f32 to vector<16xf32>
        %mul3A_1234 = arith.mulf %get3A_1231, %mul3A_1233 : vector<16xf32>
        %gather3A_1235 = tpu.vector_load_idx %arg14[%gather3A_203, %add3A_1218] : memref<1000x64xf32, #tpu.memory_space<vmem>>[vector<16xi32>, vector<16xi32>], vector<16xf32>,
        %mul3A_1236 = arith.constant 4.687500e-02 : f32
        %mul3A_1237 = vector.broadcast %mul3A_1236 : f32 to vector<16xf32>
        %mul3A_1238 = arith.mulf %gather3A_1235, %mul3A_1237 : vector<16xf32>
        %add3A_1239 = arith.addf %mul3A_1234, %mul3A_1238 : vector<16xf32>
        %gather3A_1240 = tpu.vector_load_idx %arg14[%gather3A_275, %add3A_1218] : memref<1000x64xf32, #tpu.memory_space<vmem>>[vector<16xi32>, vector<16xi32>], vector<16xf32>,
        %mul3A_1241 = arith.constant 6.250000e-02 : f32
        %mul3A_1242 = vector.broadcast %mul3A_1241 : f32 to vector<16xf32>
        %mul3A_1243 = arith.mulf %gather3A_1240, %mul3A_1242 : vector<16xf32>
        %add3A_1244 = arith.addf %add3A_1239, %mul3A_1243 : vector<16xf32>
        %get3A_1245 = arith.index_cast %add3A_1228 : i32 to index
        %get3A_1246 = arith.constant 48 : index
        %get3A_1247 = tpu.vector_load %arg22[%get3A_1245, %get3A_1246] {strides = array<i32>} : memref<64x64xf32, #tpu.memory_space<vmem>>, vector<16xf32>,
        %mul3A_1248 = arith.constant 1.562500e-02 : f32
        %mul3A_1249 = vector.broadcast %mul3A_1248 : f32 to vector<16xf32>
        %mul3A_1250 = arith.mulf %get3A_1247, %mul3A_1249 : vector<16xf32>
        %get3A_1251 = arith.index_cast %add3A_1228 : i32 to index
        %get3A_1252 = arith.constant 48 : index
        %get3A_1253 = tpu.vector_load %arg23[%get3A_1251, %get3A_1252] {strides = array<i32>} : memref<64x64xf32, #tpu.memory_space<vmem>>, vector<16xf32>,
        %mul3A_1254 = arith.constant 6.250000e-02 : f32
        %mul3A_1255 = vector.broadcast %mul3A_1254 : f32 to vector<16xf32>
        %mul3A_1256 = arith.mulf %get3A_1253, %mul3A_1255 : vector<16xf32>
        %add3A_1257 = arith.addf %mul3A_1250, %mul3A_1256 : vector<16xf32>
        %add3A_1258 = arith.addf %add3A_1244, %add3A_1257 : vector<16xf32>
        %add3A_1259 = arith.addf %mul3A_1222, %add3A_1258 : vector<16xf32>
        %mul3A_1260 = arith.constant 8 : i32
        %mul3A_1261 = arith.muli %scan3A_191, %mul3A_1260 : i32
        %add3A_1262 = arith.constant 1 : i32
        %add3A_1263 = arith.addi %mul3A_1261, %add3A_1262 : i32
        %get3A_1264 = arith.index_cast %add3A_1263 : i32 to index
        %get3A_1265 = arith.constant 32 : index
        %get3A_1266 = tpu.vector_load %arg25[%get3A_1264, %get3A_1265] {strides = array<i32>} : memref<64x48xf32, #tpu.memory_space<vmem>>, vector<16xf32>,
        %mul3A_1267 = arith.constant 6.250000e-02 : f32
        %mul3A_1268 = vector.broadcast %mul3A_1267 : f32 to vector<16xf32>
        %mul3A_1269 = arith.mulf %get3A_1266, %mul3A_1268 : vector<16xf32>
        %gather3A_1270 = tpu.vector_load_idx %arg14[%gather3A_212, %add3A_1218] : memref<1000x64xf32, #tpu.memory_space<vmem>>[vector<16xi32>, vector<16xi32>], vector<16xf32>,
        %mul3A_1271 = arith.constant 4.687500e-02 : f32
        %mul3A_1272 = vector.broadcast %mul3A_1271 : f32 to vector<16xf32>
        %mul3A_1273 = arith.mulf %gather3A_1270, %mul3A_1272 : vector<16xf32>
        %add3A_1274 = arith.addf %mul3A_1269, %mul3A_1273 : vector<16xf32>
        %gather3A_1275 = tpu.vector_load_idx %arg14[%gather3A_284, %add3A_1218] : memref<1000x64xf32, #tpu.memory_space<vmem>>[vector<16xi32>, vector<16xi32>], vector<16xf32>,
        %mul3A_1276 = arith.constant 6.250000e-02 : f32
        %mul3A_1277 = vector.broadcast %mul3A_1276 : f32 to vector<16xf32>
        %mul3A_1278 = arith.mulf %gather3A_1275, %mul3A_1277 : vector<16xf32>
        %add3A_1279 = arith.addf %add3A_1274, %mul3A_1278 : vector<16xf32>
        %get3A_1280 = arith.index_cast %add3A_1263 : i32 to index
        %get3A_1281 = arith.constant 48 : index
        %get3A_1282 = tpu.vector_load %arg22[%get3A_1280, %get3A_1281] {strides = array<i32>} : memref<64x64xf32, #tpu.memory_space<vmem>>, vector<16xf32>,
        %mul3A_1283 = arith.constant 1.562500e-02 : f32
        %mul3A_1284 = vector.broadcast %mul3A_1283 : f32 to vector<16xf32>
        %mul3A_1285 = arith.mulf %get3A_1282, %mul3A_1284 : vector<16xf32>
        %get3A_1286 = arith.index_cast %add3A_1263 : i32 to index
        %get3A_1287 = arith.constant 48 : index
        %get3A_1288 = tpu.vector_load %arg23[%get3A_1286, %get3A_1287] {strides = array<i32>} : memref<64x64xf32, #tpu.memory_space<vmem>>, vector<16xf32>,
        %mul3A_1289 = arith.constant 6.250000e-02 : f32
        %mul3A_1290 = vector.broadcast %mul3A_1289 : f32 to vector<16xf32>
        %mul3A_1291 = arith.mulf %get3A_1288, %mul3A_1290 : vector<16xf32>
        %add3A_1292 = arith.addf %mul3A_1285, %mul3A_1291 : vector<16xf32>
        %add3A_1293 = arith.addf %add3A_1279, %add3A_1292 : vector<16xf32>
        %add3A_1294 = arith.addf %broadcast_in_dim3A_1224, %add3A_1293 : vector<16xf32>
        %mul3A_1295 = arith.constant 8 : i32
        %mul3A_1296 = arith.muli %scan3A_191, %mul3A_1295 : i32
        %add3A_1297 = arith.constant 2 : i32
        %add3A_1298 = arith.addi %mul3A_1296, %add3A_1297 : i32
        %get3A_1299 = arith.index_cast %add3A_1298 : i32 to index
        %get3A_1300 = arith.constant 32 : index
        %get3A_1301 = tpu.vector_load %arg25[%get3A_1299, %get3A_1300] {strides = array<i32>} : memref<64x48xf32, #tpu.memory_space<vmem>>, vector<16xf32>,
        %mul3A_1302 = arith.constant 6.250000e-02 : f32
        %mul3A_1303 = vector.broadcast %mul3A_1302 : f32 to vector<16xf32>
        %mul3A_1304 = arith.mulf %get3A_1301, %mul3A_1303 : vector<16xf32>
        %gather3A_1305 = tpu.vector_load_idx %arg14[%gather3A_221, %add3A_1218] : memref<1000x64xf32, #tpu.memory_space<vmem>>[vector<16xi32>, vector<16xi32>], vector<16xf32>,
        %mul3A_1306 = arith.constant 4.687500e-02 : f32
        %mul3A_1307 = vector.broadcast %mul3A_1306 : f32 to vector<16xf32>
        %mul3A_1308 = arith.mulf %gather3A_1305, %mul3A_1307 : vector<16xf32>
        %add3A_1309 = arith.addf %mul3A_1304, %mul3A_1308 : vector<16xf32>
        %gather3A_1310 = tpu.vector_load_idx %arg14[%gather3A_293, %add3A_1218] : memref<1000x64xf32, #tpu.memory_space<vmem>>[vector<16xi32>, vector<16xi32>], vector<16xf32>,
        %mul3A_1311 = arith.constant 6.250000e-02 : f32
        %mul3A_1312 = vector.broadcast %mul3A_1311 : f32 to vector<16xf32>
        %mul3A_1313 = arith.mulf %gather3A_1310, %mul3A_1312 : vector<16xf32>
        %add3A_1314 = arith.addf %add3A_1309, %mul3A_1313 : vector<16xf32>
        %get3A_1315 = arith.index_cast %add3A_1298 : i32 to index
        %get3A_1316 = arith.constant 48 : index
        %get3A_1317 = tpu.vector_load %arg22[%get3A_1315, %get3A_1316] {strides = array<i32>} : memref<64x64xf32, #tpu.memory_space<vmem>>, vector<16xf32>,
        %mul3A_1318 = arith.constant 1.562500e-02 : f32
        %mul3A_1319 = vector.broadcast %mul3A_1318 : f32 to vector<16xf32>
        %mul3A_1320 = arith.mulf %get3A_1317, %mul3A_1319 : vector<16xf32>
        %get3A_1321 = arith.index_cast %add3A_1298 : i32 to index
        %get3A_1322 = arith.constant 48 : index
        %get3A_1323 = tpu.vector_load %arg23[%get3A_1321, %get3A_1322] {strides = array<i32>} : memref<64x64xf32, #tpu.memory_space<vmem>>, vector<16xf32>,
        %mul3A_1324 = arith.constant 6.250000e-02 : f32
        %mul3A_1325 = vector.broadcast %mul3A_1324 : f32 to vector<16xf32>
        %mul3A_1326 = arith.mulf %get3A_1323, %mul3A_1325 : vector<16xf32>
        %add3A_1327 = arith.addf %mul3A_1320, %mul3A_1326 : vector<16xf32>
        %add3A_1328 = arith.addf %add3A_1314, %add3A_1327 : vector<16xf32>
        %add3A_1329 = arith.addf %add3A_1259, %add3A_1328 : vector<16xf32>
        %mul3A_1330 = arith.constant 8 : i32
        %mul3A_1331 = arith.muli %scan3A_191, %mul3A_1330 : i32
        %add3A_1332 = arith.constant 3 : i32
        %add3A_1333 = arith.addi %mul3A_1331, %add3A_1332 : i32
        %get3A_1334 = arith.index_cast %add3A_1333 : i32 to index
        %get3A_1335 = arith.constant 32 : index
        %get3A_1336 = tpu.vector_load %arg25[%get3A_1334, %get3A_1335] {strides = array<i32>} : memref<64x48xf32, #tpu.memory_space<vmem>>, vector<16xf32>,
        %mul3A_1337 = arith.constant 6.250000e-02 : f32
        %mul3A_1338 = vector.broadcast %mul3A_1337 : f32 to vector<16xf32>
        %mul3A_1339 = arith.mulf %get3A_1336, %mul3A_1338 : vector<16xf32>
        %gather3A_1340 = tpu.vector_load_idx %arg14[%gather3A_230, %add3A_1218] : memref<1000x64xf32, #tpu.memory_space<vmem>>[vector<16xi32>, vector<16xi32>], vector<16xf32>,
        %mul3A_1341 = arith.constant 4.687500e-02 : f32
        %mul3A_1342 = vector.broadcast %mul3A_1341 : f32 to vector<16xf32>
        %mul3A_1343 = arith.mulf %gather3A_1340, %mul3A_1342 : vector<16xf32>
        %add3A_1344 = arith.addf %mul3A_1339, %mul3A_1343 : vector<16xf32>
        %gather3A_1345 = tpu.vector_load_idx %arg14[%gather3A_302, %add3A_1218] : memref<1000x64xf32, #tpu.memory_space<vmem>>[vector<16xi32>, vector<16xi32>], vector<16xf32>,
        %mul3A_1346 = arith.constant 6.250000e-02 : f32
        %mul3A_1347 = vector.broadcast %mul3A_1346 : f32 to vector<16xf32>
        %mul3A_1348 = arith.mulf %gather3A_1345, %mul3A_1347 : vector<16xf32>
        %add3A_1349 = arith.addf %add3A_1344, %mul3A_1348 : vector<16xf32>
        %get3A_1350 = arith.index_cast %add3A_1333 : i32 to index
        %get3A_1351 = arith.constant 48 : index
        %get3A_1352 = tpu.vector_load %arg22[%get3A_1350, %get3A_1351] {strides = array<i32>} : memref<64x64xf32, #tpu.memory_space<vmem>>, vector<16xf32>,
        %mul3A_1353 = arith.constant 1.562500e-02 : f32
        %mul3A_1354 = vector.broadcast %mul3A_1353 : f32 to vector<16xf32>
        %mul3A_1355 = arith.mulf %get3A_1352, %mul3A_1354 : vector<16xf32>
        %get3A_1356 = arith.index_cast %add3A_1333 : i32 to index
        %get3A_1357 = arith.constant 48 : index
        %get3A_1358 = tpu.vector_load %arg23[%get3A_1356, %get3A_1357] {strides = array<i32>} : memref<64x64xf32, #tpu.memory_space<vmem>>, vector<16xf32>,
        %mul3A_1359 = arith.constant 6.250000e-02 : f32
        %mul3A_1360 = vector.broadcast %mul3A_1359 : f32 to vector<16xf32>
        %mul3A_1361 = arith.mulf %get3A_1358, %mul3A_1360 : vector<16xf32>
        %add3A_1362 = arith.addf %mul3A_1355, %mul3A_1361 : vector<16xf32>
        %add3A_1363 = arith.addf %add3A_1349, %add3A_1362 : vector<16xf32>
        %add3A_1364 = arith.addf %add3A_1294, %add3A_1363 : vector<16xf32>
        %mul3A_1365 = arith.constant 8 : i32
        %mul3A_1366 = arith.muli %scan3A_191, %mul3A_1365 : i32
        %add3A_1367 = arith.constant 4 : i32
        %add3A_1368 = arith.addi %mul3A_1366, %add3A_1367 : i32
        %get3A_1369 = arith.index_cast %add3A_1368 : i32 to index
        %get3A_1370 = arith.constant 32 : index
        %get3A_1371 = tpu.vector_load %arg25[%get3A_1369, %get3A_1370] {strides = array<i32>} : memref<64x48xf32, #tpu.memory_space<vmem>>, vector<16xf32>,
        %mul3A_1372 = arith.constant 6.250000e-02 : f32
        %mul3A_1373 = vector.broadcast %mul3A_1372 : f32 to vector<16xf32>
        %mul3A_1374 = arith.mulf %get3A_1371, %mul3A_1373 : vector<16xf32>
        %gather3A_1375 = tpu.vector_load_idx %arg14[%gather3A_239, %add3A_1218] : memref<1000x64xf32, #tpu.memory_space<vmem>>[vector<16xi32>, vector<16xi32>], vector<16xf32>,
        %mul3A_1376 = arith.constant 4.687500e-02 : f32
        %mul3A_1377 = vector.broadcast %mul3A_1376 : f32 to vector<16xf32>
        %mul3A_1378 = arith.mulf %gather3A_1375, %mul3A_1377 : vector<16xf32>
        %add3A_1379 = arith.addf %mul3A_1374, %mul3A_1378 : vector<16xf32>
        %gather3A_1380 = tpu.vector_load_idx %arg14[%gather3A_311, %add3A_1218] : memref<1000x64xf32, #tpu.memory_space<vmem>>[vector<16xi32>, vector<16xi32>], vector<16xf32>,
        %mul3A_1381 = arith.constant 6.250000e-02 : f32
        %mul3A_1382 = vector.broadcast %mul3A_1381 : f32 to vector<16xf32>
        %mul3A_1383 = arith.mulf %gather3A_1380, %mul3A_1382 : vector<16xf32>
        %add3A_1384 = arith.addf %add3A_1379, %mul3A_1383 : vector<16xf32>
        %get3A_1385 = arith.index_cast %add3A_1368 : i32 to index
        %get3A_1386 = arith.constant 48 : index
        %get3A_1387 = tpu.vector_load %arg22[%get3A_1385, %get3A_1386] {strides = array<i32>} : memref<64x64xf32, #tpu.memory_space<vmem>>, vector<16xf32>,
        %mul3A_1388 = arith.constant 1.562500e-02 : f32
        %mul3A_1389 = vector.broadcast %mul3A_1388 : f32 to vector<16xf32>
        %mul3A_1390 = arith.mulf %get3A_1387, %mul3A_1389 : vector<16xf32>
        %get3A_1391 = arith.index_cast %add3A_1368 : i32 to index
        %get3A_1392 = arith.constant 48 : index
        %get3A_1393 = tpu.vector_load %arg23[%get3A_1391, %get3A_1392] {strides = array<i32>} : memref<64x64xf32, #tpu.memory_space<vmem>>, vector<16xf32>,
        %mul3A_1394 = arith.constant 6.250000e-02 : f32
        %mul3A_1395 = vector.broadcast %mul3A_1394 : f32 to vector<16xf32>
        %mul3A_1396 = arith.mulf %get3A_1393, %mul3A_1395 : vector<16xf32>
        %add3A_1397 = arith.addf %mul3A_1390, %mul3A_1396 : vector<16xf32>
        %add3A_1398 = arith.addf %add3A_1384, %add3A_1397 : vector<16xf32>
        %add3A_1399 = arith.addf %add3A_1329, %add3A_1398 : vector<16xf32>
        %mul3A_1400 = arith.constant 8 : i32
        %mul3A_1401 = arith.muli %scan3A_191, %mul3A_1400 : i32
        %add3A_1402 = arith.constant 5 : i32
        %add3A_1403 = arith.addi %mul3A_1401, %add3A_1402 : i32
        %get3A_1404 = arith.index_cast %add3A_1403 : i32 to index
        %get3A_1405 = arith.constant 32 : index
        %get3A_1406 = tpu.vector_load %arg25[%get3A_1404, %get3A_1405] {strides = array<i32>} : memref<64x48xf32, #tpu.memory_space<vmem>>, vector<16xf32>,
        %mul3A_1407 = arith.constant 6.250000e-02 : f32
        %mul3A_1408 = vector.broadcast %mul3A_1407 : f32 to vector<16xf32>
        %mul3A_1409 = arith.mulf %get3A_1406, %mul3A_1408 : vector<16xf32>
        %gather3A_1410 = tpu.vector_load_idx %arg14[%gather3A_248, %add3A_1218] : memref<1000x64xf32, #tpu.memory_space<vmem>>[vector<16xi32>, vector<16xi32>], vector<16xf32>,
        %mul3A_1411 = arith.constant 4.687500e-02 : f32
        %mul3A_1412 = vector.broadcast %mul3A_1411 : f32 to vector<16xf32>
        %mul3A_1413 = arith.mulf %gather3A_1410, %mul3A_1412 : vector<16xf32>
        %add3A_1414 = arith.addf %mul3A_1409, %mul3A_1413 : vector<16xf32>
        %gather3A_1415 = tpu.vector_load_idx %arg14[%gather3A_320, %add3A_1218] : memref<1000x64xf32, #tpu.memory_space<vmem>>[vector<16xi32>, vector<16xi32>], vector<16xf32>,
        %mul3A_1416 = arith.constant 6.250000e-02 : f32
        %mul3A_1417 = vector.broadcast %mul3A_1416 : f32 to vector<16xf32>
        %mul3A_1418 = arith.mulf %gather3A_1415, %mul3A_1417 : vector<16xf32>
        %add3A_1419 = arith.addf %add3A_1414, %mul3A_1418 : vector<16xf32>
        %get3A_1420 = arith.index_cast %add3A_1403 : i32 to index
        %get3A_1421 = arith.constant 48 : index
        %get3A_1422 = tpu.vector_load %arg22[%get3A_1420, %get3A_1421] {strides = array<i32>} : memref<64x64xf32, #tpu.memory_space<vmem>>, vector<16xf32>,
        %mul3A_1423 = arith.constant 1.562500e-02 : f32
        %mul3A_1424 = vector.broadcast %mul3A_1423 : f32 to vector<16xf32>
        %mul3A_1425 = arith.mulf %get3A_1422, %mul3A_1424 : vector<16xf32>
        %get3A_1426 = arith.index_cast %add3A_1403 : i32 to index
        %get3A_1427 = arith.constant 48 : index
        %get3A_1428 = tpu.vector_load %arg23[%get3A_1426, %get3A_1427] {strides = array<i32>} : memref<64x64xf32, #tpu.memory_space<vmem>>, vector<16xf32>,
        %mul3A_1429 = arith.constant 6.250000e-02 : f32
        %mul3A_1430 = vector.broadcast %mul3A_1429 : f32 to vector<16xf32>
        %mul3A_1431 = arith.mulf %get3A_1428, %mul3A_1430 : vector<16xf32>
        %add3A_1432 = arith.addf %mul3A_1425, %mul3A_1431 : vector<16xf32>
        %add3A_1433 = arith.addf %add3A_1419, %add3A_1432 : vector<16xf32>
        %add3A_1434 = arith.addf %add3A_1364, %add3A_1433 : vector<16xf32>
        %mul3A_1435 = arith.constant 8 : i32
        %mul3A_1436 = arith.muli %scan3A_191, %mul3A_1435 : i32
        %add3A_1437 = arith.constant 6 : i32
        %add3A_1438 = arith.addi %mul3A_1436, %add3A_1437 : i32
        %get3A_1439 = arith.index_cast %add3A_1438 : i32 to index
        %get3A_1440 = arith.constant 32 : index
        %get3A_1441 = tpu.vector_load %arg25[%get3A_1439, %get3A_1440] {strides = array<i32>} : memref<64x48xf32, #tpu.memory_space<vmem>>, vector<16xf32>,
        %mul3A_1442 = arith.constant 6.250000e-02 : f32
        %mul3A_1443 = vector.broadcast %mul3A_1442 : f32 to vector<16xf32>
        %mul3A_1444 = arith.mulf %get3A_1441, %mul3A_1443 : vector<16xf32>
        %gather3A_1445 = tpu.vector_load_idx %arg14[%gather3A_257, %add3A_1218] : memref<1000x64xf32, #tpu.memory_space<vmem>>[vector<16xi32>, vector<16xi32>], vector<16xf32>,
        %mul3A_1446 = arith.constant 4.687500e-02 : f32
        %mul3A_1447 = vector.broadcast %mul3A_1446 : f32 to vector<16xf32>
        %mul3A_1448 = arith.mulf %gather3A_1445, %mul3A_1447 : vector<16xf32>
        %add3A_1449 = arith.addf %mul3A_1444, %mul3A_1448 : vector<16xf32>
        %gather3A_1450 = tpu.vector_load_idx %arg14[%gather3A_329, %add3A_1218] : memref<1000x64xf32, #tpu.memory_space<vmem>>[vector<16xi32>, vector<16xi32>], vector<16xf32>,
        %mul3A_1451 = arith.constant 6.250000e-02 : f32
        %mul3A_1452 = vector.broadcast %mul3A_1451 : f32 to vector<16xf32>
        %mul3A_1453 = arith.mulf %gather3A_1450, %mul3A_1452 : vector<16xf32>
        %add3A_1454 = arith.addf %add3A_1449, %mul3A_1453 : vector<16xf32>
        %get3A_1455 = arith.index_cast %add3A_1438 : i32 to index
        %get3A_1456 = arith.constant 48 : index
        %get3A_1457 = tpu.vector_load %arg22[%get3A_1455, %get3A_1456] {strides = array<i32>} : memref<64x64xf32, #tpu.memory_space<vmem>>, vector<16xf32>,
        %mul3A_1458 = arith.constant 1.562500e-02 : f32
        %mul3A_1459 = vector.broadcast %mul3A_1458 : f32 to vector<16xf32>
        %mul3A_1460 = arith.mulf %get3A_1457, %mul3A_1459 : vector<16xf32>
        %get3A_1461 = arith.index_cast %add3A_1438 : i32 to index
        %get3A_1462 = arith.constant 48 : index
        %get3A_1463 = tpu.vector_load %arg23[%get3A_1461, %get3A_1462] {strides = array<i32>} : memref<64x64xf32, #tpu.memory_space<vmem>>, vector<16xf32>,
        %mul3A_1464 = arith.constant 6.250000e-02 : f32
        %mul3A_1465 = vector.broadcast %mul3A_1464 : f32 to vector<16xf32>
        %mul3A_1466 = arith.mulf %get3A_1463, %mul3A_1465 : vector<16xf32>
        %add3A_1467 = arith.addf %mul3A_1460, %mul3A_1466 : vector<16xf32>
        %add3A_1468 = arith.addf %add3A_1454, %add3A_1467 : vector<16xf32>
        %add3A_1469 = arith.addf %add3A_1399, %add3A_1468 : vector<16xf32>
        %mul3A_1470 = arith.constant 8 : i32
        %mul3A_1471 = arith.muli %scan3A_191, %mul3A_1470 : i32
        %add3A_1472 = arith.constant 7 : i32
        %add3A_1473 = arith.addi %mul3A_1471, %add3A_1472 : i32
        %get3A_1474 = arith.index_cast %add3A_1473 : i32 to index
        %get3A_1475 = arith.constant 32 : index
        %get3A_1476 = tpu.vector_load %arg25[%get3A_1474, %get3A_1475] {strides = array<i32>} : memref<64x48xf32, #tpu.memory_space<vmem>>, vector<16xf32>,
        %mul3A_1477 = arith.constant 6.250000e-02 : f32
        %mul3A_1478 = vector.broadcast %mul3A_1477 : f32 to vector<16xf32>
        %mul3A_1479 = arith.mulf %get3A_1476, %mul3A_1478 : vector<16xf32>
        %gather3A_1480 = tpu.vector_load_idx %arg14[%gather3A_266, %add3A_1218] : memref<1000x64xf32, #tpu.memory_space<vmem>>[vector<16xi32>, vector<16xi32>], vector<16xf32>,
        %mul3A_1481 = arith.constant 4.687500e-02 : f32
        %mul3A_1482 = vector.broadcast %mul3A_1481 : f32 to vector<16xf32>
        %mul3A_1483 = arith.mulf %gather3A_1480, %mul3A_1482 : vector<16xf32>
        %add3A_1484 = arith.addf %mul3A_1479, %mul3A_1483 : vector<16xf32>
        %gather3A_1485 = tpu.vector_load_idx %arg14[%gather3A_338, %add3A_1218] : memref<1000x64xf32, #tpu.memory_space<vmem>>[vector<16xi32>, vector<16xi32>], vector<16xf32>,
        %mul3A_1486 = arith.constant 6.250000e-02 : f32
        %mul3A_1487 = vector.broadcast %mul3A_1486 : f32 to vector<16xf32>
        %mul3A_1488 = arith.mulf %gather3A_1485, %mul3A_1487 : vector<16xf32>
        %add3A_1489 = arith.addf %add3A_1484, %mul3A_1488 : vector<16xf32>
        %get3A_1490 = arith.index_cast %add3A_1473 : i32 to index
        %get3A_1491 = arith.constant 48 : index
        %get3A_1492 = tpu.vector_load %arg22[%get3A_1490, %get3A_1491] {strides = array<i32>} : memref<64x64xf32, #tpu.memory_space<vmem>>, vector<16xf32>,
        %mul3A_1493 = arith.constant 1.562500e-02 : f32
        %mul3A_1494 = vector.broadcast %mul3A_1493 : f32 to vector<16xf32>
        %mul3A_1495 = arith.mulf %get3A_1492, %mul3A_1494 : vector<16xf32>
        %get3A_1496 = arith.index_cast %add3A_1473 : i32 to index
        %get3A_1497 = arith.constant 48 : index
        %get3A_1498 = tpu.vector_load %arg23[%get3A_1496, %get3A_1497] {strides = array<i32>} : memref<64x64xf32, #tpu.memory_space<vmem>>, vector<16xf32>,
        %mul3A_1499 = arith.constant 6.250000e-02 : f32
        %mul3A_1500 = vector.broadcast %mul3A_1499 : f32 to vector<16xf32>
        %mul3A_1501 = arith.mulf %get3A_1498, %mul3A_1500 : vector<16xf32>
        %add3A_1502 = arith.addf %mul3A_1495, %mul3A_1501 : vector<16xf32>
        %add3A_1503 = arith.addf %add3A_1489, %add3A_1502 : vector<16xf32>
        %add3A_1504 = arith.addf %add3A_1434, %add3A_1503 : vector<16xf32>
        %add3A_1505 = arith.addf %add3A_1469, %add3A_1504 : vector<16xf32>
        %swap3A_1506 = arith.index_cast %scan3A_191 : i32 to index
        %swap3A_1507 = arith.constant 48 : index
        %swap3A_1508 = tpu.vector_load %arg30[%swap3A_1506, %swap3A_1507] {strides = array<i32>} : memref<8x64xf32, #tpu.memory_space<vmem>>, vector<16xf32>,
        tpu.vector_store %arg30[%swap3A_1506, %swap3A_1507], %add3A_1505 {strides = array<i32>} : memref<8x64xf32, #tpu.memory_space<vmem>>, vector<16xf32>,
      }
      %scan3A_120 = arith.constant 8 : i32
      %mul3A_121 = arith.constant 512 : i32
      %mul3A_122 = arith.muli %add3A, %mul3A_121 : i32
      %mul3A_123 = arith.constant 8 : i32
      %mul3A_124 = arith.muli %mul3A_88, %mul3A_123 : i32
      %add3A_125 = arith.addi %mul3A_122, %mul3A_124 : i32
      %dma_start3A_126 = arith.constant 0 : i32
      %dma_start3A_127 = tpu.memref_slice %arg13[%add3A_125, %dma_start3A_126] : memref<16384x64xf32, #tpu.memory_space<hbm>> -> memref<8x64xf32, #tpu.memory_space<hbm>>
      %dma_start3A_128 = arith.constant 0 : i32
      %dma_start3A_129 = tpu.memref_slice %arg13[%add3A_125, %dma_start3A_128] : memref<16384x64xf32, #tpu.memory_space<hbm>> -> memref<8x64xf32, #tpu.memory_space<hbm>>
      tpu.enqueue_dma source(%arg30 : memref<8x64xf32, #tpu.memory_space<vmem>>) target(%dma_start3A_129 : memref<8x64xf32, #tpu.memory_space<hbm>>) target_semaphore(%arg34 : memref<!tpu.dma_semaphore, #tpu.memory_space<semaphore_mem>>)
      %add3A_130 = arith.constant 2 : i32
      %add3A_131 = arith.addi %mul3A_88, %add3A_130 : i32
      %lt3A = arith.constant 64 : i32
      %lt3A_132 = arith.cmpi slt, %add3A_131, %lt3A : i32
      %convert_element_type3A_133 = arith.extui %lt3A_132 : i1 to i32
      %cond3A_134 = arith.constant 0 : i32
      %cond3A_135 = arith.cmpi ne, %convert_element_type3A_133, %cond3A_134 : i32
      scf.if %cond3A_135 {
        %add3A_191 = arith.constant 2 : i32
        %add3A_192 = arith.addi %mul3A_88, %add3A_191 : i32
        %mul3A_193 = arith.constant 64 : i32
        %mul3A_194 = arith.muli %add3A_192, %mul3A_193 : i32
        %mul3A_195 = arith.constant 64 : i32
        %mul3A_196 = arith.muli %add3A_192, %mul3A_195 : i32
        %mul3A_197 = arith.constant 64 : i32
        %mul3A_198 = arith.muli %add3A_192, %mul3A_197 : i32
        %mul3A_199 = arith.constant 64 : i32
        %mul3A_200 = arith.muli %add3A_192, %mul3A_199 : i32
        %dma_start3A_201 = tpu.memref_slice %arg17[%mul3A_194] : memref<4096xi32, #tpu.memory_space<vmem>> -> memref<64xi32, #tpu.memory_space<vmem>>
        %dma_start3A_202 = arith.constant 0 : i32
        %dma_start3A_203 = arith.constant 0 : i32
        %dma_start3A_204 = tpu.memref_slice %arg10[%dma_start3A_202, %dma_start3A_203] : memref<100000x64xf32, #tpu.memory_space<hbm>> -> memref<100000x64xf32, #tpu.memory_space<hbm>>
        tpu.enqueue_indirect_dma source(%dma_start3A_204 : memref<100000x64xf32, #tpu.memory_space<hbm>>) target(%arg22 : memref<64x64xf32, #tpu.memory_space<vmem>>) offsets(%dma_start3A_201 : memref<64xi32, #tpu.memory_space<vmem>>) semaphore(%arg32 : memref<!tpu.dma_semaphore, #tpu.memory_space<semaphore_mem>>)
        %dma_start3A_205 = tpu.memref_slice %arg19[%mul3A_196] : memref<4096xi32, #tpu.memory_space<vmem>> -> memref<64xi32, #tpu.memory_space<vmem>>
        %dma_start3A_206 = arith.constant 0 : i32
        %dma_start3A_207 = arith.constant 0 : i32
        %dma_start3A_208 = tpu.memref_slice %arg10[%dma_start3A_206, %dma_start3A_207] : memref<100000x64xf32, #tpu.memory_space<hbm>> -> memref<100000x64xf32, #tpu.memory_space<hbm>>
        tpu.enqueue_indirect_dma source(%dma_start3A_208 : memref<100000x64xf32, #tpu.memory_space<hbm>>) target(%arg23 : memref<64x64xf32, #tpu.memory_space<vmem>>) offsets(%dma_start3A_205 : memref<64xi32, #tpu.memory_space<vmem>>) semaphore(%arg32 : memref<!tpu.dma_semaphore, #tpu.memory_space<semaphore_mem>>)
        %dma_start3A_209 = tpu.memref_slice %arg20[%mul3A_198] : memref<4096xi32, #tpu.memory_space<vmem>> -> memref<64xi32, #tpu.memory_space<vmem>>
        %dma_start3A_210 = arith.constant 0 : i32
        %dma_start3A_211 = arith.constant 0 : i32
        %dma_start3A_212 = tpu.memref_slice %arg11[%dma_start3A_210, %dma_start3A_211] : memref<100000x16xf32, #tpu.memory_space<hbm>> -> memref<100000x16xf32, #tpu.memory_space<hbm>>
        tpu.enqueue_indirect_dma source(%dma_start3A_212 : memref<100000x16xf32, #tpu.memory_space<hbm>>) target(%arg24 : memref<64x16xf32, #tpu.memory_space<vmem>>) offsets(%dma_start3A_209 : memref<64xi32, #tpu.memory_space<vmem>>) semaphore(%arg32 : memref<!tpu.dma_semaphore, #tpu.memory_space<semaphore_mem>>)
        %dma_start3A_213 = tpu.memref_slice %arg21[%mul3A_200] : memref<4096xi32, #tpu.memory_space<vmem>> -> memref<64xi32, #tpu.memory_space<vmem>>
        %dma_start3A_214 = arith.constant 0 : i32
        %dma_start3A_215 = arith.constant 0 : i32
        %dma_start3A_216 = tpu.memref_slice %arg12[%dma_start3A_214, %dma_start3A_215] : memref<100000x48xf32, #tpu.memory_space<hbm>> -> memref<100000x48xf32, #tpu.memory_space<hbm>>
        tpu.enqueue_indirect_dma source(%dma_start3A_216 : memref<100000x48xf32, #tpu.memory_space<hbm>>) target(%arg25 : memref<64x48xf32, #tpu.memory_space<vmem>>) offsets(%dma_start3A_213 : memref<64xi32, #tpu.memory_space<vmem>>) semaphore(%arg32 : memref<!tpu.dma_semaphore, #tpu.memory_space<semaphore_mem>>)
      } else {
      }
      %mul3A_136 = arith.constant 2 : i32
      %mul3A_137 = arith.muli %mul3A_136, %scan3A_86 : i32
      %add3A_138 = arith.constant 1 : i32
      %add3A_139 = arith.addi %mul3A_137, %add3A_138 : i32
      %mul3A_140 = arith.constant 64 : i32
      %mul3A_141 = arith.muli %add3A_139, %mul3A_140 : i32
      %mul3A_142 = arith.constant 64 : i32
      %mul3A_143 = arith.muli %add3A_139, %mul3A_142 : i32
      %mul3A_144 = arith.constant 64 : i32
      %mul3A_145 = arith.muli %add3A_139, %mul3A_144 : i32
      %mul3A_146 = arith.constant 64 : i32
      %mul3A_147 = arith.muli %add3A_139, %mul3A_146 : i32
      %dma_wait3A_148 = tpu.memref_slice %arg17[%mul3A_141] : memref<4096xi32, #tpu.memory_space<vmem>> -> memref<64xi32, #tpu.memory_space<vmem>>
      %dma_wait3A_149 = arith.constant 0 : i32
      %dma_wait3A_150 = arith.constant 0 : i32
      %dma_wait3A_151 = tpu.memref_slice %arg10[%dma_wait3A_149, %dma_wait3A_150] : memref<100000x64xf32, #tpu.memory_space<hbm>> -> memref<100000x64xf32, #tpu.memory_space<hbm>>
      tpu.wait_indirect_dma semaphore(%arg33 : memref<!tpu.dma_semaphore, #tpu.memory_space<semaphore_mem>>) src(%dma_wait3A_151 : memref<100000x64xf32, #tpu.memory_space<hbm>>) dst(%arg26 : memref<64x64xf32, #tpu.memory_space<vmem>>)
      %dma_wait3A_152 = tpu.memref_slice %arg19[%mul3A_143] : memref<4096xi32, #tpu.memory_space<vmem>> -> memref<64xi32, #tpu.memory_space<vmem>>
      %dma_wait3A_153 = arith.constant 0 : i32
      %dma_wait3A_154 = arith.constant 0 : i32
      %dma_wait3A_155 = tpu.memref_slice %arg10[%dma_wait3A_153, %dma_wait3A_154] : memref<100000x64xf32, #tpu.memory_space<hbm>> -> memref<100000x64xf32, #tpu.memory_space<hbm>>
      tpu.wait_indirect_dma semaphore(%arg33 : memref<!tpu.dma_semaphore, #tpu.memory_space<semaphore_mem>>) src(%dma_wait3A_155 : memref<100000x64xf32, #tpu.memory_space<hbm>>) dst(%arg27 : memref<64x64xf32, #tpu.memory_space<vmem>>)
      %dma_wait3A_156 = tpu.memref_slice %arg20[%mul3A_145] : memref<4096xi32, #tpu.memory_space<vmem>> -> memref<64xi32, #tpu.memory_space<vmem>>
      %dma_wait3A_157 = arith.constant 0 : i32
      %dma_wait3A_158 = arith.constant 0 : i32
      %dma_wait3A_159 = tpu.memref_slice %arg11[%dma_wait3A_157, %dma_wait3A_158] : memref<100000x16xf32, #tpu.memory_space<hbm>> -> memref<100000x16xf32, #tpu.memory_space<hbm>>
      tpu.wait_indirect_dma semaphore(%arg33 : memref<!tpu.dma_semaphore, #tpu.memory_space<semaphore_mem>>) src(%dma_wait3A_159 : memref<100000x16xf32, #tpu.memory_space<hbm>>) dst(%arg28 : memref<64x16xf32, #tpu.memory_space<vmem>>)
      %dma_wait3A_160 = tpu.memref_slice %arg21[%mul3A_147] : memref<4096xi32, #tpu.memory_space<vmem>> -> memref<64xi32, #tpu.memory_space<vmem>>
      %dma_wait3A_161 = arith.constant 0 : i32
      %dma_wait3A_162 = arith.constant 0 : i32
      %dma_wait3A_163 = tpu.memref_slice %arg12[%dma_wait3A_161, %dma_wait3A_162] : memref<100000x48xf32, #tpu.memory_space<hbm>> -> memref<100000x48xf32, #tpu.memory_space<hbm>>
      tpu.wait_indirect_dma semaphore(%arg33 : memref<!tpu.dma_semaphore, #tpu.memory_space<semaphore_mem>>) src(%dma_wait3A_163 : memref<100000x48xf32, #tpu.memory_space<hbm>>) dst(%arg29 : memref<64x48xf32, #tpu.memory_space<vmem>>)
      %ge3A_164 = arith.constant 2 : i32
      %ge3A_165 = arith.cmpi sge, %add3A_139, %ge3A_164 : i32
      %convert_element_type3A_166 = arith.extui %ge3A_165 : i1 to i32
      %cond3A_167 = arith.constant 0 : i32
      %cond3A_168 = arith.cmpi ne, %convert_element_type3A_166, %cond3A_167 : i32
      scf.if %cond3A_168 {
        %sub3A = arith.constant 2 : i32
        %sub3A_191 = arith.subi %add3A_139, %sub3A : i32
        %mul3A_192 = arith.constant 512 : i32
        %mul3A_193 = arith.muli %add3A, %mul3A_192 : i32
        %mul3A_194 = arith.constant 8 : i32
        %mul3A_195 = arith.muli %sub3A_191, %mul3A_194 : i32
        %add3A_196 = arith.addi %mul3A_193, %mul3A_195 : i32
        %dma_wait3A_197 = arith.constant 0 : i32
        %dma_wait3A_198 = tpu.memref_slice %arg13[%add3A_196, %dma_wait3A_197] : memref<16384x64xf32, #tpu.memory_space<hbm>> -> memref<8x64xf32, #tpu.memory_space<hbm>>
        %dma_wait3A_199 = arith.constant 0 : i32
        %dma_wait3A_200 = tpu.memref_slice %arg13[%add3A_196, %dma_wait3A_199] : memref<16384x64xf32, #tpu.memory_space<hbm>> -> memref<8x64xf32, #tpu.memory_space<hbm>>
        tpu.wait_dma2 semaphore(%arg35 : memref<!tpu.dma_semaphore, #tpu.memory_space<semaphore_mem>>) src(%arg31 : memref<8x64xf32, #tpu.memory_space<vmem>>) dst(%dma_wait3A_200 : memref<8x64xf32, #tpu.memory_space<hbm>>)
      } else {
      }
      %scan3A_169 = arith.constant 0 : i32
      %scan3A_170 = arith.constant 0 : i32
      %scan3A_171 = arith.constant 8 : i32
      %scan3A_172 = arith.addi %scan3A_170, %scan3A_171 : i32
      %scan3A_173 = arith.constant 1 : i32
      scf.for %scan3A_191 = %scan3A_170 to %scan3A_172 step %scan3A_173  : i32 {
        %mul3A_192 = arith.constant 8 : i32
        %mul3A_193 = arith.muli %add3A_139, %mul3A_192 : i32
        %add3A_194 = arith.addi %mul3A_193, %scan3A_191 : i32
        %broadcast_in_dim3A = vector.broadcast %add3A_194 : i32 to vector<16xi32>
        %gather3A = tpu.vector_load_idx %arg15[%broadcast_in_dim3A] : memref<512xi32, #tpu.memory_space<vmem>>[vector<16xi32>], vector<16xi32>,
        %mul3A_195 = arith.constant 8 : i32
        %mul3A_196 = arith.muli %add3A_139, %mul3A_195 : i32
        %add3A_197 = arith.addi %mul3A_196, %scan3A_191 : i32
        %mul3A_198 = arith.constant 8 : i32
        %mul3A_199 = arith.muli %add3A_197, %mul3A_198 : i32
        %add3A_200 = arith.constant 0 : i32
        %add3A_201 = arith.addi %mul3A_199, %add3A_200 : i32
        %broadcast_in_dim3A_202 = vector.broadcast %add3A_201 : i32 to vector<16xi32>
        %gather3A_203 = tpu.vector_load_idx %arg16[%broadcast_in_dim3A_202] : memref<4096xi32, #tpu.memory_space<vmem>>[vector<16xi32>], vector<16xi32>,
        %mul3A_204 = arith.constant 8 : i32
        %mul3A_205 = arith.muli %add3A_139, %mul3A_204 : i32
        %add3A_206 = arith.addi %mul3A_205, %scan3A_191 : i32
        %mul3A_207 = arith.constant 8 : i32
        %mul3A_208 = arith.muli %add3A_206, %mul3A_207 : i32
        %add3A_209 = arith.constant 1 : i32
        %add3A_210 = arith.addi %mul3A_208, %add3A_209 : i32
        %broadcast_in_dim3A_211 = vector.broadcast %add3A_210 : i32 to vector<16xi32>
        %gather3A_212 = tpu.vector_load_idx %arg16[%broadcast_in_dim3A_211] : memref<4096xi32, #tpu.memory_space<vmem>>[vector<16xi32>], vector<16xi32>,
        %mul3A_213 = arith.constant 8 : i32
        %mul3A_214 = arith.muli %add3A_139, %mul3A_213 : i32
        %add3A_215 = arith.addi %mul3A_214, %scan3A_191 : i32
        %mul3A_216 = arith.constant 8 : i32
        %mul3A_217 = arith.muli %add3A_215, %mul3A_216 : i32
        %add3A_218 = arith.constant 2 : i32
        %add3A_219 = arith.addi %mul3A_217, %add3A_218 : i32
        %broadcast_in_dim3A_220 = vector.broadcast %add3A_219 : i32 to vector<16xi32>
        %gather3A_221 = tpu.vector_load_idx %arg16[%broadcast_in_dim3A_220] : memref<4096xi32, #tpu.memory_space<vmem>>[vector<16xi32>], vector<16xi32>,
        %mul3A_222 = arith.constant 8 : i32
        %mul3A_223 = arith.muli %add3A_139, %mul3A_222 : i32
        %add3A_224 = arith.addi %mul3A_223, %scan3A_191 : i32
        %mul3A_225 = arith.constant 8 : i32
        %mul3A_226 = arith.muli %add3A_224, %mul3A_225 : i32
        %add3A_227 = arith.constant 3 : i32
        %add3A_228 = arith.addi %mul3A_226, %add3A_227 : i32
        %broadcast_in_dim3A_229 = vector.broadcast %add3A_228 : i32 to vector<16xi32>
        %gather3A_230 = tpu.vector_load_idx %arg16[%broadcast_in_dim3A_229] : memref<4096xi32, #tpu.memory_space<vmem>>[vector<16xi32>], vector<16xi32>,
        %mul3A_231 = arith.constant 8 : i32
        %mul3A_232 = arith.muli %add3A_139, %mul3A_231 : i32
        %add3A_233 = arith.addi %mul3A_232, %scan3A_191 : i32
        %mul3A_234 = arith.constant 8 : i32
        %mul3A_235 = arith.muli %add3A_233, %mul3A_234 : i32
        %add3A_236 = arith.constant 4 : i32
        %add3A_237 = arith.addi %mul3A_235, %add3A_236 : i32
        %broadcast_in_dim3A_238 = vector.broadcast %add3A_237 : i32 to vector<16xi32>
        %gather3A_239 = tpu.vector_load_idx %arg16[%broadcast_in_dim3A_238] : memref<4096xi32, #tpu.memory_space<vmem>>[vector<16xi32>], vector<16xi32>,
        %mul3A_240 = arith.constant 8 : i32
        %mul3A_241 = arith.muli %add3A_139, %mul3A_240 : i32
        %add3A_242 = arith.addi %mul3A_241, %scan3A_191 : i32
        %mul3A_243 = arith.constant 8 : i32
        %mul3A_244 = arith.muli %add3A_242, %mul3A_243 : i32
        %add3A_245 = arith.constant 5 : i32
        %add3A_246 = arith.addi %mul3A_244, %add3A_245 : i32
        %broadcast_in_dim3A_247 = vector.broadcast %add3A_246 : i32 to vector<16xi32>
        %gather3A_248 = tpu.vector_load_idx %arg16[%broadcast_in_dim3A_247] : memref<4096xi32, #tpu.memory_space<vmem>>[vector<16xi32>], vector<16xi32>,
        %mul3A_249 = arith.constant 8 : i32
        %mul3A_250 = arith.muli %add3A_139, %mul3A_249 : i32
        %add3A_251 = arith.addi %mul3A_250, %scan3A_191 : i32
        %mul3A_252 = arith.constant 8 : i32
        %mul3A_253 = arith.muli %add3A_251, %mul3A_252 : i32
        %add3A_254 = arith.constant 6 : i32
        %add3A_255 = arith.addi %mul3A_253, %add3A_254 : i32
        %broadcast_in_dim3A_256 = vector.broadcast %add3A_255 : i32 to vector<16xi32>
        %gather3A_257 = tpu.vector_load_idx %arg16[%broadcast_in_dim3A_256] : memref<4096xi32, #tpu.memory_space<vmem>>[vector<16xi32>], vector<16xi32>,
        %mul3A_258 = arith.constant 8 : i32
        %mul3A_259 = arith.muli %add3A_139, %mul3A_258 : i32
        %add3A_260 = arith.addi %mul3A_259, %scan3A_191 : i32
        %mul3A_261 = arith.constant 8 : i32
        %mul3A_262 = arith.muli %add3A_260, %mul3A_261 : i32
        %add3A_263 = arith.constant 7 : i32
        %add3A_264 = arith.addi %mul3A_262, %add3A_263 : i32
        %broadcast_in_dim3A_265 = vector.broadcast %add3A_264 : i32 to vector<16xi32>
        %gather3A_266 = tpu.vector_load_idx %arg16[%broadcast_in_dim3A_265] : memref<4096xi32, #tpu.memory_space<vmem>>[vector<16xi32>], vector<16xi32>,
        %mul3A_267 = arith.constant 8 : i32
        %mul3A_268 = arith.muli %add3A_139, %mul3A_267 : i32
        %add3A_269 = arith.addi %mul3A_268, %scan3A_191 : i32
        %mul3A_270 = arith.constant 8 : i32
        %mul3A_271 = arith.muli %add3A_269, %mul3A_270 : i32
        %add3A_272 = arith.constant 0 : i32
        %add3A_273 = arith.addi %mul3A_271, %add3A_272 : i32
        %broadcast_in_dim3A_274 = vector.broadcast %add3A_273 : i32 to vector<16xi32>
        %gather3A_275 = tpu.vector_load_idx %arg18[%broadcast_in_dim3A_274] : memref<4096xi32, #tpu.memory_space<vmem>>[vector<16xi32>], vector<16xi32>,
        %mul3A_276 = arith.constant 8 : i32
        %mul3A_277 = arith.muli %add3A_139, %mul3A_276 : i32
        %add3A_278 = arith.addi %mul3A_277, %scan3A_191 : i32
        %mul3A_279 = arith.constant 8 : i32
        %mul3A_280 = arith.muli %add3A_278, %mul3A_279 : i32
        %add3A_281 = arith.constant 1 : i32
        %add3A_282 = arith.addi %mul3A_280, %add3A_281 : i32
        %broadcast_in_dim3A_283 = vector.broadcast %add3A_282 : i32 to vector<16xi32>
        %gather3A_284 = tpu.vector_load_idx %arg18[%broadcast_in_dim3A_283] : memref<4096xi32, #tpu.memory_space<vmem>>[vector<16xi32>], vector<16xi32>,
        %mul3A_285 = arith.constant 8 : i32
        %mul3A_286 = arith.muli %add3A_139, %mul3A_285 : i32
        %add3A_287 = arith.addi %mul3A_286, %scan3A_191 : i32
        %mul3A_288 = arith.constant 8 : i32
        %mul3A_289 = arith.muli %add3A_287, %mul3A_288 : i32
        %add3A_290 = arith.constant 2 : i32
        %add3A_291 = arith.addi %mul3A_289, %add3A_290 : i32
        %broadcast_in_dim3A_292 = vector.broadcast %add3A_291 : i32 to vector<16xi32>
        %gather3A_293 = tpu.vector_load_idx %arg18[%broadcast_in_dim3A_292] : memref<4096xi32, #tpu.memory_space<vmem>>[vector<16xi32>], vector<16xi32>,
        %mul3A_294 = arith.constant 8 : i32
        %mul3A_295 = arith.muli %add3A_139, %mul3A_294 : i32
        %add3A_296 = arith.addi %mul3A_295, %scan3A_191 : i32
        %mul3A_297 = arith.constant 8 : i32
        %mul3A_298 = arith.muli %add3A_296, %mul3A_297 : i32
        %add3A_299 = arith.constant 3 : i32
        %add3A_300 = arith.addi %mul3A_298, %add3A_299 : i32
        %broadcast_in_dim3A_301 = vector.broadcast %add3A_300 : i32 to vector<16xi32>
        %gather3A_302 = tpu.vector_load_idx %arg18[%broadcast_in_dim3A_301] : memref<4096xi32, #tpu.memory_space<vmem>>[vector<16xi32>], vector<16xi32>,
        %mul3A_303 = arith.constant 8 : i32
        %mul3A_304 = arith.muli %add3A_139, %mul3A_303 : i32
        %add3A_305 = arith.addi %mul3A_304, %scan3A_191 : i32
        %mul3A_306 = arith.constant 8 : i32
        %mul3A_307 = arith.muli %add3A_305, %mul3A_306 : i32
        %add3A_308 = arith.constant 4 : i32
        %add3A_309 = arith.addi %mul3A_307, %add3A_308 : i32
        %broadcast_in_dim3A_310 = vector.broadcast %add3A_309 : i32 to vector<16xi32>
        %gather3A_311 = tpu.vector_load_idx %arg18[%broadcast_in_dim3A_310] : memref<4096xi32, #tpu.memory_space<vmem>>[vector<16xi32>], vector<16xi32>,
        %mul3A_312 = arith.constant 8 : i32
        %mul3A_313 = arith.muli %add3A_139, %mul3A_312 : i32
        %add3A_314 = arith.addi %mul3A_313, %scan3A_191 : i32
        %mul3A_315 = arith.constant 8 : i32
        %mul3A_316 = arith.muli %add3A_314, %mul3A_315 : i32
        %add3A_317 = arith.constant 5 : i32
        %add3A_318 = arith.addi %mul3A_316, %add3A_317 : i32
        %broadcast_in_dim3A_319 = vector.broadcast %add3A_318 : i32 to vector<16xi32>
        %gather3A_320 = tpu.vector_load_idx %arg18[%broadcast_in_dim3A_319] : memref<4096xi32, #tpu.memory_space<vmem>>[vector<16xi32>], vector<16xi32>,
        %mul3A_321 = arith.constant 8 : i32
        %mul3A_322 = arith.muli %add3A_139, %mul3A_321 : i32
        %add3A_323 = arith.addi %mul3A_322, %scan3A_191 : i32
        %mul3A_324 = arith.constant 8 : i32
        %mul3A_325 = arith.muli %add3A_323, %mul3A_324 : i32
        %add3A_326 = arith.constant 6 : i32
        %add3A_327 = arith.addi %mul3A_325, %add3A_326 : i32
        %broadcast_in_dim3A_328 = vector.broadcast %add3A_327 : i32 to vector<16xi32>
        %gather3A_329 = tpu.vector_load_idx %arg18[%broadcast_in_dim3A_328] : memref<4096xi32, #tpu.memory_space<vmem>>[vector<16xi32>], vector<16xi32>,
        %mul3A_330 = arith.constant 8 : i32
        %mul3A_331 = arith.muli %add3A_139, %mul3A_330 : i32
        %add3A_332 = arith.addi %mul3A_331, %scan3A_191 : i32
        %mul3A_333 = arith.constant 8 : i32
        %mul3A_334 = arith.muli %add3A_332, %mul3A_333 : i32
        %add3A_335 = arith.constant 7 : i32
        %add3A_336 = arith.addi %mul3A_334, %add3A_335 : i32
        %broadcast_in_dim3A_337 = vector.broadcast %add3A_336 : i32 to vector<16xi32>
        %gather3A_338 = tpu.vector_load_idx %arg18[%broadcast_in_dim3A_337] : memref<4096xi32, #tpu.memory_space<vmem>>[vector<16xi32>], vector<16xi32>,
        %add3A_339 = arith.constant 0 : i32
        %add3A_340 = vector.broadcast %add3A_339 : i32 to vector<16xi32>
        %add3A_341 = arith.addi %iota3A, %add3A_340 : vector<16xi32>
        %gather3A_342 = tpu.vector_load_idx %arg14[%gather3A, %add3A_341] : memref<1000x64xf32, #tpu.memory_space<vmem>>[vector<16xi32>, vector<16xi32>], vector<16xf32>,
        %mul3A_343 = arith.constant 5.000000e-01 : f32
        %mul3A_344 = vector.broadcast %mul3A_343 : f32 to vector<16xf32>
        %mul3A_345 = arith.mulf %gather3A_342, %mul3A_344 : vector<16xf32>
        %broadcast_in_dim3A_346 = arith.constant 0.000000e+00 : f32
        %broadcast_in_dim3A_347 = vector.broadcast %broadcast_in_dim3A_346 : f32 to vector<16xf32>
        %mul3A_348 = arith.constant 8 : i32
        %mul3A_349 = arith.muli %scan3A_191, %mul3A_348 : i32
        %add3A_350 = arith.constant 0 : i32
        %add3A_351 = arith.addi %mul3A_349, %add3A_350 : i32
        %get3A = arith.index_cast %add3A_351 : i32 to index
        %get3A_352 = arith.constant 0 : index
        %get3A_353 = tpu.vector_load %arg28[%get3A, %get3A_352] {strides = array<i32>} : memref<64x16xf32, #tpu.memory_space<vmem>>, vector<16xf32>,
        %mul3A_354 = arith.constant 6.250000e-02 : f32
        %mul3A_355 = vector.broadcast %mul3A_354 : f32 to vector<16xf32>
        %mul3A_356 = arith.mulf %get3A_353, %mul3A_355 : vector<16xf32>
        %gather3A_357 = tpu.vector_load_idx %arg14[%gather3A_203, %add3A_341] : memref<1000x64xf32, #tpu.memory_space<vmem>>[vector<16xi32>, vector<16xi32>], vector<16xf32>,
        %mul3A_358 = arith.constant 4.687500e-02 : f32
        %mul3A_359 = vector.broadcast %mul3A_358 : f32 to vector<16xf32>
        %mul3A_360 = arith.mulf %gather3A_357, %mul3A_359 : vector<16xf32>
        %add3A_361 = arith.addf %mul3A_356, %mul3A_360 : vector<16xf32>
        %gather3A_362 = tpu.vector_load_idx %arg14[%gather3A_275, %add3A_341] : memref<1000x64xf32, #tpu.memory_space<vmem>>[vector<16xi32>, vector<16xi32>], vector<16xf32>,
        %mul3A_363 = arith.constant 6.250000e-02 : f32
        %mul3A_364 = vector.broadcast %mul3A_363 : f32 to vector<16xf32>
        %mul3A_365 = arith.mulf %gather3A_362, %mul3A_364 : vector<16xf32>
        %add3A_366 = arith.addf %add3A_361, %mul3A_365 : vector<16xf32>
        %get3A_367 = arith.index_cast %add3A_351 : i32 to index
        %get3A_368 = arith.constant 0 : index
        %get3A_369 = tpu.vector_load %arg26[%get3A_367, %get3A_368] {strides = array<i32>} : memref<64x64xf32, #tpu.memory_space<vmem>>, vector<16xf32>,
        %mul3A_370 = arith.constant 1.562500e-02 : f32
        %mul3A_371 = vector.broadcast %mul3A_370 : f32 to vector<16xf32>
        %mul3A_372 = arith.mulf %get3A_369, %mul3A_371 : vector<16xf32>
        %get3A_373 = arith.index_cast %add3A_351 : i32 to index
        %get3A_374 = arith.constant 0 : index
        %get3A_375 = tpu.vector_load %arg27[%get3A_373, %get3A_374] {strides = array<i32>} : memref<64x64xf32, #tpu.memory_space<vmem>>, vector<16xf32>,
        %mul3A_376 = arith.constant 6.250000e-02 : f32
        %mul3A_377 = vector.broadcast %mul3A_376 : f32 to vector<16xf32>
        %mul3A_378 = arith.mulf %get3A_375, %mul3A_377 : vector<16xf32>
        %add3A_379 = arith.addf %mul3A_372, %mul3A_378 : vector<16xf32>
        %add3A_380 = arith.addf %add3A_366, %add3A_379 : vector<16xf32>
        %add3A_381 = arith.addf %mul3A_345, %add3A_380 : vector<16xf32>
        %mul3A_382 = arith.constant 8 : i32
        %mul3A_383 = arith.muli %scan3A_191, %mul3A_382 : i32
        %add3A_384 = arith.constant 1 : i32
        %add3A_385 = arith.addi %mul3A_383, %add3A_384 : i32
        %get3A_386 = arith.index_cast %add3A_385 : i32 to index
        %get3A_387 = arith.constant 0 : index
        %get3A_388 = tpu.vector_load %arg28[%get3A_386, %get3A_387] {strides = array<i32>} : memref<64x16xf32, #tpu.memory_space<vmem>>, vector<16xf32>,
        %mul3A_389 = arith.constant 6.250000e-02 : f32
        %mul3A_390 = vector.broadcast %mul3A_389 : f32 to vector<16xf32>
        %mul3A_391 = arith.mulf %get3A_388, %mul3A_390 : vector<16xf32>
        %gather3A_392 = tpu.vector_load_idx %arg14[%gather3A_212, %add3A_341] : memref<1000x64xf32, #tpu.memory_space<vmem>>[vector<16xi32>, vector<16xi32>], vector<16xf32>,
        %mul3A_393 = arith.constant 4.687500e-02 : f32
        %mul3A_394 = vector.broadcast %mul3A_393 : f32 to vector<16xf32>
        %mul3A_395 = arith.mulf %gather3A_392, %mul3A_394 : vector<16xf32>
        %add3A_396 = arith.addf %mul3A_391, %mul3A_395 : vector<16xf32>
        %gather3A_397 = tpu.vector_load_idx %arg14[%gather3A_284, %add3A_341] : memref<1000x64xf32, #tpu.memory_space<vmem>>[vector<16xi32>, vector<16xi32>], vector<16xf32>,
        %mul3A_398 = arith.constant 6.250000e-02 : f32
        %mul3A_399 = vector.broadcast %mul3A_398 : f32 to vector<16xf32>
        %mul3A_400 = arith.mulf %gather3A_397, %mul3A_399 : vector<16xf32>
        %add3A_401 = arith.addf %add3A_396, %mul3A_400 : vector<16xf32>
        %get3A_402 = arith.index_cast %add3A_385 : i32 to index
        %get3A_403 = arith.constant 0 : index
        %get3A_404 = tpu.vector_load %arg26[%get3A_402, %get3A_403] {strides = array<i32>} : memref<64x64xf32, #tpu.memory_space<vmem>>, vector<16xf32>,
        %mul3A_405 = arith.constant 1.562500e-02 : f32
        %mul3A_406 = vector.broadcast %mul3A_405 : f32 to vector<16xf32>
        %mul3A_407 = arith.mulf %get3A_404, %mul3A_406 : vector<16xf32>
        %get3A_408 = arith.index_cast %add3A_385 : i32 to index
        %get3A_409 = arith.constant 0 : index
        %get3A_410 = tpu.vector_load %arg27[%get3A_408, %get3A_409] {strides = array<i32>} : memref<64x64xf32, #tpu.memory_space<vmem>>, vector<16xf32>,
        %mul3A_411 = arith.constant 6.250000e-02 : f32
        %mul3A_412 = vector.broadcast %mul3A_411 : f32 to vector<16xf32>
        %mul3A_413 = arith.mulf %get3A_410, %mul3A_412 : vector<16xf32>
        %add3A_414 = arith.addf %mul3A_407, %mul3A_413 : vector<16xf32>
        %add3A_415 = arith.addf %add3A_401, %add3A_414 : vector<16xf32>
        %add3A_416 = arith.addf %broadcast_in_dim3A_347, %add3A_415 : vector<16xf32>
        %mul3A_417 = arith.constant 8 : i32
        %mul3A_418 = arith.muli %scan3A_191, %mul3A_417 : i32
        %add3A_419 = arith.constant 2 : i32
        %add3A_420 = arith.addi %mul3A_418, %add3A_419 : i32
        %get3A_421 = arith.index_cast %add3A_420 : i32 to index
        %get3A_422 = arith.constant 0 : index
        %get3A_423 = tpu.vector_load %arg28[%get3A_421, %get3A_422] {strides = array<i32>} : memref<64x16xf32, #tpu.memory_space<vmem>>, vector<16xf32>,
        %mul3A_424 = arith.constant 6.250000e-02 : f32
        %mul3A_425 = vector.broadcast %mul3A_424 : f32 to vector<16xf32>
        %mul3A_426 = arith.mulf %get3A_423, %mul3A_425 : vector<16xf32>
        %gather3A_427 = tpu.vector_load_idx %arg14[%gather3A_221, %add3A_341] : memref<1000x64xf32, #tpu.memory_space<vmem>>[vector<16xi32>, vector<16xi32>], vector<16xf32>,
        %mul3A_428 = arith.constant 4.687500e-02 : f32
        %mul3A_429 = vector.broadcast %mul3A_428 : f32 to vector<16xf32>
        %mul3A_430 = arith.mulf %gather3A_427, %mul3A_429 : vector<16xf32>
        %add3A_431 = arith.addf %mul3A_426, %mul3A_430 : vector<16xf32>
        %gather3A_432 = tpu.vector_load_idx %arg14[%gather3A_293, %add3A_341] : memref<1000x64xf32, #tpu.memory_space<vmem>>[vector<16xi32>, vector<16xi32>], vector<16xf32>,
        %mul3A_433 = arith.constant 6.250000e-02 : f32
        %mul3A_434 = vector.broadcast %mul3A_433 : f32 to vector<16xf32>
        %mul3A_435 = arith.mulf %gather3A_432, %mul3A_434 : vector<16xf32>
        %add3A_436 = arith.addf %add3A_431, %mul3A_435 : vector<16xf32>
        %get3A_437 = arith.index_cast %add3A_420 : i32 to index
        %get3A_438 = arith.constant 0 : index
        %get3A_439 = tpu.vector_load %arg26[%get3A_437, %get3A_438] {strides = array<i32>} : memref<64x64xf32, #tpu.memory_space<vmem>>, vector<16xf32>,
        %mul3A_440 = arith.constant 1.562500e-02 : f32
        %mul3A_441 = vector.broadcast %mul3A_440 : f32 to vector<16xf32>
        %mul3A_442 = arith.mulf %get3A_439, %mul3A_441 : vector<16xf32>
        %get3A_443 = arith.index_cast %add3A_420 : i32 to index
        %get3A_444 = arith.constant 0 : index
        %get3A_445 = tpu.vector_load %arg27[%get3A_443, %get3A_444] {strides = array<i32>} : memref<64x64xf32, #tpu.memory_space<vmem>>, vector<16xf32>,
        %mul3A_446 = arith.constant 6.250000e-02 : f32
        %mul3A_447 = vector.broadcast %mul3A_446 : f32 to vector<16xf32>
        %mul3A_448 = arith.mulf %get3A_445, %mul3A_447 : vector<16xf32>
        %add3A_449 = arith.addf %mul3A_442, %mul3A_448 : vector<16xf32>
        %add3A_450 = arith.addf %add3A_436, %add3A_449 : vector<16xf32>
        %add3A_451 = arith.addf %add3A_381, %add3A_450 : vector<16xf32>
        %mul3A_452 = arith.constant 8 : i32
        %mul3A_453 = arith.muli %scan3A_191, %mul3A_452 : i32
        %add3A_454 = arith.constant 3 : i32
        %add3A_455 = arith.addi %mul3A_453, %add3A_454 : i32
        %get3A_456 = arith.index_cast %add3A_455 : i32 to index
        %get3A_457 = arith.constant 0 : index
        %get3A_458 = tpu.vector_load %arg28[%get3A_456, %get3A_457] {strides = array<i32>} : memref<64x16xf32, #tpu.memory_space<vmem>>, vector<16xf32>,
        %mul3A_459 = arith.constant 6.250000e-02 : f32
        %mul3A_460 = vector.broadcast %mul3A_459 : f32 to vector<16xf32>
        %mul3A_461 = arith.mulf %get3A_458, %mul3A_460 : vector<16xf32>
        %gather3A_462 = tpu.vector_load_idx %arg14[%gather3A_230, %add3A_341] : memref<1000x64xf32, #tpu.memory_space<vmem>>[vector<16xi32>, vector<16xi32>], vector<16xf32>,
        %mul3A_463 = arith.constant 4.687500e-02 : f32
        %mul3A_464 = vector.broadcast %mul3A_463 : f32 to vector<16xf32>
        %mul3A_465 = arith.mulf %gather3A_462, %mul3A_464 : vector<16xf32>
        %add3A_466 = arith.addf %mul3A_461, %mul3A_465 : vector<16xf32>
        %gather3A_467 = tpu.vector_load_idx %arg14[%gather3A_302, %add3A_341] : memref<1000x64xf32, #tpu.memory_space<vmem>>[vector<16xi32>, vector<16xi32>], vector<16xf32>,
        %mul3A_468 = arith.constant 6.250000e-02 : f32
        %mul3A_469 = vector.broadcast %mul3A_468 : f32 to vector<16xf32>
        %mul3A_470 = arith.mulf %gather3A_467, %mul3A_469 : vector<16xf32>
        %add3A_471 = arith.addf %add3A_466, %mul3A_470 : vector<16xf32>
        %get3A_472 = arith.index_cast %add3A_455 : i32 to index
        %get3A_473 = arith.constant 0 : index
        %get3A_474 = tpu.vector_load %arg26[%get3A_472, %get3A_473] {strides = array<i32>} : memref<64x64xf32, #tpu.memory_space<vmem>>, vector<16xf32>,
        %mul3A_475 = arith.constant 1.562500e-02 : f32
        %mul3A_476 = vector.broadcast %mul3A_475 : f32 to vector<16xf32>
        %mul3A_477 = arith.mulf %get3A_474, %mul3A_476 : vector<16xf32>
        %get3A_478 = arith.index_cast %add3A_455 : i32 to index
        %get3A_479 = arith.constant 0 : index
        %get3A_480 = tpu.vector_load %arg27[%get3A_478, %get3A_479] {strides = array<i32>} : memref<64x64xf32, #tpu.memory_space<vmem>>, vector<16xf32>,
        %mul3A_481 = arith.constant 6.250000e-02 : f32
        %mul3A_482 = vector.broadcast %mul3A_481 : f32 to vector<16xf32>
        %mul3A_483 = arith.mulf %get3A_480, %mul3A_482 : vector<16xf32>
        %add3A_484 = arith.addf %mul3A_477, %mul3A_483 : vector<16xf32>
        %add3A_485 = arith.addf %add3A_471, %add3A_484 : vector<16xf32>
        %add3A_486 = arith.addf %add3A_416, %add3A_485 : vector<16xf32>
        %mul3A_487 = arith.constant 8 : i32
        %mul3A_488 = arith.muli %scan3A_191, %mul3A_487 : i32
        %add3A_489 = arith.constant 4 : i32
        %add3A_490 = arith.addi %mul3A_488, %add3A_489 : i32
        %get3A_491 = arith.index_cast %add3A_490 : i32 to index
        %get3A_492 = arith.constant 0 : index
        %get3A_493 = tpu.vector_load %arg28[%get3A_491, %get3A_492] {strides = array<i32>} : memref<64x16xf32, #tpu.memory_space<vmem>>, vector<16xf32>,
        %mul3A_494 = arith.constant 6.250000e-02 : f32
        %mul3A_495 = vector.broadcast %mul3A_494 : f32 to vector<16xf32>
        %mul3A_496 = arith.mulf %get3A_493, %mul3A_495 : vector<16xf32>
        %gather3A_497 = tpu.vector_load_idx %arg14[%gather3A_239, %add3A_341] : memref<1000x64xf32, #tpu.memory_space<vmem>>[vector<16xi32>, vector<16xi32>], vector<16xf32>,
        %mul3A_498 = arith.constant 4.687500e-02 : f32
        %mul3A_499 = vector.broadcast %mul3A_498 : f32 to vector<16xf32>
        %mul3A_500 = arith.mulf %gather3A_497, %mul3A_499 : vector<16xf32>
        %add3A_501 = arith.addf %mul3A_496, %mul3A_500 : vector<16xf32>
        %gather3A_502 = tpu.vector_load_idx %arg14[%gather3A_311, %add3A_341] : memref<1000x64xf32, #tpu.memory_space<vmem>>[vector<16xi32>, vector<16xi32>], vector<16xf32>,
        %mul3A_503 = arith.constant 6.250000e-02 : f32
        %mul3A_504 = vector.broadcast %mul3A_503 : f32 to vector<16xf32>
        %mul3A_505 = arith.mulf %gather3A_502, %mul3A_504 : vector<16xf32>
        %add3A_506 = arith.addf %add3A_501, %mul3A_505 : vector<16xf32>
        %get3A_507 = arith.index_cast %add3A_490 : i32 to index
        %get3A_508 = arith.constant 0 : index
        %get3A_509 = tpu.vector_load %arg26[%get3A_507, %get3A_508] {strides = array<i32>} : memref<64x64xf32, #tpu.memory_space<vmem>>, vector<16xf32>,
        %mul3A_510 = arith.constant 1.562500e-02 : f32
        %mul3A_511 = vector.broadcast %mul3A_510 : f32 to vector<16xf32>
        %mul3A_512 = arith.mulf %get3A_509, %mul3A_511 : vector<16xf32>
        %get3A_513 = arith.index_cast %add3A_490 : i32 to index
        %get3A_514 = arith.constant 0 : index
        %get3A_515 = tpu.vector_load %arg27[%get3A_513, %get3A_514] {strides = array<i32>} : memref<64x64xf32, #tpu.memory_space<vmem>>, vector<16xf32>,
        %mul3A_516 = arith.constant 6.250000e-02 : f32
        %mul3A_517 = vector.broadcast %mul3A_516 : f32 to vector<16xf32>
        %mul3A_518 = arith.mulf %get3A_515, %mul3A_517 : vector<16xf32>
        %add3A_519 = arith.addf %mul3A_512, %mul3A_518 : vector<16xf32>
        %add3A_520 = arith.addf %add3A_506, %add3A_519 : vector<16xf32>
        %add3A_521 = arith.addf %add3A_451, %add3A_520 : vector<16xf32>
        %mul3A_522 = arith.constant 8 : i32
        %mul3A_523 = arith.muli %scan3A_191, %mul3A_522 : i32
        %add3A_524 = arith.constant 5 : i32
        %add3A_525 = arith.addi %mul3A_523, %add3A_524 : i32
        %get3A_526 = arith.index_cast %add3A_525 : i32 to index
        %get3A_527 = arith.constant 0 : index
        %get3A_528 = tpu.vector_load %arg28[%get3A_526, %get3A_527] {strides = array<i32>} : memref<64x16xf32, #tpu.memory_space<vmem>>, vector<16xf32>,
        %mul3A_529 = arith.constant 6.250000e-02 : f32
        %mul3A_530 = vector.broadcast %mul3A_529 : f32 to vector<16xf32>
        %mul3A_531 = arith.mulf %get3A_528, %mul3A_530 : vector<16xf32>
        %gather3A_532 = tpu.vector_load_idx %arg14[%gather3A_248, %add3A_341] : memref<1000x64xf32, #tpu.memory_space<vmem>>[vector<16xi32>, vector<16xi32>], vector<16xf32>,
        %mul3A_533 = arith.constant 4.687500e-02 : f32
        %mul3A_534 = vector.broadcast %mul3A_533 : f32 to vector<16xf32>
        %mul3A_535 = arith.mulf %gather3A_532, %mul3A_534 : vector<16xf32>
        %add3A_536 = arith.addf %mul3A_531, %mul3A_535 : vector<16xf32>
        %gather3A_537 = tpu.vector_load_idx %arg14[%gather3A_320, %add3A_341] : memref<1000x64xf32, #tpu.memory_space<vmem>>[vector<16xi32>, vector<16xi32>], vector<16xf32>,
        %mul3A_538 = arith.constant 6.250000e-02 : f32
        %mul3A_539 = vector.broadcast %mul3A_538 : f32 to vector<16xf32>
        %mul3A_540 = arith.mulf %gather3A_537, %mul3A_539 : vector<16xf32>
        %add3A_541 = arith.addf %add3A_536, %mul3A_540 : vector<16xf32>
        %get3A_542 = arith.index_cast %add3A_525 : i32 to index
        %get3A_543 = arith.constant 0 : index
        %get3A_544 = tpu.vector_load %arg26[%get3A_542, %get3A_543] {strides = array<i32>} : memref<64x64xf32, #tpu.memory_space<vmem>>, vector<16xf32>,
        %mul3A_545 = arith.constant 1.562500e-02 : f32
        %mul3A_546 = vector.broadcast %mul3A_545 : f32 to vector<16xf32>
        %mul3A_547 = arith.mulf %get3A_544, %mul3A_546 : vector<16xf32>
        %get3A_548 = arith.index_cast %add3A_525 : i32 to index
        %get3A_549 = arith.constant 0 : index
        %get3A_550 = tpu.vector_load %arg27[%get3A_548, %get3A_549] {strides = array<i32>} : memref<64x64xf32, #tpu.memory_space<vmem>>, vector<16xf32>,
        %mul3A_551 = arith.constant 6.250000e-02 : f32
        %mul3A_552 = vector.broadcast %mul3A_551 : f32 to vector<16xf32>
        %mul3A_553 = arith.mulf %get3A_550, %mul3A_552 : vector<16xf32>
        %add3A_554 = arith.addf %mul3A_547, %mul3A_553 : vector<16xf32>
        %add3A_555 = arith.addf %add3A_541, %add3A_554 : vector<16xf32>
        %add3A_556 = arith.addf %add3A_486, %add3A_555 : vector<16xf32>
        %mul3A_557 = arith.constant 8 : i32
        %mul3A_558 = arith.muli %scan3A_191, %mul3A_557 : i32
        %add3A_559 = arith.constant 6 : i32
        %add3A_560 = arith.addi %mul3A_558, %add3A_559 : i32
        %get3A_561 = arith.index_cast %add3A_560 : i32 to index
        %get3A_562 = arith.constant 0 : index
        %get3A_563 = tpu.vector_load %arg28[%get3A_561, %get3A_562] {strides = array<i32>} : memref<64x16xf32, #tpu.memory_space<vmem>>, vector<16xf32>,
        %mul3A_564 = arith.constant 6.250000e-02 : f32
        %mul3A_565 = vector.broadcast %mul3A_564 : f32 to vector<16xf32>
        %mul3A_566 = arith.mulf %get3A_563, %mul3A_565 : vector<16xf32>
        %gather3A_567 = tpu.vector_load_idx %arg14[%gather3A_257, %add3A_341] : memref<1000x64xf32, #tpu.memory_space<vmem>>[vector<16xi32>, vector<16xi32>], vector<16xf32>,
        %mul3A_568 = arith.constant 4.687500e-02 : f32
        %mul3A_569 = vector.broadcast %mul3A_568 : f32 to vector<16xf32>
        %mul3A_570 = arith.mulf %gather3A_567, %mul3A_569 : vector<16xf32>
        %add3A_571 = arith.addf %mul3A_566, %mul3A_570 : vector<16xf32>
        %gather3A_572 = tpu.vector_load_idx %arg14[%gather3A_329, %add3A_341] : memref<1000x64xf32, #tpu.memory_space<vmem>>[vector<16xi32>, vector<16xi32>], vector<16xf32>,
        %mul3A_573 = arith.constant 6.250000e-02 : f32
        %mul3A_574 = vector.broadcast %mul3A_573 : f32 to vector<16xf32>
        %mul3A_575 = arith.mulf %gather3A_572, %mul3A_574 : vector<16xf32>
        %add3A_576 = arith.addf %add3A_571, %mul3A_575 : vector<16xf32>
        %get3A_577 = arith.index_cast %add3A_560 : i32 to index
        %get3A_578 = arith.constant 0 : index
        %get3A_579 = tpu.vector_load %arg26[%get3A_577, %get3A_578] {strides = array<i32>} : memref<64x64xf32, #tpu.memory_space<vmem>>, vector<16xf32>,
        %mul3A_580 = arith.constant 1.562500e-02 : f32
        %mul3A_581 = vector.broadcast %mul3A_580 : f32 to vector<16xf32>
        %mul3A_582 = arith.mulf %get3A_579, %mul3A_581 : vector<16xf32>
        %get3A_583 = arith.index_cast %add3A_560 : i32 to index
        %get3A_584 = arith.constant 0 : index
        %get3A_585 = tpu.vector_load %arg27[%get3A_583, %get3A_584] {strides = array<i32>} : memref<64x64xf32, #tpu.memory_space<vmem>>, vector<16xf32>,
        %mul3A_586 = arith.constant 6.250000e-02 : f32
        %mul3A_587 = vector.broadcast %mul3A_586 : f32 to vector<16xf32>
        %mul3A_588 = arith.mulf %get3A_585, %mul3A_587 : vector<16xf32>
        %add3A_589 = arith.addf %mul3A_582, %mul3A_588 : vector<16xf32>
        %add3A_590 = arith.addf %add3A_576, %add3A_589 : vector<16xf32>
        %add3A_591 = arith.addf %add3A_521, %add3A_590 : vector<16xf32>
        %mul3A_592 = arith.constant 8 : i32
        %mul3A_593 = arith.muli %scan3A_191, %mul3A_592 : i32
        %add3A_594 = arith.constant 7 : i32
        %add3A_595 = arith.addi %mul3A_593, %add3A_594 : i32
        %get3A_596 = arith.index_cast %add3A_595 : i32 to index
        %get3A_597 = arith.constant 0 : index
        %get3A_598 = tpu.vector_load %arg28[%get3A_596, %get3A_597] {strides = array<i32>} : memref<64x16xf32, #tpu.memory_space<vmem>>, vector<16xf32>,
        %mul3A_599 = arith.constant 6.250000e-02 : f32
        %mul3A_600 = vector.broadcast %mul3A_599 : f32 to vector<16xf32>
        %mul3A_601 = arith.mulf %get3A_598, %mul3A_600 : vector<16xf32>
        %gather3A_602 = tpu.vector_load_idx %arg14[%gather3A_266, %add3A_341] : memref<1000x64xf32, #tpu.memory_space<vmem>>[vector<16xi32>, vector<16xi32>], vector<16xf32>,
        %mul3A_603 = arith.constant 4.687500e-02 : f32
        %mul3A_604 = vector.broadcast %mul3A_603 : f32 to vector<16xf32>
        %mul3A_605 = arith.mulf %gather3A_602, %mul3A_604 : vector<16xf32>
        %add3A_606 = arith.addf %mul3A_601, %mul3A_605 : vector<16xf32>
        %gather3A_607 = tpu.vector_load_idx %arg14[%gather3A_338, %add3A_341] : memref<1000x64xf32, #tpu.memory_space<vmem>>[vector<16xi32>, vector<16xi32>], vector<16xf32>,
        %mul3A_608 = arith.constant 6.250000e-02 : f32
        %mul3A_609 = vector.broadcast %mul3A_608 : f32 to vector<16xf32>
        %mul3A_610 = arith.mulf %gather3A_607, %mul3A_609 : vector<16xf32>
        %add3A_611 = arith.addf %add3A_606, %mul3A_610 : vector<16xf32>
        %get3A_612 = arith.index_cast %add3A_595 : i32 to index
        %get3A_613 = arith.constant 0 : index
        %get3A_614 = tpu.vector_load %arg26[%get3A_612, %get3A_613] {strides = array<i32>} : memref<64x64xf32, #tpu.memory_space<vmem>>, vector<16xf32>,
        %mul3A_615 = arith.constant 1.562500e-02 : f32
        %mul3A_616 = vector.broadcast %mul3A_615 : f32 to vector<16xf32>
        %mul3A_617 = arith.mulf %get3A_614, %mul3A_616 : vector<16xf32>
        %get3A_618 = arith.index_cast %add3A_595 : i32 to index
        %get3A_619 = arith.constant 0 : index
        %get3A_620 = tpu.vector_load %arg27[%get3A_618, %get3A_619] {strides = array<i32>} : memref<64x64xf32, #tpu.memory_space<vmem>>, vector<16xf32>,
        %mul3A_621 = arith.constant 6.250000e-02 : f32
        %mul3A_622 = vector.broadcast %mul3A_621 : f32 to vector<16xf32>
        %mul3A_623 = arith.mulf %get3A_620, %mul3A_622 : vector<16xf32>
        %add3A_624 = arith.addf %mul3A_617, %mul3A_623 : vector<16xf32>
        %add3A_625 = arith.addf %add3A_611, %add3A_624 : vector<16xf32>
        %add3A_626 = arith.addf %add3A_556, %add3A_625 : vector<16xf32>
        %add3A_627 = arith.addf %add3A_591, %add3A_626 : vector<16xf32>
        %swap3A = arith.index_cast %scan3A_191 : i32 to index
        %swap3A_628 = arith.constant 0 : index
        %swap3A_629 = tpu.vector_load %arg31[%swap3A, %swap3A_628] {strides = array<i32>} : memref<8x64xf32, #tpu.memory_space<vmem>>, vector<16xf32>,
        tpu.vector_store %arg31[%swap3A, %swap3A_628], %add3A_627 {strides = array<i32>} : memref<8x64xf32, #tpu.memory_space<vmem>>, vector<16xf32>,
        %add3A_630 = arith.constant 16 : i32
        %add3A_631 = vector.broadcast %add3A_630 : i32 to vector<16xi32>
        %add3A_632 = arith.addi %iota3A, %add3A_631 : vector<16xi32>
        %gather3A_633 = tpu.vector_load_idx %arg14[%gather3A, %add3A_632] : memref<1000x64xf32, #tpu.memory_space<vmem>>[vector<16xi32>, vector<16xi32>], vector<16xf32>,
        %mul3A_634 = arith.constant 5.000000e-01 : f32
        %mul3A_635 = vector.broadcast %mul3A_634 : f32 to vector<16xf32>
        %mul3A_636 = arith.mulf %gather3A_633, %mul3A_635 : vector<16xf32>
        %broadcast_in_dim3A_637 = arith.constant 0.000000e+00 : f32
        %broadcast_in_dim3A_638 = vector.broadcast %broadcast_in_dim3A_637 : f32 to vector<16xf32>
        %mul3A_639 = arith.constant 8 : i32
        %mul3A_640 = arith.muli %scan3A_191, %mul3A_639 : i32
        %add3A_641 = arith.constant 0 : i32
        %add3A_642 = arith.addi %mul3A_640, %add3A_641 : i32
        %get3A_643 = arith.index_cast %add3A_642 : i32 to index
        %get3A_644 = arith.constant 0 : index
        %get3A_645 = tpu.vector_load %arg29[%get3A_643, %get3A_644] {strides = array<i32>} : memref<64x48xf32, #tpu.memory_space<vmem>>, vector<16xf32>,
        %mul3A_646 = arith.constant 6.250000e-02 : f32
        %mul3A_647 = vector.broadcast %mul3A_646 : f32 to vector<16xf32>
        %mul3A_648 = arith.mulf %get3A_645, %mul3A_647 : vector<16xf32>
        %gather3A_649 = tpu.vector_load_idx %arg14[%gather3A_203, %add3A_632] : memref<1000x64xf32, #tpu.memory_space<vmem>>[vector<16xi32>, vector<16xi32>], vector<16xf32>,
        %mul3A_650 = arith.constant 4.687500e-02 : f32
        %mul3A_651 = vector.broadcast %mul3A_650 : f32 to vector<16xf32>
        %mul3A_652 = arith.mulf %gather3A_649, %mul3A_651 : vector<16xf32>
        %add3A_653 = arith.addf %mul3A_648, %mul3A_652 : vector<16xf32>
        %gather3A_654 = tpu.vector_load_idx %arg14[%gather3A_275, %add3A_632] : memref<1000x64xf32, #tpu.memory_space<vmem>>[vector<16xi32>, vector<16xi32>], vector<16xf32>,
        %mul3A_655 = arith.constant 6.250000e-02 : f32
        %mul3A_656 = vector.broadcast %mul3A_655 : f32 to vector<16xf32>
        %mul3A_657 = arith.mulf %gather3A_654, %mul3A_656 : vector<16xf32>
        %add3A_658 = arith.addf %add3A_653, %mul3A_657 : vector<16xf32>
        %get3A_659 = arith.index_cast %add3A_642 : i32 to index
        %get3A_660 = arith.constant 16 : index
        %get3A_661 = tpu.vector_load %arg26[%get3A_659, %get3A_660] {strides = array<i32>} : memref<64x64xf32, #tpu.memory_space<vmem>>, vector<16xf32>,
        %mul3A_662 = arith.constant 1.562500e-02 : f32
        %mul3A_663 = vector.broadcast %mul3A_662 : f32 to vector<16xf32>
        %mul3A_664 = arith.mulf %get3A_661, %mul3A_663 : vector<16xf32>
        %get3A_665 = arith.index_cast %add3A_642 : i32 to index
        %get3A_666 = arith.constant 16 : index
        %get3A_667 = tpu.vector_load %arg27[%get3A_665, %get3A_666] {strides = array<i32>} : memref<64x64xf32, #tpu.memory_space<vmem>>, vector<16xf32>,
        %mul3A_668 = arith.constant 6.250000e-02 : f32
        %mul3A_669 = vector.broadcast %mul3A_668 : f32 to vector<16xf32>
        %mul3A_670 = arith.mulf %get3A_667, %mul3A_669 : vector<16xf32>
        %add3A_671 = arith.addf %mul3A_664, %mul3A_670 : vector<16xf32>
        %add3A_672 = arith.addf %add3A_658, %add3A_671 : vector<16xf32>
        %add3A_673 = arith.addf %mul3A_636, %add3A_672 : vector<16xf32>
        %mul3A_674 = arith.constant 8 : i32
        %mul3A_675 = arith.muli %scan3A_191, %mul3A_674 : i32
        %add3A_676 = arith.constant 1 : i32
        %add3A_677 = arith.addi %mul3A_675, %add3A_676 : i32
        %get3A_678 = arith.index_cast %add3A_677 : i32 to index
        %get3A_679 = arith.constant 0 : index
        %get3A_680 = tpu.vector_load %arg29[%get3A_678, %get3A_679] {strides = array<i32>} : memref<64x48xf32, #tpu.memory_space<vmem>>, vector<16xf32>,
        %mul3A_681 = arith.constant 6.250000e-02 : f32
        %mul3A_682 = vector.broadcast %mul3A_681 : f32 to vector<16xf32>
        %mul3A_683 = arith.mulf %get3A_680, %mul3A_682 : vector<16xf32>
        %gather3A_684 = tpu.vector_load_idx %arg14[%gather3A_212, %add3A_632] : memref<1000x64xf32, #tpu.memory_space<vmem>>[vector<16xi32>, vector<16xi32>], vector<16xf32>,
        %mul3A_685 = arith.constant 4.687500e-02 : f32
        %mul3A_686 = vector.broadcast %mul3A_685 : f32 to vector<16xf32>
        %mul3A_687 = arith.mulf %gather3A_684, %mul3A_686 : vector<16xf32>
        %add3A_688 = arith.addf %mul3A_683, %mul3A_687 : vector<16xf32>
        %gather3A_689 = tpu.vector_load_idx %arg14[%gather3A_284, %add3A_632] : memref<1000x64xf32, #tpu.memory_space<vmem>>[vector<16xi32>, vector<16xi32>], vector<16xf32>,
        %mul3A_690 = arith.constant 6.250000e-02 : f32
        %mul3A_691 = vector.broadcast %mul3A_690 : f32 to vector<16xf32>
        %mul3A_692 = arith.mulf %gather3A_689, %mul3A_691 : vector<16xf32>
        %add3A_693 = arith.addf %add3A_688, %mul3A_692 : vector<16xf32>
        %get3A_694 = arith.index_cast %add3A_677 : i32 to index
        %get3A_695 = arith.constant 16 : index
        %get3A_696 = tpu.vector_load %arg26[%get3A_694, %get3A_695] {strides = array<i32>} : memref<64x64xf32, #tpu.memory_space<vmem>>, vector<16xf32>,
        %mul3A_697 = arith.constant 1.562500e-02 : f32
        %mul3A_698 = vector.broadcast %mul3A_697 : f32 to vector<16xf32>
        %mul3A_699 = arith.mulf %get3A_696, %mul3A_698 : vector<16xf32>
        %get3A_700 = arith.index_cast %add3A_677 : i32 to index
        %get3A_701 = arith.constant 16 : index
        %get3A_702 = tpu.vector_load %arg27[%get3A_700, %get3A_701] {strides = array<i32>} : memref<64x64xf32, #tpu.memory_space<vmem>>, vector<16xf32>,
        %mul3A_703 = arith.constant 6.250000e-02 : f32
        %mul3A_704 = vector.broadcast %mul3A_703 : f32 to vector<16xf32>
        %mul3A_705 = arith.mulf %get3A_702, %mul3A_704 : vector<16xf32>
        %add3A_706 = arith.addf %mul3A_699, %mul3A_705 : vector<16xf32>
        %add3A_707 = arith.addf %add3A_693, %add3A_706 : vector<16xf32>
        %add3A_708 = arith.addf %broadcast_in_dim3A_638, %add3A_707 : vector<16xf32>
        %mul3A_709 = arith.constant 8 : i32
        %mul3A_710 = arith.muli %scan3A_191, %mul3A_709 : i32
        %add3A_711 = arith.constant 2 : i32
        %add3A_712 = arith.addi %mul3A_710, %add3A_711 : i32
        %get3A_713 = arith.index_cast %add3A_712 : i32 to index
        %get3A_714 = arith.constant 0 : index
        %get3A_715 = tpu.vector_load %arg29[%get3A_713, %get3A_714] {strides = array<i32>} : memref<64x48xf32, #tpu.memory_space<vmem>>, vector<16xf32>,
        %mul3A_716 = arith.constant 6.250000e-02 : f32
        %mul3A_717 = vector.broadcast %mul3A_716 : f32 to vector<16xf32>
        %mul3A_718 = arith.mulf %get3A_715, %mul3A_717 : vector<16xf32>
        %gather3A_719 = tpu.vector_load_idx %arg14[%gather3A_221, %add3A_632] : memref<1000x64xf32, #tpu.memory_space<vmem>>[vector<16xi32>, vector<16xi32>], vector<16xf32>,
        %mul3A_720 = arith.constant 4.687500e-02 : f32
        %mul3A_721 = vector.broadcast %mul3A_720 : f32 to vector<16xf32>
        %mul3A_722 = arith.mulf %gather3A_719, %mul3A_721 : vector<16xf32>
        %add3A_723 = arith.addf %mul3A_718, %mul3A_722 : vector<16xf32>
        %gather3A_724 = tpu.vector_load_idx %arg14[%gather3A_293, %add3A_632] : memref<1000x64xf32, #tpu.memory_space<vmem>>[vector<16xi32>, vector<16xi32>], vector<16xf32>,
        %mul3A_725 = arith.constant 6.250000e-02 : f32
        %mul3A_726 = vector.broadcast %mul3A_725 : f32 to vector<16xf32>
        %mul3A_727 = arith.mulf %gather3A_724, %mul3A_726 : vector<16xf32>
        %add3A_728 = arith.addf %add3A_723, %mul3A_727 : vector<16xf32>
        %get3A_729 = arith.index_cast %add3A_712 : i32 to index
        %get3A_730 = arith.constant 16 : index
        %get3A_731 = tpu.vector_load %arg26[%get3A_729, %get3A_730] {strides = array<i32>} : memref<64x64xf32, #tpu.memory_space<vmem>>, vector<16xf32>,
        %mul3A_732 = arith.constant 1.562500e-02 : f32
        %mul3A_733 = vector.broadcast %mul3A_732 : f32 to vector<16xf32>
        %mul3A_734 = arith.mulf %get3A_731, %mul3A_733 : vector<16xf32>
        %get3A_735 = arith.index_cast %add3A_712 : i32 to index
        %get3A_736 = arith.constant 16 : index
        %get3A_737 = tpu.vector_load %arg27[%get3A_735, %get3A_736] {strides = array<i32>} : memref<64x64xf32, #tpu.memory_space<vmem>>, vector<16xf32>,
        %mul3A_738 = arith.constant 6.250000e-02 : f32
        %mul3A_739 = vector.broadcast %mul3A_738 : f32 to vector<16xf32>
        %mul3A_740 = arith.mulf %get3A_737, %mul3A_739 : vector<16xf32>
        %add3A_741 = arith.addf %mul3A_734, %mul3A_740 : vector<16xf32>
        %add3A_742 = arith.addf %add3A_728, %add3A_741 : vector<16xf32>
        %add3A_743 = arith.addf %add3A_673, %add3A_742 : vector<16xf32>
        %mul3A_744 = arith.constant 8 : i32
        %mul3A_745 = arith.muli %scan3A_191, %mul3A_744 : i32
        %add3A_746 = arith.constant 3 : i32
        %add3A_747 = arith.addi %mul3A_745, %add3A_746 : i32
        %get3A_748 = arith.index_cast %add3A_747 : i32 to index
        %get3A_749 = arith.constant 0 : index
        %get3A_750 = tpu.vector_load %arg29[%get3A_748, %get3A_749] {strides = array<i32>} : memref<64x48xf32, #tpu.memory_space<vmem>>, vector<16xf32>,
        %mul3A_751 = arith.constant 6.250000e-02 : f32
        %mul3A_752 = vector.broadcast %mul3A_751 : f32 to vector<16xf32>
        %mul3A_753 = arith.mulf %get3A_750, %mul3A_752 : vector<16xf32>
        %gather3A_754 = tpu.vector_load_idx %arg14[%gather3A_230, %add3A_632] : memref<1000x64xf32, #tpu.memory_space<vmem>>[vector<16xi32>, vector<16xi32>], vector<16xf32>,
        %mul3A_755 = arith.constant 4.687500e-02 : f32
        %mul3A_756 = vector.broadcast %mul3A_755 : f32 to vector<16xf32>
        %mul3A_757 = arith.mulf %gather3A_754, %mul3A_756 : vector<16xf32>
        %add3A_758 = arith.addf %mul3A_753, %mul3A_757 : vector<16xf32>
        %gather3A_759 = tpu.vector_load_idx %arg14[%gather3A_302, %add3A_632] : memref<1000x64xf32, #tpu.memory_space<vmem>>[vector<16xi32>, vector<16xi32>], vector<16xf32>,
        %mul3A_760 = arith.constant 6.250000e-02 : f32
        %mul3A_761 = vector.broadcast %mul3A_760 : f32 to vector<16xf32>
        %mul3A_762 = arith.mulf %gather3A_759, %mul3A_761 : vector<16xf32>
        %add3A_763 = arith.addf %add3A_758, %mul3A_762 : vector<16xf32>
        %get3A_764 = arith.index_cast %add3A_747 : i32 to index
        %get3A_765 = arith.constant 16 : index
        %get3A_766 = tpu.vector_load %arg26[%get3A_764, %get3A_765] {strides = array<i32>} : memref<64x64xf32, #tpu.memory_space<vmem>>, vector<16xf32>,
        %mul3A_767 = arith.constant 1.562500e-02 : f32
        %mul3A_768 = vector.broadcast %mul3A_767 : f32 to vector<16xf32>
        %mul3A_769 = arith.mulf %get3A_766, %mul3A_768 : vector<16xf32>
        %get3A_770 = arith.index_cast %add3A_747 : i32 to index
        %get3A_771 = arith.constant 16 : index
        %get3A_772 = tpu.vector_load %arg27[%get3A_770, %get3A_771] {strides = array<i32>} : memref<64x64xf32, #tpu.memory_space<vmem>>, vector<16xf32>,
        %mul3A_773 = arith.constant 6.250000e-02 : f32
        %mul3A_774 = vector.broadcast %mul3A_773 : f32 to vector<16xf32>
        %mul3A_775 = arith.mulf %get3A_772, %mul3A_774 : vector<16xf32>
        %add3A_776 = arith.addf %mul3A_769, %mul3A_775 : vector<16xf32>
        %add3A_777 = arith.addf %add3A_763, %add3A_776 : vector<16xf32>
        %add3A_778 = arith.addf %add3A_708, %add3A_777 : vector<16xf32>
        %mul3A_779 = arith.constant 8 : i32
        %mul3A_780 = arith.muli %scan3A_191, %mul3A_779 : i32
        %add3A_781 = arith.constant 4 : i32
        %add3A_782 = arith.addi %mul3A_780, %add3A_781 : i32
        %get3A_783 = arith.index_cast %add3A_782 : i32 to index
        %get3A_784 = arith.constant 0 : index
        %get3A_785 = tpu.vector_load %arg29[%get3A_783, %get3A_784] {strides = array<i32>} : memref<64x48xf32, #tpu.memory_space<vmem>>, vector<16xf32>,
        %mul3A_786 = arith.constant 6.250000e-02 : f32
        %mul3A_787 = vector.broadcast %mul3A_786 : f32 to vector<16xf32>
        %mul3A_788 = arith.mulf %get3A_785, %mul3A_787 : vector<16xf32>
        %gather3A_789 = tpu.vector_load_idx %arg14[%gather3A_239, %add3A_632] : memref<1000x64xf32, #tpu.memory_space<vmem>>[vector<16xi32>, vector<16xi32>], vector<16xf32>,
        %mul3A_790 = arith.constant 4.687500e-02 : f32
        %mul3A_791 = vector.broadcast %mul3A_790 : f32 to vector<16xf32>
        %mul3A_792 = arith.mulf %gather3A_789, %mul3A_791 : vector<16xf32>
        %add3A_793 = arith.addf %mul3A_788, %mul3A_792 : vector<16xf32>
        %gather3A_794 = tpu.vector_load_idx %arg14[%gather3A_311, %add3A_632] : memref<1000x64xf32, #tpu.memory_space<vmem>>[vector<16xi32>, vector<16xi32>], vector<16xf32>,
        %mul3A_795 = arith.constant 6.250000e-02 : f32
        %mul3A_796 = vector.broadcast %mul3A_795 : f32 to vector<16xf32>
        %mul3A_797 = arith.mulf %gather3A_794, %mul3A_796 : vector<16xf32>
        %add3A_798 = arith.addf %add3A_793, %mul3A_797 : vector<16xf32>
        %get3A_799 = arith.index_cast %add3A_782 : i32 to index
        %get3A_800 = arith.constant 16 : index
        %get3A_801 = tpu.vector_load %arg26[%get3A_799, %get3A_800] {strides = array<i32>} : memref<64x64xf32, #tpu.memory_space<vmem>>, vector<16xf32>,
        %mul3A_802 = arith.constant 1.562500e-02 : f32
        %mul3A_803 = vector.broadcast %mul3A_802 : f32 to vector<16xf32>
        %mul3A_804 = arith.mulf %get3A_801, %mul3A_803 : vector<16xf32>
        %get3A_805 = arith.index_cast %add3A_782 : i32 to index
        %get3A_806 = arith.constant 16 : index
        %get3A_807 = tpu.vector_load %arg27[%get3A_805, %get3A_806] {strides = array<i32>} : memref<64x64xf32, #tpu.memory_space<vmem>>, vector<16xf32>,
        %mul3A_808 = arith.constant 6.250000e-02 : f32
        %mul3A_809 = vector.broadcast %mul3A_808 : f32 to vector<16xf32>
        %mul3A_810 = arith.mulf %get3A_807, %mul3A_809 : vector<16xf32>
        %add3A_811 = arith.addf %mul3A_804, %mul3A_810 : vector<16xf32>
        %add3A_812 = arith.addf %add3A_798, %add3A_811 : vector<16xf32>
        %add3A_813 = arith.addf %add3A_743, %add3A_812 : vector<16xf32>
        %mul3A_814 = arith.constant 8 : i32
        %mul3A_815 = arith.muli %scan3A_191, %mul3A_814 : i32
        %add3A_816 = arith.constant 5 : i32
        %add3A_817 = arith.addi %mul3A_815, %add3A_816 : i32
        %get3A_818 = arith.index_cast %add3A_817 : i32 to index
        %get3A_819 = arith.constant 0 : index
        %get3A_820 = tpu.vector_load %arg29[%get3A_818, %get3A_819] {strides = array<i32>} : memref<64x48xf32, #tpu.memory_space<vmem>>, vector<16xf32>,
        %mul3A_821 = arith.constant 6.250000e-02 : f32
        %mul3A_822 = vector.broadcast %mul3A_821 : f32 to vector<16xf32>
        %mul3A_823 = arith.mulf %get3A_820, %mul3A_822 : vector<16xf32>
        %gather3A_824 = tpu.vector_load_idx %arg14[%gather3A_248, %add3A_632] : memref<1000x64xf32, #tpu.memory_space<vmem>>[vector<16xi32>, vector<16xi32>], vector<16xf32>,
        %mul3A_825 = arith.constant 4.687500e-02 : f32
        %mul3A_826 = vector.broadcast %mul3A_825 : f32 to vector<16xf32>
        %mul3A_827 = arith.mulf %gather3A_824, %mul3A_826 : vector<16xf32>
        %add3A_828 = arith.addf %mul3A_823, %mul3A_827 : vector<16xf32>
        %gather3A_829 = tpu.vector_load_idx %arg14[%gather3A_320, %add3A_632] : memref<1000x64xf32, #tpu.memory_space<vmem>>[vector<16xi32>, vector<16xi32>], vector<16xf32>,
        %mul3A_830 = arith.constant 6.250000e-02 : f32
        %mul3A_831 = vector.broadcast %mul3A_830 : f32 to vector<16xf32>
        %mul3A_832 = arith.mulf %gather3A_829, %mul3A_831 : vector<16xf32>
        %add3A_833 = arith.addf %add3A_828, %mul3A_832 : vector<16xf32>
        %get3A_834 = arith.index_cast %add3A_817 : i32 to index
        %get3A_835 = arith.constant 16 : index
        %get3A_836 = tpu.vector_load %arg26[%get3A_834, %get3A_835] {strides = array<i32>} : memref<64x64xf32, #tpu.memory_space<vmem>>, vector<16xf32>,
        %mul3A_837 = arith.constant 1.562500e-02 : f32
        %mul3A_838 = vector.broadcast %mul3A_837 : f32 to vector<16xf32>
        %mul3A_839 = arith.mulf %get3A_836, %mul3A_838 : vector<16xf32>
        %get3A_840 = arith.index_cast %add3A_817 : i32 to index
        %get3A_841 = arith.constant 16 : index
        %get3A_842 = tpu.vector_load %arg27[%get3A_840, %get3A_841] {strides = array<i32>} : memref<64x64xf32, #tpu.memory_space<vmem>>, vector<16xf32>,
        %mul3A_843 = arith.constant 6.250000e-02 : f32
        %mul3A_844 = vector.broadcast %mul3A_843 : f32 to vector<16xf32>
        %mul3A_845 = arith.mulf %get3A_842, %mul3A_844 : vector<16xf32>
        %add3A_846 = arith.addf %mul3A_839, %mul3A_845 : vector<16xf32>
        %add3A_847 = arith.addf %add3A_833, %add3A_846 : vector<16xf32>
        %add3A_848 = arith.addf %add3A_778, %add3A_847 : vector<16xf32>
        %mul3A_849 = arith.constant 8 : i32
        %mul3A_850 = arith.muli %scan3A_191, %mul3A_849 : i32
        %add3A_851 = arith.constant 6 : i32
        %add3A_852 = arith.addi %mul3A_850, %add3A_851 : i32
        %get3A_853 = arith.index_cast %add3A_852 : i32 to index
        %get3A_854 = arith.constant 0 : index
        %get3A_855 = tpu.vector_load %arg29[%get3A_853, %get3A_854] {strides = array<i32>} : memref<64x48xf32, #tpu.memory_space<vmem>>, vector<16xf32>,
        %mul3A_856 = arith.constant 6.250000e-02 : f32
        %mul3A_857 = vector.broadcast %mul3A_856 : f32 to vector<16xf32>
        %mul3A_858 = arith.mulf %get3A_855, %mul3A_857 : vector<16xf32>
        %gather3A_859 = tpu.vector_load_idx %arg14[%gather3A_257, %add3A_632] : memref<1000x64xf32, #tpu.memory_space<vmem>>[vector<16xi32>, vector<16xi32>], vector<16xf32>,
        %mul3A_860 = arith.constant 4.687500e-02 : f32
        %mul3A_861 = vector.broadcast %mul3A_860 : f32 to vector<16xf32>
        %mul3A_862 = arith.mulf %gather3A_859, %mul3A_861 : vector<16xf32>
        %add3A_863 = arith.addf %mul3A_858, %mul3A_862 : vector<16xf32>
        %gather3A_864 = tpu.vector_load_idx %arg14[%gather3A_329, %add3A_632] : memref<1000x64xf32, #tpu.memory_space<vmem>>[vector<16xi32>, vector<16xi32>], vector<16xf32>,
        %mul3A_865 = arith.constant 6.250000e-02 : f32
        %mul3A_866 = vector.broadcast %mul3A_865 : f32 to vector<16xf32>
        %mul3A_867 = arith.mulf %gather3A_864, %mul3A_866 : vector<16xf32>
        %add3A_868 = arith.addf %add3A_863, %mul3A_867 : vector<16xf32>
        %get3A_869 = arith.index_cast %add3A_852 : i32 to index
        %get3A_870 = arith.constant 16 : index
        %get3A_871 = tpu.vector_load %arg26[%get3A_869, %get3A_870] {strides = array<i32>} : memref<64x64xf32, #tpu.memory_space<vmem>>, vector<16xf32>,
        %mul3A_872 = arith.constant 1.562500e-02 : f32
        %mul3A_873 = vector.broadcast %mul3A_872 : f32 to vector<16xf32>
        %mul3A_874 = arith.mulf %get3A_871, %mul3A_873 : vector<16xf32>
        %get3A_875 = arith.index_cast %add3A_852 : i32 to index
        %get3A_876 = arith.constant 16 : index
        %get3A_877 = tpu.vector_load %arg27[%get3A_875, %get3A_876] {strides = array<i32>} : memref<64x64xf32, #tpu.memory_space<vmem>>, vector<16xf32>,
        %mul3A_878 = arith.constant 6.250000e-02 : f32
        %mul3A_879 = vector.broadcast %mul3A_878 : f32 to vector<16xf32>
        %mul3A_880 = arith.mulf %get3A_877, %mul3A_879 : vector<16xf32>
        %add3A_881 = arith.addf %mul3A_874, %mul3A_880 : vector<16xf32>
        %add3A_882 = arith.addf %add3A_868, %add3A_881 : vector<16xf32>
        %add3A_883 = arith.addf %add3A_813, %add3A_882 : vector<16xf32>
        %mul3A_884 = arith.constant 8 : i32
        %mul3A_885 = arith.muli %scan3A_191, %mul3A_884 : i32
        %add3A_886 = arith.constant 7 : i32
        %add3A_887 = arith.addi %mul3A_885, %add3A_886 : i32
        %get3A_888 = arith.index_cast %add3A_887 : i32 to index
        %get3A_889 = arith.constant 0 : index
        %get3A_890 = tpu.vector_load %arg29[%get3A_888, %get3A_889] {strides = array<i32>} : memref<64x48xf32, #tpu.memory_space<vmem>>, vector<16xf32>,
        %mul3A_891 = arith.constant 6.250000e-02 : f32
        %mul3A_892 = vector.broadcast %mul3A_891 : f32 to vector<16xf32>
        %mul3A_893 = arith.mulf %get3A_890, %mul3A_892 : vector<16xf32>
        %gather3A_894 = tpu.vector_load_idx %arg14[%gather3A_266, %add3A_632] : memref<1000x64xf32, #tpu.memory_space<vmem>>[vector<16xi32>, vector<16xi32>], vector<16xf32>,
        %mul3A_895 = arith.constant 4.687500e-02 : f32
        %mul3A_896 = vector.broadcast %mul3A_895 : f32 to vector<16xf32>
        %mul3A_897 = arith.mulf %gather3A_894, %mul3A_896 : vector<16xf32>
        %add3A_898 = arith.addf %mul3A_893, %mul3A_897 : vector<16xf32>
        %gather3A_899 = tpu.vector_load_idx %arg14[%gather3A_338, %add3A_632] : memref<1000x64xf32, #tpu.memory_space<vmem>>[vector<16xi32>, vector<16xi32>], vector<16xf32>,
        %mul3A_900 = arith.constant 6.250000e-02 : f32
        %mul3A_901 = vector.broadcast %mul3A_900 : f32 to vector<16xf32>
        %mul3A_902 = arith.mulf %gather3A_899, %mul3A_901 : vector<16xf32>
        %add3A_903 = arith.addf %add3A_898, %mul3A_902 : vector<16xf32>
        %get3A_904 = arith.index_cast %add3A_887 : i32 to index
        %get3A_905 = arith.constant 16 : index
        %get3A_906 = tpu.vector_load %arg26[%get3A_904, %get3A_905] {strides = array<i32>} : memref<64x64xf32, #tpu.memory_space<vmem>>, vector<16xf32>,
        %mul3A_907 = arith.constant 1.562500e-02 : f32
        %mul3A_908 = vector.broadcast %mul3A_907 : f32 to vector<16xf32>
        %mul3A_909 = arith.mulf %get3A_906, %mul3A_908 : vector<16xf32>
        %get3A_910 = arith.index_cast %add3A_887 : i32 to index
        %get3A_911 = arith.constant 16 : index
        %get3A_912 = tpu.vector_load %arg27[%get3A_910, %get3A_911] {strides = array<i32>} : memref<64x64xf32, #tpu.memory_space<vmem>>, vector<16xf32>,
        %mul3A_913 = arith.constant 6.250000e-02 : f32
        %mul3A_914 = vector.broadcast %mul3A_913 : f32 to vector<16xf32>
        %mul3A_915 = arith.mulf %get3A_912, %mul3A_914 : vector<16xf32>
        %add3A_916 = arith.addf %mul3A_909, %mul3A_915 : vector<16xf32>
        %add3A_917 = arith.addf %add3A_903, %add3A_916 : vector<16xf32>
        %add3A_918 = arith.addf %add3A_848, %add3A_917 : vector<16xf32>
        %add3A_919 = arith.addf %add3A_883, %add3A_918 : vector<16xf32>
        %swap3A_920 = arith.index_cast %scan3A_191 : i32 to index
        %swap3A_921 = arith.constant 16 : index
        %swap3A_922 = tpu.vector_load %arg31[%swap3A_920, %swap3A_921] {strides = array<i32>} : memref<8x64xf32, #tpu.memory_space<vmem>>, vector<16xf32>,
        tpu.vector_store %arg31[%swap3A_920, %swap3A_921], %add3A_919 {strides = array<i32>} : memref<8x64xf32, #tpu.memory_space<vmem>>, vector<16xf32>,
        %add3A_923 = arith.constant 32 : i32
        %add3A_924 = vector.broadcast %add3A_923 : i32 to vector<16xi32>
        %add3A_925 = arith.addi %iota3A, %add3A_924 : vector<16xi32>
        %gather3A_926 = tpu.vector_load_idx %arg14[%gather3A, %add3A_925] : memref<1000x64xf32, #tpu.memory_space<vmem>>[vector<16xi32>, vector<16xi32>], vector<16xf32>,
        %mul3A_927 = arith.constant 5.000000e-01 : f32
        %mul3A_928 = vector.broadcast %mul3A_927 : f32 to vector<16xf32>
        %mul3A_929 = arith.mulf %gather3A_926, %mul3A_928 : vector<16xf32>
        %broadcast_in_dim3A_930 = arith.constant 0.000000e+00 : f32
        %broadcast_in_dim3A_931 = vector.broadcast %broadcast_in_dim3A_930 : f32 to vector<16xf32>
        %mul3A_932 = arith.constant 8 : i32
        %mul3A_933 = arith.muli %scan3A_191, %mul3A_932 : i32
        %add3A_934 = arith.constant 0 : i32
        %add3A_935 = arith.addi %mul3A_933, %add3A_934 : i32
        %get3A_936 = arith.index_cast %add3A_935 : i32 to index
        %get3A_937 = arith.constant 16 : index
        %get3A_938 = tpu.vector_load %arg29[%get3A_936, %get3A_937] {strides = array<i32>} : memref<64x48xf32, #tpu.memory_space<vmem>>, vector<16xf32>,
        %mul3A_939 = arith.constant 6.250000e-02 : f32
        %mul3A_940 = vector.broadcast %mul3A_939 : f32 to vector<16xf32>
        %mul3A_941 = arith.mulf %get3A_938, %mul3A_940 : vector<16xf32>
        %gather3A_942 = tpu.vector_load_idx %arg14[%gather3A_203, %add3A_925] : memref<1000x64xf32, #tpu.memory_space<vmem>>[vector<16xi32>, vector<16xi32>], vector<16xf32>,
        %mul3A_943 = arith.constant 4.687500e-02 : f32
        %mul3A_944 = vector.broadcast %mul3A_943 : f32 to vector<16xf32>
        %mul3A_945 = arith.mulf %gather3A_942, %mul3A_944 : vector<16xf32>
        %add3A_946 = arith.addf %mul3A_941, %mul3A_945 : vector<16xf32>
        %gather3A_947 = tpu.vector_load_idx %arg14[%gather3A_275, %add3A_925] : memref<1000x64xf32, #tpu.memory_space<vmem>>[vector<16xi32>, vector<16xi32>], vector<16xf32>,
        %mul3A_948 = arith.constant 6.250000e-02 : f32
        %mul3A_949 = vector.broadcast %mul3A_948 : f32 to vector<16xf32>
        %mul3A_950 = arith.mulf %gather3A_947, %mul3A_949 : vector<16xf32>
        %add3A_951 = arith.addf %add3A_946, %mul3A_950 : vector<16xf32>
        %get3A_952 = arith.index_cast %add3A_935 : i32 to index
        %get3A_953 = arith.constant 32 : index
        %get3A_954 = tpu.vector_load %arg26[%get3A_952, %get3A_953] {strides = array<i32>} : memref<64x64xf32, #tpu.memory_space<vmem>>, vector<16xf32>,
        %mul3A_955 = arith.constant 1.562500e-02 : f32
        %mul3A_956 = vector.broadcast %mul3A_955 : f32 to vector<16xf32>
        %mul3A_957 = arith.mulf %get3A_954, %mul3A_956 : vector<16xf32>
        %get3A_958 = arith.index_cast %add3A_935 : i32 to index
        %get3A_959 = arith.constant 32 : index
        %get3A_960 = tpu.vector_load %arg27[%get3A_958, %get3A_959] {strides = array<i32>} : memref<64x64xf32, #tpu.memory_space<vmem>>, vector<16xf32>,
        %mul3A_961 = arith.constant 6.250000e-02 : f32
        %mul3A_962 = vector.broadcast %mul3A_961 : f32 to vector<16xf32>
        %mul3A_963 = arith.mulf %get3A_960, %mul3A_962 : vector<16xf32>
        %add3A_964 = arith.addf %mul3A_957, %mul3A_963 : vector<16xf32>
        %add3A_965 = arith.addf %add3A_951, %add3A_964 : vector<16xf32>
        %add3A_966 = arith.addf %mul3A_929, %add3A_965 : vector<16xf32>
        %mul3A_967 = arith.constant 8 : i32
        %mul3A_968 = arith.muli %scan3A_191, %mul3A_967 : i32
        %add3A_969 = arith.constant 1 : i32
        %add3A_970 = arith.addi %mul3A_968, %add3A_969 : i32
        %get3A_971 = arith.index_cast %add3A_970 : i32 to index
        %get3A_972 = arith.constant 16 : index
        %get3A_973 = tpu.vector_load %arg29[%get3A_971, %get3A_972] {strides = array<i32>} : memref<64x48xf32, #tpu.memory_space<vmem>>, vector<16xf32>,
        %mul3A_974 = arith.constant 6.250000e-02 : f32
        %mul3A_975 = vector.broadcast %mul3A_974 : f32 to vector<16xf32>
        %mul3A_976 = arith.mulf %get3A_973, %mul3A_975 : vector<16xf32>
        %gather3A_977 = tpu.vector_load_idx %arg14[%gather3A_212, %add3A_925] : memref<1000x64xf32, #tpu.memory_space<vmem>>[vector<16xi32>, vector<16xi32>], vector<16xf32>,
        %mul3A_978 = arith.constant 4.687500e-02 : f32
        %mul3A_979 = vector.broadcast %mul3A_978 : f32 to vector<16xf32>
        %mul3A_980 = arith.mulf %gather3A_977, %mul3A_979 : vector<16xf32>
        %add3A_981 = arith.addf %mul3A_976, %mul3A_980 : vector<16xf32>
        %gather3A_982 = tpu.vector_load_idx %arg14[%gather3A_284, %add3A_925] : memref<1000x64xf32, #tpu.memory_space<vmem>>[vector<16xi32>, vector<16xi32>], vector<16xf32>,
        %mul3A_983 = arith.constant 6.250000e-02 : f32
        %mul3A_984 = vector.broadcast %mul3A_983 : f32 to vector<16xf32>
        %mul3A_985 = arith.mulf %gather3A_982, %mul3A_984 : vector<16xf32>
        %add3A_986 = arith.addf %add3A_981, %mul3A_985 : vector<16xf32>
        %get3A_987 = arith.index_cast %add3A_970 : i32 to index
        %get3A_988 = arith.constant 32 : index
        %get3A_989 = tpu.vector_load %arg26[%get3A_987, %get3A_988] {strides = array<i32>} : memref<64x64xf32, #tpu.memory_space<vmem>>, vector<16xf32>,
        %mul3A_990 = arith.constant 1.562500e-02 : f32
        %mul3A_991 = vector.broadcast %mul3A_990 : f32 to vector<16xf32>
        %mul3A_992 = arith.mulf %get3A_989, %mul3A_991 : vector<16xf32>
        %get3A_993 = arith.index_cast %add3A_970 : i32 to index
        %get3A_994 = arith.constant 32 : index
        %get3A_995 = tpu.vector_load %arg27[%get3A_993, %get3A_994] {strides = array<i32>} : memref<64x64xf32, #tpu.memory_space<vmem>>, vector<16xf32>,
        %mul3A_996 = arith.constant 6.250000e-02 : f32
        %mul3A_997 = vector.broadcast %mul3A_996 : f32 to vector<16xf32>
        %mul3A_998 = arith.mulf %get3A_995, %mul3A_997 : vector<16xf32>
        %add3A_999 = arith.addf %mul3A_992, %mul3A_998 : vector<16xf32>
        %add3A_1000 = arith.addf %add3A_986, %add3A_999 : vector<16xf32>
        %add3A_1001 = arith.addf %broadcast_in_dim3A_931, %add3A_1000 : vector<16xf32>
        %mul3A_1002 = arith.constant 8 : i32
        %mul3A_1003 = arith.muli %scan3A_191, %mul3A_1002 : i32
        %add3A_1004 = arith.constant 2 : i32
        %add3A_1005 = arith.addi %mul3A_1003, %add3A_1004 : i32
        %get3A_1006 = arith.index_cast %add3A_1005 : i32 to index
        %get3A_1007 = arith.constant 16 : index
        %get3A_1008 = tpu.vector_load %arg29[%get3A_1006, %get3A_1007] {strides = array<i32>} : memref<64x48xf32, #tpu.memory_space<vmem>>, vector<16xf32>,
        %mul3A_1009 = arith.constant 6.250000e-02 : f32
        %mul3A_1010 = vector.broadcast %mul3A_1009 : f32 to vector<16xf32>
        %mul3A_1011 = arith.mulf %get3A_1008, %mul3A_1010 : vector<16xf32>
        %gather3A_1012 = tpu.vector_load_idx %arg14[%gather3A_221, %add3A_925] : memref<1000x64xf32, #tpu.memory_space<vmem>>[vector<16xi32>, vector<16xi32>], vector<16xf32>,
        %mul3A_1013 = arith.constant 4.687500e-02 : f32
        %mul3A_1014 = vector.broadcast %mul3A_1013 : f32 to vector<16xf32>
        %mul3A_1015 = arith.mulf %gather3A_1012, %mul3A_1014 : vector<16xf32>
        %add3A_1016 = arith.addf %mul3A_1011, %mul3A_1015 : vector<16xf32>
        %gather3A_1017 = tpu.vector_load_idx %arg14[%gather3A_293, %add3A_925] : memref<1000x64xf32, #tpu.memory_space<vmem>>[vector<16xi32>, vector<16xi32>], vector<16xf32>,
        %mul3A_1018 = arith.constant 6.250000e-02 : f32
        %mul3A_1019 = vector.broadcast %mul3A_1018 : f32 to vector<16xf32>
        %mul3A_1020 = arith.mulf %gather3A_1017, %mul3A_1019 : vector<16xf32>
        %add3A_1021 = arith.addf %add3A_1016, %mul3A_1020 : vector<16xf32>
        %get3A_1022 = arith.index_cast %add3A_1005 : i32 to index
        %get3A_1023 = arith.constant 32 : index
        %get3A_1024 = tpu.vector_load %arg26[%get3A_1022, %get3A_1023] {strides = array<i32>} : memref<64x64xf32, #tpu.memory_space<vmem>>, vector<16xf32>,
        %mul3A_1025 = arith.constant 1.562500e-02 : f32
        %mul3A_1026 = vector.broadcast %mul3A_1025 : f32 to vector<16xf32>
        %mul3A_1027 = arith.mulf %get3A_1024, %mul3A_1026 : vector<16xf32>
        %get3A_1028 = arith.index_cast %add3A_1005 : i32 to index
        %get3A_1029 = arith.constant 32 : index
        %get3A_1030 = tpu.vector_load %arg27[%get3A_1028, %get3A_1029] {strides = array<i32>} : memref<64x64xf32, #tpu.memory_space<vmem>>, vector<16xf32>,
        %mul3A_1031 = arith.constant 6.250000e-02 : f32
        %mul3A_1032 = vector.broadcast %mul3A_1031 : f32 to vector<16xf32>
        %mul3A_1033 = arith.mulf %get3A_1030, %mul3A_1032 : vector<16xf32>
        %add3A_1034 = arith.addf %mul3A_1027, %mul3A_1033 : vector<16xf32>
        %add3A_1035 = arith.addf %add3A_1021, %add3A_1034 : vector<16xf32>
        %add3A_1036 = arith.addf %add3A_966, %add3A_1035 : vector<16xf32>
        %mul3A_1037 = arith.constant 8 : i32
        %mul3A_1038 = arith.muli %scan3A_191, %mul3A_1037 : i32
        %add3A_1039 = arith.constant 3 : i32
        %add3A_1040 = arith.addi %mul3A_1038, %add3A_1039 : i32
        %get3A_1041 = arith.index_cast %add3A_1040 : i32 to index
        %get3A_1042 = arith.constant 16 : index
        %get3A_1043 = tpu.vector_load %arg29[%get3A_1041, %get3A_1042] {strides = array<i32>} : memref<64x48xf32, #tpu.memory_space<vmem>>, vector<16xf32>,
        %mul3A_1044 = arith.constant 6.250000e-02 : f32
        %mul3A_1045 = vector.broadcast %mul3A_1044 : f32 to vector<16xf32>
        %mul3A_1046 = arith.mulf %get3A_1043, %mul3A_1045 : vector<16xf32>
        %gather3A_1047 = tpu.vector_load_idx %arg14[%gather3A_230, %add3A_925] : memref<1000x64xf32, #tpu.memory_space<vmem>>[vector<16xi32>, vector<16xi32>], vector<16xf32>,
        %mul3A_1048 = arith.constant 4.687500e-02 : f32
        %mul3A_1049 = vector.broadcast %mul3A_1048 : f32 to vector<16xf32>
        %mul3A_1050 = arith.mulf %gather3A_1047, %mul3A_1049 : vector<16xf32>
        %add3A_1051 = arith.addf %mul3A_1046, %mul3A_1050 : vector<16xf32>
        %gather3A_1052 = tpu.vector_load_idx %arg14[%gather3A_302, %add3A_925] : memref<1000x64xf32, #tpu.memory_space<vmem>>[vector<16xi32>, vector<16xi32>], vector<16xf32>,
        %mul3A_1053 = arith.constant 6.250000e-02 : f32
        %mul3A_1054 = vector.broadcast %mul3A_1053 : f32 to vector<16xf32>
        %mul3A_1055 = arith.mulf %gather3A_1052, %mul3A_1054 : vector<16xf32>
        %add3A_1056 = arith.addf %add3A_1051, %mul3A_1055 : vector<16xf32>
        %get3A_1057 = arith.index_cast %add3A_1040 : i32 to index
        %get3A_1058 = arith.constant 32 : index
        %get3A_1059 = tpu.vector_load %arg26[%get3A_1057, %get3A_1058] {strides = array<i32>} : memref<64x64xf32, #tpu.memory_space<vmem>>, vector<16xf32>,
        %mul3A_1060 = arith.constant 1.562500e-02 : f32
        %mul3A_1061 = vector.broadcast %mul3A_1060 : f32 to vector<16xf32>
        %mul3A_1062 = arith.mulf %get3A_1059, %mul3A_1061 : vector<16xf32>
        %get3A_1063 = arith.index_cast %add3A_1040 : i32 to index
        %get3A_1064 = arith.constant 32 : index
        %get3A_1065 = tpu.vector_load %arg27[%get3A_1063, %get3A_1064] {strides = array<i32>} : memref<64x64xf32, #tpu.memory_space<vmem>>, vector<16xf32>,
        %mul3A_1066 = arith.constant 6.250000e-02 : f32
        %mul3A_1067 = vector.broadcast %mul3A_1066 : f32 to vector<16xf32>
        %mul3A_1068 = arith.mulf %get3A_1065, %mul3A_1067 : vector<16xf32>
        %add3A_1069 = arith.addf %mul3A_1062, %mul3A_1068 : vector<16xf32>
        %add3A_1070 = arith.addf %add3A_1056, %add3A_1069 : vector<16xf32>
        %add3A_1071 = arith.addf %add3A_1001, %add3A_1070 : vector<16xf32>
        %mul3A_1072 = arith.constant 8 : i32
        %mul3A_1073 = arith.muli %scan3A_191, %mul3A_1072 : i32
        %add3A_1074 = arith.constant 4 : i32
        %add3A_1075 = arith.addi %mul3A_1073, %add3A_1074 : i32
        %get3A_1076 = arith.index_cast %add3A_1075 : i32 to index
        %get3A_1077 = arith.constant 16 : index
        %get3A_1078 = tpu.vector_load %arg29[%get3A_1076, %get3A_1077] {strides = array<i32>} : memref<64x48xf32, #tpu.memory_space<vmem>>, vector<16xf32>,
        %mul3A_1079 = arith.constant 6.250000e-02 : f32
        %mul3A_1080 = vector.broadcast %mul3A_1079 : f32 to vector<16xf32>
        %mul3A_1081 = arith.mulf %get3A_1078, %mul3A_1080 : vector<16xf32>
        %gather3A_1082 = tpu.vector_load_idx %arg14[%gather3A_239, %add3A_925] : memref<1000x64xf32, #tpu.memory_space<vmem>>[vector<16xi32>, vector<16xi32>], vector<16xf32>,
        %mul3A_1083 = arith.constant 4.687500e-02 : f32
        %mul3A_1084 = vector.broadcast %mul3A_1083 : f32 to vector<16xf32>
        %mul3A_1085 = arith.mulf %gather3A_1082, %mul3A_1084 : vector<16xf32>
        %add3A_1086 = arith.addf %mul3A_1081, %mul3A_1085 : vector<16xf32>
        %gather3A_1087 = tpu.vector_load_idx %arg14[%gather3A_311, %add3A_925] : memref<1000x64xf32, #tpu.memory_space<vmem>>[vector<16xi32>, vector<16xi32>], vector<16xf32>,
        %mul3A_1088 = arith.constant 6.250000e-02 : f32
        %mul3A_1089 = vector.broadcast %mul3A_1088 : f32 to vector<16xf32>
        %mul3A_1090 = arith.mulf %gather3A_1087, %mul3A_1089 : vector<16xf32>
        %add3A_1091 = arith.addf %add3A_1086, %mul3A_1090 : vector<16xf32>
        %get3A_1092 = arith.index_cast %add3A_1075 : i32 to index
        %get3A_1093 = arith.constant 32 : index
        %get3A_1094 = tpu.vector_load %arg26[%get3A_1092, %get3A_1093] {strides = array<i32>} : memref<64x64xf32, #tpu.memory_space<vmem>>, vector<16xf32>,
        %mul3A_1095 = arith.constant 1.562500e-02 : f32
        %mul3A_1096 = vector.broadcast %mul3A_1095 : f32 to vector<16xf32>
        %mul3A_1097 = arith.mulf %get3A_1094, %mul3A_1096 : vector<16xf32>
        %get3A_1098 = arith.index_cast %add3A_1075 : i32 to index
        %get3A_1099 = arith.constant 32 : index
        %get3A_1100 = tpu.vector_load %arg27[%get3A_1098, %get3A_1099] {strides = array<i32>} : memref<64x64xf32, #tpu.memory_space<vmem>>, vector<16xf32>,
        %mul3A_1101 = arith.constant 6.250000e-02 : f32
        %mul3A_1102 = vector.broadcast %mul3A_1101 : f32 to vector<16xf32>
        %mul3A_1103 = arith.mulf %get3A_1100, %mul3A_1102 : vector<16xf32>
        %add3A_1104 = arith.addf %mul3A_1097, %mul3A_1103 : vector<16xf32>
        %add3A_1105 = arith.addf %add3A_1091, %add3A_1104 : vector<16xf32>
        %add3A_1106 = arith.addf %add3A_1036, %add3A_1105 : vector<16xf32>
        %mul3A_1107 = arith.constant 8 : i32
        %mul3A_1108 = arith.muli %scan3A_191, %mul3A_1107 : i32
        %add3A_1109 = arith.constant 5 : i32
        %add3A_1110 = arith.addi %mul3A_1108, %add3A_1109 : i32
        %get3A_1111 = arith.index_cast %add3A_1110 : i32 to index
        %get3A_1112 = arith.constant 16 : index
        %get3A_1113 = tpu.vector_load %arg29[%get3A_1111, %get3A_1112] {strides = array<i32>} : memref<64x48xf32, #tpu.memory_space<vmem>>, vector<16xf32>,
        %mul3A_1114 = arith.constant 6.250000e-02 : f32
        %mul3A_1115 = vector.broadcast %mul3A_1114 : f32 to vector<16xf32>
        %mul3A_1116 = arith.mulf %get3A_1113, %mul3A_1115 : vector<16xf32>
        %gather3A_1117 = tpu.vector_load_idx %arg14[%gather3A_248, %add3A_925] : memref<1000x64xf32, #tpu.memory_space<vmem>>[vector<16xi32>, vector<16xi32>], vector<16xf32>,
        %mul3A_1118 = arith.constant 4.687500e-02 : f32
        %mul3A_1119 = vector.broadcast %mul3A_1118 : f32 to vector<16xf32>
        %mul3A_1120 = arith.mulf %gather3A_1117, %mul3A_1119 : vector<16xf32>
        %add3A_1121 = arith.addf %mul3A_1116, %mul3A_1120 : vector<16xf32>
        %gather3A_1122 = tpu.vector_load_idx %arg14[%gather3A_320, %add3A_925] : memref<1000x64xf32, #tpu.memory_space<vmem>>[vector<16xi32>, vector<16xi32>], vector<16xf32>,
        %mul3A_1123 = arith.constant 6.250000e-02 : f32
        %mul3A_1124 = vector.broadcast %mul3A_1123 : f32 to vector<16xf32>
        %mul3A_1125 = arith.mulf %gather3A_1122, %mul3A_1124 : vector<16xf32>
        %add3A_1126 = arith.addf %add3A_1121, %mul3A_1125 : vector<16xf32>
        %get3A_1127 = arith.index_cast %add3A_1110 : i32 to index
        %get3A_1128 = arith.constant 32 : index
        %get3A_1129 = tpu.vector_load %arg26[%get3A_1127, %get3A_1128] {strides = array<i32>} : memref<64x64xf32, #tpu.memory_space<vmem>>, vector<16xf32>,
        %mul3A_1130 = arith.constant 1.562500e-02 : f32
        %mul3A_1131 = vector.broadcast %mul3A_1130 : f32 to vector<16xf32>
        %mul3A_1132 = arith.mulf %get3A_1129, %mul3A_1131 : vector<16xf32>
        %get3A_1133 = arith.index_cast %add3A_1110 : i32 to index
        %get3A_1134 = arith.constant 32 : index
        %get3A_1135 = tpu.vector_load %arg27[%get3A_1133, %get3A_1134] {strides = array<i32>} : memref<64x64xf32, #tpu.memory_space<vmem>>, vector<16xf32>,
        %mul3A_1136 = arith.constant 6.250000e-02 : f32
        %mul3A_1137 = vector.broadcast %mul3A_1136 : f32 to vector<16xf32>
        %mul3A_1138 = arith.mulf %get3A_1135, %mul3A_1137 : vector<16xf32>
        %add3A_1139 = arith.addf %mul3A_1132, %mul3A_1138 : vector<16xf32>
        %add3A_1140 = arith.addf %add3A_1126, %add3A_1139 : vector<16xf32>
        %add3A_1141 = arith.addf %add3A_1071, %add3A_1140 : vector<16xf32>
        %mul3A_1142 = arith.constant 8 : i32
        %mul3A_1143 = arith.muli %scan3A_191, %mul3A_1142 : i32
        %add3A_1144 = arith.constant 6 : i32
        %add3A_1145 = arith.addi %mul3A_1143, %add3A_1144 : i32
        %get3A_1146 = arith.index_cast %add3A_1145 : i32 to index
        %get3A_1147 = arith.constant 16 : index
        %get3A_1148 = tpu.vector_load %arg29[%get3A_1146, %get3A_1147] {strides = array<i32>} : memref<64x48xf32, #tpu.memory_space<vmem>>, vector<16xf32>,
        %mul3A_1149 = arith.constant 6.250000e-02 : f32
        %mul3A_1150 = vector.broadcast %mul3A_1149 : f32 to vector<16xf32>
        %mul3A_1151 = arith.mulf %get3A_1148, %mul3A_1150 : vector<16xf32>
        %gather3A_1152 = tpu.vector_load_idx %arg14[%gather3A_257, %add3A_925] : memref<1000x64xf32, #tpu.memory_space<vmem>>[vector<16xi32>, vector<16xi32>], vector<16xf32>,
        %mul3A_1153 = arith.constant 4.687500e-02 : f32
        %mul3A_1154 = vector.broadcast %mul3A_1153 : f32 to vector<16xf32>
        %mul3A_1155 = arith.mulf %gather3A_1152, %mul3A_1154 : vector<16xf32>
        %add3A_1156 = arith.addf %mul3A_1151, %mul3A_1155 : vector<16xf32>
        %gather3A_1157 = tpu.vector_load_idx %arg14[%gather3A_329, %add3A_925] : memref<1000x64xf32, #tpu.memory_space<vmem>>[vector<16xi32>, vector<16xi32>], vector<16xf32>,
        %mul3A_1158 = arith.constant 6.250000e-02 : f32
        %mul3A_1159 = vector.broadcast %mul3A_1158 : f32 to vector<16xf32>
        %mul3A_1160 = arith.mulf %gather3A_1157, %mul3A_1159 : vector<16xf32>
        %add3A_1161 = arith.addf %add3A_1156, %mul3A_1160 : vector<16xf32>
        %get3A_1162 = arith.index_cast %add3A_1145 : i32 to index
        %get3A_1163 = arith.constant 32 : index
        %get3A_1164 = tpu.vector_load %arg26[%get3A_1162, %get3A_1163] {strides = array<i32>} : memref<64x64xf32, #tpu.memory_space<vmem>>, vector<16xf32>,
        %mul3A_1165 = arith.constant 1.562500e-02 : f32
        %mul3A_1166 = vector.broadcast %mul3A_1165 : f32 to vector<16xf32>
        %mul3A_1167 = arith.mulf %get3A_1164, %mul3A_1166 : vector<16xf32>
        %get3A_1168 = arith.index_cast %add3A_1145 : i32 to index
        %get3A_1169 = arith.constant 32 : index
        %get3A_1170 = tpu.vector_load %arg27[%get3A_1168, %get3A_1169] {strides = array<i32>} : memref<64x64xf32, #tpu.memory_space<vmem>>, vector<16xf32>,
        %mul3A_1171 = arith.constant 6.250000e-02 : f32
        %mul3A_1172 = vector.broadcast %mul3A_1171 : f32 to vector<16xf32>
        %mul3A_1173 = arith.mulf %get3A_1170, %mul3A_1172 : vector<16xf32>
        %add3A_1174 = arith.addf %mul3A_1167, %mul3A_1173 : vector<16xf32>
        %add3A_1175 = arith.addf %add3A_1161, %add3A_1174 : vector<16xf32>
        %add3A_1176 = arith.addf %add3A_1106, %add3A_1175 : vector<16xf32>
        %mul3A_1177 = arith.constant 8 : i32
        %mul3A_1178 = arith.muli %scan3A_191, %mul3A_1177 : i32
        %add3A_1179 = arith.constant 7 : i32
        %add3A_1180 = arith.addi %mul3A_1178, %add3A_1179 : i32
        %get3A_1181 = arith.index_cast %add3A_1180 : i32 to index
        %get3A_1182 = arith.constant 16 : index
        %get3A_1183 = tpu.vector_load %arg29[%get3A_1181, %get3A_1182] {strides = array<i32>} : memref<64x48xf32, #tpu.memory_space<vmem>>, vector<16xf32>,
        %mul3A_1184 = arith.constant 6.250000e-02 : f32
        %mul3A_1185 = vector.broadcast %mul3A_1184 : f32 to vector<16xf32>
        %mul3A_1186 = arith.mulf %get3A_1183, %mul3A_1185 : vector<16xf32>
        %gather3A_1187 = tpu.vector_load_idx %arg14[%gather3A_266, %add3A_925] : memref<1000x64xf32, #tpu.memory_space<vmem>>[vector<16xi32>, vector<16xi32>], vector<16xf32>,
        %mul3A_1188 = arith.constant 4.687500e-02 : f32
        %mul3A_1189 = vector.broadcast %mul3A_1188 : f32 to vector<16xf32>
        %mul3A_1190 = arith.mulf %gather3A_1187, %mul3A_1189 : vector<16xf32>
        %add3A_1191 = arith.addf %mul3A_1186, %mul3A_1190 : vector<16xf32>
        %gather3A_1192 = tpu.vector_load_idx %arg14[%gather3A_338, %add3A_925] : memref<1000x64xf32, #tpu.memory_space<vmem>>[vector<16xi32>, vector<16xi32>], vector<16xf32>,
        %mul3A_1193 = arith.constant 6.250000e-02 : f32
        %mul3A_1194 = vector.broadcast %mul3A_1193 : f32 to vector<16xf32>
        %mul3A_1195 = arith.mulf %gather3A_1192, %mul3A_1194 : vector<16xf32>
        %add3A_1196 = arith.addf %add3A_1191, %mul3A_1195 : vector<16xf32>
        %get3A_1197 = arith.index_cast %add3A_1180 : i32 to index
        %get3A_1198 = arith.constant 32 : index
        %get3A_1199 = tpu.vector_load %arg26[%get3A_1197, %get3A_1198] {strides = array<i32>} : memref<64x64xf32, #tpu.memory_space<vmem>>, vector<16xf32>,
        %mul3A_1200 = arith.constant 1.562500e-02 : f32
        %mul3A_1201 = vector.broadcast %mul3A_1200 : f32 to vector<16xf32>
        %mul3A_1202 = arith.mulf %get3A_1199, %mul3A_1201 : vector<16xf32>
        %get3A_1203 = arith.index_cast %add3A_1180 : i32 to index
        %get3A_1204 = arith.constant 32 : index
        %get3A_1205 = tpu.vector_load %arg27[%get3A_1203, %get3A_1204] {strides = array<i32>} : memref<64x64xf32, #tpu.memory_space<vmem>>, vector<16xf32>,
        %mul3A_1206 = arith.constant 6.250000e-02 : f32
        %mul3A_1207 = vector.broadcast %mul3A_1206 : f32 to vector<16xf32>
        %mul3A_1208 = arith.mulf %get3A_1205, %mul3A_1207 : vector<16xf32>
        %add3A_1209 = arith.addf %mul3A_1202, %mul3A_1208 : vector<16xf32>
        %add3A_1210 = arith.addf %add3A_1196, %add3A_1209 : vector<16xf32>
        %add3A_1211 = arith.addf %add3A_1141, %add3A_1210 : vector<16xf32>
        %add3A_1212 = arith.addf %add3A_1176, %add3A_1211 : vector<16xf32>
        %swap3A_1213 = arith.index_cast %scan3A_191 : i32 to index
        %swap3A_1214 = arith.constant 32 : index
        %swap3A_1215 = tpu.vector_load %arg31[%swap3A_1213, %swap3A_1214] {strides = array<i32>} : memref<8x64xf32, #tpu.memory_space<vmem>>, vector<16xf32>,
        tpu.vector_store %arg31[%swap3A_1213, %swap3A_1214], %add3A_1212 {strides = array<i32>} : memref<8x64xf32, #tpu.memory_space<vmem>>, vector<16xf32>,
        %add3A_1216 = arith.constant 48 : i32
        %add3A_1217 = vector.broadcast %add3A_1216 : i32 to vector<16xi32>
        %add3A_1218 = arith.addi %iota3A, %add3A_1217 : vector<16xi32>
        %gather3A_1219 = tpu.vector_load_idx %arg14[%gather3A, %add3A_1218] : memref<1000x64xf32, #tpu.memory_space<vmem>>[vector<16xi32>, vector<16xi32>], vector<16xf32>,
        %mul3A_1220 = arith.constant 5.000000e-01 : f32
        %mul3A_1221 = vector.broadcast %mul3A_1220 : f32 to vector<16xf32>
        %mul3A_1222 = arith.mulf %gather3A_1219, %mul3A_1221 : vector<16xf32>
        %broadcast_in_dim3A_1223 = arith.constant 0.000000e+00 : f32
        %broadcast_in_dim3A_1224 = vector.broadcast %broadcast_in_dim3A_1223 : f32 to vector<16xf32>
        %mul3A_1225 = arith.constant 8 : i32
        %mul3A_1226 = arith.muli %scan3A_191, %mul3A_1225 : i32
        %add3A_1227 = arith.constant 0 : i32
        %add3A_1228 = arith.addi %mul3A_1226, %add3A_1227 : i32
        %get3A_1229 = arith.index_cast %add3A_1228 : i32 to index
        %get3A_1230 = arith.constant 32 : index
        %get3A_1231 = tpu.vector_load %arg29[%get3A_1229, %get3A_1230] {strides = array<i32>} : memref<64x48xf32, #tpu.memory_space<vmem>>, vector<16xf32>,
        %mul3A_1232 = arith.constant 6.250000e-02 : f32
        %mul3A_1233 = vector.broadcast %mul3A_1232 : f32 to vector<16xf32>
        %mul3A_1234 = arith.mulf %get3A_1231, %mul3A_1233 : vector<16xf32>
        %gather3A_1235 = tpu.vector_load_idx %arg14[%gather3A_203, %add3A_1218] : memref<1000x64xf32, #tpu.memory_space<vmem>>[vector<16xi32>, vector<16xi32>], vector<16xf32>,
        %mul3A_1236 = arith.constant 4.687500e-02 : f32
        %mul3A_1237 = vector.broadcast %mul3A_1236 : f32 to vector<16xf32>
        %mul3A_1238 = arith.mulf %gather3A_1235, %mul3A_1237 : vector<16xf32>
        %add3A_1239 = arith.addf %mul3A_1234, %mul3A_1238 : vector<16xf32>
        %gather3A_1240 = tpu.vector_load_idx %arg14[%gather3A_275, %add3A_1218] : memref<1000x64xf32, #tpu.memory_space<vmem>>[vector<16xi32>, vector<16xi32>], vector<16xf32>,
        %mul3A_1241 = arith.constant 6.250000e-02 : f32
        %mul3A_1242 = vector.broadcast %mul3A_1241 : f32 to vector<16xf32>
        %mul3A_1243 = arith.mulf %gather3A_1240, %mul3A_1242 : vector<16xf32>
        %add3A_1244 = arith.addf %add3A_1239, %mul3A_1243 : vector<16xf32>
        %get3A_1245 = arith.index_cast %add3A_1228 : i32 to index
        %get3A_1246 = arith.constant 48 : index
        %get3A_1247 = tpu.vector_load %arg26[%get3A_1245, %get3A_1246] {strides = array<i32>} : memref<64x64xf32, #tpu.memory_space<vmem>>, vector<16xf32>,
        %mul3A_1248 = arith.constant 1.562500e-02 : f32
        %mul3A_1249 = vector.broadcast %mul3A_1248 : f32 to vector<16xf32>
        %mul3A_1250 = arith.mulf %get3A_1247, %mul3A_1249 : vector<16xf32>
        %get3A_1251 = arith.index_cast %add3A_1228 : i32 to index
        %get3A_1252 = arith.constant 48 : index
        %get3A_1253 = tpu.vector_load %arg27[%get3A_1251, %get3A_1252] {strides = array<i32>} : memref<64x64xf32, #tpu.memory_space<vmem>>, vector<16xf32>,
        %mul3A_1254 = arith.constant 6.250000e-02 : f32
        %mul3A_1255 = vector.broadcast %mul3A_1254 : f32 to vector<16xf32>
        %mul3A_1256 = arith.mulf %get3A_1253, %mul3A_1255 : vector<16xf32>
        %add3A_1257 = arith.addf %mul3A_1250, %mul3A_1256 : vector<16xf32>
        %add3A_1258 = arith.addf %add3A_1244, %add3A_1257 : vector<16xf32>
        %add3A_1259 = arith.addf %mul3A_1222, %add3A_1258 : vector<16xf32>
        %mul3A_1260 = arith.constant 8 : i32
        %mul3A_1261 = arith.muli %scan3A_191, %mul3A_1260 : i32
        %add3A_1262 = arith.constant 1 : i32
        %add3A_1263 = arith.addi %mul3A_1261, %add3A_1262 : i32
        %get3A_1264 = arith.index_cast %add3A_1263 : i32 to index
        %get3A_1265 = arith.constant 32 : index
        %get3A_1266 = tpu.vector_load %arg29[%get3A_1264, %get3A_1265] {strides = array<i32>} : memref<64x48xf32, #tpu.memory_space<vmem>>, vector<16xf32>,
        %mul3A_1267 = arith.constant 6.250000e-02 : f32
        %mul3A_1268 = vector.broadcast %mul3A_1267 : f32 to vector<16xf32>
        %mul3A_1269 = arith.mulf %get3A_1266, %mul3A_1268 : vector<16xf32>
        %gather3A_1270 = tpu.vector_load_idx %arg14[%gather3A_212, %add3A_1218] : memref<1000x64xf32, #tpu.memory_space<vmem>>[vector<16xi32>, vector<16xi32>], vector<16xf32>,
        %mul3A_1271 = arith.constant 4.687500e-02 : f32
        %mul3A_1272 = vector.broadcast %mul3A_1271 : f32 to vector<16xf32>
        %mul3A_1273 = arith.mulf %gather3A_1270, %mul3A_1272 : vector<16xf32>
        %add3A_1274 = arith.addf %mul3A_1269, %mul3A_1273 : vector<16xf32>
        %gather3A_1275 = tpu.vector_load_idx %arg14[%gather3A_284, %add3A_1218] : memref<1000x64xf32, #tpu.memory_space<vmem>>[vector<16xi32>, vector<16xi32>], vector<16xf32>,
        %mul3A_1276 = arith.constant 6.250000e-02 : f32
        %mul3A_1277 = vector.broadcast %mul3A_1276 : f32 to vector<16xf32>
        %mul3A_1278 = arith.mulf %gather3A_1275, %mul3A_1277 : vector<16xf32>
        %add3A_1279 = arith.addf %add3A_1274, %mul3A_1278 : vector<16xf32>
        %get3A_1280 = arith.index_cast %add3A_1263 : i32 to index
        %get3A_1281 = arith.constant 48 : index
        %get3A_1282 = tpu.vector_load %arg26[%get3A_1280, %get3A_1281] {strides = array<i32>} : memref<64x64xf32, #tpu.memory_space<vmem>>, vector<16xf32>,
        %mul3A_1283 = arith.constant 1.562500e-02 : f32
        %mul3A_1284 = vector.broadcast %mul3A_1283 : f32 to vector<16xf32>
        %mul3A_1285 = arith.mulf %get3A_1282, %mul3A_1284 : vector<16xf32>
        %get3A_1286 = arith.index_cast %add3A_1263 : i32 to index
        %get3A_1287 = arith.constant 48 : index
        %get3A_1288 = tpu.vector_load %arg27[%get3A_1286, %get3A_1287] {strides = array<i32>} : memref<64x64xf32, #tpu.memory_space<vmem>>, vector<16xf32>,
        %mul3A_1289 = arith.constant 6.250000e-02 : f32
        %mul3A_1290 = vector.broadcast %mul3A_1289 : f32 to vector<16xf32>
        %mul3A_1291 = arith.mulf %get3A_1288, %mul3A_1290 : vector<16xf32>
        %add3A_1292 = arith.addf %mul3A_1285, %mul3A_1291 : vector<16xf32>
        %add3A_1293 = arith.addf %add3A_1279, %add3A_1292 : vector<16xf32>
        %add3A_1294 = arith.addf %broadcast_in_dim3A_1224, %add3A_1293 : vector<16xf32>
        %mul3A_1295 = arith.constant 8 : i32
        %mul3A_1296 = arith.muli %scan3A_191, %mul3A_1295 : i32
        %add3A_1297 = arith.constant 2 : i32
        %add3A_1298 = arith.addi %mul3A_1296, %add3A_1297 : i32
        %get3A_1299 = arith.index_cast %add3A_1298 : i32 to index
        %get3A_1300 = arith.constant 32 : index
        %get3A_1301 = tpu.vector_load %arg29[%get3A_1299, %get3A_1300] {strides = array<i32>} : memref<64x48xf32, #tpu.memory_space<vmem>>, vector<16xf32>,
        %mul3A_1302 = arith.constant 6.250000e-02 : f32
        %mul3A_1303 = vector.broadcast %mul3A_1302 : f32 to vector<16xf32>
        %mul3A_1304 = arith.mulf %get3A_1301, %mul3A_1303 : vector<16xf32>
        %gather3A_1305 = tpu.vector_load_idx %arg14[%gather3A_221, %add3A_1218] : memref<1000x64xf32, #tpu.memory_space<vmem>>[vector<16xi32>, vector<16xi32>], vector<16xf32>,
        %mul3A_1306 = arith.constant 4.687500e-02 : f32
        %mul3A_1307 = vector.broadcast %mul3A_1306 : f32 to vector<16xf32>
        %mul3A_1308 = arith.mulf %gather3A_1305, %mul3A_1307 : vector<16xf32>
        %add3A_1309 = arith.addf %mul3A_1304, %mul3A_1308 : vector<16xf32>
        %gather3A_1310 = tpu.vector_load_idx %arg14[%gather3A_293, %add3A_1218] : memref<1000x64xf32, #tpu.memory_space<vmem>>[vector<16xi32>, vector<16xi32>], vector<16xf32>,
        %mul3A_1311 = arith.constant 6.250000e-02 : f32
        %mul3A_1312 = vector.broadcast %mul3A_1311 : f32 to vector<16xf32>
        %mul3A_1313 = arith.mulf %gather3A_1310, %mul3A_1312 : vector<16xf32>
        %add3A_1314 = arith.addf %add3A_1309, %mul3A_1313 : vector<16xf32>
        %get3A_1315 = arith.index_cast %add3A_1298 : i32 to index
        %get3A_1316 = arith.constant 48 : index
        %get3A_1317 = tpu.vector_load %arg26[%get3A_1315, %get3A_1316] {strides = array<i32>} : memref<64x64xf32, #tpu.memory_space<vmem>>, vector<16xf32>,
        %mul3A_1318 = arith.constant 1.562500e-02 : f32
        %mul3A_1319 = vector.broadcast %mul3A_1318 : f32 to vector<16xf32>
        %mul3A_1320 = arith.mulf %get3A_1317, %mul3A_1319 : vector<16xf32>
        %get3A_1321 = arith.index_cast %add3A_1298 : i32 to index
        %get3A_1322 = arith.constant 48 : index
        %get3A_1323 = tpu.vector_load %arg27[%get3A_1321, %get3A_1322] {strides = array<i32>} : memref<64x64xf32, #tpu.memory_space<vmem>>, vector<16xf32>,
        %mul3A_1324 = arith.constant 6.250000e-02 : f32
        %mul3A_1325 = vector.broadcast %mul3A_1324 : f32 to vector<16xf32>
        %mul3A_1326 = arith.mulf %get3A_1323, %mul3A_1325 : vector<16xf32>
        %add3A_1327 = arith.addf %mul3A_1320, %mul3A_1326 : vector<16xf32>
        %add3A_1328 = arith.addf %add3A_1314, %add3A_1327 : vector<16xf32>
        %add3A_1329 = arith.addf %add3A_1259, %add3A_1328 : vector<16xf32>
        %mul3A_1330 = arith.constant 8 : i32
        %mul3A_1331 = arith.muli %scan3A_191, %mul3A_1330 : i32
        %add3A_1332 = arith.constant 3 : i32
        %add3A_1333 = arith.addi %mul3A_1331, %add3A_1332 : i32
        %get3A_1334 = arith.index_cast %add3A_1333 : i32 to index
        %get3A_1335 = arith.constant 32 : index
        %get3A_1336 = tpu.vector_load %arg29[%get3A_1334, %get3A_1335] {strides = array<i32>} : memref<64x48xf32, #tpu.memory_space<vmem>>, vector<16xf32>,
        %mul3A_1337 = arith.constant 6.250000e-02 : f32
        %mul3A_1338 = vector.broadcast %mul3A_1337 : f32 to vector<16xf32>
        %mul3A_1339 = arith.mulf %get3A_1336, %mul3A_1338 : vector<16xf32>
        %gather3A_1340 = tpu.vector_load_idx %arg14[%gather3A_230, %add3A_1218] : memref<1000x64xf32, #tpu.memory_space<vmem>>[vector<16xi32>, vector<16xi32>], vector<16xf32>,
        %mul3A_1341 = arith.constant 4.687500e-02 : f32
        %mul3A_1342 = vector.broadcast %mul3A_1341 : f32 to vector<16xf32>
        %mul3A_1343 = arith.mulf %gather3A_1340, %mul3A_1342 : vector<16xf32>
        %add3A_1344 = arith.addf %mul3A_1339, %mul3A_1343 : vector<16xf32>
        %gather3A_1345 = tpu.vector_load_idx %arg14[%gather3A_302, %add3A_1218] : memref<1000x64xf32, #tpu.memory_space<vmem>>[vector<16xi32>, vector<16xi32>], vector<16xf32>,
        %mul3A_1346 = arith.constant 6.250000e-02 : f32
        %mul3A_1347 = vector.broadcast %mul3A_1346 : f32 to vector<16xf32>
        %mul3A_1348 = arith.mulf %gather3A_1345, %mul3A_1347 : vector<16xf32>
        %add3A_1349 = arith.addf %add3A_1344, %mul3A_1348 : vector<16xf32>
        %get3A_1350 = arith.index_cast %add3A_1333 : i32 to index
        %get3A_1351 = arith.constant 48 : index
        %get3A_1352 = tpu.vector_load %arg26[%get3A_1350, %get3A_1351] {strides = array<i32>} : memref<64x64xf32, #tpu.memory_space<vmem>>, vector<16xf32>,
        %mul3A_1353 = arith.constant 1.562500e-02 : f32
        %mul3A_1354 = vector.broadcast %mul3A_1353 : f32 to vector<16xf32>
        %mul3A_1355 = arith.mulf %get3A_1352, %mul3A_1354 : vector<16xf32>
        %get3A_1356 = arith.index_cast %add3A_1333 : i32 to index
        %get3A_1357 = arith.constant 48 : index
        %get3A_1358 = tpu.vector_load %arg27[%get3A_1356, %get3A_1357] {strides = array<i32>} : memref<64x64xf32, #tpu.memory_space<vmem>>, vector<16xf32>,
        %mul3A_1359 = arith.constant 6.250000e-02 : f32
        %mul3A_1360 = vector.broadcast %mul3A_1359 : f32 to vector<16xf32>
        %mul3A_1361 = arith.mulf %get3A_1358, %mul3A_1360 : vector<16xf32>
        %add3A_1362 = arith.addf %mul3A_1355, %mul3A_1361 : vector<16xf32>
        %add3A_1363 = arith.addf %add3A_1349, %add3A_1362 : vector<16xf32>
        %add3A_1364 = arith.addf %add3A_1294, %add3A_1363 : vector<16xf32>
        %mul3A_1365 = arith.constant 8 : i32
        %mul3A_1366 = arith.muli %scan3A_191, %mul3A_1365 : i32
        %add3A_1367 = arith.constant 4 : i32
        %add3A_1368 = arith.addi %mul3A_1366, %add3A_1367 : i32
        %get3A_1369 = arith.index_cast %add3A_1368 : i32 to index
        %get3A_1370 = arith.constant 32 : index
        %get3A_1371 = tpu.vector_load %arg29[%get3A_1369, %get3A_1370] {strides = array<i32>} : memref<64x48xf32, #tpu.memory_space<vmem>>, vector<16xf32>,
        %mul3A_1372 = arith.constant 6.250000e-02 : f32
        %mul3A_1373 = vector.broadcast %mul3A_1372 : f32 to vector<16xf32>
        %mul3A_1374 = arith.mulf %get3A_1371, %mul3A_1373 : vector<16xf32>
        %gather3A_1375 = tpu.vector_load_idx %arg14[%gather3A_239, %add3A_1218] : memref<1000x64xf32, #tpu.memory_space<vmem>>[vector<16xi32>, vector<16xi32>], vector<16xf32>,
        %mul3A_1376 = arith.constant 4.687500e-02 : f32
        %mul3A_1377 = vector.broadcast %mul3A_1376 : f32 to vector<16xf32>
        %mul3A_1378 = arith.mulf %gather3A_1375, %mul3A_1377 : vector<16xf32>
        %add3A_1379 = arith.addf %mul3A_1374, %mul3A_1378 : vector<16xf32>
        %gather3A_1380 = tpu.vector_load_idx %arg14[%gather3A_311, %add3A_1218] : memref<1000x64xf32, #tpu.memory_space<vmem>>[vector<16xi32>, vector<16xi32>], vector<16xf32>,
        %mul3A_1381 = arith.constant 6.250000e-02 : f32
        %mul3A_1382 = vector.broadcast %mul3A_1381 : f32 to vector<16xf32>
        %mul3A_1383 = arith.mulf %gather3A_1380, %mul3A_1382 : vector<16xf32>
        %add3A_1384 = arith.addf %add3A_1379, %mul3A_1383 : vector<16xf32>
        %get3A_1385 = arith.index_cast %add3A_1368 : i32 to index
        %get3A_1386 = arith.constant 48 : index
        %get3A_1387 = tpu.vector_load %arg26[%get3A_1385, %get3A_1386] {strides = array<i32>} : memref<64x64xf32, #tpu.memory_space<vmem>>, vector<16xf32>,
        %mul3A_1388 = arith.constant 1.562500e-02 : f32
        %mul3A_1389 = vector.broadcast %mul3A_1388 : f32 to vector<16xf32>
        %mul3A_1390 = arith.mulf %get3A_1387, %mul3A_1389 : vector<16xf32>
        %get3A_1391 = arith.index_cast %add3A_1368 : i32 to index
        %get3A_1392 = arith.constant 48 : index
        %get3A_1393 = tpu.vector_load %arg27[%get3A_1391, %get3A_1392] {strides = array<i32>} : memref<64x64xf32, #tpu.memory_space<vmem>>, vector<16xf32>,
        %mul3A_1394 = arith.constant 6.250000e-02 : f32
        %mul3A_1395 = vector.broadcast %mul3A_1394 : f32 to vector<16xf32>
        %mul3A_1396 = arith.mulf %get3A_1393, %mul3A_1395 : vector<16xf32>
        %add3A_1397 = arith.addf %mul3A_1390, %mul3A_1396 : vector<16xf32>
        %add3A_1398 = arith.addf %add3A_1384, %add3A_1397 : vector<16xf32>
        %add3A_1399 = arith.addf %add3A_1329, %add3A_1398 : vector<16xf32>
        %mul3A_1400 = arith.constant 8 : i32
        %mul3A_1401 = arith.muli %scan3A_191, %mul3A_1400 : i32
        %add3A_1402 = arith.constant 5 : i32
        %add3A_1403 = arith.addi %mul3A_1401, %add3A_1402 : i32
        %get3A_1404 = arith.index_cast %add3A_1403 : i32 to index
        %get3A_1405 = arith.constant 32 : index
        %get3A_1406 = tpu.vector_load %arg29[%get3A_1404, %get3A_1405] {strides = array<i32>} : memref<64x48xf32, #tpu.memory_space<vmem>>, vector<16xf32>,
        %mul3A_1407 = arith.constant 6.250000e-02 : f32
        %mul3A_1408 = vector.broadcast %mul3A_1407 : f32 to vector<16xf32>
        %mul3A_1409 = arith.mulf %get3A_1406, %mul3A_1408 : vector<16xf32>
        %gather3A_1410 = tpu.vector_load_idx %arg14[%gather3A_248, %add3A_1218] : memref<1000x64xf32, #tpu.memory_space<vmem>>[vector<16xi32>, vector<16xi32>], vector<16xf32>,
        %mul3A_1411 = arith.constant 4.687500e-02 : f32
        %mul3A_1412 = vector.broadcast %mul3A_1411 : f32 to vector<16xf32>
        %mul3A_1413 = arith.mulf %gather3A_1410, %mul3A_1412 : vector<16xf32>
        %add3A_1414 = arith.addf %mul3A_1409, %mul3A_1413 : vector<16xf32>
        %gather3A_1415 = tpu.vector_load_idx %arg14[%gather3A_320, %add3A_1218] : memref<1000x64xf32, #tpu.memory_space<vmem>>[vector<16xi32>, vector<16xi32>], vector<16xf32>,
        %mul3A_1416 = arith.constant 6.250000e-02 : f32
        %mul3A_1417 = vector.broadcast %mul3A_1416 : f32 to vector<16xf32>
        %mul3A_1418 = arith.mulf %gather3A_1415, %mul3A_1417 : vector<16xf32>
        %add3A_1419 = arith.addf %add3A_1414, %mul3A_1418 : vector<16xf32>
        %get3A_1420 = arith.index_cast %add3A_1403 : i32 to index
        %get3A_1421 = arith.constant 48 : index
        %get3A_1422 = tpu.vector_load %arg26[%get3A_1420, %get3A_1421] {strides = array<i32>} : memref<64x64xf32, #tpu.memory_space<vmem>>, vector<16xf32>,
        %mul3A_1423 = arith.constant 1.562500e-02 : f32
        %mul3A_1424 = vector.broadcast %mul3A_1423 : f32 to vector<16xf32>
        %mul3A_1425 = arith.mulf %get3A_1422, %mul3A_1424 : vector<16xf32>
        %get3A_1426 = arith.index_cast %add3A_1403 : i32 to index
        %get3A_1427 = arith.constant 48 : index
        %get3A_1428 = tpu.vector_load %arg27[%get3A_1426, %get3A_1427] {strides = array<i32>} : memref<64x64xf32, #tpu.memory_space<vmem>>, vector<16xf32>,
        %mul3A_1429 = arith.constant 6.250000e-02 : f32
        %mul3A_1430 = vector.broadcast %mul3A_1429 : f32 to vector<16xf32>
        %mul3A_1431 = arith.mulf %get3A_1428, %mul3A_1430 : vector<16xf32>
        %add3A_1432 = arith.addf %mul3A_1425, %mul3A_1431 : vector<16xf32>
        %add3A_1433 = arith.addf %add3A_1419, %add3A_1432 : vector<16xf32>
        %add3A_1434 = arith.addf %add3A_1364, %add3A_1433 : vector<16xf32>
        %mul3A_1435 = arith.constant 8 : i32
        %mul3A_1436 = arith.muli %scan3A_191, %mul3A_1435 : i32
        %add3A_1437 = arith.constant 6 : i32
        %add3A_1438 = arith.addi %mul3A_1436, %add3A_1437 : i32
        %get3A_1439 = arith.index_cast %add3A_1438 : i32 to index
        %get3A_1440 = arith.constant 32 : index
        %get3A_1441 = tpu.vector_load %arg29[%get3A_1439, %get3A_1440] {strides = array<i32>} : memref<64x48xf32, #tpu.memory_space<vmem>>, vector<16xf32>,
        %mul3A_1442 = arith.constant 6.250000e-02 : f32
        %mul3A_1443 = vector.broadcast %mul3A_1442 : f32 to vector<16xf32>
        %mul3A_1444 = arith.mulf %get3A_1441, %mul3A_1443 : vector<16xf32>
        %gather3A_1445 = tpu.vector_load_idx %arg14[%gather3A_257, %add3A_1218] : memref<1000x64xf32, #tpu.memory_space<vmem>>[vector<16xi32>, vector<16xi32>], vector<16xf32>,
        %mul3A_1446 = arith.constant 4.687500e-02 : f32
        %mul3A_1447 = vector.broadcast %mul3A_1446 : f32 to vector<16xf32>
        %mul3A_1448 = arith.mulf %gather3A_1445, %mul3A_1447 : vector<16xf32>
        %add3A_1449 = arith.addf %mul3A_1444, %mul3A_1448 : vector<16xf32>
        %gather3A_1450 = tpu.vector_load_idx %arg14[%gather3A_329, %add3A_1218] : memref<1000x64xf32, #tpu.memory_space<vmem>>[vector<16xi32>, vector<16xi32>], vector<16xf32>,
        %mul3A_1451 = arith.constant 6.250000e-02 : f32
        %mul3A_1452 = vector.broadcast %mul3A_1451 : f32 to vector<16xf32>
        %mul3A_1453 = arith.mulf %gather3A_1450, %mul3A_1452 : vector<16xf32>
        %add3A_1454 = arith.addf %add3A_1449, %mul3A_1453 : vector<16xf32>
        %get3A_1455 = arith.index_cast %add3A_1438 : i32 to index
        %get3A_1456 = arith.constant 48 : index
        %get3A_1457 = tpu.vector_load %arg26[%get3A_1455, %get3A_1456] {strides = array<i32>} : memref<64x64xf32, #tpu.memory_space<vmem>>, vector<16xf32>,
        %mul3A_1458 = arith.constant 1.562500e-02 : f32
        %mul3A_1459 = vector.broadcast %mul3A_1458 : f32 to vector<16xf32>
        %mul3A_1460 = arith.mulf %get3A_1457, %mul3A_1459 : vector<16xf32>
        %get3A_1461 = arith.index_cast %add3A_1438 : i32 to index
        %get3A_1462 = arith.constant 48 : index
        %get3A_1463 = tpu.vector_load %arg27[%get3A_1461, %get3A_1462] {strides = array<i32>} : memref<64x64xf32, #tpu.memory_space<vmem>>, vector<16xf32>,
        %mul3A_1464 = arith.constant 6.250000e-02 : f32
        %mul3A_1465 = vector.broadcast %mul3A_1464 : f32 to vector<16xf32>
        %mul3A_1466 = arith.mulf %get3A_1463, %mul3A_1465 : vector<16xf32>
        %add3A_1467 = arith.addf %mul3A_1460, %mul3A_1466 : vector<16xf32>
        %add3A_1468 = arith.addf %add3A_1454, %add3A_1467 : vector<16xf32>
        %add3A_1469 = arith.addf %add3A_1399, %add3A_1468 : vector<16xf32>
        %mul3A_1470 = arith.constant 8 : i32
        %mul3A_1471 = arith.muli %scan3A_191, %mul3A_1470 : i32
        %add3A_1472 = arith.constant 7 : i32
        %add3A_1473 = arith.addi %mul3A_1471, %add3A_1472 : i32
        %get3A_1474 = arith.index_cast %add3A_1473 : i32 to index
        %get3A_1475 = arith.constant 32 : index
        %get3A_1476 = tpu.vector_load %arg29[%get3A_1474, %get3A_1475] {strides = array<i32>} : memref<64x48xf32, #tpu.memory_space<vmem>>, vector<16xf32>,
        %mul3A_1477 = arith.constant 6.250000e-02 : f32
        %mul3A_1478 = vector.broadcast %mul3A_1477 : f32 to vector<16xf32>
        %mul3A_1479 = arith.mulf %get3A_1476, %mul3A_1478 : vector<16xf32>
        %gather3A_1480 = tpu.vector_load_idx %arg14[%gather3A_266, %add3A_1218] : memref<1000x64xf32, #tpu.memory_space<vmem>>[vector<16xi32>, vector<16xi32>], vector<16xf32>,
        %mul3A_1481 = arith.constant 4.687500e-02 : f32
        %mul3A_1482 = vector.broadcast %mul3A_1481 : f32 to vector<16xf32>
        %mul3A_1483 = arith.mulf %gather3A_1480, %mul3A_1482 : vector<16xf32>
        %add3A_1484 = arith.addf %mul3A_1479, %mul3A_1483 : vector<16xf32>
        %gather3A_1485 = tpu.vector_load_idx %arg14[%gather3A_338, %add3A_1218] : memref<1000x64xf32, #tpu.memory_space<vmem>>[vector<16xi32>, vector<16xi32>], vector<16xf32>,
        %mul3A_1486 = arith.constant 6.250000e-02 : f32
        %mul3A_1487 = vector.broadcast %mul3A_1486 : f32 to vector<16xf32>
        %mul3A_1488 = arith.mulf %gather3A_1485, %mul3A_1487 : vector<16xf32>
        %add3A_1489 = arith.addf %add3A_1484, %mul3A_1488 : vector<16xf32>
        %get3A_1490 = arith.index_cast %add3A_1473 : i32 to index
        %get3A_1491 = arith.constant 48 : index
        %get3A_1492 = tpu.vector_load %arg26[%get3A_1490, %get3A_1491] {strides = array<i32>} : memref<64x64xf32, #tpu.memory_space<vmem>>, vector<16xf32>,
        %mul3A_1493 = arith.constant 1.562500e-02 : f32
        %mul3A_1494 = vector.broadcast %mul3A_1493 : f32 to vector<16xf32>
        %mul3A_1495 = arith.mulf %get3A_1492, %mul3A_1494 : vector<16xf32>
        %get3A_1496 = arith.index_cast %add3A_1473 : i32 to index
        %get3A_1497 = arith.constant 48 : index
        %get3A_1498 = tpu.vector_load %arg27[%get3A_1496, %get3A_1497] {strides = array<i32>} : memref<64x64xf32, #tpu.memory_space<vmem>>, vector<16xf32>,
        %mul3A_1499 = arith.constant 6.250000e-02 : f32
        %mul3A_1500 = vector.broadcast %mul3A_1499 : f32 to vector<16xf32>
        %mul3A_1501 = arith.mulf %get3A_1498, %mul3A_1500 : vector<16xf32>
        %add3A_1502 = arith.addf %mul3A_1495, %mul3A_1501 : vector<16xf32>
        %add3A_1503 = arith.addf %add3A_1489, %add3A_1502 : vector<16xf32>
        %add3A_1504 = arith.addf %add3A_1434, %add3A_1503 : vector<16xf32>
        %add3A_1505 = arith.addf %add3A_1469, %add3A_1504 : vector<16xf32>
        %swap3A_1506 = arith.index_cast %scan3A_191 : i32 to index
        %swap3A_1507 = arith.constant 48 : index
        %swap3A_1508 = tpu.vector_load %arg31[%swap3A_1506, %swap3A_1507] {strides = array<i32>} : memref<8x64xf32, #tpu.memory_space<vmem>>, vector<16xf32>,
        tpu.vector_store %arg31[%swap3A_1506, %swap3A_1507], %add3A_1505 {strides = array<i32>} : memref<8x64xf32, #tpu.memory_space<vmem>>, vector<16xf32>,
      }
      %scan3A_174 = arith.constant 8 : i32
      %mul3A_175 = arith.constant 512 : i32
      %mul3A_176 = arith.muli %add3A, %mul3A_175 : i32
      %mul3A_177 = arith.constant 8 : i32
      %mul3A_178 = arith.muli %add3A_139, %mul3A_177 : i32
      %add3A_179 = arith.addi %mul3A_176, %mul3A_178 : i32
      %dma_start3A_180 = arith.constant 0 : i32
      %dma_start3A_181 = tpu.memref_slice %arg13[%add3A_179, %dma_start3A_180] : memref<16384x64xf32, #tpu.memory_space<hbm>> -> memref<8x64xf32, #tpu.memory_space<hbm>>
      %dma_start3A_182 = arith.constant 0 : i32
      %dma_start3A_183 = tpu.memref_slice %arg13[%add3A_179, %dma_start3A_182] : memref<16384x64xf32, #tpu.memory_space<hbm>> -> memref<8x64xf32, #tpu.memory_space<hbm>>
      tpu.enqueue_dma source(%arg31 : memref<8x64xf32, #tpu.memory_space<vmem>>) target(%dma_start3A_183 : memref<8x64xf32, #tpu.memory_space<hbm>>) target_semaphore(%arg35 : memref<!tpu.dma_semaphore, #tpu.memory_space<semaphore_mem>>)
      %add3A_184 = arith.constant 2 : i32
      %add3A_185 = arith.addi %add3A_139, %add3A_184 : i32
      %lt3A_186 = arith.constant 64 : i32
      %lt3A_187 = arith.cmpi slt, %add3A_185, %lt3A_186 : i32
      %convert_element_type3A_188 = arith.extui %lt3A_187 : i1 to i32
      %cond3A_189 = arith.constant 0 : i32
      %cond3A_190 = arith.cmpi ne, %convert_element_type3A_188, %cond3A_189 : i32
      scf.if %cond3A_190 {
        %add3A_191 = arith.constant 2 : i32
        %add3A_192 = arith.addi %add3A_139, %add3A_191 : i32
        %mul3A_193 = arith.constant 64 : i32
        %mul3A_194 = arith.muli %add3A_192, %mul3A_193 : i32
        %mul3A_195 = arith.constant 64 : i32
        %mul3A_196 = arith.muli %add3A_192, %mul3A_195 : i32
        %mul3A_197 = arith.constant 64 : i32
        %mul3A_198 = arith.muli %add3A_192, %mul3A_197 : i32
        %mul3A_199 = arith.constant 64 : i32
        %mul3A_200 = arith.muli %add3A_192, %mul3A_199 : i32
        %dma_start3A_201 = tpu.memref_slice %arg17[%mul3A_194] : memref<4096xi32, #tpu.memory_space<vmem>> -> memref<64xi32, #tpu.memory_space<vmem>>
        %dma_start3A_202 = arith.constant 0 : i32
        %dma_start3A_203 = arith.constant 0 : i32
        %dma_start3A_204 = tpu.memref_slice %arg10[%dma_start3A_202, %dma_start3A_203] : memref<100000x64xf32, #tpu.memory_space<hbm>> -> memref<100000x64xf32, #tpu.memory_space<hbm>>
        tpu.enqueue_indirect_dma source(%dma_start3A_204 : memref<100000x64xf32, #tpu.memory_space<hbm>>) target(%arg26 : memref<64x64xf32, #tpu.memory_space<vmem>>) offsets(%dma_start3A_201 : memref<64xi32, #tpu.memory_space<vmem>>) semaphore(%arg33 : memref<!tpu.dma_semaphore, #tpu.memory_space<semaphore_mem>>)
        %dma_start3A_205 = tpu.memref_slice %arg19[%mul3A_196] : memref<4096xi32, #tpu.memory_space<vmem>> -> memref<64xi32, #tpu.memory_space<vmem>>
        %dma_start3A_206 = arith.constant 0 : i32
        %dma_start3A_207 = arith.constant 0 : i32
        %dma_start3A_208 = tpu.memref_slice %arg10[%dma_start3A_206, %dma_start3A_207] : memref<100000x64xf32, #tpu.memory_space<hbm>> -> memref<100000x64xf32, #tpu.memory_space<hbm>>
        tpu.enqueue_indirect_dma source(%dma_start3A_208 : memref<100000x64xf32, #tpu.memory_space<hbm>>) target(%arg27 : memref<64x64xf32, #tpu.memory_space<vmem>>) offsets(%dma_start3A_205 : memref<64xi32, #tpu.memory_space<vmem>>) semaphore(%arg33 : memref<!tpu.dma_semaphore, #tpu.memory_space<semaphore_mem>>)
        %dma_start3A_209 = tpu.memref_slice %arg20[%mul3A_198] : memref<4096xi32, #tpu.memory_space<vmem>> -> memref<64xi32, #tpu.memory_space<vmem>>
        %dma_start3A_210 = arith.constant 0 : i32
        %dma_start3A_211 = arith.constant 0 : i32
        %dma_start3A_212 = tpu.memref_slice %arg11[%dma_start3A_210, %dma_start3A_211] : memref<100000x16xf32, #tpu.memory_space<hbm>> -> memref<100000x16xf32, #tpu.memory_space<hbm>>
        tpu.enqueue_indirect_dma source(%dma_start3A_212 : memref<100000x16xf32, #tpu.memory_space<hbm>>) target(%arg28 : memref<64x16xf32, #tpu.memory_space<vmem>>) offsets(%dma_start3A_209 : memref<64xi32, #tpu.memory_space<vmem>>) semaphore(%arg33 : memref<!tpu.dma_semaphore, #tpu.memory_space<semaphore_mem>>)
        %dma_start3A_213 = tpu.memref_slice %arg21[%mul3A_200] : memref<4096xi32, #tpu.memory_space<vmem>> -> memref<64xi32, #tpu.memory_space<vmem>>
        %dma_start3A_214 = arith.constant 0 : i32
        %dma_start3A_215 = arith.constant 0 : i32
        %dma_start3A_216 = tpu.memref_slice %arg12[%dma_start3A_214, %dma_start3A_215] : memref<100000x48xf32, #tpu.memory_space<hbm>> -> memref<100000x48xf32, #tpu.memory_space<hbm>>
        tpu.enqueue_indirect_dma source(%dma_start3A_216 : memref<100000x48xf32, #tpu.memory_space<hbm>>) target(%arg29 : memref<64x48xf32, #tpu.memory_space<vmem>>) offsets(%dma_start3A_213 : memref<64xi32, #tpu.memory_space<vmem>>) semaphore(%arg33 : memref<!tpu.dma_semaphore, #tpu.memory_space<semaphore_mem>>)
      } else {
      }
    }
    %scan3A_70 = arith.constant 32 : i32
    %mul3A_71 = arith.constant 512 : i32
    %mul3A_72 = arith.muli %add3A, %mul3A_71 : i32
    %add3A_73 = arith.constant 496 : i32
    %add3A_74 = arith.addi %mul3A_72, %add3A_73 : i32
    %dma_wait3A = arith.constant 0 : i32
    %dma_wait3A_75 = tpu.memref_slice %arg13[%add3A_74, %dma_wait3A] : memref<16384x64xf32, #tpu.memory_space<hbm>> -> memref<8x64xf32, #tpu.memory_space<hbm>>
    %dma_wait3A_76 = arith.constant 0 : i32
    %dma_wait3A_77 = tpu.memref_slice %arg13[%add3A_74, %dma_wait3A_76] : memref<16384x64xf32, #tpu.memory_space<hbm>> -> memref<8x64xf32, #tpu.memory_space<hbm>>
    tpu.wait_dma2 semaphore(%arg34 : memref<!tpu.dma_semaphore, #tpu.memory_space<semaphore_mem>>) src(%arg30 : memref<8x64xf32, #tpu.memory_space<vmem>>) dst(%dma_wait3A_77 : memref<8x64xf32, #tpu.memory_space<hbm>>)
    %mul3A_78 = arith.constant 512 : i32
    %mul3A_79 = arith.muli %add3A, %mul3A_78 : i32
    %add3A_80 = arith.constant 504 : i32
    %add3A_81 = arith.addi %mul3A_79, %add3A_80 : i32
    %dma_wait3A_82 = arith.constant 0 : i32
    %dma_wait3A_83 = tpu.memref_slice %arg13[%add3A_81, %dma_wait3A_82] : memref<16384x64xf32, #tpu.memory_space<hbm>> -> memref<8x64xf32, #tpu.memory_space<hbm>>
    %dma_wait3A_84 = arith.constant 0 : i32
    %dma_wait3A_85 = tpu.memref_slice %arg13[%add3A_81, %dma_wait3A_84] : memref<16384x64xf32, #tpu.memory_space<hbm>> -> memref<8x64xf32, #tpu.memory_space<hbm>>
    tpu.wait_dma2 semaphore(%arg35 : memref<!tpu.dma_semaphore, #tpu.memory_space<semaphore_mem>>) src(%arg31 : memref<8x64xf32, #tpu.memory_space<vmem>>) dst(%dma_wait3A_85 : memref<8x64xf32, #tpu.memory_space<hbm>>)
    return
  }
}

module attributes {stable_mosaic.version = 14 : i64} {
  func.func @_renorm_body(%arg0: i32, %arg1: memref<4096x384xf32, #tpu.memory_space<vmem>>, %arg2: memref<4096x384xf32, #tpu.memory_space<vmem>>) attributes {dimension_semantics = [#tpu.dimension_semantics<arbitrary>], iteration_bounds = array<i64: 4>, scalar_prefetch = 0 : i64, scratch_operands = 0 : i64, tpu.core_type = #tpu.core_type<tc>, window_params = [{transform_indices = @transform_0, window_bounds = array<i64: 4096, 384>}, {transform_indices = @transform_1, window_bounds = array<i64: 4096, 384>}]} {
    %get3A = arith.constant 0 : index
    %get3A_0 = arith.constant 0 : index
    %get3A_1 = vector.load %arg1[%get3A, %get3A_0] : memref<4096x384xf32, #tpu.memory_space<vmem>>, vector<4096x384xf32>
    %iota3A = tpu.iota {dimensions = array<i32: 0>} : vector<384x384xi32>
    %jit3A = arith.constant 48 : i32
    %div3A = vector.broadcast %jit3A : i32 to vector<384x384xi32>
    %div3A_2 = arith.divsi %iota3A, %div3A : vector<384x384xi32>
    %sign3A = arith.constant 0 : i32
    %sign3A_3 = vector.broadcast %sign3A : i32 to vector<384x384xi32>
    %sign3A_4 = arith.cmpi sgt, %iota3A, %sign3A_3 : vector<384x384xi32>
    %sign3A_5 = arith.extui %sign3A_4 : vector<384x384xi1> to vector<384x384xi32>
    %sign3A_6 = arith.constant 0 : i32
    %sign3A_7 = vector.broadcast %sign3A_6 : i32 to vector<384x384xi32>
    %sign3A_8 = arith.cmpi slt, %iota3A, %sign3A_7 : vector<384x384xi32>
    %sign3A_9 = arith.extui %sign3A_8 : vector<384x384xi1> to vector<384x384xi32>
    %sign3A_10 = arith.subi %sign3A_5, %sign3A_9 : vector<384x384xi32>
    %sign3A_11 = arith.constant 0 : i32
    %sign3A_12 = arith.cmpi sgt, %jit3A, %sign3A_11 : i32
    %sign3A_13 = arith.extui %sign3A_12 : i1 to i32
    %sign3A_14 = arith.constant 0 : i32
    %sign3A_15 = arith.cmpi slt, %jit3A, %sign3A_14 : i32
    %sign3A_16 = arith.extui %sign3A_15 : i1 to i32
    %sign3A_17 = arith.subi %sign3A_13, %sign3A_16 : i32
    %ne3A = vector.broadcast %sign3A_17 : i32 to vector<384x384xi32>
    %ne3A_18 = arith.cmpi ne, %sign3A_10, %ne3A : vector<384x384xi32>
    %rem3A = vector.broadcast %jit3A : i32 to vector<384x384xi32>
    %rem3A_19 = arith.remsi %iota3A, %rem3A : vector<384x384xi32>
    %ne3A_20 = arith.constant 0 : i32
    %ne3A_21 = vector.broadcast %ne3A_20 : i32 to vector<384x384xi32>
    %ne3A_22 = arith.cmpi ne, %rem3A_19, %ne3A_21 : vector<384x384xi32>
    %and3A = arith.andi %ne3A_18, %ne3A_22 : vector<384x384xi1>
    %sub3A = arith.constant 1 : i32
    %sub3A_23 = vector.broadcast %sub3A : i32 to vector<384x384xi32>
    %sub3A_24 = arith.subi %div3A_2, %sub3A_23 : vector<384x384xi32>
    %select_n3A = arith.select %and3A, %sub3A_24, %div3A_2 : vector<384x384xi1>, vector<384x384xi32>
    %iota3A_25 = tpu.iota {dimensions = array<i32: 1>} : vector<384x384xi32>
    %jit3A_26 = arith.constant 48 : i32
    %div3A_27 = vector.broadcast %jit3A_26 : i32 to vector<384x384xi32>
    %div3A_28 = arith.divsi %iota3A_25, %div3A_27 : vector<384x384xi32>
    %sign3A_29 = arith.constant 0 : i32
    %sign3A_30 = vector.broadcast %sign3A_29 : i32 to vector<384x384xi32>
    %sign3A_31 = arith.cmpi sgt, %iota3A_25, %sign3A_30 : vector<384x384xi32>
    %sign3A_32 = arith.extui %sign3A_31 : vector<384x384xi1> to vector<384x384xi32>
    %sign3A_33 = arith.constant 0 : i32
    %sign3A_34 = vector.broadcast %sign3A_33 : i32 to vector<384x384xi32>
    %sign3A_35 = arith.cmpi slt, %iota3A_25, %sign3A_34 : vector<384x384xi32>
    %sign3A_36 = arith.extui %sign3A_35 : vector<384x384xi1> to vector<384x384xi32>
    %sign3A_37 = arith.subi %sign3A_32, %sign3A_36 : vector<384x384xi32>
    %sign3A_38 = arith.constant 0 : i32
    %sign3A_39 = arith.cmpi sgt, %jit3A_26, %sign3A_38 : i32
    %sign3A_40 = arith.extui %sign3A_39 : i1 to i32
    %sign3A_41 = arith.constant 0 : i32
    %sign3A_42 = arith.cmpi slt, %jit3A_26, %sign3A_41 : i32
    %sign3A_43 = arith.extui %sign3A_42 : i1 to i32
    %sign3A_44 = arith.subi %sign3A_40, %sign3A_43 : i32
    %ne3A_45 = vector.broadcast %sign3A_44 : i32 to vector<384x384xi32>
    %ne3A_46 = arith.cmpi ne, %sign3A_37, %ne3A_45 : vector<384x384xi32>
    %rem3A_47 = vector.broadcast %jit3A_26 : i32 to vector<384x384xi32>
    %rem3A_48 = arith.remsi %iota3A_25, %rem3A_47 : vector<384x384xi32>
    %ne3A_49 = arith.constant 0 : i32
    %ne3A_50 = vector.broadcast %ne3A_49 : i32 to vector<384x384xi32>
    %ne3A_51 = arith.cmpi ne, %rem3A_48, %ne3A_50 : vector<384x384xi32>
    %and3A_52 = arith.andi %ne3A_46, %ne3A_51 : vector<384x384xi1>
    %sub3A_53 = arith.constant 1 : i32
    %sub3A_54 = vector.broadcast %sub3A_53 : i32 to vector<384x384xi32>
    %sub3A_55 = arith.subi %div3A_28, %sub3A_54 : vector<384x384xi32>
    %select_n3A_56 = arith.select %and3A_52, %sub3A_55, %div3A_28 : vector<384x384xi1>, vector<384x384xi32>
    %eq3A = arith.cmpi eq, %select_n3A, %select_n3A_56 : vector<384x384xi32>
    %convert_element_type3A = arith.extui %eq3A : vector<384x384xi1> to vector<384x384xi32>
    %convert_element_type3A_57 = arith.sitofp %convert_element_type3A : vector<384x384xi32> to vector<384x384xf32>
    %mul3A = arith.mulf %get3A_1, %get3A_1 : vector<4096x384xf32>
    %dot_general3A = arith.constant dense<0.000000e+00> : vector<4096x384xf32>
    %dot_general3A_58 = tpu.matmul %mul3A, %convert_element_type3A_57, %dot_general3A {dimension_numbers = #tpu.dot_dimension_numbers<[1], [0], [0], [1], [0, 0, 1, 1], [], []>, transpose_lhs_hint = false} : vector<4096x384xf32>, vector<384x384xf32>, vector<4096x384xf32> -> vector<4096x384xf32>
    %sqrt3A = math.sqrt %dot_general3A_58 : vector<4096x384xf32>
    %gt3A = arith.constant 2.000000e+00 : f32
    %gt3A_59 = vector.broadcast %gt3A : f32 to vector<4096x384xf32>
    %gt3A_60 = arith.cmpf ogt, %sqrt3A, %gt3A_59 : vector<4096x384xf32>
    %add3A = arith.constant 1.000000e-07 : f32
    %add3A_61 = vector.broadcast %add3A : f32 to vector<4096x384xf32>
    %add3A_62 = arith.addf %sqrt3A, %add3A_61 : vector<4096x384xf32>
    %div3A_63 = arith.constant 2.000000e+00 : f32
    %div3A_64 = vector.broadcast %div3A_63 : f32 to vector<4096x384xf32>
    %div3A_65 = arith.divf %div3A_64, %add3A_62 : vector<4096x384xf32>
    %jit3A_66 = arith.constant 1.000000e+00 : f32
    %broadcast_in_dim3A = vector.broadcast %jit3A_66 : f32 to vector<4096x384xf32>
    %select_n3A_67 = arith.select %gt3A_60, %div3A_65, %broadcast_in_dim3A : vector<4096x384xi1>, vector<4096x384xf32>
    %mul3A_68 = arith.mulf %get3A_1, %select_n3A_67 : vector<4096x384xf32>
    %swap3A = arith.constant 0 : index
    %swap3A_69 = arith.constant 0 : index
    %swap3A_70 = vector.load %arg2[%swap3A, %swap3A_69] : memref<4096x384xf32, #tpu.memory_space<vmem>>, vector<4096x384xf32>
    tpu.vector_store %arg2[%swap3A, %swap3A_69], %mul3A_68 {strides = array<i32>} : memref<4096x384xf32, #tpu.memory_space<vmem>>, vector<4096x384xf32>,
    return
  }
  func.func @transform_0(%arg0: i32) -> (i32, i32) {
    %c0_i32 = arith.constant 0 : i32
    %c0_i32_0 = arith.constant 0 : i32
    return %arg0, %c0_i32 : i32, i32
  }
  func.func @transform_1(%arg0: i32) -> (i32, i32) {
    %c0_i32 = arith.constant 0 : i32
    %c0_i32_0 = arith.constant 0 : i32
    return %arg0, %c0_i32 : i32, i32
  }
}

module attributes {stable_mosaic.version = 14 : i64} {
  func.func @_renorm_body(%arg0: i32, %arg1: memref<4096x128xf32, #tpu.memory_space<vmem>>, %arg2: memref<4096x128xf32, #tpu.memory_space<vmem>>) attributes {dimension_semantics = [#tpu.dimension_semantics<arbitrary>], iteration_bounds = array<i64: 13>, scalar_prefetch = 0 : i64, scratch_operands = 0 : i64, tpu.core_type = #tpu.core_type<tc>, window_params = [{transform_indices = @transform_0, window_bounds = array<i64: 4096, 128>}, {transform_indices = @transform_1, window_bounds = array<i64: 4096, 128>}]} {
    %get3A = arith.constant 0 : index
    %get3A_0 = arith.constant 0 : index
    %get3A_1 = vector.load %arg1[%get3A, %get3A_0] : memref<4096x128xf32, #tpu.memory_space<vmem>>, vector<4096x128xf32>
    %iota3A = tpu.iota {dimensions = array<i32: 0>} : vector<128x128xi32>
    %jit3A = arith.constant 64 : i32
    %div3A = vector.broadcast %jit3A : i32 to vector<128x128xi32>
    %div3A_2 = arith.divsi %iota3A, %div3A : vector<128x128xi32>
    %sign3A = arith.constant 0 : i32
    %sign3A_3 = vector.broadcast %sign3A : i32 to vector<128x128xi32>
    %sign3A_4 = arith.cmpi sgt, %iota3A, %sign3A_3 : vector<128x128xi32>
    %sign3A_5 = arith.extui %sign3A_4 : vector<128x128xi1> to vector<128x128xi32>
    %sign3A_6 = arith.constant 0 : i32
    %sign3A_7 = vector.broadcast %sign3A_6 : i32 to vector<128x128xi32>
    %sign3A_8 = arith.cmpi slt, %iota3A, %sign3A_7 : vector<128x128xi32>
    %sign3A_9 = arith.extui %sign3A_8 : vector<128x128xi1> to vector<128x128xi32>
    %sign3A_10 = arith.subi %sign3A_5, %sign3A_9 : vector<128x128xi32>
    %sign3A_11 = arith.constant 0 : i32
    %sign3A_12 = arith.cmpi sgt, %jit3A, %sign3A_11 : i32
    %sign3A_13 = arith.extui %sign3A_12 : i1 to i32
    %sign3A_14 = arith.constant 0 : i32
    %sign3A_15 = arith.cmpi slt, %jit3A, %sign3A_14 : i32
    %sign3A_16 = arith.extui %sign3A_15 : i1 to i32
    %sign3A_17 = arith.subi %sign3A_13, %sign3A_16 : i32
    %ne3A = vector.broadcast %sign3A_17 : i32 to vector<128x128xi32>
    %ne3A_18 = arith.cmpi ne, %sign3A_10, %ne3A : vector<128x128xi32>
    %rem3A = vector.broadcast %jit3A : i32 to vector<128x128xi32>
    %rem3A_19 = arith.remsi %iota3A, %rem3A : vector<128x128xi32>
    %ne3A_20 = arith.constant 0 : i32
    %ne3A_21 = vector.broadcast %ne3A_20 : i32 to vector<128x128xi32>
    %ne3A_22 = arith.cmpi ne, %rem3A_19, %ne3A_21 : vector<128x128xi32>
    %and3A = arith.andi %ne3A_18, %ne3A_22 : vector<128x128xi1>
    %sub3A = arith.constant 1 : i32
    %sub3A_23 = vector.broadcast %sub3A : i32 to vector<128x128xi32>
    %sub3A_24 = arith.subi %div3A_2, %sub3A_23 : vector<128x128xi32>
    %select_n3A = arith.select %and3A, %sub3A_24, %div3A_2 : vector<128x128xi1>, vector<128x128xi32>
    %iota3A_25 = tpu.iota {dimensions = array<i32: 1>} : vector<128x128xi32>
    %jit3A_26 = arith.constant 64 : i32
    %div3A_27 = vector.broadcast %jit3A_26 : i32 to vector<128x128xi32>
    %div3A_28 = arith.divsi %iota3A_25, %div3A_27 : vector<128x128xi32>
    %sign3A_29 = arith.constant 0 : i32
    %sign3A_30 = vector.broadcast %sign3A_29 : i32 to vector<128x128xi32>
    %sign3A_31 = arith.cmpi sgt, %iota3A_25, %sign3A_30 : vector<128x128xi32>
    %sign3A_32 = arith.extui %sign3A_31 : vector<128x128xi1> to vector<128x128xi32>
    %sign3A_33 = arith.constant 0 : i32
    %sign3A_34 = vector.broadcast %sign3A_33 : i32 to vector<128x128xi32>
    %sign3A_35 = arith.cmpi slt, %iota3A_25, %sign3A_34 : vector<128x128xi32>
    %sign3A_36 = arith.extui %sign3A_35 : vector<128x128xi1> to vector<128x128xi32>
    %sign3A_37 = arith.subi %sign3A_32, %sign3A_36 : vector<128x128xi32>
    %sign3A_38 = arith.constant 0 : i32
    %sign3A_39 = arith.cmpi sgt, %jit3A_26, %sign3A_38 : i32
    %sign3A_40 = arith.extui %sign3A_39 : i1 to i32
    %sign3A_41 = arith.constant 0 : i32
    %sign3A_42 = arith.cmpi slt, %jit3A_26, %sign3A_41 : i32
    %sign3A_43 = arith.extui %sign3A_42 : i1 to i32
    %sign3A_44 = arith.subi %sign3A_40, %sign3A_43 : i32
    %ne3A_45 = vector.broadcast %sign3A_44 : i32 to vector<128x128xi32>
    %ne3A_46 = arith.cmpi ne, %sign3A_37, %ne3A_45 : vector<128x128xi32>
    %rem3A_47 = vector.broadcast %jit3A_26 : i32 to vector<128x128xi32>
    %rem3A_48 = arith.remsi %iota3A_25, %rem3A_47 : vector<128x128xi32>
    %ne3A_49 = arith.constant 0 : i32
    %ne3A_50 = vector.broadcast %ne3A_49 : i32 to vector<128x128xi32>
    %ne3A_51 = arith.cmpi ne, %rem3A_48, %ne3A_50 : vector<128x128xi32>
    %and3A_52 = arith.andi %ne3A_46, %ne3A_51 : vector<128x128xi1>
    %sub3A_53 = arith.constant 1 : i32
    %sub3A_54 = vector.broadcast %sub3A_53 : i32 to vector<128x128xi32>
    %sub3A_55 = arith.subi %div3A_28, %sub3A_54 : vector<128x128xi32>
    %select_n3A_56 = arith.select %and3A_52, %sub3A_55, %div3A_28 : vector<128x128xi1>, vector<128x128xi32>
    %eq3A = arith.cmpi eq, %select_n3A, %select_n3A_56 : vector<128x128xi32>
    %convert_element_type3A = arith.extui %eq3A : vector<128x128xi1> to vector<128x128xi32>
    %convert_element_type3A_57 = arith.sitofp %convert_element_type3A : vector<128x128xi32> to vector<128x128xf32>
    %mul3A = arith.mulf %get3A_1, %get3A_1 : vector<4096x128xf32>
    %dot_general3A = arith.constant dense<0.000000e+00> : vector<4096x128xf32>
    %dot_general3A_58 = tpu.matmul %mul3A, %convert_element_type3A_57, %dot_general3A {dimension_numbers = #tpu.dot_dimension_numbers<[1], [0], [0], [1], [0, 0, 1, 1], [], []>, transpose_lhs_hint = false} : vector<4096x128xf32>, vector<128x128xf32>, vector<4096x128xf32> -> vector<4096x128xf32>
    %sqrt3A = math.sqrt %dot_general3A_58 : vector<4096x128xf32>
    %gt3A = arith.constant 2.000000e+00 : f32
    %gt3A_59 = vector.broadcast %gt3A : f32 to vector<4096x128xf32>
    %gt3A_60 = arith.cmpf ogt, %sqrt3A, %gt3A_59 : vector<4096x128xf32>
    %add3A = arith.constant 1.000000e-07 : f32
    %add3A_61 = vector.broadcast %add3A : f32 to vector<4096x128xf32>
    %add3A_62 = arith.addf %sqrt3A, %add3A_61 : vector<4096x128xf32>
    %div3A_63 = arith.constant 2.000000e+00 : f32
    %div3A_64 = vector.broadcast %div3A_63 : f32 to vector<4096x128xf32>
    %div3A_65 = arith.divf %div3A_64, %add3A_62 : vector<4096x128xf32>
    %jit3A_66 = arith.constant 1.000000e+00 : f32
    %broadcast_in_dim3A = vector.broadcast %jit3A_66 : f32 to vector<4096x128xf32>
    %select_n3A_67 = arith.select %gt3A_60, %div3A_65, %broadcast_in_dim3A : vector<4096x128xi1>, vector<4096x128xf32>
    %mul3A_68 = arith.mulf %get3A_1, %select_n3A_67 : vector<4096x128xf32>
    %swap3A = arith.constant 0 : index
    %swap3A_69 = arith.constant 0 : index
    %swap3A_70 = vector.load %arg2[%swap3A, %swap3A_69] : memref<4096x128xf32, #tpu.memory_space<vmem>>, vector<4096x128xf32>
    tpu.vector_store %arg2[%swap3A, %swap3A_69], %mul3A_68 {strides = array<i32>} : memref<4096x128xf32, #tpu.memory_space<vmem>>, vector<4096x128xf32>,
    return
  }
  func.func @transform_0(%arg0: i32) -> (i32, i32) {
    %c0_i32 = arith.constant 0 : i32
    %c0_i32_0 = arith.constant 0 : i32
    return %arg0, %c0_i32 : i32, i32
  }
  func.func @transform_1(%arg0: i32) -> (i32, i32) {
    %c0_i32 = arith.constant 0 : i32
    %c0_i32_0 = arith.constant 0 : i32
    return %arg0, %c0_i32 : i32, i32
  }
}

module attributes {stable_mosaic.version = 14 : i64} {
  func.func @_renorm_body(%arg0: i32, %arg1: memref<4096x128xf32, #tpu.memory_space<vmem>>, %arg2: memref<4096x128xf32, #tpu.memory_space<vmem>>) attributes {dimension_semantics = [#tpu.dimension_semantics<arbitrary>], iteration_bounds = array<i64: 4>, scalar_prefetch = 0 : i64, scratch_operands = 0 : i64, tpu.core_type = #tpu.core_type<tc>, window_params = [{transform_indices = @transform_0, window_bounds = array<i64: 4096, 128>}, {transform_indices = @transform_1, window_bounds = array<i64: 4096, 128>}]} {
    %get3A = arith.constant 0 : index
    %get3A_0 = arith.constant 0 : index
    %get3A_1 = vector.load %arg1[%get3A, %get3A_0] : memref<4096x128xf32, #tpu.memory_space<vmem>>, vector<4096x128xf32>
    %iota3A = tpu.iota {dimensions = array<i32: 0>} : vector<128x128xi32>
    %jit3A = arith.constant 16 : i32
    %div3A = vector.broadcast %jit3A : i32 to vector<128x128xi32>
    %div3A_2 = arith.divsi %iota3A, %div3A : vector<128x128xi32>
    %sign3A = arith.constant 0 : i32
    %sign3A_3 = vector.broadcast %sign3A : i32 to vector<128x128xi32>
    %sign3A_4 = arith.cmpi sgt, %iota3A, %sign3A_3 : vector<128x128xi32>
    %sign3A_5 = arith.extui %sign3A_4 : vector<128x128xi1> to vector<128x128xi32>
    %sign3A_6 = arith.constant 0 : i32
    %sign3A_7 = vector.broadcast %sign3A_6 : i32 to vector<128x128xi32>
    %sign3A_8 = arith.cmpi slt, %iota3A, %sign3A_7 : vector<128x128xi32>
    %sign3A_9 = arith.extui %sign3A_8 : vector<128x128xi1> to vector<128x128xi32>
    %sign3A_10 = arith.subi %sign3A_5, %sign3A_9 : vector<128x128xi32>
    %sign3A_11 = arith.constant 0 : i32
    %sign3A_12 = arith.cmpi sgt, %jit3A, %sign3A_11 : i32
    %sign3A_13 = arith.extui %sign3A_12 : i1 to i32
    %sign3A_14 = arith.constant 0 : i32
    %sign3A_15 = arith.cmpi slt, %jit3A, %sign3A_14 : i32
    %sign3A_16 = arith.extui %sign3A_15 : i1 to i32
    %sign3A_17 = arith.subi %sign3A_13, %sign3A_16 : i32
    %ne3A = vector.broadcast %sign3A_17 : i32 to vector<128x128xi32>
    %ne3A_18 = arith.cmpi ne, %sign3A_10, %ne3A : vector<128x128xi32>
    %rem3A = vector.broadcast %jit3A : i32 to vector<128x128xi32>
    %rem3A_19 = arith.remsi %iota3A, %rem3A : vector<128x128xi32>
    %ne3A_20 = arith.constant 0 : i32
    %ne3A_21 = vector.broadcast %ne3A_20 : i32 to vector<128x128xi32>
    %ne3A_22 = arith.cmpi ne, %rem3A_19, %ne3A_21 : vector<128x128xi32>
    %and3A = arith.andi %ne3A_18, %ne3A_22 : vector<128x128xi1>
    %sub3A = arith.constant 1 : i32
    %sub3A_23 = vector.broadcast %sub3A : i32 to vector<128x128xi32>
    %sub3A_24 = arith.subi %div3A_2, %sub3A_23 : vector<128x128xi32>
    %select_n3A = arith.select %and3A, %sub3A_24, %div3A_2 : vector<128x128xi1>, vector<128x128xi32>
    %iota3A_25 = tpu.iota {dimensions = array<i32: 1>} : vector<128x128xi32>
    %jit3A_26 = arith.constant 16 : i32
    %div3A_27 = vector.broadcast %jit3A_26 : i32 to vector<128x128xi32>
    %div3A_28 = arith.divsi %iota3A_25, %div3A_27 : vector<128x128xi32>
    %sign3A_29 = arith.constant 0 : i32
    %sign3A_30 = vector.broadcast %sign3A_29 : i32 to vector<128x128xi32>
    %sign3A_31 = arith.cmpi sgt, %iota3A_25, %sign3A_30 : vector<128x128xi32>
    %sign3A_32 = arith.extui %sign3A_31 : vector<128x128xi1> to vector<128x128xi32>
    %sign3A_33 = arith.constant 0 : i32
    %sign3A_34 = vector.broadcast %sign3A_33 : i32 to vector<128x128xi32>
    %sign3A_35 = arith.cmpi slt, %iota3A_25, %sign3A_34 : vector<128x128xi32>
    %sign3A_36 = arith.extui %sign3A_35 : vector<128x128xi1> to vector<128x128xi32>
    %sign3A_37 = arith.subi %sign3A_32, %sign3A_36 : vector<128x128xi32>
    %sign3A_38 = arith.constant 0 : i32
    %sign3A_39 = arith.cmpi sgt, %jit3A_26, %sign3A_38 : i32
    %sign3A_40 = arith.extui %sign3A_39 : i1 to i32
    %sign3A_41 = arith.constant 0 : i32
    %sign3A_42 = arith.cmpi slt, %jit3A_26, %sign3A_41 : i32
    %sign3A_43 = arith.extui %sign3A_42 : i1 to i32
    %sign3A_44 = arith.subi %sign3A_40, %sign3A_43 : i32
    %ne3A_45 = vector.broadcast %sign3A_44 : i32 to vector<128x128xi32>
    %ne3A_46 = arith.cmpi ne, %sign3A_37, %ne3A_45 : vector<128x128xi32>
    %rem3A_47 = vector.broadcast %jit3A_26 : i32 to vector<128x128xi32>
    %rem3A_48 = arith.remsi %iota3A_25, %rem3A_47 : vector<128x128xi32>
    %ne3A_49 = arith.constant 0 : i32
    %ne3A_50 = vector.broadcast %ne3A_49 : i32 to vector<128x128xi32>
    %ne3A_51 = arith.cmpi ne, %rem3A_48, %ne3A_50 : vector<128x128xi32>
    %and3A_52 = arith.andi %ne3A_46, %ne3A_51 : vector<128x128xi1>
    %sub3A_53 = arith.constant 1 : i32
    %sub3A_54 = vector.broadcast %sub3A_53 : i32 to vector<128x128xi32>
    %sub3A_55 = arith.subi %div3A_28, %sub3A_54 : vector<128x128xi32>
    %select_n3A_56 = arith.select %and3A_52, %sub3A_55, %div3A_28 : vector<128x128xi1>, vector<128x128xi32>
    %eq3A = arith.cmpi eq, %select_n3A, %select_n3A_56 : vector<128x128xi32>
    %convert_element_type3A = arith.extui %eq3A : vector<128x128xi1> to vector<128x128xi32>
    %convert_element_type3A_57 = arith.sitofp %convert_element_type3A : vector<128x128xi32> to vector<128x128xf32>
    %mul3A = arith.mulf %get3A_1, %get3A_1 : vector<4096x128xf32>
    %dot_general3A = arith.constant dense<0.000000e+00> : vector<4096x128xf32>
    %dot_general3A_58 = tpu.matmul %mul3A, %convert_element_type3A_57, %dot_general3A {dimension_numbers = #tpu.dot_dimension_numbers<[1], [0], [0], [1], [0, 0, 1, 1], [], []>, transpose_lhs_hint = false} : vector<4096x128xf32>, vector<128x128xf32>, vector<4096x128xf32> -> vector<4096x128xf32>
    %sqrt3A = math.sqrt %dot_general3A_58 : vector<4096x128xf32>
    %gt3A = arith.constant 2.000000e+00 : f32
    %gt3A_59 = vector.broadcast %gt3A : f32 to vector<4096x128xf32>
    %gt3A_60 = arith.cmpf ogt, %sqrt3A, %gt3A_59 : vector<4096x128xf32>
    %add3A = arith.constant 1.000000e-07 : f32
    %add3A_61 = vector.broadcast %add3A : f32 to vector<4096x128xf32>
    %add3A_62 = arith.addf %sqrt3A, %add3A_61 : vector<4096x128xf32>
    %div3A_63 = arith.constant 2.000000e+00 : f32
    %div3A_64 = vector.broadcast %div3A_63 : f32 to vector<4096x128xf32>
    %div3A_65 = arith.divf %div3A_64, %add3A_62 : vector<4096x128xf32>
    %jit3A_66 = arith.constant 1.000000e+00 : f32
    %broadcast_in_dim3A = vector.broadcast %jit3A_66 : f32 to vector<4096x128xf32>
    %select_n3A_67 = arith.select %gt3A_60, %div3A_65, %broadcast_in_dim3A : vector<4096x128xi1>, vector<4096x128xf32>
    %mul3A_68 = arith.mulf %get3A_1, %select_n3A_67 : vector<4096x128xf32>
    %swap3A = arith.constant 0 : index
    %swap3A_69 = arith.constant 0 : index
    %swap3A_70 = vector.load %arg2[%swap3A, %swap3A_69] : memref<4096x128xf32, #tpu.memory_space<vmem>>, vector<4096x128xf32>
    tpu.vector_store %arg2[%swap3A, %swap3A_69], %mul3A_68 {strides = array<i32>} : memref<4096x128xf32, #tpu.memory_space<vmem>>, vector<4096x128xf32>,
    return
  }
  func.func @transform_0(%arg0: i32) -> (i32, i32) {
    %c0_i32 = arith.constant 0 : i32
    %c0_i32_0 = arith.constant 0 : i32
    return %arg0, %c0_i32 : i32, i32
  }
  func.func @transform_1(%arg0: i32) -> (i32, i32) {
    %c0_i32 = arith.constant 0 : i32
    %c0_i32_0 = arith.constant 0 : i32
    return %arg0, %c0_i32 : i32, i32
  }
}

module attributes {stable_mosaic.version = 14 : i64} {
  func.func @_renorm_body(%arg0: i32, %arg1: memref<512x128xf32, #tpu.memory_space<vmem>>, %arg2: memref<512x128xf32, #tpu.memory_space<vmem>>) attributes {dimension_semantics = [#tpu.dimension_semantics<arbitrary>], iteration_bounds = array<i64: 1>, scalar_prefetch = 0 : i64, scratch_operands = 0 : i64, tpu.core_type = #tpu.core_type<tc>, window_params = [{transform_indices = @transform_0, window_bounds = array<i64: 512, 128>}, {transform_indices = @transform_1, window_bounds = array<i64: 512, 128>}]} {
    %get3A = arith.constant 0 : index
    %get3A_0 = arith.constant 0 : index
    %get3A_1 = vector.load %arg1[%get3A, %get3A_0] : memref<512x128xf32, #tpu.memory_space<vmem>>, vector<512x128xf32>
    %iota3A = tpu.iota {dimensions = array<i32: 0>} : vector<128x128xi32>
    %jit3A = arith.constant 64 : i32
    %div3A = vector.broadcast %jit3A : i32 to vector<128x128xi32>
    %div3A_2 = arith.divsi %iota3A, %div3A : vector<128x128xi32>
    %sign3A = arith.constant 0 : i32
    %sign3A_3 = vector.broadcast %sign3A : i32 to vector<128x128xi32>
    %sign3A_4 = arith.cmpi sgt, %iota3A, %sign3A_3 : vector<128x128xi32>
    %sign3A_5 = arith.extui %sign3A_4 : vector<128x128xi1> to vector<128x128xi32>
    %sign3A_6 = arith.constant 0 : i32
    %sign3A_7 = vector.broadcast %sign3A_6 : i32 to vector<128x128xi32>
    %sign3A_8 = arith.cmpi slt, %iota3A, %sign3A_7 : vector<128x128xi32>
    %sign3A_9 = arith.extui %sign3A_8 : vector<128x128xi1> to vector<128x128xi32>
    %sign3A_10 = arith.subi %sign3A_5, %sign3A_9 : vector<128x128xi32>
    %sign3A_11 = arith.constant 0 : i32
    %sign3A_12 = arith.cmpi sgt, %jit3A, %sign3A_11 : i32
    %sign3A_13 = arith.extui %sign3A_12 : i1 to i32
    %sign3A_14 = arith.constant 0 : i32
    %sign3A_15 = arith.cmpi slt, %jit3A, %sign3A_14 : i32
    %sign3A_16 = arith.extui %sign3A_15 : i1 to i32
    %sign3A_17 = arith.subi %sign3A_13, %sign3A_16 : i32
    %ne3A = vector.broadcast %sign3A_17 : i32 to vector<128x128xi32>
    %ne3A_18 = arith.cmpi ne, %sign3A_10, %ne3A : vector<128x128xi32>
    %rem3A = vector.broadcast %jit3A : i32 to vector<128x128xi32>
    %rem3A_19 = arith.remsi %iota3A, %rem3A : vector<128x128xi32>
    %ne3A_20 = arith.constant 0 : i32
    %ne3A_21 = vector.broadcast %ne3A_20 : i32 to vector<128x128xi32>
    %ne3A_22 = arith.cmpi ne, %rem3A_19, %ne3A_21 : vector<128x128xi32>
    %and3A = arith.andi %ne3A_18, %ne3A_22 : vector<128x128xi1>
    %sub3A = arith.constant 1 : i32
    %sub3A_23 = vector.broadcast %sub3A : i32 to vector<128x128xi32>
    %sub3A_24 = arith.subi %div3A_2, %sub3A_23 : vector<128x128xi32>
    %select_n3A = arith.select %and3A, %sub3A_24, %div3A_2 : vector<128x128xi1>, vector<128x128xi32>
    %iota3A_25 = tpu.iota {dimensions = array<i32: 1>} : vector<128x128xi32>
    %jit3A_26 = arith.constant 64 : i32
    %div3A_27 = vector.broadcast %jit3A_26 : i32 to vector<128x128xi32>
    %div3A_28 = arith.divsi %iota3A_25, %div3A_27 : vector<128x128xi32>
    %sign3A_29 = arith.constant 0 : i32
    %sign3A_30 = vector.broadcast %sign3A_29 : i32 to vector<128x128xi32>
    %sign3A_31 = arith.cmpi sgt, %iota3A_25, %sign3A_30 : vector<128x128xi32>
    %sign3A_32 = arith.extui %sign3A_31 : vector<128x128xi1> to vector<128x128xi32>
    %sign3A_33 = arith.constant 0 : i32
    %sign3A_34 = vector.broadcast %sign3A_33 : i32 to vector<128x128xi32>
    %sign3A_35 = arith.cmpi slt, %iota3A_25, %sign3A_34 : vector<128x128xi32>
    %sign3A_36 = arith.extui %sign3A_35 : vector<128x128xi1> to vector<128x128xi32>
    %sign3A_37 = arith.subi %sign3A_32, %sign3A_36 : vector<128x128xi32>
    %sign3A_38 = arith.constant 0 : i32
    %sign3A_39 = arith.cmpi sgt, %jit3A_26, %sign3A_38 : i32
    %sign3A_40 = arith.extui %sign3A_39 : i1 to i32
    %sign3A_41 = arith.constant 0 : i32
    %sign3A_42 = arith.cmpi slt, %jit3A_26, %sign3A_41 : i32
    %sign3A_43 = arith.extui %sign3A_42 : i1 to i32
    %sign3A_44 = arith.subi %sign3A_40, %sign3A_43 : i32
    %ne3A_45 = vector.broadcast %sign3A_44 : i32 to vector<128x128xi32>
    %ne3A_46 = arith.cmpi ne, %sign3A_37, %ne3A_45 : vector<128x128xi32>
    %rem3A_47 = vector.broadcast %jit3A_26 : i32 to vector<128x128xi32>
    %rem3A_48 = arith.remsi %iota3A_25, %rem3A_47 : vector<128x128xi32>
    %ne3A_49 = arith.constant 0 : i32
    %ne3A_50 = vector.broadcast %ne3A_49 : i32 to vector<128x128xi32>
    %ne3A_51 = arith.cmpi ne, %rem3A_48, %ne3A_50 : vector<128x128xi32>
    %and3A_52 = arith.andi %ne3A_46, %ne3A_51 : vector<128x128xi1>
    %sub3A_53 = arith.constant 1 : i32
    %sub3A_54 = vector.broadcast %sub3A_53 : i32 to vector<128x128xi32>
    %sub3A_55 = arith.subi %div3A_28, %sub3A_54 : vector<128x128xi32>
    %select_n3A_56 = arith.select %and3A_52, %sub3A_55, %div3A_28 : vector<128x128xi1>, vector<128x128xi32>
    %eq3A = arith.cmpi eq, %select_n3A, %select_n3A_56 : vector<128x128xi32>
    %convert_element_type3A = arith.extui %eq3A : vector<128x128xi1> to vector<128x128xi32>
    %convert_element_type3A_57 = arith.sitofp %convert_element_type3A : vector<128x128xi32> to vector<128x128xf32>
    %mul3A = arith.mulf %get3A_1, %get3A_1 : vector<512x128xf32>
    %dot_general3A = arith.constant dense<0.000000e+00> : vector<512x128xf32>
    %dot_general3A_58 = tpu.matmul %mul3A, %convert_element_type3A_57, %dot_general3A {dimension_numbers = #tpu.dot_dimension_numbers<[1], [0], [0], [1], [0, 0, 1, 1], [], []>, transpose_lhs_hint = false} : vector<512x128xf32>, vector<128x128xf32>, vector<512x128xf32> -> vector<512x128xf32>
    %sqrt3A = math.sqrt %dot_general3A_58 : vector<512x128xf32>
    %gt3A = arith.constant 2.000000e+00 : f32
    %gt3A_59 = vector.broadcast %gt3A : f32 to vector<512x128xf32>
    %gt3A_60 = arith.cmpf ogt, %sqrt3A, %gt3A_59 : vector<512x128xf32>
    %add3A = arith.constant 1.000000e-07 : f32
    %add3A_61 = vector.broadcast %add3A : f32 to vector<512x128xf32>
    %add3A_62 = arith.addf %sqrt3A, %add3A_61 : vector<512x128xf32>
    %div3A_63 = arith.constant 2.000000e+00 : f32
    %div3A_64 = vector.broadcast %div3A_63 : f32 to vector<512x128xf32>
    %div3A_65 = arith.divf %div3A_64, %add3A_62 : vector<512x128xf32>
    %jit3A_66 = arith.constant 1.000000e+00 : f32
    %broadcast_in_dim3A = vector.broadcast %jit3A_66 : f32 to vector<512x128xf32>
    %select_n3A_67 = arith.select %gt3A_60, %div3A_65, %broadcast_in_dim3A : vector<512x128xi1>, vector<512x128xf32>
    %mul3A_68 = arith.mulf %get3A_1, %select_n3A_67 : vector<512x128xf32>
    %swap3A = arith.constant 0 : index
    %swap3A_69 = arith.constant 0 : index
    %swap3A_70 = vector.load %arg2[%swap3A, %swap3A_69] : memref<512x128xf32, #tpu.memory_space<vmem>>, vector<512x128xf32>
    tpu.vector_store %arg2[%swap3A, %swap3A_69], %mul3A_68 {strides = array<i32>} : memref<512x128xf32, #tpu.memory_space<vmem>>, vector<512x128xf32>,
    return
  }
  func.func @transform_0(%arg0: i32) -> (i32, i32) {
    %c0_i32 = arith.constant 0 : i32
    %c0_i32_0 = arith.constant 0 : i32
    return %arg0, %c0_i32 : i32, i32
  }
  func.func @transform_1(%arg0: i32) -> (i32, i32) {
    %c0_i32 = arith.constant 0 : i32
    %c0_i32_0 = arith.constant 0 : i32
    return %arg0, %c0_i32 : i32, i32
  }
}

</mosaic_0001>

<sc_bundles>
// kernel: kernel.7.cloned.1.call-start
scs
__scs_entry_jumppad:
0x0: {  	(pc) =	sbr.rel $0x88, $3  }
0x1: {  	(tag) =	ssettag $0x0;
	lr =	simm.s32 $0x1  }
0x2: {  	[smem:$0x3F96] =	sst lr;
	_ =	strace $0xD0000000  }
0x3: {  	_ = 	snop  }
0x4: {  	_ = 	snop  }
0x5: {  	_ = 	snop  }
0x6: {  	_ = 	snop  }
0x7: {  	_ = 	snop  }
__scs_overlays_trampoline_lowered:
0x8: {  	[smem:$0x3FA5] =	sst s0  }
0x9: {  	[smem:$0x3FA6] =	sst s1  }
0xa: {  	[smem:$0x3FA7] =	sst s2  }
0xb: {  	[smem:$0x3FA8] =	sst s3  }
0xc: {  	[smem:$0x3FA9] =	sst s4  }
0xd: {  	[smem:$0x3FAA] =	sst s5  }
0xe: {  	[smem:$0x3FAB] =	sst s6  }
0xf: {  	[smem:$0x3FAC] =	sst s7  }
0x10: {  	[smem:$0x3FAD] =	sst s8  }
0x11: {  	[smem:$0x3FAE] =	sst s9;
	s0 =	simm.s32 @!p0 $0x0  }
0x12: {  	s1 =	sld [smem:$0x3F94];
	s0 =	simm.s32 @p0 $0x1  }
0x13: {  	[smem:$0x3FAF] =	sst s0;
	s0 =	simm.s32 @!p1 $0x0  }
0x14: {  	s2 =	sld [smem:$0x3F93];
	s0 =	simm.s32 @p1 $0x1  }
0x15: {  	[smem:$0x3FB0] =	sst s0;
	s0 =	simm.s32 @!p2 $0x0  }
0x16: {  	s3 =	sld [smem:$0x3FDB];
	s0 =	simm.s32 @p2 $0x1  }
0x17: {  	s4 =	simm.s32 $0x1BF5;
	[smem:$0x3FB2] =	sst s0  }
0x18: {  	s0 =	sld [smem:$0x3F95];
	_ =	swait.ge [sflag:s4], $0x0  }
0x19: {  	s7 =	sld [smem:$0x3F96]  }
0x1a: {  	s8 =	sadd.s32 $0xFFFFE003, lr  }
0x1b: {  	s9 =	sadd.s32 $0xFFFFFEF7, lr;
	s5 =	simm.s32 $0xFFFFFFFF;
	p2 =	slt.u32 s8, $0xFFFFF086  }
0x1c: {  	p1 =	slt.u32 s9, $0xF7A;
	s5 =	simm.s32 @!p2 $0x0  }
0x1d: {  	s5 =	simm.s32 @p1 $0x1;
	p0 =	seq.s32 s7, s2  }
0x1e: {  	s7 =	smul.u32 @!p0 $0xF7A, s2;
	p2 =	seq.s32 @!p0 s5, $0x0  }
0x1f: {  	s9 =	smul.u32 $0xF7A, s1;
	s8 =	simm.s32 @!p0 $0x1BF5;
	p2 =	por !p2, p0  }
0x20: {  	[sflag:s8] =	ssyncset.s32 @!p0 $0xFFFFF086;
	s6 =	sadd.s32 @!p0 s3, s7;
	s7 =	simm.s32 @!p0 $0x108  }
0x21: {  	s3 =	sadd.s32 s3, s9;
	s6 =	sadd.s32 @!p0 $0x88, s6;
	s7 =	simm.s32 @p2 $0x1082  }
0x22: {  	[simem:s7], [sflag:s8] =	dma.local @!p0 [hbm:s6], $0xF7A  }
0x23: {  	s9 =	sor.u32 $0xD0000000, s2;
	s6 =	simm.s32 $0x108;
	_ =	swait.ge @!p0 [sflag:s8], $0x0  }
0x24: {  	s3 =	sadd.s32 $0x88, s3;
	s6 =	simm.s32 @!p1 $0x1082;
	[sflag:s4] =	ssyncset.s32 $0xFFFFF086  }
0x25: {  	[simem:s6], [sflag:s4] =	dma.local [hbm:s3], $0xF7A  }
0x26: {  	[smem:$0x3F96] =	sst s1;
	(tag) =	ssettag s2;
	_ =	strace s9  }
0x27: {  	s1 =	sld [smem:$0x3FA6]  }
0x28: {  	s2 =	sld [smem:$0x3FA7]  }
0x29: {  	s4 =	sld [smem:$0x3FA9]  }
0x2a: {  	p0 =	seq.s32 s5, $0x0;
	s5 =	sld [smem:$0x3FAA]  }
0x2b: {  	s6 =	sld [smem:$0x3FAB]  }
0x2c: {  	s7 =	sld [smem:$0x3FAC]  }
0x2d: {  	s3 =	simm.s32 $0x108;
	s8 =	sld [smem:$0x3FAD]  }
0x2e: {  	s3 =	simm.s32 @!p0 $0x1082;
	s9 =	sld [smem:$0x3FAE]  }
0x2f: {  	lr =	sadd.s32 s0, s3;
	s0 =	sld [smem:$0x3FA5]  }
0x30: {  	s3 =	sld [smem:$0x3FA8]  }
0x31: {  	[smem:$0x3FB1] =	sst s10  }
0x32: {  	s10 =	sld [smem:$0x3FAF];
	_ =	sdelay $0x3  }
0x33: {  	p0 =	seq.s32 s10, $0x1;
	s10 =	sld [smem:$0x3FB1];
	_ =	sdelay $0x3  }
0x34: {  	[smem:$0x3FB1] =	sst s10  }
0x35: {  	s10 =	sld [smem:$0x3FB0];
	_ =	sdelay $0x3  }
0x36: {  	p1 =	seq.s32 s10, $0x1;
	s10 =	sld [smem:$0x3FB1];
	_ =	sdelay $0x3  }
0x37: {  	[smem:$0x3FB1] =	sst s10  }
0x38: {  	s10 =	sld [smem:$0x3FB2]  }
0x39: {  	_ = 	snop;
	(pc) =	sbr.ind lr, $3  }
0x3a: {  	_ = 	snop  }
0x3b: {  	_ = 	snop  }
0x3c: {  	p2 =	seq.s32 s10, $0x1;
	s10 =	sld [smem:$0x3FB1]  }
0x3d: {  	_ =	shalt  }
0x3e: {  	_ =	shalt  }
0x3f: {  	_ =	shalt  }
0x40: {  	_ =	shalt  }
0x41: {  	_ =	shalt  }
0x42: {  	_ =	shalt  }
0x43: {  	_ =	shalt  }
0x44: {  	_ =	shalt  }
0x45: {  	_ =	shalt  }
0x46: {  	_ =	shalt  }
0x47: {  	_ =	shalt  }
0x48: {  	_ =	shalt  }
0x49: {  	_ =	shalt  }
0x4a: {  	_ =	shalt  }
0x4b: {  	_ =	shalt  }
0x4c: {  	_ =	shalt  }
0x4d: {  	_ =	shalt  }
0x4e: {  	_ =	shalt  }
0x4f: {  	_ =	shalt  }
0x50: {  	_ =	shalt  }
0x51: {  	_ =	shalt  }
0x52: {  	_ =	shalt  }
0x53: {  	_ =	shalt  }
0x54: {  	_ =	shalt  }
0x55: {  	_ =	shalt  }
0x56: {  	_ =	shalt  }
0x57: {  	_ =	shalt  }
0x58: {  	_ =	shalt  }
0x59: {  	_ =	shalt  }
0x5a: {  	_ =	shalt  }
0x5b: {  	_ =	shalt  }
0x5c: {  	_ =	shalt  }
0x5d: {  	_ =	shalt  }
0x5e: {  	_ =	shalt  }
0x5f: {  	_ =	shalt  }
0x60: {  	_ =	shalt  }
0x61: {  	_ =	shalt  }
0x62: {  	_ =	shalt  }
0x63: {  	_ =	shalt  }
0x64: {  	_ =	shalt  }
0x65: {  	_ =	shalt  }
0x66: {  	_ =	shalt  }
0x67: {  	_ =	shalt  }
0x68: {  	_ =	shalt  }
0x69: {  	_ =	shalt  }
0x6a: {  	_ =	shalt  }
0x6b: {  	_ =	shalt  }
0x6c: {  	_ =	shalt  }
0x6d: {  	_ =	shalt  }
0x6e: {  	_ =	shalt  }
0x6f: {  	_ =	shalt  }
0x70: {  	_ =	shalt  }
0x71: {  	_ =	shalt  }
0x72: {  	_ =	shalt  }
0x73: {  	_ =	shalt  }
0x74: {  	_ =	shalt  }
0x75: {  	_ =	shalt  }
0x76: {  	_ =	shalt  }
0x77: {  	_ =	shalt  }
0x78: {  	_ =	shalt  }
0x79: {  	_ =	shalt  }
0x7a: {  	_ =	shalt  }
0x7b: {  	_ =	shalt  }
0x7c: {  	_ =	shalt  }
0x7d: {  	_ =	shalt  }
0x7e: {  	_ =	shalt  }
0x7f: {  	_ =	shalt  }
0x80: {  	_ =	shalt  }
0x81: {  	_ =	shalt  }
0x82: {  	_ =	shalt  }
0x83: {  	_ =	shalt  }
0x84: {  	_ =	shalt  }
0x85: {  	_ =	shalt  }
0x86: {  	_ =	shalt  }
0x87: {  	_ =	shalt  }
.Lfunc_end0:
.L_simem_size_0:
called_computation_lowered:
.L_overlay_start_0:
0x88: {  	s2 =	sld [smem:$0x3FD9]  }
0x89: {  	s3 =	sld [smem:$0x3FFE];
	_ =	sdelay $0x1  }
0x8a: {  	s1 =	srdreg.scid  }
0x8b: {  	s0 =	sand.u32 $0x1, s1  }
0x8c: {  	s17 =	sshll.u32 s0, $0xA;
	s2 =	sadd.s32 s3, s2  }
0x8d: {  	s2 =	sadd.s32 s2, s17  }
0x8e: {  	[smem:$0x3FBD] =	sst s2  }
0x8f: {  	_ = 	snop  }
0x90: {  	s2 =	sld [smem:$0x3FC9]  }
0x91: {  	s18 =	sld [smem:$0x3FD0];
	(tm) =	ssettm $0x1  }
0x92: {  	s4 =	sld [smem:$0x3FFB];
	_ =	sdelay $0x3  }
0x93: {  	_ =	strace s4  }
0x94: {  	s4 =	sld [smem:$0x3FFC];
	_ =	sdelay $0x3  }
0x95: {  	_ =	strace s4  }
0x96: {  	s4 =	sld [smem:$0x3FFD];
	_ =	sdelay $0x3  }
0x97: {  	_ =	strace s4  }
0x98: {  	_ =	strace $0x8FFFFFFF  }
0x99: {  	s19 =	sld [smem:$0x3FDB];
	_ =	sdelay $0x1  }
0x9a: {  	s5 =	simm.s32 $_scs_section_size  }
0x9b: {  	s6 =	simm.s32 $_size__tile_overlayer_lowered;
	s7 =	simm.s32 $_tile_overlayer_lowered  }
0x9c: {  	s22 =	simm.s32 $0x1BFF;
	s21 =	sshll.u32 s7, $0x1;
	s4 =	sadd.s32 s5, s19  }
0x9d: {  	s8 =	simm.s32 $0x0;
	s20 =	sshll.u32 s6, $0x1;
	s6 =	sadd.s32 s21, s4  }
0x9e: {  	[timem:s8], [sflag:s22] =	dma.local [hbm:s6], s20  }
0x9f: {  	_ =	swait.ge [sflag:s22], s20  }
0xa0: {  	s5 =	ssub.s32 $0x0, s20;
	[sflag:s22] =	ssyncset.done $0x0  }
0xa1: {  	[sflag:s22] =	ssyncadd.s32 s5;
	_ =	sdelay $0x1  }
0xa2: {  	s23 =	simm.s32 $0x1B8B  }
0xa3: {  	_ =	swait.ge [sflag:s23], $0x1  }
0xa4: {  	[sflag:s23] =	ssyncset.done $0x0  }
0xa5: {  	s25 =	simm.s32 $0x1B8E;
	s24 =	sld [smem:$0x3FFE];
	[sflag:s23] =	ssyncadd.s32 $0xFFFFFFFF  }
0xa6: {  	s26 =	simm.s32 $execute0_lowered;
	[smem:$0x3FD2] =	sst s25  }
0xa7: {  	s6 =	sshll.u32 s26, $0x1;
	_ =	strace $0x80000046;
	[dreg:$0x1] =	wrdreg $0xFFFFFFFF  }
0xa8: {  	s28 =	simm.s32 $_size_execute0_lowered;
	s4 =	sadd.s32 s4, s6;
	[dreg:$0x0] =	wrdreg $0x0  }
0xa9: {  	s6 =	sshll.u32 s28, $0x1;
	[dreg:$0x2] =	wrdreg s4  }
0xaa: {  	[dreg:$0x3] =	wrdreg s6  }
0xab: {  	[dreg:$0x4] =	wrdreg $0xC0  }
0xac: {  	_ =	task [dreg:s8], $0x5FFFF  }
0xad: {  	[dreg:$0x1] =	wrdreg $0xFFFFFFFF  }
0xae: {  	[dreg:$0x0] =	wrdreg $0x60  }
0xaf: {  	[dreg:$0x2] =	wrdreg s2  }
0xb0: {  	[dreg:$0x3] =	wrdreg s24  }
0xb1: {  	[dreg:$0x4] =	wrdreg s18  }
0xb2: {  	[dreg:$0x5] =	wrdreg $0x9  }
0xb3: {  	_ =	task.clear_ibuf [dreg:s8], $0x6FFFF;
	_ =	strace $0x90000046  }
0xb4: {  	s29 =	simm.s32 $0x9;
	_ =	strace $0x80000048  }
0xb5: {  	_ =	swait.ge [sflag:s29], $0x1  }
0xb6: {  	[sflag:s29] =	ssyncadd.s32 $0xFFFFFFFF  }
0xb7: {  	_ =	strace $0x90000048  }
0xb8: {  	_ =	sfence  }
0xb9: {  	s30 =	sld [smem:$0x0];
	_ =	sdelay $0x2  }
0xba: {  	s31 =	sshll.u32 s1, $0xD;
	s1 =	sshrl.u32 s1, $0x2  }
0xbb: {  	s3 =	sand.u32 $0x4000, s31;
	s1 =	sadd.s32 s1, s30  }
0xbc: {  	s0 =	sor.u32 s3, s0;
	s1 =	sshll.u32 s1, $0x11  }
0xbd: {  	s0 =	sor.u32 s1, s0  }
0xbe: {  	s0 =	sadd.s32 $0x8F2B, s0  }
0xbf: {  	[sflag:s0] =	ssyncadd.remote.s32 $0x1  }
0xc0: {  	_ =	sfence.sel $0xFFFF  }
0xc1: {  	[dreg:$0x0] =	wrdreg $0xFFFFFFFF;
	(pc) =	sbr.abs _section_cstart, $3  }
0xc2: {  	[dreg:$0x1] =	wrdreg $0xFFFFFFFF  }
0xc3: {  	_ =	task.clear_ibuf [dreg:s8], $0x2FFFF;
	_ =	strace $0x9FFFFFFF  }
0xc4: {  	(tm) =	ssettm $0x7FFFFFFF  }
0xc5: {  	_ =	shalt  }
tec
execute0_lowered:
.L_overlay_start_1:
0x0: {  	(tag) =	ssettag $0x1  }
0x1: {  	s0 =	rddreg [dreg:$0x0]  }
0x2: {  	s1 =	rddreg [dreg:$0x1];
	s2 =	srdreg.scid  }
0x3: {  	s4 =	stileid.u32;
	s3 =	rddreg [dreg:$0x2];
	s30 =	simm.s32 $0x18C00  }
0x4: {  	s28 =	simm.s32 $0x1;
	s29 =	simm.s32 $0x1BC00;
	s31 =	simm.s32 $0x2  }
0x5: {  	s6 =	sand.u32 $0x1, s2;
	s4 =	sshll.u32 s4, $0x1;
	s2 =	simm.s32 $0x0  }
0x6: {  	s17 =	sadd.s32 $0x1A0A00, s1;
	s5 =	sadd.s32 $0x157C00, s1;
	s7 =	sor.u32 s6, s4  }
0x7: {  	[smem:$0x7FF] =	sst s2;
	s9 =	ssub.s32 $0x2, s6;
	s6 =	sadd.s32 $0x1E00, s1  }
0x8: {  	s4 =	sshll.u32 s7, $0x9;
	_ =	strace $0x80000047;
	[dreg:$0x4] =	wrdreg s17  }
0x9: {  	s18 =	sshrl.u32 s9, $0x1;
	s21 =	sshll.u32 s7, $0x6;
	s25 =	sshll.u32 s7, $0xC  }
0xa: {  	s17 =	simm.s32 $0xFA00;
	s8 =	sadd.s32 s4, s1;
	s0 =	sadd.s32 s0, s21  }
0xb: {  	s4 =	sadd.s32 $0x94600, s1;
	s10 =	sadd.s32 $0x188A00, s8;
	[dreg:$0xa] =	wrdreg s0  }
0xc: {  	s1 =	ssub.s32 s9, s18;
	s19 =	sadd.s32 $0x19CA00, s8;
	[dreg:$0x5] =	wrdreg s10  }
0xd: {  	s14 =	sadd.s32 s3, s25;
	s20 =	sadd.s32 $0x198A00, s8;
	[dreg:$0x6] =	wrdreg s19  }
0xe: {  	s18 =	simm.s32 $0xFC00;
	s22 =	sadd.s32 $0x194A00, s8;
	[dreg:$0x7] =	wrdreg s20  }
.Ltmp0:
0xf: {  	s23 =	sadd.s32 $0x190A00, s8;
	[dreg:$0x8] =	wrdreg s22;
	(pc) =	sbr.rel .LBB2_1-.Ltmp0, $4  }
0x10: {  	s3 =	simm.s32 $0x40;
	s24 =	sadd.s32 $0x18CA00, s8;
	[dreg:$0x9] =	wrdreg s23  }
0x11: {  	v0 =	vimm.s32 $0x0;
	vm0 =	vcmask $0x300;
	s9 =	simm.s32 $0x0;
	s26 =	smax.u32 s1, $0x1;
	[dreg:$0xb] =	wrdreg s24  }
0x12: {  	v1 =	vlaneseq.u32;
	v0 =	vsel vm0, $0x3, v0;
	s1 =	simm.s32 $0x19C00;
	s0 =	simm.s32 $0x1BE00;
	[dreg:$0xc] =	wrdreg s26  }
0x13: {  	v2 =	vor.u32 $0x10, v1;
	v3 =	vor.u32 $0x20, v1;
	v4 =	vor.u32 $0x30, v1;
	s20 =	simm.s32 $0x11C00;
	s24 =	simm.s32 $0x1AC00;
	s26 =	simm.s32 $0x1B000  }
.LBB2_8:
0x14: {  	s7 =	simm.s32 $0x3  }
0x15: {  	_ =	swait.ge [sflag:s7], $0x200  }
0x16: {  	[sflag:s7] =	ssyncset.done $0x0  }
0x17: {  	s8 =	simm.s32 $0x4;
	[sflag:s7] =	ssyncadd.s32 $0xFFFFFE00  }
0x18: {  	_ =	swait.ge [sflag:s8], $0x200  }
0x19: {  	s9 =	rddreg [dreg:$0xd]  }
0x1a: {  	s25 =	rddreg [dreg:$0xc];
	s9 =	sadd.s32 $0x1, s9  }
0x1b: {  	p0 =	sne.s32 s9, s25  }
.Ltmp1:
0x1c: {  	_ = 	snop;
	(pc) =	sbr.rel @!p0 .LBB2_9-.Ltmp1, $3  }
0x1d: {  	_ =	sdelay $0x1  }
0x1e: {  	[sflag:s8] =	ssyncset.done $0x0  }
0x1f: {  	[sflag:s8] =	ssyncadd.s32 $0xFFFFFE00  }
.LBB2_1:
0x20: {  	[dreg:$0xd] =	wrdreg s9  }
0x21: {  	s7 =	rddreg [dreg:$0x4];
	s8 =	simm.s32 $0x5  }
0x22: {  	[tilespmem:s2], [sflag:$0x5] =	stream.linear.gather [hbm4b:s7+s2], $0xFA00, $0x38;
	[tilespmem:$0x1C000] =	vst v63  }
0x23: {  	_ =	swait.ge [sflag:s8], $0xFA00  }
0x24: {  	[sflag:s8] =	ssyncset.done $0x0  }
0x25: {  	s13 =	rddreg [dreg:$0xa];
	[sflag:s8] =	ssyncadd.s32 $0xFFFF0600  }
0x26: {  	[tilespmem:s17], [sflag:$0x5] =	stream.linear.gather [hbm4b:s13+s2], $0x200, $0x38;
	[tilespmem:$0x1C000] =	vst v63  }
0x27: {  	_ =	swait.ge [sflag:s8], $0x200  }
0x28: {  	[sflag:s8] =	ssyncset.done $0x0  }
0x29: {  	s15 =	rddreg [dreg:$0x5];
	[sflag:s8] =	ssyncadd.s32 $0xFFFFFE00  }
0x2a: {  	[tilespmem:s18], [sflag:$0x5] =	stream.linear.gather [hbm4b:s15+s2], $0x1000, $0x38;
	[tilespmem:$0x1C000] =	vst v63  }
0x2b: {  	_ =	swait.ge [sflag:s8], $0x1000  }
0x2c: {  	[sflag:s8] =	ssyncset.done $0x0  }
0x2d: {  	s19 =	simm.s32 $0x10C00;
	s16 =	rddreg [dreg:$0x6];
	[sflag:s8] =	ssyncadd.s32 $0xFFFFF000  }
0x2e: {  	[tilespmem:s19], [sflag:$0x5] =	stream.linear.gather [hbm4b:s16+s2], $0x1000, $0x38;
	[tilespmem:$0x1C000] =	vst v63  }
0x2f: {  	_ =	swait.ge [sflag:s8], $0x1000  }
0x30: {  	[sflag:s8] =	ssyncset.done $0x0  }
0x31: {  	s21 =	rddreg [dreg:$0x7];
	[sflag:s8] =	ssyncadd.s32 $0xFFFFF000  }
0x32: {  	[tilespmem:s20], [sflag:$0x5] =	stream.linear.gather [hbm4b:s21+s2], $0x1000, $0x38;
	[tilespmem:$0x1C000] =	vst v63  }
0x33: {  	_ =	swait.ge [sflag:s8], $0x1000  }
0x34: {  	[sflag:s8] =	ssyncset.done $0x0  }
0x35: {  	s10 =	simm.s32 $0x12C00;
	s22 =	rddreg [dreg:$0x8];
	[sflag:s8] =	ssyncadd.s32 $0xFFFFF000  }
0x36: {  	[tilespmem:s10], [sflag:$0x5] =	stream.linear.gather [hbm4b:s22+s2], $0x1000, $0x38;
	[tilespmem:$0x1C000] =	vst v63  }
0x37: {  	_ =	swait.ge [sflag:s8], $0x1000  }
0x38: {  	[sflag:s8] =	ssyncset.done $0x0  }
0x39: {  	s11 =	simm.s32 $0x13C00;
	s23 =	rddreg [dreg:$0x9];
	[sflag:s8] =	ssyncadd.s32 $0xFFFFF000  }
0x3a: {  	[tilespmem:s11], [sflag:$0x5] =	stream.linear.gather [hbm4b:s23+s2], $0x1000, $0x38;
	[tilespmem:$0x1C000] =	vst v63  }
0x3b: {  	_ =	swait.ge [sflag:s8], $0x1000  }
0x3c: {  	[sflag:s8] =	ssyncset.done $0x0  }
0x3d: {  	s12 =	simm.s32 $0x14C00;
	s25 =	rddreg [dreg:$0xb];
	[sflag:s8] =	ssyncadd.s32 $0xFFFFF000  }
0x3e: {  	[tilespmem:s12], [sflag:$0x5] =	stream.linear.gather [hbm4b:s25+s2], $0x1000, $0x38;
	[tilespmem:$0x1C000] =	vst v63  }
0x3f: {  	_ =	swait.ge [sflag:s8], $0x1000  }
0x40: {  	[sflag:s8] =	ssyncset.done $0x0  }
0x41: {  	s13 =	simm.s32 $0x15C00;
	[sflag:s8] =	ssyncadd.s32 $0xFFFFF000  }
0x42: {  	[tilespmem:s13], [sflag:$0x1] =	stream.indirect.gather [hbm4b:s4+s3], $0x40, s19, s3, $0xb8;
	[tilespmem:$0x1C000] =	vst v63  }
0x43: {  	s15 =	simm.s32 $0x16C00  }
0x44: {  	[tilespmem:s15], [sflag:$0x1] =	stream.indirect.gather [hbm4b:s4+s3], $0x40, s10, s3, $0xb8;
	[tilespmem:$0x1C000] =	vst v63  }
0x45: {  	s16 =	simm.s32 $0x17C00  }
0x46: {  	[tilespmem:s16], [sflag:$0x1] =	stream.indirect.gather [hbm4b:s5+s3], $0x10, s11, s3, $0xb8;
	[tilespmem:$0x1C000] =	vst v63  }
0x47: {  	s19 =	simm.s32 $0x18000  }
0x48: {  	[tilespmem:s19], [sflag:$0x1] =	stream.indirect.gather [hbm4b:s6+s3], $0x30, s12, s3, $0xb8;
	[tilespmem:$0x1C000] =	vst v63  }
0x49: {  	s21 =	simm.s32 $0x10C40  }
0x4a: {  	[tilespmem:s30], [sflag:$0x2] =	stream.indirect.gather [hbm4b:s4+s3], $0x40, s21, s3, $0xb8;
	[tilespmem:$0x1C000] =	vst v63  }
0x4b: {  	s9 =	simm.s32 $0x0;
	s22 =	simm.s32 $0x12C40  }
0x4c: {  	[tilespmem:s1], [sflag:$0x2] =	stream.indirect.gather [hbm4b:s4+s3], $0x40, s22, s3, $0xb8;
	[tilespmem:$0x1C000] =	vst v63  }
0x4d: {  	s7 =	simm.s32 $0x0;
	s23 =	simm.s32 $0x13C40;
	s25 =	simm.s32 $0x14C40  }
0x4e: {  	[tilespmem:s24], [sflag:$0x2] =	stream.indirect.gather [hbm4b:s5+s3], $0x10, s23, s3, $0xb8;
	[tilespmem:$0x1C000] =	vst v63  }
0x4f: {  	s8 =	simm.s32 $0x0;
	s19 =	simm.s32 $0x40;
	s21 =	simm.s32 $0x8  }
0x50: {  	[tilespmem:s26], [sflag:$0x2] =	stream.indirect.gather [hbm4b:s6+s3], $0x30, s25, s3, $0xb8;
	[tilespmem:$0x1C000] =	vst v63  }
.LBB2_2:
0x51: {  	_ =	swait.ge [sflag:s28], $0x1000  }
0x52: {  	[sflag:s28] =	ssyncset.done $0x0  }
0x53: {  	[sflag:s28] =	ssyncadd.s32 $0xFFFFF000  }
0x54: {  	_ =	swait.ge [sflag:s28], $0x1000  }
0x55: {  	[sflag:s28] =	ssyncset.done $0x0  }
0x56: {  	[sflag:s28] =	ssyncadd.s32 $0xFFFFF000  }
0x57: {  	_ =	swait.ge [sflag:s28], $0x400  }
0x58: {  	[sflag:s28] =	ssyncset.done $0x0  }
0x59: {  	[sflag:s28] =	ssyncadd.s32 $0xFFFFFC00  }
0x5a: {  	_ =	swait.ge [sflag:s28], $0xC00  }
0x5b: {  	p0 =	seq.s32 s9, $0x0;
	[sflag:s28] =	ssyncset.done $0x0  }
0x5c: {  	s11 =	sshll.u32 s9, $0x1;
	s10 =	simm.s32 @!p0 $0x3;
	[sflag:s28] =	ssyncadd.s32 $0xFFFFF400  }
0x5d: {  	s12 =	simm.s32 $0x1BC20;
	s13 =	simm.s32 $0x180C0;
	_ =	swait.ge @!p0 [sflag:s10], $0x200  }
0x5e: {  	s15 =	simm.s32 $0x17C40;
	s25 =	smov.u32 s7;
	[sflag:s10] =	ssyncset.done @!p0 $0x0  }
0x5f: {  	s23 =	smov.u32 s8;
	[sflag:s10] =	ssyncadd.s32 @!p0 $0xFFFFFE00;
	s10 =	simm.s32 $0x0  }
.LBB2_3:
0x60: {  	v49 =	vld [tilespmem:s15+$0xFFFFFFC0]  }
0x61: {  	v32 =	vld [tilespmem:s15+$0xFFFFFFD0]  }
0x62: {  	v36 =	vld [tilespmem:s15+$0xFFFFFFE0]  }
0x63: {  	s22 =	sshra.s32 s10, $0x2;
	v41 =	vld [tilespmem:s15+$0xFFFFFFF0]  }
0x64: {  	v5 =	vmov s25;
	v54 =	vld [tilespmem:s22+$0x15C00]  }
0x65: {  	v5 =	vshrl.u32 v5, $0x3;
	v31 =	vld [tilespmem:s22+$0x16C00]  }
0x66: {  	v34 =	vld [tilespmem:s22+$0x15C40];
	v5 =	vshll.u32 v5, v0  }
0x67: {  	v6 =	vmov s23;
	v35 =	vld [tilespmem:s22+$0x16C40];
	v7 =	vbroadcast v5, $0x0  }
0x68: {  	v38 =	vld [tilespmem:s22+$0x15C80];
	v8 =	vadd.s32 $0x1, v5  }
0x69: {  	v39 =	vld [tilespmem:s22+$0x16C80];
	v9 =	vadd.s32 $0x2, v5;
	v8 =	vbroadcast v8, $0x0  }
0x6a: {  	v42 =	vld [tilespmem:s22+$0x15CC0];
	v10 =	vadd.s32 $0x3, v5;
	v9 =	vbroadcast v9, $0x0  }
0x6b: {  	v43 =	vld [tilespmem:s22+$0x16CC0];
	v11 =	vadd.s32 $0x4, v5;
	v10 =	vbroadcast v10, $0x0  }
0x6c: {  	v12 =	vadd.s32 $0x5, v5;
	v11 =	vbroadcast v11, $0x0;
	v6 =	vld.idx.msk [tilespmem:v6+s17+$0x0], $0xffff  }
0x6d: {  	v12 =	vbroadcast v12, $0x0;
	v14 =	vld.idx.msk [tilespmem:v7+s18+$0x0], $0xffff  }
0x6e: {  	v13 =	vadd.s32 $0x6, v5;
	v7 =	vld.idx.msk [tilespmem:v7+s20+$0x0], $0xffff  }
0x6f: {  	v13 =	vbroadcast v13, $0x0;
	v15 =	vld.idx.msk [tilespmem:v8+s18+$0x0], $0xffff  }
0x70: {  	v17 =	vld.idx.msk [tilespmem:v9+s18+$0x0], $0xffff  }
0x71: {  	v18 =	vld.idx.msk [tilespmem:v10+s18+$0x0], $0xffff  }
0x72: {  	v19 =	vld.idx.msk [tilespmem:v11+s18+$0x0], $0xffff  }
0x73: {  	v20 =	vld.idx.msk [tilespmem:v12+s18+$0x0], $0xffff  }
0x74: {  	v5 =	vadd.s32 $0x7, v5;
	v23 =	vld.idx.msk [tilespmem:v8+s20+$0x0], $0xffff  }
0x75: {  	v16 =	vbroadcast v5, $0x0;
	v21 =	vld.idx.msk [tilespmem:v13+s18+$0x0], $0xffff;
	v5 =	vshll.u32 v6, $0x6  }
0x76: {  	v24 =	vld.idx.msk [tilespmem:v9+s20+$0x0], $0xffff;
	v46 =	vor.u32 v1, v5;
	v6 =	vshll.u32 v14, $0x6  }
0x77: {  	v25 =	vld.idx.msk [tilespmem:v10+s20+$0x0], $0xffff;
	v7 =	vshll.u32 v7, $0x6;
	v47 =	vor.u32 v1, v6  }
0x78: {  	v26 =	vld.idx.msk [tilespmem:v11+s20+$0x0], $0xffff;
	v48 =	vor.u32 v1, v7;
	v8 =	vshll.u32 v15, $0x6  }
0x79: {  	v27 =	vld.idx.msk [tilespmem:v12+s20+$0x0], $0xffff;
	v9 =	vshll.u32 v23, $0x6;
	v51 =	vor.u32 v1, v8  }
0x7a: {  	v28 =	vld.idx.msk [tilespmem:v13+s20+$0x0], $0xffff;
	v10 =	vshll.u32 v17, $0x6;
	v53 =	vor.u32 v1, v9  }
0x7b: {  	v11 =	vshll.u32 v24, $0x6;
	v30 =	vld.idx.msk [tilespmem:v46+s2+$0x0], $0xffff;
	v56 =	vor.u32 v1, v10  }
0x7c: {  	v12 =	vshll.u32 v18, $0x6;
	v33 =	vor.u32 v1, v11;
	v50 =	vld.idx.msk [tilespmem:v47+s2+$0x0], $0xffff  }
0x7d: {  	v13 =	vshll.u32 v25, $0x6;
	v37 =	vor.u32 v1, v12;
	v52 =	vld.idx.msk [tilespmem:v48+s2+$0x0], $0xffff  }
0x7e: {  	v59 =	vor.u32 v1, v13;
	v55 =	vld.idx.msk [tilespmem:v51+s2+$0x0], $0xffff  }
0x7f: {  	v62 =	vmul.f32 $6.250000000e-02, v32;
	v31 =	vmul.f32 $6.250000000e-02, v31;
	v57 =	vld.idx.msk [tilespmem:v53+s2+$0x0], $0xffff  }
0x80: {  	v34 =	vmul.f32 $1.562500000e-02, v34;
	v35 =	vmul.f32 $6.250000000e-02, v35;
	v58 =	vld.idx.msk [tilespmem:v56+s2+$0x0], $0xffff  }
0x81: {  	v39 =	vmul.f32 $6.250000000e-02, v39;
	v45 =	vmul.f32 $6.250000000e-02, v43;
	v25 =	vld.idx.msk [tilespmem:v33+s2+$0x0], $0xffff  }
0x82: {  	v14 =	vmul.f32 $6.250000000e-02, v49;
	v23 =	vmul.f32 $1.562500000e-02, v54;
	v60 =	vld.idx.msk [tilespmem:v37+s2+$0x0], $0xffff  }
0x83: {  	v63 =	vld.idx.msk [tilespmem:v59+s2+$0x0], $0xffff;
	v53 =	vmul.f32 $6.250000000e-02, v36;
	v30 =	vmul.f32 $5.000000000e-01, v30  }
0x84: {  	v22 =	vld.idx.msk [tilespmem:v16+s18+$0x0], $0xffff;
	v56 =	vmul.f32 $6.250000000e-02, v41;
	v15 =	vmul.f32 $4.687500000e-02, v50  }
0x85: {  	v29 =	vld.idx.msk [tilespmem:v16+s20+$0x0], $0xffff;
	v16 =	vmul.f32 $6.250000000e-02, v52;
	v17 =	vmul.f32 $4.687500000e-02, v55  }
0x86: {  	v44 =	vld [tilespmem:s15+$0x0];
	v24 =	vmul.f32 $6.250000000e-02, v57;
	v18 =	vmul.f32 $4.687500000e-02, v58  }
0x87: {  	v46 =	vld [tilespmem:s22+$0x16D40];
	v49 =	vadd.f32 v31, v23;
	v58 =	vmul.f32 $4.687500000e-02, v60;
	v25 =	vmul.f32 $6.250000000e-02, v25  }
0x88: {  	v47 =	vld [tilespmem:s15+$0x20];
	v51 =	vadd.f32 v35, v34;
	v60 =	vmul.f32 $1.562500000e-02, v38;
	v32 =	vmul.f32 $6.250000000e-02, v63  }
0x89: {  	v35 =	vld [tilespmem:s22+$0x15D00];
	v63 =	vmul.f32 $1.562500000e-02, v42;
	v40 =	vadd.f32 v15, v14;
	v14 =	vshll.u32 v19, $0x6  }
0x8a: {  	v57 =	vld [tilespmem:s15+$0x10];
	v15 =	vshll.u32 v26, $0x6;
	v19 =	vshll.u32 v28, $0x6;
	v61 =	vor.u32 v1, v14  }
0x8b: {  	v38 =	vld [tilespmem:s22+$0x16DC0];
	v48 =	vor.u32 v1, v15;
	v26 =	vadd.f32 v17, v62;
	v17 =	vshll.u32 v27, $0x6  }
0x8c: {  	v55 =	vadd.f32 v18, v53;
	v18 =	vshll.u32 v21, $0x6;
	v21 =	vadd.f32 v58, v56;
	v62 =	vld [tilespmem:s22+$0x15D40]  }
0x8d: {  	v28 =	vadd.f32 v39, v60;
	v53 =	vld [tilespmem:s22+$0x15D80];
	v40 =	vadd.f32 v16, v40;
	v16 =	vshll.u32 v20, $0x6  }
0x8e: {  	v58 =	vmul.f32 $1.562500000e-02, v35;
	v50 =	vor.u32 v1, v16;
	v24 =	vadd.f32 v24, v26;
	v26 =	vld [tilespmem:s22+$0x16D00]  }
0x8f: {  	v39 =	vmul.f32 $6.250000000e-02, v47;
	v52 =	vor.u32 v1, v17;
	v25 =	vadd.f32 v25, v55;
	v55 =	vld [tilespmem:s22+$0x16D80]  }
0x90: {  	v59 =	vor.u32 v1, v18;
	v20 =	vshll.u32 v22, $0x6;
	v56 =	vmul.f32 $6.250000000e-02, v57;
	v57 =	vld [tilespmem:s15+$0x30]  }
0x91: {  	v32 =	vadd.f32 v32, v21;
	v21 =	vshll.u32 v29, $0x6;
	v54 =	vadd.f32 v49, v40;
	v23 =	vld.idx.msk [tilespmem:v61+s2+$0x0], $0xffff  }
0x92: {  	v49 =	vor.u32 v1, v20;
	v29 =	vmul.f32 $6.250000000e-02, v38;
	v24 =	vadd.f32 v51, v24;
	v27 =	vld.idx.msk [tilespmem:v48+s2+$0x0], $0xffff  }
0x93: {  	v25 =	vadd.f32 v28, v25;
	v61 =	vor.u32 v1, v19;
	v48 =	vadd.f32 v45, v63;
	v31 =	vld.idx.msk [tilespmem:v50+s2+$0x0], $0xffff  }
0x94: {  	v43 =	vmul.f32 $1.562500000e-02, v53;
	v33 =	vld.idx.msk [tilespmem:v52+s2+$0x0], $0xffff;
	v52 =	vor.u32 v1, v21;
	v24 =	vadd.f32 $0.0e+00, v24  }
0x95: {  	v63 =	vld [tilespmem:s22+$0x15DC0];
	v50 =	vadd.f32 v54, v30;
	v22 =	vadd.f32 v48, v32;
	v54 =	vmul.f32 $6.250000000e-02, v44  }
0x96: {  	v40 =	vld.idx.msk [tilespmem:v59+s2+$0x0], $0xffff;
	v26 =	vmul.f32 $6.250000000e-02, v26;
	v44 =	vmul.f32 $6.250000000e-02, v57  }
0x97: {  	v59 =	vld.idx.msk [tilespmem:v49+s2+$0x0], $0xffff;
	v25 =	vadd.f32 v25, v50;
	v22 =	vadd.f32 v22, v24;
	v23 =	vmul.f32 $4.687500000e-02, v23  }
0x98: {  	v26 =	vadd.f32 v26, v58;
	v51 =	vld.idx.msk [tilespmem:v61+s2+$0x0], $0xffff;
	v27 =	vmul.f32 $6.250000000e-02, v27;
	v31 =	vmul.f32 $4.687500000e-02, v31  }
0x99: {  	v61 =	vmul.f32 $1.562500000e-02, v62;
	v62 =	vmul.f32 $6.250000000e-02, v46;
	v30 =	vld.idx.msk [tilespmem:v52+s2+$0x0], $0xffff;
	v23 =	vadd.f32 v23, v54  }
0x9a: {  	v46 =	vmul.f32 $6.250000000e-02, v55;
	v60 =	vmul.f32 $6.250000000e-02, v33;
	v24 =	vadd.f32 v31, v56  }
0x9b: {  	v47 =	vmul.f32 $1.562500000e-02, v63;
	v41 =	vmul.f32 $4.687500000e-02, v40;
	v23 =	vadd.f32 v27, v23  }
0x9c: {  	v45 =	vmul.f32 $4.687500000e-02, v59;
	v27 =	vadd.f32 v62, v61;
	v24 =	vadd.f32 v60, v24  }
0x9d: {  	v28 =	vadd.f32 v46, v43;
	v31 =	vadd.f32 v41, v39;
	v42 =	vmul.f32 $6.250000000e-02, v51  }
0x9e: {  	v30 =	vmul.f32 $6.250000000e-02, v30;
	v24 =	vadd.f32 v27, v24;
	v27 =	vadd.f32 v45, v44  }
0x9f: {  	v23 =	vadd.f32 v26, v23;
	v26 =	vadd.f32 v42, v31  }
0xa0: {  	v29 =	vadd.f32 v29, v47;
	v27 =	vadd.f32 v30, v27  }
0xa1: {  	v23 =	vadd.f32 v23, v25;
	v48 =	vadd.f32 v28, v26  }
0xa2: {  	v22 =	vadd.f32 v24, v22;
	v49 =	vadd.f32 v29, v27;
	_ =	sdelay $0x1  }
0xa3: {  	v50 =	vor.u32 v2, v5;
	v23 =	vadd.f32 v48, v23;
	v22 =	vadd.f32 v49, v22;
	_ =	sdelay $0x1  }
0xa4: {  	v51 =	vor.u32 v2, v6;
	v22 =	vadd.f32 v22, v23  }
0xa5: {  	v52 =	vor.u32 v2, v7  }
0xa6: {  	[tilespmem:s12+$0xFFFFFFE0] =	vst v22  }
0xa7: {  	v22 =	vld.idx.msk [tilespmem:v50+s2+$0x0], $0xffff  }
0xa8: {  	v53 =	vld [tilespmem:s13+$0xFFFFFF40]  }
0xa9: {  	v54 =	vor.u32 v2, v8;
	v23 =	vld.idx.msk [tilespmem:v51+s2+$0x0], $0xffff  }
0xaa: {  	v55 =	vor.u32 v2, v9;
	v25 =	vld.idx.msk [tilespmem:v52+s2+$0x0], $0xffff  }
0xab: {  	v56 =	vld [tilespmem:s22+$0x15C10]  }
0xac: {  	v57 =	vld [tilespmem:s22+$0x16C10]  }
0xad: {  	v58 =	vld [tilespmem:s13+$0xFFFFFF70]  }
0xae: {  	v59 =	vor.u32 v2, v10;
	v26 =	vld.idx.msk [tilespmem:v54+s2+$0x0], $0xffff  }
0xaf: {  	v60 =	vor.u32 v2, v11;
	v27 =	vld.idx.msk [tilespmem:v55+s2+$0x0], $0xffff  }
0xb0: {  	v61 =	vld [tilespmem:s22+$0x15C50]  }
0xb1: {  	v62 =	vld [tilespmem:s22+$0x16C50]  }
0xb2: {  	v63 =	vld [tilespmem:s13+$0xFFFFFFA0]  }
0xb3: {  	v46 =	vor.u32 v2, v12;
	v31 =	vld.idx.msk [tilespmem:v59+s2+$0x0], $0xffff  }
0xb4: {  	v47 =	vor.u32 v2, v13;
	v32 =	vld.idx.msk [tilespmem:v60+s2+$0x0], $0xffff  }
0xb5: {  	v48 =	vld [tilespmem:s22+$0x15C90]  }
0xb6: {  	v49 =	vld [tilespmem:s22+$0x16C90]  }
0xb7: {  	v50 =	vld [tilespmem:s13+$0xFFFFFFD0]  }
0xb8: {  	v36 =	vld.idx.msk [tilespmem:v46+s2+$0x0], $0xffff;
	v51 =	vor.u32 v2, v14  }
0xb9: {  	v37 =	vld.idx.msk [tilespmem:v47+s2+$0x0], $0xffff;
	v52 =	vor.u32 v2, v15;
	v24 =	vmul.f32 $6.250000000e-02, v53  }
0xba: {  	v44 =	vld [tilespmem:s13+$0x90];
	v23 =	vmul.f32 $4.687500000e-02, v23;
	v30 =	vmul.f32 $6.250000000e-02, v58  }
0xbb: {  	v26 =	vmul.f32 $4.687500000e-02, v26;
	v53 =	vld [tilespmem:s22+$0x15CD0];
	v54 =	vmul.f32 $6.250000000e-02, v25  }
0xbc: {  	v55 =	vmul.f32 $1.562500000e-02, v56;
	v56 =	vld [tilespmem:s22+$0x16CD0];
	v29 =	vmul.f32 $6.250000000e-02, v57  }
0xbd: {  	v27 =	vmul.f32 $6.250000000e-02, v27;
	v33 =	vmul.f32 $1.562500000e-02, v61;
	v41 =	vld.idx.msk [tilespmem:v51+s2+$0x0], $0xffff  }
0xbe: {  	v34 =	vmul.f32 $6.250000000e-02, v62;
	v25 =	vld.idx.msk [tilespmem:v52+s2+$0x0], $0xffff;
	v61 =	vmul.f32 $6.250000000e-02, v63  }
0xbf: {  	v59 =	vor.u32 v2, v17;
	v31 =	vmul.f32 $4.687500000e-02, v31;
	v40 =	vmul.f32 $6.250000000e-02, v50;
	v50 =	vld [tilespmem:s22+$0x15D50]  }
0xc0: {  	v57 =	vor.u32 v2, v16;
	v32 =	vmul.f32 $6.250000000e-02, v32;
	v62 =	vmul.f32 $1.562500000e-02, v48;
	v52 =	vld [tilespmem:s22+$0x16D50]  }
0xc1: {  	v63 =	vor.u32 v2, v18;
	v36 =	vmul.f32 $4.687500000e-02, v36;
	v26 =	vadd.f32 v26, v30;
	v30 =	vld [tilespmem:s13+$0x0]  }
0xc2: {  	v48 =	vor.u32 v2, v19;
	v23 =	vadd.f32 v23, v24;
	v60 =	vadd.f32 v34, v33;
	v33 =	vld [tilespmem:s22+$0x15D10]  }
0xc3: {  	v49 =	vmul.f32 $6.250000000e-02, v49;
	v37 =	vmul.f32 $6.250000000e-02, v37;
	v58 =	vadd.f32 v29, v55;
	v24 =	vld [tilespmem:s22+$0x16D10]  }
0xc4: {  	v22 =	vmul.f32 $5.000000000e-01, v22;
	v34 =	vld [tilespmem:s13+$0x30];
	v36 =	vadd.f32 v36, v40;
	v23 =	vadd.f32 v54, v23  }
0xc5: {  	v29 =	vld.idx.msk [tilespmem:v59+s2+$0x0], $0xffff;
	v59 =	vor.u32 v2, v21;
	v26 =	vadd.f32 v27, v26;
	v27 =	vadd.f32 v31, v61  }
0xc6: {  	v31 =	vadd.f32 v49, v62;
	v54 =	vadd.f32 v37, v36;
	v38 =	vld.idx.msk [tilespmem:v57+s2+$0x0], $0xffff;
	v51 =	vmul.f32 $1.562500000e-02, v53  }
0xc7: {  	v28 =	vmul.f32 $6.250000000e-02, v56;
	v53 =	vld [tilespmem:s13+$0x60];
	v56 =	vor.u32 v2, v20;
	v62 =	vmul.f32 $4.687500000e-02, v41  }
0xc8: {  	v55 =	vld.idx.msk [tilespmem:v63+s2+$0x0], $0xffff;
	v25 =	vmul.f32 $6.250000000e-02, v25;
	v47 =	vmul.f32 $1.562500000e-02, v50;
	v23 =	vadd.f32 v58, v23  }
0xc9: {  	v26 =	vadd.f32 v60, v26;
	v27 =	vadd.f32 v32, v27;
	v58 =	vld.idx.msk [tilespmem:v48+s2+$0x0], $0xffff;
	v48 =	vmul.f32 $6.250000000e-02, v52  }
0xca: {  	v63 =	vld [tilespmem:s22+$0x16D90];
	v28 =	vadd.f32 v28, v51;
	v61 =	vmul.f32 $6.250000000e-02, v30;
	v41 =	vmul.f32 $6.250000000e-02, v34  }
0xcb: {  	v49 =	vld [tilespmem:s22+$0x15DD0];
	v45 =	vmul.f32 $1.562500000e-02, v33;
	v24 =	vmul.f32 $6.250000000e-02, v24;
	v22 =	vadd.f32 v23, v22  }
0xcc: {  	v60 =	vld [tilespmem:s22+$0x15D90];
	v29 =	vmul.f32 $6.250000000e-02, v29;
	v57 =	vadd.f32 v31, v27;
	v26 =	vadd.f32 $0.0e+00, v26  }
0xcd: {  	v28 =	vadd.f32 v28, v54;
	v23 =	vadd.f32 v62, v61;
	v42 =	vmul.f32 $4.687500000e-02, v38;
	v46 =	vld.idx.msk [tilespmem:v56+s2+$0x0], $0xffff  }
0xce: {  	v31 =	vld.idx.msk [tilespmem:v59+s2+$0x0], $0xffff;
	v24 =	vadd.f32 v24, v45;
	v51 =	vmul.f32 $6.250000000e-02, v53;
	v52 =	vmul.f32 $4.687500000e-02, v55  }
0xcf: {  	v50 =	vld [tilespmem:s22+$0x16DD0];
	v22 =	vadd.f32 v57, v22;
	v55 =	vmul.f32 $6.250000000e-02, v44;
	v56 =	vmul.f32 $6.250000000e-02, v63  }
0xd0: {  	v57 =	vmul.f32 $1.562500000e-02, v49;
	v26 =	vadd.f32 v28, v26;
	v28 =	vadd.f32 v42, v41  }
0xd1: {  	v23 =	vadd.f32 v25, v23;
	v25 =	vadd.f32 v48, v47;
	v53 =	vmul.f32 $6.250000000e-02, v58  }
0xd2: {  	v54 =	vmul.f32 $1.562500000e-02, v60;
	v28 =	vadd.f32 v29, v28;
	v33 =	vmul.f32 $4.687500000e-02, v46  }
0xd3: {  	v30 =	vadd.f32 v52, v51;
	v23 =	vadd.f32 v24, v23;
	v31 =	vmul.f32 $6.250000000e-02, v31  }
0xd4: {  	v29 =	vmul.f32 $6.250000000e-02, v50;
	v25 =	vadd.f32 v25, v28;
	v28 =	vadd.f32 v33, v55  }
0xd5: {  	v27 =	vadd.f32 v56, v54;
	v24 =	vadd.f32 v53, v30  }
0xd6: {  	v29 =	vadd.f32 v29, v57;
	v28 =	vadd.f32 v31, v28  }
0xd7: {  	v22 =	vadd.f32 v23, v22;
	v24 =	vadd.f32 v27, v24  }
0xd8: {  	v58 =	vadd.f32 v25, v26;
	v59 =	vadd.f32 v29, v28;
	_ =	sdelay $0x1  }
0xd9: {  	v60 =	vor.u32 v3, v5;
	v22 =	vadd.f32 v24, v22;
	v23 =	vadd.f32 v59, v58;
	_ =	sdelay $0x1  }
0xda: {  	v61 =	vor.u32 v3, v6;
	v22 =	vadd.f32 v23, v22  }
0xdb: {  	v62 =	vor.u32 v3, v7  }
0xdc: {  	[tilespmem:s12+$0xFFFFFFF0] =	vst v22  }
0xdd: {  	v22 =	vld.idx.msk [tilespmem:v60+s2+$0x0], $0xffff  }
0xde: {  	v63 =	vld [tilespmem:s13+$0xFFFFFF50]  }
0xdf: {  	v44 =	vor.u32 v3, v8;
	v23 =	vld.idx.msk [tilespmem:v61+s2+$0x0], $0xffff  }
0xe0: {  	v45 =	vor.u32 v3, v9;
	v25 =	vld.idx.msk [tilespmem:v62+s2+$0x0], $0xffff  }
0xe1: {  	v46 =	vld [tilespmem:s22+$0x15C20]  }
0xe2: {  	v47 =	vld [tilespmem:s22+$0x16C20]  }
0xe3: {  	v50 =	vld [tilespmem:s13+$0xFFFFFF80]  }
0xe4: {  	v51 =	vor.u32 v3, v10;
	v26 =	vld.idx.msk [tilespmem:v44+s2+$0x0], $0xffff  }
0xe5: {  	v52 =	vor.u32 v3, v11;
	v27 =	vld.idx.msk [tilespmem:v45+s2+$0x0], $0xffff  }
0xe6: {  	v53 =	vld [tilespmem:s22+$0x15C60]  }
0xe7: {  	v54 =	vld [tilespmem:s22+$0x16C60]  }
0xe8: {  	v55 =	vld [tilespmem:s13+$0xFFFFFFB0]  }
0xe9: {  	v56 =	vor.u32 v3, v12;
	v31 =	vld.idx.msk [tilespmem:v51+s2+$0x0], $0xffff  }
0xea: {  	v57 =	vor.u32 v3, v13;
	v32 =	vld.idx.msk [tilespmem:v52+s2+$0x0], $0xffff  }
0xeb: {  	v58 =	vld [tilespmem:s22+$0x15CA0]  }
0xec: {  	v39 =	vld [tilespmem:s22+$0x16CA0]  }
0xed: {  	v59 =	vld [tilespmem:s13+$0xFFFFFFE0];
	v60 =	vor.u32 v3, v14  }
0xee: {  	v36 =	vld.idx.msk [tilespmem:v56+s2+$0x0], $0xffff;
	v61 =	vor.u32 v3, v15  }
0xef: {  	v37 =	vld.idx.msk [tilespmem:v57+s2+$0x0], $0xffff  }
0xf0: {  	v62 =	vld [tilespmem:s22+$0x15CE0];
	v24 =	vmul.f32 $6.250000000e-02, v63;
	v23 =	vmul.f32 $4.687500000e-02, v23  }
0xf1: {  	v49 =	vld [tilespmem:s22+$0x16CE0];
	v30 =	vmul.f32 $6.250000000e-02, v50;
	v26 =	vmul.f32 $4.687500000e-02, v26  }
0xf2: {  	v63 =	vmul.f32 $6.250000000e-02, v25;
	v48 =	vmul.f32 $1.562500000e-02, v46;
	v41 =	vld.idx.msk [tilespmem:v60+s2+$0x0], $0xffff  }
0xf3: {  	v29 =	vmul.f32 $6.250000000e-02, v47;
	v27 =	vmul.f32 $6.250000000e-02, v27;
	v25 =	vld.idx.msk [tilespmem:v61+s2+$0x0], $0xffff  }
0xf4: {  	v52 =	vor.u32 v3, v17;
	v34 =	vmul.f32 $6.250000000e-02, v54;
	v54 =	vmul.f32 $6.250000000e-02, v55;
	v55 =	vld [tilespmem:s13+$0x40]  }
0xf5: {  	v33 =	vmul.f32 $1.562500000e-02, v53;
	v50 =	vor.u32 v3, v16;
	v31 =	vmul.f32 $4.687500000e-02, v31;
	v61 =	vld [tilespmem:s22+$0x15D60]  }
0xf6: {  	v32 =	vmul.f32 $6.250000000e-02, v32;
	v56 =	vmul.f32 $1.562500000e-02, v58;
	v26 =	vadd.f32 v26, v30;
	v30 =	vld [tilespmem:s13+$0x10]  }
0xf7: {  	v58 =	vor.u32 v3, v18;
	v40 =	vmul.f32 $6.250000000e-02, v59;
	v53 =	vadd.f32 v34, v33;
	v33 =	vld [tilespmem:s22+$0x15D20]  }
0xf8: {  	v62 =	vmul.f32 $1.562500000e-02, v62;
	v28 =	vmul.f32 $6.250000000e-02, v49;
	v23 =	vadd.f32 v23, v24;
	v24 =	vld [tilespmem:s22+$0x16D20]  }
0xf9: {  	v36 =	vmul.f32 $4.687500000e-02, v36;
	v59 =	vor.u32 v3, v19;
	v51 =	vadd.f32 v29, v48;
	v29 =	vld.idx.msk [tilespmem:v52+s2+$0x0], $0xffff  }
0xfa: {  	v60 =	vmul.f32 $6.250000000e-02, v39;
	v37 =	vmul.f32 $6.250000000e-02, v37;
	v28 =	vadd.f32 v28, v62;
	v62 =	vld [tilespmem:s22+$0x15DE0]  }
0xfb: {  	v47 =	vor.u32 v3, v20;
	v36 =	vadd.f32 v36, v40;
	v23 =	vadd.f32 v63, v23;
	v63 =	vld [tilespmem:s22+$0x16D60]  }
0xfc: {  	v22 =	vmul.f32 $5.000000000e-01, v22;
	v26 =	vadd.f32 v27, v26;
	v27 =	vadd.f32 v31, v54;
	v54 =	vld [tilespmem:s22+$0x16DA0]  }
0xfd: {  	v31 =	vadd.f32 v60, v56;
	v45 =	vadd.f32 v37, v36;
	v57 =	vld.idx.msk [tilespmem:v50+s2+$0x0], $0xffff;
	v50 =	vor.u32 v3, v21  }
0xfe: {  	v46 =	vld.idx.msk [tilespmem:v58+s2+$0x0], $0xffff;
	v55 =	vmul.f32 $6.250000000e-02, v55;
	v25 =	vmul.f32 $6.250000000e-02, v25;
	v23 =	vadd.f32 v51, v23  }
0xff: {  	v49 =	vld.idx.msk [tilespmem:v59+s2+$0x0], $0xffff;
	v60 =	vmul.f32 $1.562500000e-02, v61;
	v26 =	vadd.f32 v53, v26;
	v27 =	vadd.f32 v32, v27  }
0x100: {  	v59 =	vld.idx.msk [tilespmem:v47+s2+$0x0], $0xffff;
	v28 =	vadd.f32 v28, v45;
	v53 =	vmul.f32 $4.687500000e-02, v41;
	v52 =	vmul.f32 $6.250000000e-02, v30  }
0x101: {  	v32 =	vld [tilespmem:s13+$0x70];
	v58 =	vmul.f32 $1.562500000e-02, v33;
	v24 =	vmul.f32 $6.250000000e-02, v24;
	v22 =	vadd.f32 v23, v22  }
0x102: {  	v51 =	vld [tilespmem:s22+$0x15DA0];
	v29 =	vmul.f32 $6.250000000e-02, v29;
	v48 =	vadd.f32 v31, v27;
	v26 =	vadd.f32 $0.0e+00, v26  }
0x103: {  	v23 =	vadd.f32 v53, v52;
	v61 =	vmul.f32 $6.250000000e-02, v63;
	v56 =	vmul.f32 $4.687500000e-02, v57;
	v57 =	vld [tilespmem:s13+$0xA0]  }
0x104: {  	v24 =	vadd.f32 v24, v58;
	v63 =	vld [tilespmem:s22+$0x16DE0];
	v45 =	vmul.f32 $6.250000000e-02, v54;
	v22 =	vadd.f32 v48, v22  }
0x105: {  	v26 =	vadd.f32 v28, v26;
	v31 =	vld.idx.msk [tilespmem:v50+s2+$0x0], $0xffff;
	v41 =	vmul.f32 $4.687500000e-02, v46;
	v42 =	vmul.f32 $6.250000000e-02, v49  }
0x106: {  	v33 =	vmul.f32 $4.687500000e-02, v59;
	v46 =	vmul.f32 $1.562500000e-02, v62;
	v28 =	vadd.f32 v56, v55  }
0x107: {  	v23 =	vadd.f32 v25, v23;
	v25 =	vadd.f32 v61, v60;
	v39 =	vmul.f32 $6.250000000e-02, v32  }
0x108: {  	v43 =	vmul.f32 $1.562500000e-02, v51;
	v28 =	vadd.f32 v29, v28;
	v44 =	vmul.f32 $6.250000000e-02, v57  }
0x109: {  	v23 =	vadd.f32 v24, v23;
	v30 =	vadd.f32 v41, v39;
	v29 =	vmul.f32 $6.250000000e-02, v63  }
0x10a: {  	v31 =	vmul.f32 $6.250000000e-02, v31;
	v25 =	vadd.f32 v25, v28;
	v28 =	vadd.f32 v33, v44  }
0x10b: {  	v27 =	vadd.f32 v45, v43;
	v24 =	vadd.f32 v42, v30  }
0x10c: {  	v29 =	vadd.f32 v29, v46;
	v28 =	vadd.f32 v31, v28  }
0x10d: {  	v22 =	vadd.f32 v23, v22;
	v24 =	vadd.f32 v27, v24  }
0x10e: {  	v47 =	vadd.f32 v25, v26;
	v48 =	vadd.f32 v29, v28;
	_ =	sdelay $0x1  }
0x10f: {  	v5 =	vor.u32 v4, v5;
	v22 =	vadd.f32 v24, v22;
	v23 =	vadd.f32 v48, v47;
	_ =	sdelay $0x1  }
0x110: {  	v6 =	vor.u32 v4, v6;
	v22 =	vadd.f32 v23, v22  }
0x111: {  	v7 =	vor.u32 v4, v7  }
0x112: {  	[tilespmem:s12+$0x0] =	vst v22  }
0x113: {  	v5 =	vld.idx.msk [tilespmem:v5+s2+$0x0], $0xffff  }
0x114: {  	v22 =	vld [tilespmem:s13+$0xFFFFFF60]  }
0x115: {  	v8 =	vor.u32 v4, v8;
	v6 =	vld.idx.msk [tilespmem:v6+s2+$0x0], $0xffff  }
0x116: {  	v9 =	vor.u32 v4, v9;
	v7 =	vld.idx.msk [tilespmem:v7+s2+$0x0], $0xffff  }
0x117: {  	v49 =	vld [tilespmem:s22+$0x15C30]  }
0x118: {  	v50 =	vld [tilespmem:s22+$0x16C30]  }
0x119: {  	v51 =	vld [tilespmem:s13+$0xFFFFFF90]  }
0x11a: {  	v10 =	vor.u32 v4, v10;
	v8 =	vld.idx.msk [tilespmem:v8+s2+$0x0], $0xffff  }
0x11b: {  	v11 =	vor.u32 v4, v11;
	v9 =	vld.idx.msk [tilespmem:v9+s2+$0x0], $0xffff  }
0x11c: {  	v52 =	vld [tilespmem:s22+$0x15C70]  }
0x11d: {  	v53 =	vld [tilespmem:s22+$0x16C70]  }
0x11e: {  	v54 =	vld [tilespmem:s13+$0xFFFFFFC0]  }
0x11f: {  	v12 =	vor.u32 v4, v12;
	v10 =	vld.idx.msk [tilespmem:v10+s2+$0x0], $0xffff  }
0x120: {  	v13 =	vor.u32 v4, v13;
	v11 =	vld.idx.msk [tilespmem:v11+s2+$0x0], $0xffff  }
0x121: {  	v55 =	vld [tilespmem:s22+$0x15CB0]  }
0x122: {  	v56 =	vld [tilespmem:s22+$0x16CB0]  }
0x123: {  	v57 =	vld [tilespmem:s13+$0xFFFFFFF0]  }
0x124: {  	v14 =	vor.u32 v4, v14;
	v12 =	vld.idx.msk [tilespmem:v12+s2+$0x0], $0xffff  }
0x125: {  	v15 =	vor.u32 v4, v15;
	v13 =	vld.idx.msk [tilespmem:v13+s2+$0x0], $0xffff;
	v22 =	vmul.f32 $6.250000000e-02, v22  }
0x126: {  	v58 =	vld [tilespmem:s22+$0x15CF0];
	v6 =	vmul.f32 $4.687500000e-02, v6;
	v25 =	vmul.f32 $6.250000000e-02, v51  }
0x127: {  	v16 =	vor.u32 v4, v16;
	v60 =	vld [tilespmem:s22+$0x16CF0];
	v8 =	vmul.f32 $4.687500000e-02, v8;
	v7 =	vmul.f32 $6.250000000e-02, v7  }
0x128: {  	v61 =	vld [tilespmem:s13+$0x20];
	v59 =	vmul.f32 $1.562500000e-02, v49;
	v24 =	vmul.f32 $6.250000000e-02, v50  }
0x129: {  	v17 =	vor.u32 v4, v17;
	v14 =	vld.idx.msk [tilespmem:v14+s2+$0x0], $0xffff;
	v9 =	vmul.f32 $6.250000000e-02, v9;
	v26 =	vmul.f32 $1.562500000e-02, v52  }
0x12a: {  	v18 =	vor.u32 v4, v18;
	v15 =	vld.idx.msk [tilespmem:v15+s2+$0x0], $0xffff;
	v27 =	vmul.f32 $6.250000000e-02, v53;
	v33 =	vmul.f32 $6.250000000e-02, v54  }
0x12b: {  	v34 =	vld [tilespmem:s13+$0x50];
	v10 =	vmul.f32 $4.687500000e-02, v10;
	v11 =	vmul.f32 $6.250000000e-02, v11  }
0x12c: {  	v16 =	vld.idx.msk [tilespmem:v16+s2+$0x0], $0xffff;
	v35 =	vmul.f32 $1.562500000e-02, v55;
	v36 =	vmul.f32 $6.250000000e-02, v57  }
0x12d: {  	v63 =	vld [tilespmem:s22+$0x15D30];
	v12 =	vmul.f32 $4.687500000e-02, v12;
	v37 =	vmul.f32 $6.250000000e-02, v56  }
0x12e: {  	v20 =	vor.u32 v4, v20;
	v17 =	vld.idx.msk [tilespmem:v17+s2+$0x0], $0xffff;
	v13 =	vmul.f32 $6.250000000e-02, v13;
	v39 =	vmul.f32 $1.562500000e-02, v58  }
0x12f: {  	v19 =	vor.u32 v4, v19;
	v18 =	vld.idx.msk [tilespmem:v18+s2+$0x0], $0xffff;
	v23 =	vmul.f32 $6.250000000e-02, v60;
	v5 =	vmul.f32 $5.000000000e-01, v5  }
0x130: {  	v44 =	vor.u32 v4, v21;
	v45 =	vld [tilespmem:s22+$0x15DB0];
	v14 =	vmul.f32 $4.687500000e-02, v14;
	v47 =	vmul.f32 $6.250000000e-02, v34  }
0x131: {  	v48 =	vld [tilespmem:s13+$0xB0];
	v16 =	vmul.f32 $4.687500000e-02, v16;
	v49 =	vmul.f32 $6.250000000e-02, v15;
	v6 =	vadd.f32 v6, v22  }
0x132: {  	v46 =	vld [tilespmem:s22+$0x16DB0];
	v50 =	vmul.f32 $1.562500000e-02, v63;
	v8 =	vadd.f32 v8, v25;
	v62 =	vadd.f32 v27, v26  }
0x133: {  	v20 =	vld.idx.msk [tilespmem:v20+s2+$0x0], $0xffff;
	v51 =	vmul.f32 $6.250000000e-02, v17;
	v6 =	vadd.f32 v7, v6;
	v7 =	vadd.f32 v24, v59  }
0x134: {  	v41 =	vld [tilespmem:s13+$0x80];
	v56 =	vmul.f32 $4.687500000e-02, v18;
	v8 =	vadd.f32 v9, v8;
	v9 =	vadd.f32 v10, v33  }
0x135: {  	v38 =	vld [tilespmem:s22+$0x15D70];
	v57 =	vmul.f32 $1.562500000e-02, v45;
	v12 =	vadd.f32 v12, v36;
	v10 =	vadd.f32 v37, v35  }
0x136: {  	v40 =	vld [tilespmem:s22+$0x16D70];
	v58 =	vmul.f32 $6.250000000e-02, v48;
	v6 =	vadd.f32 v7, v6;
	v9 =	vadd.f32 v11, v9  }
0x137: {  	v60 =	vmul.f32 $6.250000000e-02, v46;
	v42 =	vadd.f32 v23, v39;
	v12 =	vadd.f32 v13, v12;
	v7 =	vld [tilespmem:s22+$0x16D30]  }
0x138: {  	v54 =	vld [tilespmem:s22+$0x15DF0];
	v59 =	vmul.f32 $4.687500000e-02, v20;
	v5 =	vadd.f32 v6, v5;
	v6 =	vadd.f32 v10, v9  }
0x139: {  	v55 =	vld [tilespmem:s22+$0x16DF0];
	v8 =	vadd.f32 v62, v8;
	v12 =	vadd.f32 v42, v12;
	v11 =	vmul.f32 $6.250000000e-02, v41  }
0x13a: {  	v13 =	vadd.f32 v59, v58;
	v10 =	vld.idx.msk [tilespmem:v44+s2+$0x0], $0xffff;
	v5 =	vadd.f32 v6, v5;
	v6 =	vmul.f32 $6.250000000e-02, v61  }
0x13b: {  	v43 =	vld.idx.msk [tilespmem:v19+s2+$0x0], $0xffff;
	v52 =	vmul.f32 $1.562500000e-02, v38;
	v8 =	vadd.f32 $0.0e+00, v8;
	v11 =	vadd.f32 v56, v11  }
0x13c: {  	v9 =	vadd.f32 v60, v57;
	v7 =	vmul.f32 $6.250000000e-02, v7;
	v6 =	vadd.f32 v14, v6  }
0x13d: {  	v53 =	vmul.f32 $6.250000000e-02, v40;
	v8 =	vadd.f32 v12, v8;
	v12 =	vadd.f32 v16, v47  }
0x13e: {  	v15 =	vmul.f32 $6.250000000e-02, v55;
	v7 =	vadd.f32 v7, v50;
	v6 =	vadd.f32 v49, v6  }
0x13f: {  	v61 =	vmul.f32 $1.562500000e-02, v54;
	v12 =	vadd.f32 v51, v12;
	v10 =	vmul.f32 $6.250000000e-02, v10  }
0x140: {  	v14 =	vadd.f32 v53, v52;
	v6 =	vadd.f32 v7, v6;
	v7 =	vmul.f32 $6.250000000e-02, v43  }
0x141: {  	v62 =	vadd.f32 v15, v61;
	v10 =	vadd.f32 v10, v13  }
0x142: {  	v12 =	vadd.f32 v14, v12;
	v7 =	vadd.f32 v7, v11  }
0x143: {  	v63 =	vadd.f32 v62, v10;
	v5 =	vadd.f32 v6, v5  }
0x144: {  	v6 =	vadd.f32 v12, v8;
	v7 =	vadd.f32 v9, v7  }
0x145: {  	p1 =	sne.s32 s10, $0x3800  }
.Ltmp2:
0x146: {  	v6 =	vadd.f32 v63, v6;
	v5 =	vadd.f32 v7, v5;
	(pc) =	sbr.rel @p1 .LBB2_3-.Ltmp2, $4  }
0x147: {  	_ = 	snop  }
0x148: {  	v5 =	vadd.f32 v6, v5  }
0x149: {  	s23 =	sadd.s32 $0x1, s23;
	s25 =	sadd.s32 $0x8, s25;
	s10 =	sadd.s32 $0x800, s10  }
0x14a: {  	s15 =	sadd.s32 $0x80, s15;
	s13 =	sadd.s32 $0x180, s13;
	[tilespmem:s12+$0x10] =	vst v5;
	s12 =	sadd.s32 $0x40, s12  }
0x14b: {  	s10 =	sshll.u32 s9, $0x7  }
0x14c: {  	p1 =	seq.s32 s9, $0x1F;
	s12 =	sadd.s32 s10, s14  }
0x14d: {  	[hbm4b:s12+s2] =	stream.linear.scatter [tilespmem:s29], [sflag:$0x3], $0x200, $0x38;
	[tilespmem:$0x1C000] =	vst v63  }
0x14e: {  	s13 =	simm.s32 @!p1 $0x40;
	s15 =	simm.s32 @!p1 $0x15C00;
	s12 =	sadd.s32 @!p1 $0x10C80, s10  }
0x14f: {  	[tilespmem:s15], [sflag:$0x1] =	stream.indirect.gather @!p1 [hbm4b:s4+s13], $0x40, s12, s13, $0xb8;
	[tilespmem:$0x1C000] =	vst v63  }
0x150: {  	s12 =	sadd.s32 @!p1 $0x12C80, s10;
	s15 =	simm.s32 @!p1 $0x16C00  }
0x151: {  	[tilespmem:s15], [sflag:$0x1] =	stream.indirect.gather @!p1 [hbm4b:s4+s13], $0x40, s12, s13, $0xb8;
	[tilespmem:$0x1C000] =	vst v63  }
0x152: {  	s12 =	sadd.s32 @!p1 $0x13C80, s10;
	s15 =	simm.s32 @!p1 $0x17C00  }
0x153: {  	[tilespmem:s15], [sflag:$0x1] =	stream.indirect.gather @!p1 [hbm4b:s5+s13], $0x10, s12, s13, $0xb8;
	[tilespmem:$0x1C000] =	vst v63  }
0x154: {  	s12 =	sadd.s32 @!p1 $0x14C80, s10;
	s15 =	simm.s32 @!p1 $0x18000  }
0x155: {  	[tilespmem:s15], [sflag:$0x1] =	stream.indirect.gather @!p1 [hbm4b:s6+s13], $0x30, s12, s13, $0xb8;
	[tilespmem:$0x1C000] =	vst v63  }
0x156: {  	_ =	swait.ge [sflag:s31], $0x1000  }
0x157: {  	[sflag:s31] =	ssyncset.done $0x0  }
0x158: {  	[sflag:s31] =	ssyncadd.s32 $0xFFFFF000  }
0x159: {  	_ =	swait.ge [sflag:s31], $0x1000  }
0x15a: {  	[sflag:s31] =	ssyncset.done $0x0  }
0x15b: {  	[sflag:s31] =	ssyncadd.s32 $0xFFFFF000  }
0x15c: {  	_ =	swait.ge [sflag:s31], $0x400  }
0x15d: {  	[sflag:s31] =	ssyncset.done $0x0  }
0x15e: {  	[sflag:s31] =	ssyncadd.s32 $0xFFFFFC00  }
0x15f: {  	_ =	swait.ge [sflag:s31], $0xC00  }
0x160: {  	[sflag:s31] =	ssyncset.done $0x0  }
0x161: {  	s11 =	sor.u32 $0x1, s11;
	s12 =	simm.s32 @!p0 $0x4;
	[sflag:s31] =	ssyncadd.s32 $0xFFFFF400  }
0x162: {  	s25 =	simm.s32 $0x1AC40;
	s23 =	smov.u32 s19;
	_ =	swait.ge @!p0 [sflag:s12], $0x200  }
0x163: {  	s22 =	smov.u32 s21;
	s13 =	simm.s32 $0x1BE20;
	[sflag:s12] =	ssyncset.done @!p0 $0x0  }
0x164: {  	s15 =	simm.s32 $0x1B0C0;
	[sflag:s12] =	ssyncadd.s32 @!p0 $0xFFFFFE00;
	s12 =	simm.s32 $0x0  }
.LBB2_5:
0x165: {  	v49 =	vld [tilespmem:s25+$0xFFFFFFC0]  }
0x166: {  	v32 =	vld [tilespmem:s25+$0xFFFFFFD0]  }
0x167: {  	v36 =	vld [tilespmem:s25+$0xFFFFFFE0]  }
0x168: {  	s16 =	sshra.s32 s12, $0x2;
	v41 =	vld [tilespmem:s25+$0xFFFFFFF0]  }
0x169: {  	v5 =	vmov s23;
	v54 =	vld [tilespmem:s16+$0x18C00]  }
0x16a: {  	v5 =	vshrl.u32 v5, $0x3;
	v31 =	vld [tilespmem:s16+$0x19C00]  }
0x16b: {  	v34 =	vld [tilespmem:s16+$0x18C40];
	v5 =	vshll.u32 v5, v0  }
0x16c: {  	v6 =	vmov s22;
	v35 =	vld [tilespmem:s16+$0x19C40];
	v7 =	vbroadcast v5, $0x0  }
0x16d: {  	v38 =	vld [tilespmem:s16+$0x18C80];
	v8 =	vadd.s32 $0x1, v5  }
0x16e: {  	v39 =	vld [tilespmem:s16+$0x19C80];
	v9 =	vadd.s32 $0x2, v5;
	v8 =	vbroadcast v8, $0x0  }
0x16f: {  	v42 =	vld [tilespmem:s16+$0x18CC0];
	v10 =	vadd.s32 $0x3, v5;
	v9 =	vbroadcast v9, $0x0  }
0x170: {  	v43 =	vld [tilespmem:s16+$0x19CC0];
	v11 =	vadd.s32 $0x4, v5;
	v10 =	vbroadcast v10, $0x0  }
0x171: {  	v12 =	vadd.s32 $0x5, v5;
	v11 =	vbroadcast v11, $0x0;
	v6 =	vld.idx.msk [tilespmem:v6+s17+$0x0], $0xffff  }
0x172: {  	v12 =	vbroadcast v12, $0x0;
	v14 =	vld.idx.msk [tilespmem:v7+s18+$0x0], $0xffff  }
0x173: {  	v13 =	vadd.s32 $0x6, v5;
	v7 =	vld.idx.msk [tilespmem:v7+s20+$0x0], $0xffff  }
0x174: {  	v13 =	vbroadcast v13, $0x0;
	v15 =	vld.idx.msk [tilespmem:v8+s18+$0x0], $0xffff  }
0x175: {  	v17 =	vld.idx.msk [tilespmem:v9+s18+$0x0], $0xffff  }
0x176: {  	v18 =	vld.idx.msk [tilespmem:v10+s18+$0x0], $0xffff  }
0x177: {  	v19 =	vld.idx.msk [tilespmem:v11+s18+$0x0], $0xffff  }
0x178: {  	v20 =	vld.idx.msk [tilespmem:v12+s18+$0x0], $0xffff  }
0x179: {  	v5 =	vadd.s32 $0x7, v5;
	v23 =	vld.idx.msk [tilespmem:v8+s20+$0x0], $0xffff  }
0x17a: {  	v16 =	vbroadcast v5, $0x0;
	v21 =	vld.idx.msk [tilespmem:v13+s18+$0x0], $0xffff;
	v5 =	vshll.u32 v6, $0x6  }
0x17b: {  	v24 =	vld.idx.msk [tilespmem:v9+s20+$0x0], $0xffff;
	v46 =	vor.u32 v1, v5;
	v6 =	vshll.u32 v14, $0x6  }
0x17c: {  	v25 =	vld.idx.msk [tilespmem:v10+s20+$0x0], $0xffff;
	v7 =	vshll.u32 v7, $0x6;
	v47 =	vor.u32 v1, v6  }
0x17d: {  	v26 =	vld.idx.msk [tilespmem:v11+s20+$0x0], $0xffff;
	v48 =	vor.u32 v1, v7;
	v8 =	vshll.u32 v15, $0x6  }
0x17e: {  	v27 =	vld.idx.msk [tilespmem:v12+s20+$0x0], $0xffff;
	v9 =	vshll.u32 v23, $0x6;
	v51 =	vor.u32 v1, v8  }
0x17f: {  	v28 =	vld.idx.msk [tilespmem:v13+s20+$0x0], $0xffff;
	v10 =	vshll.u32 v17, $0x6;
	v53 =	vor.u32 v1, v9  }
0x180: {  	v11 =	vshll.u32 v24, $0x6;
	v30 =	vld.idx.msk [tilespmem:v46+s2+$0x0], $0xffff;
	v56 =	vor.u32 v1, v10  }
0x181: {  	v12 =	vshll.u32 v18, $0x6;
	v33 =	vor.u32 v1, v11;
	v50 =	vld.idx.msk [tilespmem:v47+s2+$0x0], $0xffff  }
0x182: {  	v13 =	vshll.u32 v25, $0x6;
	v37 =	vor.u32 v1, v12;
	v52 =	vld.idx.msk [tilespmem:v48+s2+$0x0], $0xffff  }
0x183: {  	v59 =	vor.u32 v1, v13;
	v55 =	vld.idx.msk [tilespmem:v51+s2+$0x0], $0xffff  }
0x184: {  	v62 =	vmul.f32 $6.250000000e-02, v32;
	v31 =	vmul.f32 $6.250000000e-02, v31;
	v57 =	vld.idx.msk [tilespmem:v53+s2+$0x0], $0xffff  }
0x185: {  	v34 =	vmul.f32 $1.562500000e-02, v34;
	v35 =	vmul.f32 $6.250000000e-02, v35;
	v58 =	vld.idx.msk [tilespmem:v56+s2+$0x0], $0xffff  }
0x186: {  	v39 =	vmul.f32 $6.250000000e-02, v39;
	v45 =	vmul.f32 $6.250000000e-02, v43;
	v25 =	vld.idx.msk [tilespmem:v33+s2+$0x0], $0xffff  }
0x187: {  	v14 =	vmul.f32 $6.250000000e-02, v49;
	v23 =	vmul.f32 $1.562500000e-02, v54;
	v60 =	vld.idx.msk [tilespmem:v37+s2+$0x0], $0xffff  }
0x188: {  	v63 =	vld.idx.msk [tilespmem:v59+s2+$0x0], $0xffff;
	v53 =	vmul.f32 $6.250000000e-02, v36;
	v30 =	vmul.f32 $5.000000000e-01, v30  }
0x189: {  	v22 =	vld.idx.msk [tilespmem:v16+s18+$0x0], $0xffff;
	v56 =	vmul.f32 $6.250000000e-02, v41;
	v15 =	vmul.f32 $4.687500000e-02, v50  }
0x18a: {  	v29 =	vld.idx.msk [tilespmem:v16+s20+$0x0], $0xffff;
	v16 =	vmul.f32 $6.250000000e-02, v52;
	v17 =	vmul.f32 $4.687500000e-02, v55  }
0x18b: {  	v44 =	vld [tilespmem:s25+$0x0];
	v24 =	vmul.f32 $6.250000000e-02, v57;
	v18 =	vmul.f32 $4.687500000e-02, v58  }
0x18c: {  	v46 =	vld [tilespmem:s16+$0x19D40];
	v49 =	vadd.f32 v31, v23;
	v58 =	vmul.f32 $4.687500000e-02, v60;
	v25 =	vmul.f32 $6.250000000e-02, v25  }
0x18d: {  	v47 =	vld [tilespmem:s25+$0x20];
	v51 =	vadd.f32 v35, v34;
	v60 =	vmul.f32 $1.562500000e-02, v38;
	v32 =	vmul.f32 $6.250000000e-02, v63  }
0x18e: {  	v35 =	vld [tilespmem:s16+$0x18D00];
	v63 =	vmul.f32 $1.562500000e-02, v42;
	v40 =	vadd.f32 v15, v14;
	v14 =	vshll.u32 v19, $0x6  }
0x18f: {  	v57 =	vld [tilespmem:s25+$0x10];
	v15 =	vshll.u32 v26, $0x6;
	v19 =	vshll.u32 v28, $0x6;
	v61 =	vor.u32 v1, v14  }
0x190: {  	v38 =	vld [tilespmem:s16+$0x19DC0];
	v48 =	vor.u32 v1, v15;
	v26 =	vadd.f32 v17, v62;
	v17 =	vshll.u32 v27, $0x6  }
0x191: {  	v55 =	vadd.f32 v18, v53;
	v18 =	vshll.u32 v21, $0x6;
	v21 =	vadd.f32 v58, v56;
	v62 =	vld [tilespmem:s16+$0x18D40]  }
0x192: {  	v28 =	vadd.f32 v39, v60;
	v53 =	vld [tilespmem:s16+$0x18D80];
	v40 =	vadd.f32 v16, v40;
	v16 =	vshll.u32 v20, $0x6  }
0x193: {  	v58 =	vmul.f32 $1.562500000e-02, v35;
	v50 =	vor.u32 v1, v16;
	v24 =	vadd.f32 v24, v26;
	v26 =	vld [tilespmem:s16+$0x19D00]  }
0x194: {  	v39 =	vmul.f32 $6.250000000e-02, v47;
	v52 =	vor.u32 v1, v17;
	v25 =	vadd.f32 v25, v55;
	v55 =	vld [tilespmem:s16+$0x19D80]  }
0x195: {  	v59 =	vor.u32 v1, v18;
	v20 =	vshll.u32 v22, $0x6;
	v56 =	vmul.f32 $6.250000000e-02, v57;
	v57 =	vld [tilespmem:s25+$0x30]  }
0x196: {  	v32 =	vadd.f32 v32, v21;
	v21 =	vshll.u32 v29, $0x6;
	v54 =	vadd.f32 v49, v40;
	v23 =	vld.idx.msk [tilespmem:v61+s2+$0x0], $0xffff  }
0x197: {  	v49 =	vor.u32 v1, v20;
	v29 =	vmul.f32 $6.250000000e-02, v38;
	v24 =	vadd.f32 v51, v24;
	v27 =	vld.idx.msk [tilespmem:v48+s2+$0x0], $0xffff  }
0x198: {  	v25 =	vadd.f32 v28, v25;
	v61 =	vor.u32 v1, v19;
	v48 =	vadd.f32 v45, v63;
	v31 =	vld.idx.msk [tilespmem:v50+s2+$0x0], $0xffff  }
0x199: {  	v43 =	vmul.f32 $1.562500000e-02, v53;
	v33 =	vld.idx.msk [tilespmem:v52+s2+$0x0], $0xffff;
	v52 =	vor.u32 v1, v21;
	v24 =	vadd.f32 $0.0e+00, v24  }
0x19a: {  	v63 =	vld [tilespmem:s16+$0x18DC0];
	v50 =	vadd.f32 v54, v30;
	v22 =	vadd.f32 v48, v32;
	v54 =	vmul.f32 $6.250000000e-02, v44  }
0x19b: {  	v40 =	vld.idx.msk [tilespmem:v59+s2+$0x0], $0xffff;
	v26 =	vmul.f32 $6.250000000e-02, v26;
	v44 =	vmul.f32 $6.250000000e-02, v57  }
0x19c: {  	v59 =	vld.idx.msk [tilespmem:v49+s2+$0x0], $0xffff;
	v25 =	vadd.f32 v25, v50;
	v22 =	vadd.f32 v22, v24;
	v23 =	vmul.f32 $4.687500000e-02, v23  }
0x19d: {  	v26 =	vadd.f32 v26, v58;
	v51 =	vld.idx.msk [tilespmem:v61+s2+$0x0], $0xffff;
	v27 =	vmul.f32 $6.250000000e-02, v27;
	v31 =	vmul.f32 $4.687500000e-02, v31  }
0x19e: {  	v61 =	vmul.f32 $1.562500000e-02, v62;
	v62 =	vmul.f32 $6.250000000e-02, v46;
	v30 =	vld.idx.msk [tilespmem:v52+s2+$0x0], $0xffff;
	v23 =	vadd.f32 v23, v54  }
0x19f: {  	v46 =	vmul.f32 $6.250000000e-02, v55;
	v60 =	vmul.f32 $6.250000000e-02, v33;
	v24 =	vadd.f32 v31, v56  }
0x1a0: {  	v47 =	vmul.f32 $1.562500000e-02, v63;
	v41 =	vmul.f32 $4.687500000e-02, v40;
	v23 =	vadd.f32 v27, v23  }
0x1a1: {  	v45 =	vmul.f32 $4.687500000e-02, v59;
	v27 =	vadd.f32 v62, v61;
	v24 =	vadd.f32 v60, v24  }
0x1a2: {  	v28 =	vadd.f32 v46, v43;
	v31 =	vadd.f32 v41, v39;
	v42 =	vmul.f32 $6.250000000e-02, v51  }
0x1a3: {  	v30 =	vmul.f32 $6.250000000e-02, v30;
	v24 =	vadd.f32 v27, v24;
	v27 =	vadd.f32 v45, v44  }
0x1a4: {  	v23 =	vadd.f32 v26, v23;
	v26 =	vadd.f32 v42, v31  }
0x1a5: {  	v29 =	vadd.f32 v29, v47;
	v27 =	vadd.f32 v30, v27  }
0x1a6: {  	v23 =	vadd.f32 v23, v25;
	v48 =	vadd.f32 v28, v26  }
0x1a7: {  	v22 =	vadd.f32 v24, v22;
	v49 =	vadd.f32 v29, v27;
	_ =	sdelay $0x1  }
0x1a8: {  	v50 =	vor.u32 v2, v5;
	v23 =	vadd.f32 v48, v23;
	v22 =	vadd.f32 v49, v22;
	_ =	sdelay $0x1  }
0x1a9: {  	v51 =	vor.u32 v2, v6;
	v22 =	vadd.f32 v22, v23  }
0x1aa: {  	v52 =	vor.u32 v2, v7  }
0x1ab: {  	[tilespmem:s13+$0xFFFFFFE0] =	vst v22  }
0x1ac: {  	v22 =	vld.idx.msk [tilespmem:v50+s2+$0x0], $0xffff  }
0x1ad: {  	v53 =	vld [tilespmem:s15+$0xFFFFFF40]  }
0x1ae: {  	v54 =	vor.u32 v2, v8;
	v23 =	vld.idx.msk [tilespmem:v51+s2+$0x0], $0xffff  }
0x1af: {  	v55 =	vor.u32 v2, v9;
	v25 =	vld.idx.msk [tilespmem:v52+s2+$0x0], $0xffff  }
0x1b0: {  	v56 =	vld [tilespmem:s16+$0x18C10]  }
0x1b1: {  	v57 =	vld [tilespmem:s16+$0x19C10]  }
0x1b2: {  	v58 =	vld [tilespmem:s15+$0xFFFFFF70]  }
0x1b3: {  	v59 =	vor.u32 v2, v10;
	v26 =	vld.idx.msk [tilespmem:v54+s2+$0x0], $0xffff  }
0x1b4: {  	v60 =	vor.u32 v2, v11;
	v27 =	vld.idx.msk [tilespmem:v55+s2+$0x0], $0xffff  }
0x1b5: {  	v61 =	vld [tilespmem:s16+$0x18C50]  }
0x1b6: {  	v62 =	vld [tilespmem:s16+$0x19C50]  }
0x1b7: {  	v63 =	vld [tilespmem:s15+$0xFFFFFFA0]  }
0x1b8: {  	v46 =	vor.u32 v2, v12;
	v31 =	vld.idx.msk [tilespmem:v59+s2+$0x0], $0xffff  }
0x1b9: {  	v47 =	vor.u32 v2, v13;
	v32 =	vld.idx.msk [tilespmem:v60+s2+$0x0], $0xffff  }
0x1ba: {  	v48 =	vld [tilespmem:s16+$0x18C90]  }
0x1bb: {  	v49 =	vld [tilespmem:s16+$0x19C90]  }
0x1bc: {  	v50 =	vld [tilespmem:s15+$0xFFFFFFD0]  }
0x1bd: {  	v36 =	vld.idx.msk [tilespmem:v46+s2+$0x0], $0xffff;
	v51 =	vor.u32 v2, v14  }
0x1be: {  	v37 =	vld.idx.msk [tilespmem:v47+s2+$0x0], $0xffff;
	v52 =	vor.u32 v2, v15;
	v24 =	vmul.f32 $6.250000000e-02, v53  }
0x1bf: {  	v44 =	vld [tilespmem:s15+$0x90];
	v23 =	vmul.f32 $4.687500000e-02, v23;
	v30 =	vmul.f32 $6.250000000e-02, v58  }
0x1c0: {  	v26 =	vmul.f32 $4.687500000e-02, v26;
	v53 =	vld [tilespmem:s16+$0x18CD0];
	v54 =	vmul.f32 $6.250000000e-02, v25  }
0x1c1: {  	v55 =	vmul.f32 $1.562500000e-02, v56;
	v56 =	vld [tilespmem:s16+$0x19CD0];
	v29 =	vmul.f32 $6.250000000e-02, v57  }
0x1c2: {  	v27 =	vmul.f32 $6.250000000e-02, v27;
	v33 =	vmul.f32 $1.562500000e-02, v61;
	v41 =	vld.idx.msk [tilespmem:v51+s2+$0x0], $0xffff  }
0x1c3: {  	v34 =	vmul.f32 $6.250000000e-02, v62;
	v25 =	vld.idx.msk [tilespmem:v52+s2+$0x0], $0xffff;
	v61 =	vmul.f32 $6.250000000e-02, v63  }
0x1c4: {  	v59 =	vor.u32 v2, v17;
	v31 =	vmul.f32 $4.687500000e-02, v31;
	v40 =	vmul.f32 $6.250000000e-02, v50;
	v50 =	vld [tilespmem:s16+$0x18D50]  }
0x1c5: {  	v57 =	vor.u32 v2, v16;
	v32 =	vmul.f32 $6.250000000e-02, v32;
	v62 =	vmul.f32 $1.562500000e-02, v48;
	v52 =	vld [tilespmem:s16+$0x19D50]  }
0x1c6: {  	v63 =	vor.u32 v2, v18;
	v36 =	vmul.f32 $4.687500000e-02, v36;
	v26 =	vadd.f32 v26, v30;
	v30 =	vld [tilespmem:s15+$0x0]  }
0x1c7: {  	v48 =	vor.u32 v2, v19;
	v23 =	vadd.f32 v23, v24;
	v60 =	vadd.f32 v34, v33;
	v33 =	vld [tilespmem:s16+$0x18D10]  }
0x1c8: {  	v49 =	vmul.f32 $6.250000000e-02, v49;
	v37 =	vmul.f32 $6.250000000e-02, v37;
	v58 =	vadd.f32 v29, v55;
	v24 =	vld [tilespmem:s16+$0x19D10]  }
0x1c9: {  	v22 =	vmul.f32 $5.000000000e-01, v22;
	v34 =	vld [tilespmem:s15+$0x30];
	v36 =	vadd.f32 v36, v40;
	v23 =	vadd.f32 v54, v23  }
0x1ca: {  	v29 =	vld.idx.msk [tilespmem:v59+s2+$0x0], $0xffff;
	v59 =	vor.u32 v2, v21;
	v26 =	vadd.f32 v27, v26;
	v27 =	vadd.f32 v31, v61  }
0x1cb: {  	v31 =	vadd.f32 v49, v62;
	v54 =	vadd.f32 v37, v36;
	v38 =	vld.idx.msk [tilespmem:v57+s2+$0x0], $0xffff;
	v51 =	vmul.f32 $1.562500000e-02, v53  }
0x1cc: {  	v28 =	vmul.f32 $6.250000000e-02, v56;
	v53 =	vld [tilespmem:s15+$0x60];
	v56 =	vor.u32 v2, v20;
	v62 =	vmul.f32 $4.687500000e-02, v41  }
0x1cd: {  	v55 =	vld.idx.msk [tilespmem:v63+s2+$0x0], $0xffff;
	v25 =	vmul.f32 $6.250000000e-02, v25;
	v47 =	vmul.f32 $1.562500000e-02, v50;
	v23 =	vadd.f32 v58, v23  }
0x1ce: {  	v26 =	vadd.f32 v60, v26;
	v27 =	vadd.f32 v32, v27;
	v58 =	vld.idx.msk [tilespmem:v48+s2+$0x0], $0xffff;
	v48 =	vmul.f32 $6.250000000e-02, v52  }
0x1cf: {  	v63 =	vld [tilespmem:s16+$0x19D90];
	v28 =	vadd.f32 v28, v51;
	v61 =	vmul.f32 $6.250000000e-02, v30;
	v41 =	vmul.f32 $6.250000000e-02, v34  }
0x1d0: {  	v49 =	vld [tilespmem:s16+$0x18DD0];
	v45 =	vmul.f32 $1.562500000e-02, v33;
	v24 =	vmul.f32 $6.250000000e-02, v24;
	v22 =	vadd.f32 v23, v22  }
0x1d1: {  	v60 =	vld [tilespmem:s16+$0x18D90];
	v29 =	vmul.f32 $6.250000000e-02, v29;
	v57 =	vadd.f32 v31, v27;
	v26 =	vadd.f32 $0.0e+00, v26  }
0x1d2: {  	v28 =	vadd.f32 v28, v54;
	v23 =	vadd.f32 v62, v61;
	v42 =	vmul.f32 $4.687500000e-02, v38;
	v46 =	vld.idx.msk [tilespmem:v56+s2+$0x0], $0xffff  }
0x1d3: {  	v31 =	vld.idx.msk [tilespmem:v59+s2+$0x0], $0xffff;
	v24 =	vadd.f32 v24, v45;
	v51 =	vmul.f32 $6.250000000e-02, v53;
	v52 =	vmul.f32 $4.687500000e-02, v55  }
0x1d4: {  	v50 =	vld [tilespmem:s16+$0x19DD0];
	v22 =	vadd.f32 v57, v22;
	v55 =	vmul.f32 $6.250000000e-02, v44;
	v56 =	vmul.f32 $6.250000000e-02, v63  }
0x1d5: {  	v57 =	vmul.f32 $1.562500000e-02, v49;
	v26 =	vadd.f32 v28, v26;
	v28 =	vadd.f32 v42, v41  }
0x1d6: {  	v23 =	vadd.f32 v25, v23;
	v25 =	vadd.f32 v48, v47;
	v53 =	vmul.f32 $6.250000000e-02, v58  }
0x1d7: {  	v54 =	vmul.f32 $1.562500000e-02, v60;
	v28 =	vadd.f32 v29, v28;
	v33 =	vmul.f32 $4.687500000e-02, v46  }
0x1d8: {  	v30 =	vadd.f32 v52, v51;
	v23 =	vadd.f32 v24, v23;
	v31 =	vmul.f32 $6.250000000e-02, v31  }
0x1d9: {  	v29 =	vmul.f32 $6.250000000e-02, v50;
	v25 =	vadd.f32 v25, v28;
	v28 =	vadd.f32 v33, v55  }
0x1da: {  	v27 =	vadd.f32 v56, v54;
	v24 =	vadd.f32 v53, v30  }
0x1db: {  	v29 =	vadd.f32 v29, v57;
	v28 =	vadd.f32 v31, v28  }
0x1dc: {  	v22 =	vadd.f32 v23, v22;
	v24 =	vadd.f32 v27, v24  }
0x1dd: {  	v58 =	vadd.f32 v25, v26;
	v59 =	vadd.f32 v29, v28;
	_ =	sdelay $0x1  }
0x1de: {  	v60 =	vor.u32 v3, v5;
	v22 =	vadd.f32 v24, v22;
	v23 =	vadd.f32 v59, v58;
	_ =	sdelay $0x1  }
0x1df: {  	v61 =	vor.u32 v3, v6;
	v22 =	vadd.f32 v23, v22  }
0x1e0: {  	v62 =	vor.u32 v3, v7  }
0x1e1: {  	[tilespmem:s13+$0xFFFFFFF0] =	vst v22  }
0x1e2: {  	v22 =	vld.idx.msk [tilespmem:v60+s2+$0x0], $0xffff  }
0x1e3: {  	v63 =	vld [tilespmem:s15+$0xFFFFFF50]  }
0x1e4: {  	v44 =	vor.u32 v3, v8;
	v23 =	vld.idx.msk [tilespmem:v61+s2+$0x0], $0xffff  }
0x1e5: {  	v45 =	vor.u32 v3, v9;
	v25 =	vld.idx.msk [tilespmem:v62+s2+$0x0], $0xffff  }
0x1e6: {  	v46 =	vld [tilespmem:s16+$0x18C20]  }
0x1e7: {  	v47 =	vld [tilespmem:s16+$0x19C20]  }
0x1e8: {  	v50 =	vld [tilespmem:s15+$0xFFFFFF80]  }
0x1e9: {  	v51 =	vor.u32 v3, v10;
	v26 =	vld.idx.msk [tilespmem:v44+s2+$0x0], $0xffff  }
0x1ea: {  	v52 =	vor.u32 v3, v11;
	v27 =	vld.idx.msk [tilespmem:v45+s2+$0x0], $0xffff  }
0x1eb: {  	v53 =	vld [tilespmem:s16+$0x18C60]  }
0x1ec: {  	v54 =	vld [tilespmem:s16+$0x19C60]  }
0x1ed: {  	v55 =	vld [tilespmem:s15+$0xFFFFFFB0]  }
0x1ee: {  	v56 =	vor.u32 v3, v12;
	v31 =	vld.idx.msk [tilespmem:v51+s2+$0x0], $0xffff  }
0x1ef: {  	v57 =	vor.u32 v3, v13;
	v32 =	vld.idx.msk [tilespmem:v52+s2+$0x0], $0xffff  }
0x1f0: {  	v58 =	vld [tilespmem:s16+$0x18CA0]  }
0x1f1: {  	v39 =	vld [tilespmem:s16+$0x19CA0]  }
0x1f2: {  	v59 =	vld [tilespmem:s15+$0xFFFFFFE0];
	v60 =	vor.u32 v3, v14  }
0x1f3: {  	v36 =	vld.idx.msk [tilespmem:v56+s2+$0x0], $0xffff;
	v61 =	vor.u32 v3, v15  }
0x1f4: {  	v37 =	vld.idx.msk [tilespmem:v57+s2+$0x0], $0xffff  }
0x1f5: {  	v62 =	vld [tilespmem:s16+$0x18CE0];
	v24 =	vmul.f32 $6.250000000e-02, v63;
	v23 =	vmul.f32 $4.687500000e-02, v23  }
0x1f6: {  	v49 =	vld [tilespmem:s16+$0x19CE0];
	v30 =	vmul.f32 $6.250000000e-02, v50;
	v26 =	vmul.f32 $4.687500000e-02, v26  }
0x1f7: {  	v63 =	vmul.f32 $6.250000000e-02, v25;
	v48 =	vmul.f32 $1.562500000e-02, v46;
	v41 =	vld.idx.msk [tilespmem:v60+s2+$0x0], $0xffff  }
0x1f8: {  	v29 =	vmul.f32 $6.250000000e-02, v47;
	v27 =	vmul.f32 $6.250000000e-02, v27;
	v25 =	vld.idx.msk [tilespmem:v61+s2+$0x0], $0xffff  }
0x1f9: {  	v52 =	vor.u32 v3, v17;
	v34 =	vmul.f32 $6.250000000e-02, v54;
	v54 =	vmul.f32 $6.250000000e-02, v55;
	v55 =	vld [tilespmem:s15+$0x40]  }
0x1fa: {  	v33 =	vmul.f32 $1.562500000e-02, v53;
	v50 =	vor.u32 v3, v16;
	v31 =	vmul.f32 $4.687500000e-02, v31;
	v61 =	vld [tilespmem:s16+$0x18D60]  }
0x1fb: {  	v32 =	vmul.f32 $6.250000000e-02, v32;
	v56 =	vmul.f32 $1.562500000e-02, v58;
	v26 =	vadd.f32 v26, v30;
	v30 =	vld [tilespmem:s15+$0x10]  }
0x1fc: {  	v58 =	vor.u32 v3, v18;
	v40 =	vmul.f32 $6.250000000e-02, v59;
	v53 =	vadd.f32 v34, v33;
	v33 =	vld [tilespmem:s16+$0x18D20]  }
0x1fd: {  	v62 =	vmul.f32 $1.562500000e-02, v62;
	v28 =	vmul.f32 $6.250000000e-02, v49;
	v23 =	vadd.f32 v23, v24;
	v24 =	vld [tilespmem:s16+$0x19D20]  }
0x1fe: {  	v36 =	vmul.f32 $4.687500000e-02, v36;
	v59 =	vor.u32 v3, v19;
	v51 =	vadd.f32 v29, v48;
	v29 =	vld.idx.msk [tilespmem:v52+s2+$0x0], $0xffff  }
0x1ff: {  	v60 =	vmul.f32 $6.250000000e-02, v39;
	v37 =	vmul.f32 $6.250000000e-02, v37;
	v28 =	vadd.f32 v28, v62;
	v62 =	vld [tilespmem:s16+$0x18DE0]  }
0x200: {  	v47 =	vor.u32 v3, v20;
	v36 =	vadd.f32 v36, v40;
	v23 =	vadd.f32 v63, v23;
	v63 =	vld [tilespmem:s16+$0x19D60]  }
0x201: {  	v22 =	vmul.f32 $5.000000000e-01, v22;
	v26 =	vadd.f32 v27, v26;
	v27 =	vadd.f32 v31, v54;
	v54 =	vld [tilespmem:s16+$0x19DA0]  }
0x202: {  	v31 =	vadd.f32 v60, v56;
	v45 =	vadd.f32 v37, v36;
	v57 =	vld.idx.msk [tilespmem:v50+s2+$0x0], $0xffff;
	v50 =	vor.u32 v3, v21  }
0x203: {  	v46 =	vld.idx.msk [tilespmem:v58+s2+$0x0], $0xffff;
	v55 =	vmul.f32 $6.250000000e-02, v55;
	v25 =	vmul.f32 $6.250000000e-02, v25;
	v23 =	vadd.f32 v51, v23  }
0x204: {  	v49 =	vld.idx.msk [tilespmem:v59+s2+$0x0], $0xffff;
	v60 =	vmul.f32 $1.562500000e-02, v61;
	v26 =	vadd.f32 v53, v26;
	v27 =	vadd.f32 v32, v27  }
0x205: {  	v59 =	vld.idx.msk [tilespmem:v47+s2+$0x0], $0xffff;
	v28 =	vadd.f32 v28, v45;
	v53 =	vmul.f32 $4.687500000e-02, v41;
	v52 =	vmul.f32 $6.250000000e-02, v30  }
0x206: {  	v32 =	vld [tilespmem:s15+$0x70];
	v58 =	vmul.f32 $1.562500000e-02, v33;
	v24 =	vmul.f32 $6.250000000e-02, v24;
	v22 =	vadd.f32 v23, v22  }
0x207: {  	v51 =	vld [tilespmem:s16+$0x18DA0];
	v29 =	vmul.f32 $6.250000000e-02, v29;
	v48 =	vadd.f32 v31, v27;
	v26 =	vadd.f32 $0.0e+00, v26  }
0x208: {  	v23 =	vadd.f32 v53, v52;
	v61 =	vmul.f32 $6.250000000e-02, v63;
	v56 =	vmul.f32 $4.687500000e-02, v57;
	v57 =	vld [tilespmem:s15+$0xA0]  }
0x209: {  	v24 =	vadd.f32 v24, v58;
	v63 =	vld [tilespmem:s16+$0x19DE0];
	v45 =	vmul.f32 $6.250000000e-02, v54;
	v22 =	vadd.f32 v48, v22  }
0x20a: {  	v26 =	vadd.f32 v28, v26;
	v31 =	vld.idx.msk [tilespmem:v50+s2+$0x0], $0xffff;
	v41 =	vmul.f32 $4.687500000e-02, v46;
	v42 =	vmul.f32 $6.250000000e-02, v49  }
0x20b: {  	v33 =	vmul.f32 $4.687500000e-02, v59;
	v46 =	vmul.f32 $1.562500000e-02, v62;
	v28 =	vadd.f32 v56, v55  }
0x20c: {  	v23 =	vadd.f32 v25, v23;
	v25 =	vadd.f32 v61, v60;
	v39 =	vmul.f32 $6.250000000e-02, v32  }
0x20d: {  	v43 =	vmul.f32 $1.562500000e-02, v51;
	v28 =	vadd.f32 v29, v28;
	v44 =	vmul.f32 $6.250000000e-02, v57  }
0x20e: {  	v23 =	vadd.f32 v24, v23;
	v30 =	vadd.f32 v41, v39;
	v29 =	vmul.f32 $6.250000000e-02, v63  }
0x20f: {  	v31 =	vmul.f32 $6.250000000e-02, v31;
	v25 =	vadd.f32 v25, v28;
	v28 =	vadd.f32 v33, v44  }
0x210: {  	v27 =	vadd.f32 v45, v43;
	v24 =	vadd.f32 v42, v30  }
0x211: {  	v29 =	vadd.f32 v29, v46;
	v28 =	vadd.f32 v31, v28  }
0x212: {  	v22 =	vadd.f32 v23, v22;
	v24 =	vadd.f32 v27, v24  }
0x213: {  	v47 =	vadd.f32 v25, v26;
	v48 =	vadd.f32 v29, v28;
	_ =	sdelay $0x1  }
0x214: {  	v5 =	vor.u32 v4, v5;
	v22 =	vadd.f32 v24, v22;
	v23 =	vadd.f32 v48, v47;
	_ =	sdelay $0x1  }
0x215: {  	v6 =	vor.u32 v4, v6;
	v22 =	vadd.f32 v23, v22  }
0x216: {  	v7 =	vor.u32 v4, v7  }
0x217: {  	[tilespmem:s13+$0x0] =	vst v22  }
0x218: {  	v5 =	vld.idx.msk [tilespmem:v5+s2+$0x0], $0xffff  }
0x219: {  	v22 =	vld [tilespmem:s15+$0xFFFFFF60]  }
0x21a: {  	v8 =	vor.u32 v4, v8;
	v6 =	vld.idx.msk [tilespmem:v6+s2+$0x0], $0xffff  }
0x21b: {  	v9 =	vor.u32 v4, v9;
	v7 =	vld.idx.msk [tilespmem:v7+s2+$0x0], $0xffff  }
0x21c: {  	v49 =	vld [tilespmem:s16+$0x18C30]  }
0x21d: {  	v50 =	vld [tilespmem:s16+$0x19C30]  }
0x21e: {  	v51 =	vld [tilespmem:s15+$0xFFFFFF90]  }
0x21f: {  	v10 =	vor.u32 v4, v10;
	v8 =	vld.idx.msk [tilespmem:v8+s2+$0x0], $0xffff  }
0x220: {  	v11 =	vor.u32 v4, v11;
	v9 =	vld.idx.msk [tilespmem:v9+s2+$0x0], $0xffff  }
0x221: {  	v52 =	vld [tilespmem:s16+$0x18C70]  }
0x222: {  	v53 =	vld [tilespmem:s16+$0x19C70]  }
0x223: {  	v54 =	vld [tilespmem:s15+$0xFFFFFFC0]  }
0x224: {  	v12 =	vor.u32 v4, v12;
	v10 =	vld.idx.msk [tilespmem:v10+s2+$0x0], $0xffff  }
0x225: {  	v13 =	vor.u32 v4, v13;
	v11 =	vld.idx.msk [tilespmem:v11+s2+$0x0], $0xffff  }
0x226: {  	v55 =	vld [tilespmem:s16+$0x18CB0]  }
0x227: {  	v56 =	vld [tilespmem:s16+$0x19CB0]  }
0x228: {  	v57 =	vld [tilespmem:s15+$0xFFFFFFF0]  }
0x229: {  	v14 =	vor.u32 v4, v14;
	v12 =	vld.idx.msk [tilespmem:v12+s2+$0x0], $0xffff  }
0x22a: {  	v15 =	vor.u32 v4, v15;
	v13 =	vld.idx.msk [tilespmem:v13+s2+$0x0], $0xffff;
	v22 =	vmul.f32 $6.250000000e-02, v22  }
0x22b: {  	v58 =	vld [tilespmem:s16+$0x18CF0];
	v6 =	vmul.f32 $4.687500000e-02, v6;
	v25 =	vmul.f32 $6.250000000e-02, v51  }
0x22c: {  	v16 =	vor.u32 v4, v16;
	v60 =	vld [tilespmem:s16+$0x19CF0];
	v8 =	vmul.f32 $4.687500000e-02, v8;
	v7 =	vmul.f32 $6.250000000e-02, v7  }
0x22d: {  	v61 =	vld [tilespmem:s15+$0x20];
	v59 =	vmul.f32 $1.562500000e-02, v49;
	v24 =	vmul.f32 $6.250000000e-02, v50  }
0x22e: {  	v17 =	vor.u32 v4, v17;
	v14 =	vld.idx.msk [tilespmem:v14+s2+$0x0], $0xffff;
	v9 =	vmul.f32 $6.250000000e-02, v9;
	v26 =	vmul.f32 $1.562500000e-02, v52  }
0x22f: {  	v18 =	vor.u32 v4, v18;
	v15 =	vld.idx.msk [tilespmem:v15+s2+$0x0], $0xffff;
	v27 =	vmul.f32 $6.250000000e-02, v53;
	v33 =	vmul.f32 $6.250000000e-02, v54  }
0x230: {  	v34 =	vld [tilespmem:s15+$0x50];
	v10 =	vmul.f32 $4.687500000e-02, v10;
	v11 =	vmul.f32 $6.250000000e-02, v11  }
0x231: {  	v16 =	vld.idx.msk [tilespmem:v16+s2+$0x0], $0xffff;
	v35 =	vmul.f32 $1.562500000e-02, v55;
	v36 =	vmul.f32 $6.250000000e-02, v57  }
0x232: {  	v63 =	vld [tilespmem:s16+$0x18D30];
	v12 =	vmul.f32 $4.687500000e-02, v12;
	v37 =	vmul.f32 $6.250000000e-02, v56  }
0x233: {  	v20 =	vor.u32 v4, v20;
	v17 =	vld.idx.msk [tilespmem:v17+s2+$0x0], $0xffff;
	v13 =	vmul.f32 $6.250000000e-02, v13;
	v39 =	vmul.f32 $1.562500000e-02, v58  }
0x234: {  	v19 =	vor.u32 v4, v19;
	v18 =	vld.idx.msk [tilespmem:v18+s2+$0x0], $0xffff;
	v23 =	vmul.f32 $6.250000000e-02, v60;
	v5 =	vmul.f32 $5.000000000e-01, v5  }
0x235: {  	v44 =	vor.u32 v4, v21;
	v45 =	vld [tilespmem:s16+$0x18DB0];
	v14 =	vmul.f32 $4.687500000e-02, v14;
	v47 =	vmul.f32 $6.250000000e-02, v34  }
0x236: {  	v48 =	vld [tilespmem:s15+$0xB0];
	v16 =	vmul.f32 $4.687500000e-02, v16;
	v49 =	vmul.f32 $6.250000000e-02, v15;
	v6 =	vadd.f32 v6, v22  }
0x237: {  	v46 =	vld [tilespmem:s16+$0x19DB0];
	v50 =	vmul.f32 $1.562500000e-02, v63;
	v8 =	vadd.f32 v8, v25;
	v62 =	vadd.f32 v27, v26  }
0x238: {  	v20 =	vld.idx.msk [tilespmem:v20+s2+$0x0], $0xffff;
	v51 =	vmul.f32 $6.250000000e-02, v17;
	v6 =	vadd.f32 v7, v6;
	v7 =	vadd.f32 v24, v59  }
0x239: {  	v41 =	vld [tilespmem:s15+$0x80];
	v56 =	vmul.f32 $4.687500000e-02, v18;
	v8 =	vadd.f32 v9, v8;
	v9 =	vadd.f32 v10, v33  }
0x23a: {  	v38 =	vld [tilespmem:s16+$0x18D70];
	v57 =	vmul.f32 $1.562500000e-02, v45;
	v12 =	vadd.f32 v12, v36;
	v10 =	vadd.f32 v37, v35  }
0x23b: {  	v40 =	vld [tilespmem:s16+$0x19D70];
	v58 =	vmul.f32 $6.250000000e-02, v48;
	v6 =	vadd.f32 v7, v6;
	v9 =	vadd.f32 v11, v9  }
0x23c: {  	v60 =	vmul.f32 $6.250000000e-02, v46;
	v42 =	vadd.f32 v23, v39;
	v12 =	vadd.f32 v13, v12;
	v7 =	vld [tilespmem:s16+$0x19D30]  }
0x23d: {  	v54 =	vld [tilespmem:s16+$0x18DF0];
	v59 =	vmul.f32 $4.687500000e-02, v20;
	v5 =	vadd.f32 v6, v5;
	v6 =	vadd.f32 v10, v9  }
0x23e: {  	v55 =	vld [tilespmem:s16+$0x19DF0];
	v8 =	vadd.f32 v62, v8;
	v12 =	vadd.f32 v42, v12;
	v11 =	vmul.f32 $6.250000000e-02, v41  }
0x23f: {  	v13 =	vadd.f32 v59, v58;
	v10 =	vld.idx.msk [tilespmem:v44+s2+$0x0], $0xffff;
	v5 =	vadd.f32 v6, v5;
	v6 =	vmul.f32 $6.250000000e-02, v61  }
0x240: {  	v43 =	vld.idx.msk [tilespmem:v19+s2+$0x0], $0xffff;
	v52 =	vmul.f32 $1.562500000e-02, v38;
	v8 =	vadd.f32 $0.0e+00, v8;
	v11 =	vadd.f32 v56, v11  }
0x241: {  	v9 =	vadd.f32 v60, v57;
	v7 =	vmul.f32 $6.250000000e-02, v7;
	v6 =	vadd.f32 v14, v6  }
0x242: {  	v53 =	vmul.f32 $6.250000000e-02, v40;
	v8 =	vadd.f32 v12, v8;
	v12 =	vadd.f32 v16, v47  }
0x243: {  	v15 =	vmul.f32 $6.250000000e-02, v55;
	v7 =	vadd.f32 v7, v50;
	v6 =	vadd.f32 v49, v6  }
0x244: {  	v61 =	vmul.f32 $1.562500000e-02, v54;
	v12 =	vadd.f32 v51, v12;
	v10 =	vmul.f32 $6.250000000e-02, v10  }
0x245: {  	v14 =	vadd.f32 v53, v52;
	v6 =	vadd.f32 v7, v6;
	v7 =	vmul.f32 $6.250000000e-02, v43  }
0x246: {  	v62 =	vadd.f32 v15, v61;
	v10 =	vadd.f32 v10, v13  }
0x247: {  	v12 =	vadd.f32 v14, v12;
	v7 =	vadd.f32 v7, v11  }
0x248: {  	v63 =	vadd.f32 v62, v10;
	v5 =	vadd.f32 v6, v5  }
0x249: {  	v6 =	vadd.f32 v12, v8;
	v7 =	vadd.f32 v9, v7  }
0x24a: {  	p0 =	sne.s32 s12, $0x3800  }
.Ltmp3:
0x24b: {  	v6 =	vadd.f32 v63, v6;
	v5 =	vadd.f32 v7, v5;
	(pc) =	sbr.rel @p0 .LBB2_5-.Ltmp3, $4  }
0x24c: {  	_ = 	snop  }
0x24d: {  	v5 =	vadd.f32 v6, v5  }
0x24e: {  	s22 =	sadd.s32 $0x1, s22;
	s23 =	sadd.s32 $0x8, s23;
	s12 =	sadd.s32 $0x800, s12  }
0x24f: {  	s25 =	sadd.s32 $0x80, s25;
	s15 =	sadd.s32 $0x180, s15;
	[tilespmem:s13+$0x10] =	vst v5;
	s13 =	sadd.s32 $0x40, s13  }
.Ltmp4:
0x250: {  	(pc) =	sbr.rel @p1 .LBB2_8-.Ltmp4, $4  }
0x251: {  	_ = 	snop  }
0x252: {  	s11 =	sshll.u32 s11, $0x6  }
0x253: {  	s11 =	sadd.s32 s11, s14  }
0x254: {  	[hbm4b:s11+s2] =	stream.linear.scatter [tilespmem:s0], [sflag:$0x4], $0x200, $0x38;
	[tilespmem:$0x1C000] =	vst v63  }
0x255: {  	s11 =	sadd.s32 $0x10CC0, s10  }
0x256: {  	[tilespmem:s30], [sflag:$0x2] =	stream.indirect.gather [hbm4b:s4+s3], $0x40, s11, s3, $0xb8;
	[tilespmem:$0x1C000] =	vst v63  }
0x257: {  	s22 =	sadd.s32 $0x12CC0, s10  }
0x258: {  	[tilespmem:s1], [sflag:$0x2] =	stream.indirect.gather [hbm4b:s4+s3], $0x40, s22, s3, $0xb8;
	[tilespmem:$0x1C000] =	vst v63  }
.Ltmp5:
0x259: {  	s23 =	sadd.s32 $0x13CC0, s10;
	(pc) =	sbr.rel .LBB2_2-.Ltmp5, $4  }
0x25a: {  	s25 =	sadd.s32 $0x14CC0, s10;
	s9 =	sadd.s32 $0x1, s9;
	s8 =	sadd.s32 $0x10, s8  }
0x25b: {  	[tilespmem:s24], [sflag:$0x2] =	stream.indirect.gather [hbm4b:s5+s3], $0x10, s23, s3, $0xb8;
	[tilespmem:$0x1C000] =	vst v63  }
0x25c: {  	s7 =	sadd.s32 $0x80, s7;
	s21 =	sadd.s32 $0x10, s21;
	s19 =	sadd.s32 $0x80, s19  }
0x25d: {  	[tilespmem:s26], [sflag:$0x2] =	stream.indirect.gather [hbm4b:s6+s3], $0x30, s25, s3, $0xb8;
	[tilespmem:$0x1C000] =	vst v63  }
.LBB2_9:
0x25e: {  	_ =	sfence.sel $0x180000  }
0x25f: {  	[bflag:$0x0] =	sbarrier.arrive $0xFFFF  }
0x260: {  	_ =	strace $0x90000047  }
0x261: {  	s0 =	stileid.u32;
	[bflag:$0x2] =	sbarrier.arrive $0xFFFF  }
0x262: {  	p0 =	sne.s32 s0, $0x0;
	s0 =	rddreg [dreg:$0x3]  }
0x263: {  	s0 =	sadd.s32 @!p0 $0x100000, s0  }
0x264: {  	[sflag:s0] =	ssyncadd.tile.s32 @!p0 $0x1;
	_ =	shalt  }
.Lfunc_end2:
_tile_overlayer_lowered:
.L_overlay_start_2:
0x265: {  	(tag) =	ssettag $0x2  }
0x266: {  	s0 =	rddreg [dreg:$0x0];
	s2 =	stileid.u32  }
0x267: {  	s1 =	rddreg [dreg:$0x1];
	p0 =	sne.s32 s2, $0x0  }
0x268: {  	s3 =	rddreg [dreg:$0x2];
	[bflag:$0x3] =	sbarrier.arrive $0xFFFF;
	s2 =	simm.s32 @!p0 $0x1C05  }
0x269: {  	[timem:s3], [sflag:s2] =	dma.local @!p0 [hbm:s0], s1  }
0x26a: {  	s0 =	simm.s32 @!p0 $0x5  }
0x26b: {  	_ =	swait.ge @!p0 [sflag:s0], s1  }
0x26c: {  	s1 =	ssub.s32 @!p0 $0x0, s1;
	[sflag:s0] =	ssyncset.done @!p0 $0x0  }
0x26d: {  	[sflag:s0] =	ssyncadd.s32 @!p0 s1  }
0x26e: {  	[bflag:$0x3] =	sbarrier.arrive $0xFFFF  }
0x26f: {  	_ =	shalt  }

</sc_bundles>
